<compile_context>
chip_gen: v7x
topology: tpu7x:2x2x1
jax: 0.10.2.dev20260603
libtpu: 0.0.44.dev20260713+nightly
codegen_flags: <defaults>
</compile_context>

<pallas_src>
import functools

import jax
import jax.numpy as jnp
from jax import lax
from jax.experimental import pallas as pl
from jax.experimental.pallas import tpu as pltpu
from jax.experimental.pallas import tpu_sc as plsc

N = 10000
E = 320000
D = 128
NW = 32
K = 80
EPW = E // NW
CH = EPW // K
AGG_R = N
RPT = 640
TAIL = N - 15 * RPT
BLK = 2000


def _pre_body(x_ref, posp_ref, w1h_ref, b1h_ref, w2hp_ref, b2hp_ref,
              wf3p_ref, wfd_ref, bf_ref, a_ref, b_ref):
    x = x_ref[...]
    t = jnp.maximum(jnp.dot(x, w1h_ref[...],
                            preferred_element_type=jnp.float32)
                    + b1h_ref[...], 0.0)
    delta = jnp.tanh(jnp.dot(t, w2hp_ref[...],
                             preferred_element_type=jnp.float32)
                     + b2hp_ref[...])
    posw = jnp.dot(posp_ref[...], wf3p_ref[...],
                   preferred_element_type=jnp.float32)
    a_ref[...] = jnp.dot(x, wfd_ref[...],
                         preferred_element_type=jnp.float32) + posw
    b_ref[...] = (jnp.dot(delta, wf3p_ref[...],
                          preferred_element_type=jnp.float32)
                  - posw + bf_ref[...])


def _run_pre(x, pos_pad, W1h, b1h, W2h_pad, b2h_pad, Wf3_pad, WfD, bf):
    row_spec = pl.BlockSpec((BLK, D), lambda i: (i, 0))
    w_spec = pl.BlockSpec((D, D), lambda i: (0, 0))
    bias_spec = pl.BlockSpec((1, D), lambda i: (0, 0))
    return pl.pallas_call(
        _pre_body,
        grid=(N // BLK,),
        in_specs=[row_spec, row_spec, w_spec, bias_spec, w_spec, bias_spec,
                  w_spec, w_spec, bias_spec],
        out_specs=[row_spec, row_spec],
        out_shape=[jax.ShapeDtypeStruct((N, D), jnp.float32),
                   jax.ShapeDtypeStruct((N, D), jnp.float32)],
    )(x, pos_pad, W1h, b1h, W2h_pad, b2h_pad, Wf3_pad, WfD, bf)


def _edge_body(a_hbm, b_hbm, ei_hbm, out_hbm,
               eidx, arows0, brows0, arows1, brows1, aggsh,
               sema0, sema1, semb0, semb1, semi0, semi1):
    cid = lax.axis_index("c")
    sid = lax.axis_index("s")
    wid = sid * 2 + cid
    abuf = (arows0, arows1)
    bbuf = (brows0, brows1)
    asem = (sema0, sema1)
    bsem = (semb0, semb1)
    isem = (semi0, semi1)

    zero16 = jnp.zeros((16,), jnp.float32)

    def zrow(i, carry):
        for j in range(8):
            arows0[i, pl.ds(j * 16, 16)] = zero16
        return carry

    lax.fori_loop(0, K, zrow, 0)
    nz = jnp.where(sid == 15, TAIL // K, RPT // K)

    def zcopy(r, carry):
        pltpu.sync_copy(arows0, aggsh.at[pl.ds(sid * RPT + r * K, K)])
        return carry

    lax.fori_loop(0, nz, zcopy, 0)
    plsc.subcore_barrier()

    def start_idx(c, b):
        base = wid * EPW + c * K
        pltpu.async_copy(ei_hbm.at[pl.ds(base, K)], eidx.at[b], isem[b])
        pltpu.async_copy(ei_hbm.at[pl.ds(NW * EPW + base, K)],
                         eidx.at[2 + b], isem[b])

    def wait_idx(c, b):
        base = wid * EPW + c * K
        pltpu.make_async_copy(ei_hbm.at[pl.ds(base, K)], eidx.at[b],
                              isem[b]).wait()
        pltpu.make_async_copy(ei_hbm.at[pl.ds(NW * EPW + base, K)],
                              eidx.at[2 + b], isem[b]).wait()

    def start_rows(b):
        pltpu.async_copy(a_hbm.at[eidx.at[b]], abuf[b], asem[b])
        pltpu.async_copy(b_hbm.at[eidx.at[2 + b]], bbuf[b], bsem[b])

    def wait_rows(b):
        pltpu.make_async_copy(a_hbm.at[eidx.at[b]], abuf[b], asem[b]).wait()
        pltpu.make_async_copy(b_hbm.at[eidx.at[2 + b]], bbuf[b],
                              bsem[b]).wait()

    def snapshot(b):
        for m in range(K // 16):
            eidx[4 + b, pl.ds(m * 16, 16)] = eidx[2 + b, pl.ds(m * 16, 16)]

    def process(b):
        ar, br = abuf[b], bbuf[b]

        def row(i, rc):
            r0 = 4 * i
            for r in range(4):
                for j in range(8):
                    sl = pl.ds(j * 16, 16)
                    ar[r0 + r, sl] = jnp.maximum(
                        ar[r0 + r, sl] + br[r0 + r, sl], 0.0)
            return rc

        lax.fori_loop(0, K // 4, row, 0)
        pltpu.sync_copy(ar, aggsh.at[eidx.at[4 + b]], add=True)

    start_idx(0, 0)
    wait_idx(0, 0)
    start_rows(0)
    start_idx(1, 1)

    def pair(i, carry):
        c0 = 2 * i
        wait_idx(c0 + 1, 1)
        start_rows(1)
        wait_rows(0)
        snapshot(0)
        start_idx(c0 + 2, 0)
        process(0)
        wait_idx(c0 + 2, 0)
        start_rows(0)
        wait_rows(1)
        snapshot(1)

        @pl.when(c0 + 3 < CH)
        def _():
            start_idx(c0 + 3, 1)

        process(1)
        return carry

    lax.fori_loop(0, CH // 2, pair, 0)
    wait_rows(0)
    snapshot(0)
    process(0)
    plsc.subcore_barrier()

    @pl.when(sid < 15)
    def _():
        pltpu.sync_copy(aggsh.at[pl.ds(sid * RPT, RPT)],
                        out_hbm.at[cid, pl.ds(sid * RPT, RPT)])

    @pl.when(sid == 15)
    def _():
        pltpu.sync_copy(aggsh.at[pl.ds(15 * RPT, TAIL)],
                        out_hbm.at[cid, pl.ds(15 * RPT, TAIL)])


_edge_kernel = functools.partial(
    pl.kernel,
    out_type=jax.ShapeDtypeStruct((2, N, D), jnp.float32),
    mesh=plsc.VectorSubcoreMesh(core_axis_name="c", subcore_axis_name="s"),
    scratch_types=[
        pltpu.VMEM((6, K), jnp.int32),
        pltpu.VMEM((K, D), jnp.float32),
        pltpu.VMEM((K, D), jnp.float32),
        pltpu.VMEM((K, D), jnp.float32),
        pltpu.VMEM((K, D), jnp.float32),
        pltpu.VMEM_SHARED((AGG_R, D), jnp.float32),
        pltpu.SemaphoreType.DMA,
        pltpu.SemaphoreType.DMA,
        pltpu.SemaphoreType.DMA,
        pltpu.SemaphoreType.DMA,
        pltpu.SemaphoreType.DMA,
        pltpu.SemaphoreType.DMA,
    ],
)(_edge_body)


def _post_body(agg0_ref, agg1_ref, x_ref, w1g_ref, b1g_ref, w2g_ref,
               b2g_ref, out_ref):
    agg = agg0_ref[...] + agg1_ref[...]
    h = jnp.maximum(jnp.dot(agg, w1g_ref[...],
                            preferred_element_type=jnp.float32)
                    + b1g_ref[...], 0.0)
    out_ref[...] = x_ref[...] + jnp.maximum(
        jnp.dot(h, w2g_ref[...], preferred_element_type=jnp.float32)
        + b2g_ref[...], 0.0)


def _run_post(agg0, agg1, x, W1g, b1g, W2g, b2g):
    row_spec = pl.BlockSpec((BLK, D), lambda i: (i, 0))
    w_spec = pl.BlockSpec((D, D), lambda i: (0, 0))
    bias_spec = pl.BlockSpec((1, D), lambda i: (0, 0))
    return pl.pallas_call(
        _post_body,
        grid=(N // BLK,),
        in_specs=[row_spec, row_spec, row_spec, w_spec, bias_spec, w_spec,
                  bias_spec],
        out_specs=row_spec,
        out_shape=jax.ShapeDtypeStruct((N, D), jnp.float32),
    )(agg0, agg1, x, W1g, b1g, W2g, b2g)


def kernel(x, pos, edge_index, W1h, b1h, W2h, b2h, Wf, bf, W1g, b1g, W2g,
           b2g):
    f32 = jnp.float32
    pos_pad = jnp.pad(pos, ((0, 0), (0, D - 3)))
    W2h_pad = jnp.pad(W2h, ((0, 0), (0, D - 3)))
    b2h_pad = jnp.pad(b2h, (0, D - 3)).reshape(1, D)
    Wf3_pad = jnp.pad(Wf[:3], ((0, D - 3), (0, 0)))
    WfD = Wf[3:]
    a_nodes, b_nodes = _run_pre(x, pos_pad, W1h, b1h.reshape(1, D).astype(f32),
                                W2h_pad, b2h_pad.astype(f32), Wf3_pad, WfD,
                                bf.reshape(1, D).astype(f32))
    agg2 = _edge_kernel(a_nodes, b_nodes, edge_index.reshape(2 * E))
    return _run_post(agg2[0], agg2[1], x, W1g,
                     b1g.reshape(1, D).astype(f32), W2g,
                     b2g.reshape(1, D).astype(f32))

# --- scband reference (transcript-rebuilt; emitter-appended) ---
"""Pipeline reference for scband-gnnconv-23038204576311 (READ-ONLY COPY).

The authoritative reference and input builder live on the scoring server;
editing this copy changes nothing except your own understanding.
"""

import jax, jax.numpy as jnp
import numpy as np

N, E, D_IN, D_OUT = 10000, 320000, 128, 128


def setup_inputs(seed: int = 0) -> dict:
    key = jax.random.key(seed)
    ks = jax.random.split(key, 16)
    x = jax.random.normal(ks[0], (N, D_IN), dtype=jnp.float32)
    pos = jax.random.normal(ks[1], (N, 3), dtype=jnp.float32)
    edge_index = jax.random.randint(ks[2], (2, E), 0, N, dtype=jnp.int32)
    # mlp_h: Linear(D_IN, D_IN) -> ReLU -> Linear(D_IN, 3) -> Tanh
    W1h = jax.random.normal(ks[3], (D_IN, D_IN), dtype=jnp.float32) / np.sqrt(D_IN)
    b1h = jnp.zeros((D_IN,), dtype=jnp.float32)
    W2h = jax.random.normal(ks[4], (D_IN, 3), dtype=jnp.float32) / np.sqrt(D_IN)
    b2h = jnp.zeros((3,), dtype=jnp.float32)
    # mlp_f: Linear(D_IN + 3, D_OUT) -> ReLU
    Wf = jax.random.normal(ks[5], (D_IN + 3, D_OUT), dtype=jnp.float32) / np.sqrt(D_IN + 3)
    bf = jnp.zeros((D_OUT,), dtype=jnp.float32)
    # mlp_g: Linear(D_OUT, D_OUT) -> ReLU -> Linear(D_OUT, D_IN) -> ReLU
    W1g = jax.random.normal(ks[6], (D_OUT, D_OUT), dtype=jnp.float32) / np.sqrt(D_OUT)
    b1g = jnp.zeros((D_OUT,), dtype=jnp.float32)
    W2g = jax.random.normal(ks[7], (D_OUT, D_IN), dtype=jnp.float32) / np.sqrt(D_OUT)
    b2g = jnp.zeros((D_IN,), dtype=jnp.float32)
    return {"x": x, "pos": pos, "edge_index": edge_index,
            "W1h": W1h, "b1h": b1h, "W2h": W2h, "b2h": b2h,
            "Wf": Wf, "bf": bf,
            "W1g": W1g, "b1g": b1g, "W2g": W2g, "b2g": b2g}


def reference(x, pos, edge_index, W1h, b1h, W2h, b2h, Wf, bf, W1g, b1g, W2g, b2g):
    # PointGNNConv (aggr='sum'):
    #   delta_i = mlp_h(x_i)
    #   e_ij   = mlp_f(cat[pos_j - pos_i + delta_i, x_j])  (j=src, i=dst)
    #   out_i  = x_i + mlp_g(sum_j e_ij)
    src = edge_index[0]
    dst = edge_index[1]
    # mlp_h per node (identical math to per-edge since it only depends on x_i)
    delta = jnp.tanh(jnp.maximum(x @ W1h + b1h, 0.0) @ W2h + b2h)  # [N, 3]
    rel = pos[src] - pos[dst] + delta[dst]                          # [E, 3]
    e = jnp.concatenate([rel, x[src]], axis=-1)                     # [E, D_IN+3]
    msg = jnp.maximum(e @ Wf + bf, 0.0)                             # [E, D_OUT]
    agg = jax.ops.segment_sum(msg, dst, num_segments=x.shape[0])    # [N, D_OUT]
    out = jnp.maximum(agg @ W1g + b1g, 0.0)
    out = jnp.maximum(out @ W2g + b2g, 0.0)                         # [N, D_IN]
    return x + out

if __name__ == "__main__":
    import jax
    _d = setup_inputs()
    print(jax.jit(kernel)(*tuple(_d.values())))

</pallas_src>

<mosaic_0001>
#map = affine_map<(d0, d1) -> (0, 0)>
#map1 = affine_map<(d0, d1) -> (0)>
#map2 = affine_map<(d0, d1) -> (0, 0, 0)>
module attributes {stable_mosaic.version = 14 : i64} {
  func.func @_edge_body(%arg0: i32, %arg1: i32, %arg2: memref<10000x128xf32, #tpu.memory_space<hbm>>, %arg3: memref<10000x128xf32, #tpu.memory_space<hbm>>, %arg4: memref<640000xi32, #tpu.memory_space<hbm>>, %arg5: memref<2x10000x128xf32, #tpu.memory_space<hbm>>, %arg6: memref<6x80xi32, #tpu.memory_space<vmem>>, %arg7: memref<80x128xf32, #tpu.memory_space<vmem>>, %arg8: memref<80x128xf32, #tpu.memory_space<vmem>>, %arg9: memref<80x128xf32, #tpu.memory_space<vmem>>, %arg10: memref<80x128xf32, #tpu.memory_space<vmem>>, %arg11: memref<10000x128xf32, #tpu.memory_space<vmem_shared>>, %arg12: memref<!tpu.dma_semaphore, #tpu.memory_space<semaphore_mem>>, %arg13: memref<!tpu.dma_semaphore, #tpu.memory_space<semaphore_mem>>, %arg14: memref<!tpu.dma_semaphore, #tpu.memory_space<semaphore_mem>>, %arg15: memref<!tpu.dma_semaphore, #tpu.memory_space<semaphore_mem>>, %arg16: memref<!tpu.dma_semaphore, #tpu.memory_space<semaphore_mem>>, %arg17: memref<!tpu.dma_semaphore, #tpu.memory_space<semaphore_mem>>) attributes {dimension_semantics = [#tpu.dimension_semantics<core_parallel>, #tpu.dimension_semantics<subcore_parallel>], iteration_bounds = array<i64: 2, 16>, scalar_prefetch = 0 : i64, scratch_operands = 12 : i64, tpu.core_type = #tpu.core_type<sc_vector_subcore>, window_params = [{transform_indices = #map}, {transform_indices = #map}, {transform_indices = #map1}, {transform_indices = #map2}]} {
    %mul3A = arith.constant 2 : i32
    %mul3A_0 = arith.muli %arg1, %mul3A : i32
    %add3A = arith.addi %mul3A_0, %arg0 : i32
    %broadcast_in_dim3A = arith.constant 0.000000e+00 : f32
    %broadcast_in_dim3A_1 = vector.broadcast %broadcast_in_dim3A : f32 to vector<16xf32>
    %scan3A = arith.constant 0 : i32
    %scan3A_2 = arith.constant 0 : i32
    %scan3A_3 = arith.constant 80 : i32
    %scan3A_4 = arith.addi %scan3A_2, %scan3A_3 : i32
    %scan3A_5 = arith.constant 1 : i32
    scf.for %scan3A_189 = %scan3A_2 to %scan3A_4 step %scan3A_5  : i32 {
      %swap3A_190 = arith.index_cast %scan3A_189 : i32 to index
      %swap3A_191 = arith.constant 0 : index
      %swap3A_192 = tpu.vector_load %arg7[%swap3A_190, %swap3A_191] {strides = array<i32>} : memref<80x128xf32, #tpu.memory_space<vmem>>, vector<1x16xf32>,
      %swap3A_193 = vector.shape_cast %swap3A_192 : vector<1x16xf32> to vector<16xf32>
      %swap3A_194 = vector.shape_cast %broadcast_in_dim3A_1 : vector<16xf32> to vector<1x16xf32>
      tpu.vector_store %arg7[%swap3A_190, %swap3A_191], %swap3A_194 {strides = array<i32>} : memref<80x128xf32, #tpu.memory_space<vmem>>, vector<1x16xf32>,
      %swap3A_195 = arith.index_cast %scan3A_189 : i32 to index
      %swap3A_196 = arith.constant 16 : index
      %swap3A_197 = tpu.vector_load %arg7[%swap3A_195, %swap3A_196] {strides = array<i32>} : memref<80x128xf32, #tpu.memory_space<vmem>>, vector<1x16xf32>,
      %swap3A_198 = vector.shape_cast %swap3A_197 : vector<1x16xf32> to vector<16xf32>
      %swap3A_199 = vector.shape_cast %broadcast_in_dim3A_1 : vector<16xf32> to vector<1x16xf32>
      tpu.vector_store %arg7[%swap3A_195, %swap3A_196], %swap3A_199 {strides = array<i32>} : memref<80x128xf32, #tpu.memory_space<vmem>>, vector<1x16xf32>,
      %swap3A_200 = arith.index_cast %scan3A_189 : i32 to index
      %swap3A_201 = arith.constant 32 : index
      %swap3A_202 = tpu.vector_load %arg7[%swap3A_200, %swap3A_201] {strides = array<i32>} : memref<80x128xf32, #tpu.memory_space<vmem>>, vector<1x16xf32>,
      %swap3A_203 = vector.shape_cast %swap3A_202 : vector<1x16xf32> to vector<16xf32>
      %swap3A_204 = vector.shape_cast %broadcast_in_dim3A_1 : vector<16xf32> to vector<1x16xf32>
      tpu.vector_store %arg7[%swap3A_200, %swap3A_201], %swap3A_204 {strides = array<i32>} : memref<80x128xf32, #tpu.memory_space<vmem>>, vector<1x16xf32>,
      %swap3A_205 = arith.index_cast %scan3A_189 : i32 to index
      %swap3A_206 = arith.constant 48 : index
      %swap3A_207 = tpu.vector_load %arg7[%swap3A_205, %swap3A_206] {strides = array<i32>} : memref<80x128xf32, #tpu.memory_space<vmem>>, vector<1x16xf32>,
      %swap3A_208 = vector.shape_cast %swap3A_207 : vector<1x16xf32> to vector<16xf32>
      %swap3A_209 = vector.shape_cast %broadcast_in_dim3A_1 : vector<16xf32> to vector<1x16xf32>
      tpu.vector_store %arg7[%swap3A_205, %swap3A_206], %swap3A_209 {strides = array<i32>} : memref<80x128xf32, #tpu.memory_space<vmem>>, vector<1x16xf32>,
      %swap3A_210 = arith.index_cast %scan3A_189 : i32 to index
      %swap3A_211 = arith.constant 64 : index
      %swap3A_212 = tpu.vector_load %arg7[%swap3A_210, %swap3A_211] {strides = array<i32>} : memref<80x128xf32, #tpu.memory_space<vmem>>, vector<1x16xf32>,
      %swap3A_213 = vector.shape_cast %swap3A_212 : vector<1x16xf32> to vector<16xf32>
      %swap3A_214 = vector.shape_cast %broadcast_in_dim3A_1 : vector<16xf32> to vector<1x16xf32>
      tpu.vector_store %arg7[%swap3A_210, %swap3A_211], %swap3A_214 {strides = array<i32>} : memref<80x128xf32, #tpu.memory_space<vmem>>, vector<1x16xf32>,
      %swap3A_215 = arith.index_cast %scan3A_189 : i32 to index
      %swap3A_216 = arith.constant 80 : index
      %swap3A_217 = tpu.vector_load %arg7[%swap3A_215, %swap3A_216] {strides = array<i32>} : memref<80x128xf32, #tpu.memory_space<vmem>>, vector<1x16xf32>,
      %swap3A_218 = vector.shape_cast %swap3A_217 : vector<1x16xf32> to vector<16xf32>
      %swap3A_219 = vector.shape_cast %broadcast_in_dim3A_1 : vector<16xf32> to vector<1x16xf32>
      tpu.vector_store %arg7[%swap3A_215, %swap3A_216], %swap3A_219 {strides = array<i32>} : memref<80x128xf32, #tpu.memory_space<vmem>>, vector<1x16xf32>,
      %swap3A_220 = arith.index_cast %scan3A_189 : i32 to index
      %swap3A_221 = arith.constant 96 : index
      %swap3A_222 = tpu.vector_load %arg7[%swap3A_220, %swap3A_221] {strides = array<i32>} : memref<80x128xf32, #tpu.memory_space<vmem>>, vector<1x16xf32>,
      %swap3A_223 = vector.shape_cast %swap3A_222 : vector<1x16xf32> to vector<16xf32>
      %swap3A_224 = vector.shape_cast %broadcast_in_dim3A_1 : vector<16xf32> to vector<1x16xf32>
      tpu.vector_store %arg7[%swap3A_220, %swap3A_221], %swap3A_224 {strides = array<i32>} : memref<80x128xf32, #tpu.memory_space<vmem>>, vector<1x16xf32>,
      %swap3A_225 = arith.index_cast %scan3A_189 : i32 to index
      %swap3A_226 = arith.constant 112 : index
      %swap3A_227 = tpu.vector_load %arg7[%swap3A_225, %swap3A_226] {strides = array<i32>} : memref<80x128xf32, #tpu.memory_space<vmem>>, vector<1x16xf32>,
      %swap3A_228 = vector.shape_cast %swap3A_227 : vector<1x16xf32> to vector<16xf32>
      %swap3A_229 = vector.shape_cast %broadcast_in_dim3A_1 : vector<16xf32> to vector<1x16xf32>
      tpu.vector_store %arg7[%swap3A_225, %swap3A_226], %swap3A_229 {strides = array<i32>} : memref<80x128xf32, #tpu.memory_space<vmem>>, vector<1x16xf32>,
    }
    %scan3A_6 = arith.constant 80 : i32
    %eq3A = arith.constant 15 : i32
    %eq3A_7 = arith.cmpi eq, %arg1, %eq3A : i32
    %jit3A = arith.constant 5 : i32
    %jit3A_8 = arith.constant 8 : i32
    %select_n3A = arith.select %eq3A_7, %jit3A, %jit3A_8 : i32
    %while3A = arith.constant 0 : i32
    %while3A_9 = arith.constant 0 : i32
    %while3A_10 = arith.subi %select_n3A, %while3A_9 : i32
    %while3A_11 = arith.addi %while3A_9, %while3A_10 : i32
    %while3A_12 = arith.constant 1 : i32
    %while3A_13 = arith.divsi %while3A_10, %while3A_12 : i32
    %while3A_14 = arith.muli %while3A_13, %while3A_12 : i32
    %while3A_15 = arith.addi %while3A_9, %while3A_14 : i32
    %while3A_16 = arith.constant 1 : i32
    scf.for %while3A_189 = %while3A_9 to %while3A_15 step %while3A_16  : i32 {
      %mul3A_190 = arith.constant 640 : i32
      %mul3A_191 = arith.muli %arg1, %mul3A_190 : i32
      %mul3A_192 = arith.constant 80 : i32
      %mul3A_193 = arith.muli %while3A_189, %mul3A_192 : i32
      %add3A_194 = arith.addi %mul3A_191, %mul3A_193 : i32
      "tpu.region"() ({
        %run_scoped3A_195 = tpu.sem_alloc : memref<!tpu.dma_semaphore, #tpu.memory_space<semaphore_mem>>
        %dma_start3A_196 = arith.constant 0 : i32
        %dma_start3A_197 = tpu.memref_slice %arg11[%add3A_194, %dma_start3A_196] : memref<10000x128xf32, #tpu.memory_space<vmem_shared>> -> memref<80x128xf32, #tpu.memory_space<vmem_shared>>
        %dma_start3A_198 = arith.constant 0 : i32
        %dma_start3A_199 = tpu.memref_slice %arg11[%add3A_194, %dma_start3A_198] : memref<10000x128xf32, #tpu.memory_space<vmem_shared>> -> memref<80x128xf32, #tpu.memory_space<vmem_shared>>
        tpu.enqueue_dma source(%arg7 : memref<80x128xf32, #tpu.memory_space<vmem>>) target(%dma_start3A_199 : memref<80x128xf32, #tpu.memory_space<vmem_shared>>) target_semaphore(%run_scoped3A_195 : memref<!tpu.dma_semaphore, #tpu.memory_space<semaphore_mem>>)
        %dma_wait3A_200 = arith.constant 0 : i32
        %dma_wait3A_201 = tpu.memref_slice %arg11[%add3A_194, %dma_wait3A_200] : memref<10000x128xf32, #tpu.memory_space<vmem_shared>> -> memref<80x128xf32, #tpu.memory_space<vmem_shared>>
        %dma_wait3A_202 = arith.constant 0 : i32
        %dma_wait3A_203 = tpu.memref_slice %arg11[%add3A_194, %dma_wait3A_202] : memref<10000x128xf32, #tpu.memory_space<vmem_shared>> -> memref<80x128xf32, #tpu.memory_space<vmem_shared>>
        tpu.wait_dma2 semaphore(%run_scoped3A_195 : memref<!tpu.dma_semaphore, #tpu.memory_space<semaphore_mem>>) src(%arg7 : memref<80x128xf32, #tpu.memory_space<vmem>>) dst(%dma_wait3A_203 : memref<80x128xf32, #tpu.memory_space<vmem_shared>>)
        tpu.yield
      }) : () -> ()
    }
    %while3A_17 = arith.constant 1 : i32
    scf.for %while3A_189 = %while3A_15 to %while3A_11 step %while3A_17  : i32 {
      %mul3A_190 = arith.constant 640 : i32
      %mul3A_191 = arith.muli %arg1, %mul3A_190 : i32
      %mul3A_192 = arith.constant 80 : i32
      %mul3A_193 = arith.muli %while3A_189, %mul3A_192 : i32
      %add3A_194 = arith.addi %mul3A_191, %mul3A_193 : i32
      "tpu.region"() ({
        %run_scoped3A_195 = tpu.sem_alloc : memref<!tpu.dma_semaphore, #tpu.memory_space<semaphore_mem>>
        %dma_start3A_196 = arith.constant 0 : i32
        %dma_start3A_197 = tpu.memref_slice %arg11[%add3A_194, %dma_start3A_196] : memref<10000x128xf32, #tpu.memory_space<vmem_shared>> -> memref<80x128xf32, #tpu.memory_space<vmem_shared>>
        %dma_start3A_198 = arith.constant 0 : i32
        %dma_start3A_199 = tpu.memref_slice %arg11[%add3A_194, %dma_start3A_198] : memref<10000x128xf32, #tpu.memory_space<vmem_shared>> -> memref<80x128xf32, #tpu.memory_space<vmem_shared>>
        tpu.enqueue_dma source(%arg7 : memref<80x128xf32, #tpu.memory_space<vmem>>) target(%dma_start3A_199 : memref<80x128xf32, #tpu.memory_space<vmem_shared>>) target_semaphore(%run_scoped3A_195 : memref<!tpu.dma_semaphore, #tpu.memory_space<semaphore_mem>>)
        %dma_wait3A_200 = arith.constant 0 : i32
        %dma_wait3A_201 = tpu.memref_slice %arg11[%add3A_194, %dma_wait3A_200] : memref<10000x128xf32, #tpu.memory_space<vmem_shared>> -> memref<80x128xf32, #tpu.memory_space<vmem_shared>>
        %dma_wait3A_202 = arith.constant 0 : i32
        %dma_wait3A_203 = tpu.memref_slice %arg11[%add3A_194, %dma_wait3A_202] : memref<10000x128xf32, #tpu.memory_space<vmem_shared>> -> memref<80x128xf32, #tpu.memory_space<vmem_shared>>
        tpu.wait_dma2 semaphore(%run_scoped3A_195 : memref<!tpu.dma_semaphore, #tpu.memory_space<semaphore_mem>>) src(%arg7 : memref<80x128xf32, #tpu.memory_space<vmem>>) dst(%dma_wait3A_203 : memref<80x128xf32, #tpu.memory_space<vmem_shared>>)
        tpu.yield
      }) : () -> ()
    }
    %barrier3A = arith.constant 0 : index
    tpu.barrier barrier_id(%barrier3A)
    %mul3A_18 = arith.constant 10000 : i32
    %mul3A_19 = arith.muli %add3A, %mul3A_18 : i32
    %add3A_20 = arith.constant 0 : i32
    %add3A_21 = arith.addi %mul3A_19, %add3A_20 : i32
    %dma_start3A = arith.constant 0 : i32
    %dma_start3A_22 = arith.constant 0 : i32
    %dma_start3A_23 = tpu.memref_slice %arg6[%dma_start3A, %dma_start3A_22] : memref<6x80xi32, #tpu.memory_space<vmem>> -> memref<1x80xi32, #tpu.memory_space<vmem>>
    %dma_start3A_24 = tpu.memref_squeeze %dma_start3A_23 : memref<1x80xi32, #tpu.memory_space<vmem>> -> memref<80xi32, #tpu.memory_space<vmem>>
    %dma_start3A_25 = tpu.memref_slice %arg4[%add3A_21] : memref<640000xi32, #tpu.memory_space<hbm>> -> memref<80xi32, #tpu.memory_space<hbm>>
    %dma_start3A_26 = arith.constant 0 : i32
    %dma_start3A_27 = tpu.memref_slice %arg6[%dma_start3A, %dma_start3A_26] : memref<6x80xi32, #tpu.memory_space<vmem>> -> memref<1x80xi32, #tpu.memory_space<vmem>>
    %dma_start3A_28 = tpu.memref_squeeze %dma_start3A_27 : memref<1x80xi32, #tpu.memory_space<vmem>> -> memref<80xi32, #tpu.memory_space<vmem>>
    %dma_start3A_29 = tpu.memref_slice %arg4[%add3A_21] : memref<640000xi32, #tpu.memory_space<hbm>> -> memref<80xi32, #tpu.memory_space<hbm>>
    tpu.enqueue_dma source(%dma_start3A_29 : memref<80xi32, #tpu.memory_space<hbm>>) target(%dma_start3A_28 : memref<80xi32, #tpu.memory_space<vmem>>) target_semaphore(%arg16 : memref<!tpu.dma_semaphore, #tpu.memory_space<semaphore_mem>>)
    %add3A_30 = arith.constant 320000 : i32
    %add3A_31 = arith.addi %add3A_30, %add3A_21 : i32
    %dma_start3A_32 = arith.constant 2 : i32
    %dma_start3A_33 = arith.constant 0 : i32
    %dma_start3A_34 = tpu.memref_slice %arg6[%dma_start3A_32, %dma_start3A_33] : memref<6x80xi32, #tpu.memory_space<vmem>> -> memref<1x80xi32, #tpu.memory_space<vmem>>
    %dma_start3A_35 = tpu.memref_squeeze %dma_start3A_34 : memref<1x80xi32, #tpu.memory_space<vmem>> -> memref<80xi32, #tpu.memory_space<vmem>>
    %dma_start3A_36 = tpu.memref_slice %arg4[%add3A_31] : memref<640000xi32, #tpu.memory_space<hbm>> -> memref<80xi32, #tpu.memory_space<hbm>>
    %dma_start3A_37 = arith.constant 0 : i32
    %dma_start3A_38 = tpu.memref_slice %arg6[%dma_start3A_32, %dma_start3A_37] : memref<6x80xi32, #tpu.memory_space<vmem>> -> memref<1x80xi32, #tpu.memory_space<vmem>>
    %dma_start3A_39 = tpu.memref_squeeze %dma_start3A_38 : memref<1x80xi32, #tpu.memory_space<vmem>> -> memref<80xi32, #tpu.memory_space<vmem>>
    %dma_start3A_40 = tpu.memref_slice %arg4[%add3A_31] : memref<640000xi32, #tpu.memory_space<hbm>> -> memref<80xi32, #tpu.memory_space<hbm>>
    tpu.enqueue_dma source(%dma_start3A_40 : memref<80xi32, #tpu.memory_space<hbm>>) target(%dma_start3A_39 : memref<80xi32, #tpu.memory_space<vmem>>) target_semaphore(%arg16 : memref<!tpu.dma_semaphore, #tpu.memory_space<semaphore_mem>>)
    %mul3A_41 = arith.constant 10000 : i32
    %mul3A_42 = arith.muli %add3A, %mul3A_41 : i32
    %add3A_43 = arith.constant 0 : i32
    %add3A_44 = arith.addi %mul3A_42, %add3A_43 : i32
    %dma_wait3A = arith.constant 0 : i32
    %dma_wait3A_45 = arith.constant 0 : i32
    %dma_wait3A_46 = tpu.memref_slice %arg6[%dma_wait3A, %dma_wait3A_45] : memref<6x80xi32, #tpu.memory_space<vmem>> -> memref<1x80xi32, #tpu.memory_space<vmem>>
    %dma_wait3A_47 = tpu.memref_squeeze %dma_wait3A_46 : memref<1x80xi32, #tpu.memory_space<vmem>> -> memref<80xi32, #tpu.memory_space<vmem>>
    %dma_wait3A_48 = tpu.memref_slice %arg4[%add3A_44] : memref<640000xi32, #tpu.memory_space<hbm>> -> memref<80xi32, #tpu.memory_space<hbm>>
    %dma_wait3A_49 = arith.constant 0 : i32
    %dma_wait3A_50 = tpu.memref_slice %arg6[%dma_wait3A, %dma_wait3A_49] : memref<6x80xi32, #tpu.memory_space<vmem>> -> memref<1x80xi32, #tpu.memory_space<vmem>>
    %dma_wait3A_51 = tpu.memref_squeeze %dma_wait3A_50 : memref<1x80xi32, #tpu.memory_space<vmem>> -> memref<80xi32, #tpu.memory_space<vmem>>
    %dma_wait3A_52 = tpu.memref_slice %arg4[%add3A_44] : memref<640000xi32, #tpu.memory_space<hbm>> -> memref<80xi32, #tpu.memory_space<hbm>>
    tpu.wait_dma2 semaphore(%arg16 : memref<!tpu.dma_semaphore, #tpu.memory_space<semaphore_mem>>) src(%dma_wait3A_52 : memref<80xi32, #tpu.memory_space<hbm>>) dst(%dma_wait3A_51 : memref<80xi32, #tpu.memory_space<vmem>>)
    %add3A_53 = arith.constant 320000 : i32
    %add3A_54 = arith.addi %add3A_53, %add3A_44 : i32
    %dma_wait3A_55 = arith.constant 2 : i32
    %dma_wait3A_56 = arith.constant 0 : i32
    %dma_wait3A_57 = tpu.memref_slice %arg6[%dma_wait3A_55, %dma_wait3A_56] : memref<6x80xi32, #tpu.memory_space<vmem>> -> memref<1x80xi32, #tpu.memory_space<vmem>>
    %dma_wait3A_58 = tpu.memref_squeeze %dma_wait3A_57 : memref<1x80xi32, #tpu.memory_space<vmem>> -> memref<80xi32, #tpu.memory_space<vmem>>
    %dma_wait3A_59 = tpu.memref_slice %arg4[%add3A_54] : memref<640000xi32, #tpu.memory_space<hbm>> -> memref<80xi32, #tpu.memory_space<hbm>>
    %dma_wait3A_60 = arith.constant 0 : i32
    %dma_wait3A_61 = tpu.memref_slice %arg6[%dma_wait3A_55, %dma_wait3A_60] : memref<6x80xi32, #tpu.memory_space<vmem>> -> memref<1x80xi32, #tpu.memory_space<vmem>>
    %dma_wait3A_62 = tpu.memref_squeeze %dma_wait3A_61 : memref<1x80xi32, #tpu.memory_space<vmem>> -> memref<80xi32, #tpu.memory_space<vmem>>
    %dma_wait3A_63 = tpu.memref_slice %arg4[%add3A_54] : memref<640000xi32, #tpu.memory_space<hbm>> -> memref<80xi32, #tpu.memory_space<hbm>>
    tpu.wait_dma2 semaphore(%arg16 : memref<!tpu.dma_semaphore, #tpu.memory_space<semaphore_mem>>) src(%dma_wait3A_63 : memref<80xi32, #tpu.memory_space<hbm>>) dst(%dma_wait3A_62 : memref<80xi32, #tpu.memory_space<vmem>>)
    %dma_start3A_64 = arith.constant 0 : i32
    %dma_start3A_65 = arith.constant 0 : i32
    %dma_start3A_66 = tpu.memref_slice %arg6[%dma_start3A_64, %dma_start3A_65] : memref<6x80xi32, #tpu.memory_space<vmem>> -> memref<1x80xi32, #tpu.memory_space<vmem>>
    %dma_start3A_67 = tpu.memref_squeeze %dma_start3A_66 : memref<1x80xi32, #tpu.memory_space<vmem>> -> memref<80xi32, #tpu.memory_space<vmem>>
    %dma_start3A_68 = arith.constant 0 : i32
    %dma_start3A_69 = arith.constant 0 : i32
    %dma_start3A_70 = tpu.memref_slice %arg2[%dma_start3A_68, %dma_start3A_69] : memref<10000x128xf32, #tpu.memory_space<hbm>> -> memref<10000x128xf32, #tpu.memory_space<hbm>>
    tpu.enqueue_indirect_dma source(%dma_start3A_70 : memref<10000x128xf32, #tpu.memory_space<hbm>>) target(%arg7 : memref<80x128xf32, #tpu.memory_space<vmem>>) offsets(%dma_start3A_67 : memref<80xi32, #tpu.memory_space<vmem>>) semaphore(%arg12 : memref<!tpu.dma_semaphore, #tpu.memory_space<semaphore_mem>>)
    %dma_start3A_71 = arith.constant 2 : i32
    %dma_start3A_72 = arith.constant 0 : i32
    %dma_start3A_73 = tpu.memref_slice %arg6[%dma_start3A_71, %dma_start3A_72] : memref<6x80xi32, #tpu.memory_space<vmem>> -> memref<1x80xi32, #tpu.memory_space<vmem>>
    %dma_start3A_74 = tpu.memref_squeeze %dma_start3A_73 : memref<1x80xi32, #tpu.memory_space<vmem>> -> memref<80xi32, #tpu.memory_space<vmem>>
    %dma_start3A_75 = arith.constant 0 : i32
    %dma_start3A_76 = arith.constant 0 : i32
    %dma_start3A_77 = tpu.memref_slice %arg3[%dma_start3A_75, %dma_start3A_76] : memref<10000x128xf32, #tpu.memory_space<hbm>> -> memref<10000x128xf32, #tpu.memory_space<hbm>>
    tpu.enqueue_indirect_dma source(%dma_start3A_77 : memref<10000x128xf32, #tpu.memory_space<hbm>>) target(%arg8 : memref<80x128xf32, #tpu.memory_space<vmem>>) offsets(%dma_start3A_74 : memref<80xi32, #tpu.memory_space<vmem>>) semaphore(%arg14 : memref<!tpu.dma_semaphore, #tpu.memory_space<semaphore_mem>>)
    %mul3A_78 = arith.constant 10000 : i32
    %mul3A_79 = arith.muli %add3A, %mul3A_78 : i32
    %add3A_80 = arith.constant 80 : i32
    %add3A_81 = arith.addi %mul3A_79, %add3A_80 : i32
    %dma_start3A_82 = arith.constant 1 : i32
    %dma_start3A_83 = arith.constant 0 : i32
    %dma_start3A_84 = tpu.memref_slice %arg6[%dma_start3A_82, %dma_start3A_83] : memref<6x80xi32, #tpu.memory_space<vmem>> -> memref<1x80xi32, #tpu.memory_space<vmem>>
    %dma_start3A_85 = tpu.memref_squeeze %dma_start3A_84 : memref<1x80xi32, #tpu.memory_space<vmem>> -> memref<80xi32, #tpu.memory_space<vmem>>
    %dma_start3A_86 = tpu.memref_slice %arg4[%add3A_81] : memref<640000xi32, #tpu.memory_space<hbm>> -> memref<80xi32, #tpu.memory_space<hbm>>
    %dma_start3A_87 = arith.constant 0 : i32
    %dma_start3A_88 = tpu.memref_slice %arg6[%dma_start3A_82, %dma_start3A_87] : memref<6x80xi32, #tpu.memory_space<vmem>> -> memref<1x80xi32, #tpu.memory_space<vmem>>
    %dma_start3A_89 = tpu.memref_squeeze %dma_start3A_88 : memref<1x80xi32, #tpu.memory_space<vmem>> -> memref<80xi32, #tpu.memory_space<vmem>>
    %dma_start3A_90 = tpu.memref_slice %arg4[%add3A_81] : memref<640000xi32, #tpu.memory_space<hbm>> -> memref<80xi32, #tpu.memory_space<hbm>>
    tpu.enqueue_dma source(%dma_start3A_90 : memref<80xi32, #tpu.memory_space<hbm>>) target(%dma_start3A_89 : memref<80xi32, #tpu.memory_space<vmem>>) target_semaphore(%arg17 : memref<!tpu.dma_semaphore, #tpu.memory_space<semaphore_mem>>)
    %add3A_91 = arith.constant 320000 : i32
    %add3A_92 = arith.addi %add3A_91, %add3A_81 : i32
    %dma_start3A_93 = arith.constant 3 : i32
    %dma_start3A_94 = arith.constant 0 : i32
    %dma_start3A_95 = tpu.memref_slice %arg6[%dma_start3A_93, %dma_start3A_94] : memref<6x80xi32, #tpu.memory_space<vmem>> -> memref<1x80xi32, #tpu.memory_space<vmem>>
    %dma_start3A_96 = tpu.memref_squeeze %dma_start3A_95 : memref<1x80xi32, #tpu.memory_space<vmem>> -> memref<80xi32, #tpu.memory_space<vmem>>
    %dma_start3A_97 = tpu.memref_slice %arg4[%add3A_92] : memref<640000xi32, #tpu.memory_space<hbm>> -> memref<80xi32, #tpu.memory_space<hbm>>
    %dma_start3A_98 = arith.constant 0 : i32
    %dma_start3A_99 = tpu.memref_slice %arg6[%dma_start3A_93, %dma_start3A_98] : memref<6x80xi32, #tpu.memory_space<vmem>> -> memref<1x80xi32, #tpu.memory_space<vmem>>
    %dma_start3A_100 = tpu.memref_squeeze %dma_start3A_99 : memref<1x80xi32, #tpu.memory_space<vmem>> -> memref<80xi32, #tpu.memory_space<vmem>>
    %dma_start3A_101 = tpu.memref_slice %arg4[%add3A_92] : memref<640000xi32, #tpu.memory_space<hbm>> -> memref<80xi32, #tpu.memory_space<hbm>>
    tpu.enqueue_dma source(%dma_start3A_101 : memref<80xi32, #tpu.memory_space<hbm>>) target(%dma_start3A_100 : memref<80xi32, #tpu.memory_space<vmem>>) target_semaphore(%arg17 : memref<!tpu.dma_semaphore, #tpu.memory_space<semaphore_mem>>)
    %scan3A_102 = arith.constant 0 : i32
    %scan3A_103 = arith.constant 0 : i32
    %scan3A_104 = arith.constant 62 : i32
    %scan3A_105 = arith.addi %scan3A_103, %scan3A_104 : i32
    %scan3A_106 = arith.constant 1 : i32
    scf.for %scan3A_189 = %scan3A_103 to %scan3A_105 step %scan3A_106  : i32 {
      %mul3A_190 = arith.constant 2 : i32
      %mul3A_191 = arith.muli %mul3A_190, %scan3A_189 : i32
      %add3A_192 = arith.constant 1 : i32
      %add3A_193 = arith.addi %mul3A_191, %add3A_192 : i32
      %mul3A_194 = arith.constant 10000 : i32
      %mul3A_195 = arith.muli %add3A, %mul3A_194 : i32
      %mul3A_196 = arith.constant 80 : i32
      %mul3A_197 = arith.muli %add3A_193, %mul3A_196 : i32
      %add3A_198 = arith.addi %mul3A_195, %mul3A_197 : i32
      %dma_wait3A_199 = arith.constant 1 : i32
      %dma_wait3A_200 = arith.constant 0 : i32
      %dma_wait3A_201 = tpu.memref_slice %arg6[%dma_wait3A_199, %dma_wait3A_200] : memref<6x80xi32, #tpu.memory_space<vmem>> -> memref<1x80xi32, #tpu.memory_space<vmem>>
      %dma_wait3A_202 = tpu.memref_squeeze %dma_wait3A_201 : memref<1x80xi32, #tpu.memory_space<vmem>> -> memref<80xi32, #tpu.memory_space<vmem>>
      %dma_wait3A_203 = tpu.memref_slice %arg4[%add3A_198] : memref<640000xi32, #tpu.memory_space<hbm>> -> memref<80xi32, #tpu.memory_space<hbm>>
      %dma_wait3A_204 = arith.constant 0 : i32
      %dma_wait3A_205 = tpu.memref_slice %arg6[%dma_wait3A_199, %dma_wait3A_204] : memref<6x80xi32, #tpu.memory_space<vmem>> -> memref<1x80xi32, #tpu.memory_space<vmem>>
      %dma_wait3A_206 = tpu.memref_squeeze %dma_wait3A_205 : memref<1x80xi32, #tpu.memory_space<vmem>> -> memref<80xi32, #tpu.memory_space<vmem>>
      %dma_wait3A_207 = tpu.memref_slice %arg4[%add3A_198] : memref<640000xi32, #tpu.memory_space<hbm>> -> memref<80xi32, #tpu.memory_space<hbm>>
      tpu.wait_dma2 semaphore(%arg17 : memref<!tpu.dma_semaphore, #tpu.memory_space<semaphore_mem>>) src(%dma_wait3A_207 : memref<80xi32, #tpu.memory_space<hbm>>) dst(%dma_wait3A_206 : memref<80xi32, #tpu.memory_space<vmem>>)
      %add3A_208 = arith.constant 320000 : i32
      %add3A_209 = arith.addi %add3A_208, %add3A_198 : i32
      %dma_wait3A_210 = arith.constant 3 : i32
      %dma_wait3A_211 = arith.constant 0 : i32
      %dma_wait3A_212 = tpu.memref_slice %arg6[%dma_wait3A_210, %dma_wait3A_211] : memref<6x80xi32, #tpu.memory_space<vmem>> -> memref<1x80xi32, #tpu.memory_space<vmem>>
      %dma_wait3A_213 = tpu.memref_squeeze %dma_wait3A_212 : memref<1x80xi32, #tpu.memory_space<vmem>> -> memref<80xi32, #tpu.memory_space<vmem>>
      %dma_wait3A_214 = tpu.memref_slice %arg4[%add3A_209] : memref<640000xi32, #tpu.memory_space<hbm>> -> memref<80xi32, #tpu.memory_space<hbm>>
      %dma_wait3A_215 = arith.constant 0 : i32
      %dma_wait3A_216 = tpu.memref_slice %arg6[%dma_wait3A_210, %dma_wait3A_215] : memref<6x80xi32, #tpu.memory_space<vmem>> -> memref<1x80xi32, #tpu.memory_space<vmem>>
      %dma_wait3A_217 = tpu.memref_squeeze %dma_wait3A_216 : memref<1x80xi32, #tpu.memory_space<vmem>> -> memref<80xi32, #tpu.memory_space<vmem>>
      %dma_wait3A_218 = tpu.memref_slice %arg4[%add3A_209] : memref<640000xi32, #tpu.memory_space<hbm>> -> memref<80xi32, #tpu.memory_space<hbm>>
      tpu.wait_dma2 semaphore(%arg17 : memref<!tpu.dma_semaphore, #tpu.memory_space<semaphore_mem>>) src(%dma_wait3A_218 : memref<80xi32, #tpu.memory_space<hbm>>) dst(%dma_wait3A_217 : memref<80xi32, #tpu.memory_space<vmem>>)
      %dma_start3A_219 = arith.constant 1 : i32
      %dma_start3A_220 = arith.constant 0 : i32
      %dma_start3A_221 = tpu.memref_slice %arg6[%dma_start3A_219, %dma_start3A_220] : memref<6x80xi32, #tpu.memory_space<vmem>> -> memref<1x80xi32, #tpu.memory_space<vmem>>
      %dma_start3A_222 = tpu.memref_squeeze %dma_start3A_221 : memref<1x80xi32, #tpu.memory_space<vmem>> -> memref<80xi32, #tpu.memory_space<vmem>>
      %dma_start3A_223 = arith.constant 0 : i32
      %dma_start3A_224 = arith.constant 0 : i32
      %dma_start3A_225 = tpu.memref_slice %arg2[%dma_start3A_223, %dma_start3A_224] : memref<10000x128xf32, #tpu.memory_space<hbm>> -> memref<10000x128xf32, #tpu.memory_space<hbm>>
      tpu.enqueue_indirect_dma source(%dma_start3A_225 : memref<10000x128xf32, #tpu.memory_space<hbm>>) target(%arg9 : memref<80x128xf32, #tpu.memory_space<vmem>>) offsets(%dma_start3A_222 : memref<80xi32, #tpu.memory_space<vmem>>) semaphore(%arg13 : memref<!tpu.dma_semaphore, #tpu.memory_space<semaphore_mem>>)
      %dma_start3A_226 = arith.constant 3 : i32
      %dma_start3A_227 = arith.constant 0 : i32
      %dma_start3A_228 = tpu.memref_slice %arg6[%dma_start3A_226, %dma_start3A_227] : memref<6x80xi32, #tpu.memory_space<vmem>> -> memref<1x80xi32, #tpu.memory_space<vmem>>
      %dma_start3A_229 = tpu.memref_squeeze %dma_start3A_228 : memref<1x80xi32, #tpu.memory_space<vmem>> -> memref<80xi32, #tpu.memory_space<vmem>>
      %dma_start3A_230 = arith.constant 0 : i32
      %dma_start3A_231 = arith.constant 0 : i32
      %dma_start3A_232 = tpu.memref_slice %arg3[%dma_start3A_230, %dma_start3A_231] : memref<10000x128xf32, #tpu.memory_space<hbm>> -> memref<10000x128xf32, #tpu.memory_space<hbm>>
      tpu.enqueue_indirect_dma source(%dma_start3A_232 : memref<10000x128xf32, #tpu.memory_space<hbm>>) target(%arg10 : memref<80x128xf32, #tpu.memory_space<vmem>>) offsets(%dma_start3A_229 : memref<80xi32, #tpu.memory_space<vmem>>) semaphore(%arg15 : memref<!tpu.dma_semaphore, #tpu.memory_space<semaphore_mem>>)
      %dma_wait3A_233 = arith.constant 0 : i32
      %dma_wait3A_234 = arith.constant 0 : i32
      %dma_wait3A_235 = tpu.memref_slice %arg6[%dma_wait3A_233, %dma_wait3A_234] : memref<6x80xi32, #tpu.memory_space<vmem>> -> memref<1x80xi32, #tpu.memory_space<vmem>>
      %dma_wait3A_236 = tpu.memref_squeeze %dma_wait3A_235 : memref<1x80xi32, #tpu.memory_space<vmem>> -> memref<80xi32, #tpu.memory_space<vmem>>
      %dma_wait3A_237 = arith.constant 0 : i32
      %dma_wait3A_238 = arith.constant 0 : i32
      %dma_wait3A_239 = tpu.memref_slice %arg2[%dma_wait3A_237, %dma_wait3A_238] : memref<10000x128xf32, #tpu.memory_space<hbm>> -> memref<10000x128xf32, #tpu.memory_space<hbm>>
      tpu.wait_indirect_dma semaphore(%arg12 : memref<!tpu.dma_semaphore, #tpu.memory_space<semaphore_mem>>) src(%dma_wait3A_239 : memref<10000x128xf32, #tpu.memory_space<hbm>>) dst(%arg7 : memref<80x128xf32, #tpu.memory_space<vmem>>)
      %dma_wait3A_240 = arith.constant 2 : i32
      %dma_wait3A_241 = arith.constant 0 : i32
      %dma_wait3A_242 = tpu.memref_slice %arg6[%dma_wait3A_240, %dma_wait3A_241] : memref<6x80xi32, #tpu.memory_space<vmem>> -> memref<1x80xi32, #tpu.memory_space<vmem>>
      %dma_wait3A_243 = tpu.memref_squeeze %dma_wait3A_242 : memref<1x80xi32, #tpu.memory_space<vmem>> -> memref<80xi32, #tpu.memory_space<vmem>>
      %dma_wait3A_244 = arith.constant 0 : i32
      %dma_wait3A_245 = arith.constant 0 : i32
      %dma_wait3A_246 = tpu.memref_slice %arg3[%dma_wait3A_244, %dma_wait3A_245] : memref<10000x128xf32, #tpu.memory_space<hbm>> -> memref<10000x128xf32, #tpu.memory_space<hbm>>
      tpu.wait_indirect_dma semaphore(%arg14 : memref<!tpu.dma_semaphore, #tpu.memory_space<semaphore_mem>>) src(%dma_wait3A_246 : memref<10000x128xf32, #tpu.memory_space<hbm>>) dst(%arg8 : memref<80x128xf32, #tpu.memory_space<vmem>>)
      %get3A_247 = arith.constant 2 : i32
      %get3A_248 = arith.index_cast %get3A_247 : i32 to index
      %get3A_249 = arith.constant 0 : index
      %get3A_250 = tpu.vector_load %arg6[%get3A_248, %get3A_249] {strides = array<i32>} : memref<6x80xi32, #tpu.memory_space<vmem>>, vector<1x16xi32>,
      %get3A_251 = vector.shape_cast %get3A_250 : vector<1x16xi32> to vector<16xi32>
      %swap3A_252 = arith.constant 4 : i32
      %swap3A_253 = arith.index_cast %swap3A_252 : i32 to index
      %swap3A_254 = arith.constant 0 : index
      %swap3A_255 = tpu.vector_load %arg6[%swap3A_253, %swap3A_254] {strides = array<i32>} : memref<6x80xi32, #tpu.memory_space<vmem>>, vector<1x16xi32>,
      %swap3A_256 = vector.shape_cast %swap3A_255 : vector<1x16xi32> to vector<16xi32>
      %swap3A_257 = vector.shape_cast %get3A_251 : vector<16xi32> to vector<1x16xi32>
      tpu.vector_store %arg6[%swap3A_253, %swap3A_254], %swap3A_257 {strides = array<i32>} : memref<6x80xi32, #tpu.memory_space<vmem>>, vector<1x16xi32>,
      %get3A_258 = arith.constant 2 : i32
      %get3A_259 = arith.index_cast %get3A_258 : i32 to index
      %get3A_260 = arith.constant 16 : index
      %get3A_261 = tpu.vector_load %arg6[%get3A_259, %get3A_260] {strides = array<i32>} : memref<6x80xi32, #tpu.memory_space<vmem>>, vector<1x16xi32>,
      %get3A_262 = vector.shape_cast %get3A_261 : vector<1x16xi32> to vector<16xi32>
      %swap3A_263 = arith.constant 4 : i32
      %swap3A_264 = arith.index_cast %swap3A_263 : i32 to index
      %swap3A_265 = arith.constant 16 : index
      %swap3A_266 = tpu.vector_load %arg6[%swap3A_264, %swap3A_265] {strides = array<i32>} : memref<6x80xi32, #tpu.memory_space<vmem>>, vector<1x16xi32>,
      %swap3A_267 = vector.shape_cast %swap3A_266 : vector<1x16xi32> to vector<16xi32>
      %swap3A_268 = vector.shape_cast %get3A_262 : vector<16xi32> to vector<1x16xi32>
      tpu.vector_store %arg6[%swap3A_264, %swap3A_265], %swap3A_268 {strides = array<i32>} : memref<6x80xi32, #tpu.memory_space<vmem>>, vector<1x16xi32>,
      %get3A_269 = arith.constant 2 : i32
      %get3A_270 = arith.index_cast %get3A_269 : i32 to index
      %get3A_271 = arith.constant 32 : index
      %get3A_272 = tpu.vector_load %arg6[%get3A_270, %get3A_271] {strides = array<i32>} : memref<6x80xi32, #tpu.memory_space<vmem>>, vector<1x16xi32>,
      %get3A_273 = vector.shape_cast %get3A_272 : vector<1x16xi32> to vector<16xi32>
      %swap3A_274 = arith.constant 4 : i32
      %swap3A_275 = arith.index_cast %swap3A_274 : i32 to index
      %swap3A_276 = arith.constant 32 : index
      %swap3A_277 = tpu.vector_load %arg6[%swap3A_275, %swap3A_276] {strides = array<i32>} : memref<6x80xi32, #tpu.memory_space<vmem>>, vector<1x16xi32>,
      %swap3A_278 = vector.shape_cast %swap3A_277 : vector<1x16xi32> to vector<16xi32>
      %swap3A_279 = vector.shape_cast %get3A_273 : vector<16xi32> to vector<1x16xi32>
      tpu.vector_store %arg6[%swap3A_275, %swap3A_276], %swap3A_279 {strides = array<i32>} : memref<6x80xi32, #tpu.memory_space<vmem>>, vector<1x16xi32>,
      %get3A_280 = arith.constant 2 : i32
      %get3A_281 = arith.index_cast %get3A_280 : i32 to index
      %get3A_282 = arith.constant 48 : index
      %get3A_283 = tpu.vector_load %arg6[%get3A_281, %get3A_282] {strides = array<i32>} : memref<6x80xi32, #tpu.memory_space<vmem>>, vector<1x16xi32>,
      %get3A_284 = vector.shape_cast %get3A_283 : vector<1x16xi32> to vector<16xi32>
      %swap3A_285 = arith.constant 4 : i32
      %swap3A_286 = arith.index_cast %swap3A_285 : i32 to index
      %swap3A_287 = arith.constant 48 : index
      %swap3A_288 = tpu.vector_load %arg6[%swap3A_286, %swap3A_287] {strides = array<i32>} : memref<6x80xi32, #tpu.memory_space<vmem>>, vector<1x16xi32>,
      %swap3A_289 = vector.shape_cast %swap3A_288 : vector<1x16xi32> to vector<16xi32>
      %swap3A_290 = vector.shape_cast %get3A_284 : vector<16xi32> to vector<1x16xi32>
      tpu.vector_store %arg6[%swap3A_286, %swap3A_287], %swap3A_290 {strides = array<i32>} : memref<6x80xi32, #tpu.memory_space<vmem>>, vector<1x16xi32>,
      %get3A_291 = arith.constant 2 : i32
      %get3A_292 = arith.index_cast %get3A_291 : i32 to index
      %get3A_293 = arith.constant 64 : index
      %get3A_294 = tpu.vector_load %arg6[%get3A_292, %get3A_293] {strides = array<i32>} : memref<6x80xi32, #tpu.memory_space<vmem>>, vector<1x16xi32>,
      %get3A_295 = vector.shape_cast %get3A_294 : vector<1x16xi32> to vector<16xi32>
      %swap3A_296 = arith.constant 4 : i32
      %swap3A_297 = arith.index_cast %swap3A_296 : i32 to index
      %swap3A_298 = arith.constant 64 : index
      %swap3A_299 = tpu.vector_load %arg6[%swap3A_297, %swap3A_298] {strides = array<i32>} : memref<6x80xi32, #tpu.memory_space<vmem>>, vector<1x16xi32>,
      %swap3A_300 = vector.shape_cast %swap3A_299 : vector<1x16xi32> to vector<16xi32>
      %swap3A_301 = vector.shape_cast %get3A_295 : vector<16xi32> to vector<1x16xi32>
      tpu.vector_store %arg6[%swap3A_297, %swap3A_298], %swap3A_301 {strides = array<i32>} : memref<6x80xi32, #tpu.memory_space<vmem>>, vector<1x16xi32>,
      %add3A_302 = arith.constant 2 : i32
      %add3A_303 = arith.addi %mul3A_191, %add3A_302 : i32
      %mul3A_304 = arith.constant 10000 : i32
      %mul3A_305 = arith.muli %add3A, %mul3A_304 : i32
      %mul3A_306 = arith.constant 80 : i32
      %mul3A_307 = arith.muli %add3A_303, %mul3A_306 : i32
      %add3A_308 = arith.addi %mul3A_305, %mul3A_307 : i32
      %dma_start3A_309 = arith.constant 0 : i32
      %dma_start3A_310 = arith.constant 0 : i32
      %dma_start3A_311 = tpu.memref_slice %arg6[%dma_start3A_309, %dma_start3A_310] : memref<6x80xi32, #tpu.memory_space<vmem>> -> memref<1x80xi32, #tpu.memory_space<vmem>>
      %dma_start3A_312 = tpu.memref_squeeze %dma_start3A_311 : memref<1x80xi32, #tpu.memory_space<vmem>> -> memref<80xi32, #tpu.memory_space<vmem>>
      %dma_start3A_313 = tpu.memref_slice %arg4[%add3A_308] : memref<640000xi32, #tpu.memory_space<hbm>> -> memref<80xi32, #tpu.memory_space<hbm>>
      %dma_start3A_314 = arith.constant 0 : i32
      %dma_start3A_315 = tpu.memref_slice %arg6[%dma_start3A_309, %dma_start3A_314] : memref<6x80xi32, #tpu.memory_space<vmem>> -> memref<1x80xi32, #tpu.memory_space<vmem>>
      %dma_start3A_316 = tpu.memref_squeeze %dma_start3A_315 : memref<1x80xi32, #tpu.memory_space<vmem>> -> memref<80xi32, #tpu.memory_space<vmem>>
      %dma_start3A_317 = tpu.memref_slice %arg4[%add3A_308] : memref<640000xi32, #tpu.memory_space<hbm>> -> memref<80xi32, #tpu.memory_space<hbm>>
      tpu.enqueue_dma source(%dma_start3A_317 : memref<80xi32, #tpu.memory_space<hbm>>) target(%dma_start3A_316 : memref<80xi32, #tpu.memory_space<vmem>>) target_semaphore(%arg16 : memref<!tpu.dma_semaphore, #tpu.memory_space<semaphore_mem>>)
      %add3A_318 = arith.constant 320000 : i32
      %add3A_319 = arith.addi %add3A_318, %add3A_308 : i32
      %dma_start3A_320 = arith.constant 2 : i32
      %dma_start3A_321 = arith.constant 0 : i32
      %dma_start3A_322 = tpu.memref_slice %arg6[%dma_start3A_320, %dma_start3A_321] : memref<6x80xi32, #tpu.memory_space<vmem>> -> memref<1x80xi32, #tpu.memory_space<vmem>>
      %dma_start3A_323 = tpu.memref_squeeze %dma_start3A_322 : memref<1x80xi32, #tpu.memory_space<vmem>> -> memref<80xi32, #tpu.memory_space<vmem>>
      %dma_start3A_324 = tpu.memref_slice %arg4[%add3A_319] : memref<640000xi32, #tpu.memory_space<hbm>> -> memref<80xi32, #tpu.memory_space<hbm>>
      %dma_start3A_325 = arith.constant 0 : i32
      %dma_start3A_326 = tpu.memref_slice %arg6[%dma_start3A_320, %dma_start3A_325] : memref<6x80xi32, #tpu.memory_space<vmem>> -> memref<1x80xi32, #tpu.memory_space<vmem>>
      %dma_start3A_327 = tpu.memref_squeeze %dma_start3A_326 : memref<1x80xi32, #tpu.memory_space<vmem>> -> memref<80xi32, #tpu.memory_space<vmem>>
      %dma_start3A_328 = tpu.memref_slice %arg4[%add3A_319] : memref<640000xi32, #tpu.memory_space<hbm>> -> memref<80xi32, #tpu.memory_space<hbm>>
      tpu.enqueue_dma source(%dma_start3A_328 : memref<80xi32, #tpu.memory_space<hbm>>) target(%dma_start3A_327 : memref<80xi32, #tpu.memory_space<vmem>>) target_semaphore(%arg16 : memref<!tpu.dma_semaphore, #tpu.memory_space<semaphore_mem>>)
      %scan3A_329 = arith.constant 0 : i32
      %scan3A_330 = arith.constant 0 : i32
      %scan3A_331 = arith.constant 20 : i32
      %scan3A_332 = arith.addi %scan3A_330, %scan3A_331 : i32
      %scan3A_333 = arith.constant 1 : i32
      scf.for %scan3A_460 = %scan3A_330 to %scan3A_332 step %scan3A_333  : i32 {
        %mul3A_461 = arith.constant 4 : i32
        %mul3A_462 = arith.muli %mul3A_461, %scan3A_460 : i32
        %add3A_463 = arith.constant 0 : i32
        %add3A_464 = arith.addi %mul3A_462, %add3A_463 : i32
        %get3A_465 = arith.index_cast %add3A_464 : i32 to index
        %get3A_466 = arith.constant 0 : index
        %get3A_467 = tpu.vector_load %arg7[%get3A_465, %get3A_466] {strides = array<i32>} : memref<80x128xf32, #tpu.memory_space<vmem>>, vector<1x16xf32>,
        %get3A_468 = vector.shape_cast %get3A_467 : vector<1x16xf32> to vector<16xf32>
        %add3A_469 = arith.constant 0 : i32
        %add3A_470 = arith.addi %mul3A_462, %add3A_469 : i32
        %get3A_471 = arith.index_cast %add3A_470 : i32 to index
        %get3A_472 = arith.constant 0 : index
        %get3A_473 = tpu.vector_load %arg8[%get3A_471, %get3A_472] {strides = array<i32>} : memref<80x128xf32, #tpu.memory_space<vmem>>, vector<1x16xf32>,
        %get3A_474 = vector.shape_cast %get3A_473 : vector<1x16xf32> to vector<16xf32>
        %add3A_475 = arith.addf %get3A_468, %get3A_474 : vector<16xf32>
        %max3A = arith.constant 0.000000e+00 : f32
        %max3A_476 = vector.broadcast %max3A : f32 to vector<16xf32>
        %max3A_477 = arith.maximumf %add3A_475, %max3A_476 : vector<16xf32>
        %add3A_478 = arith.constant 0 : i32
        %add3A_479 = arith.addi %mul3A_462, %add3A_478 : i32
        %swap3A_480 = arith.index_cast %add3A_479 : i32 to index
        %swap3A_481 = arith.constant 0 : index
        %swap3A_482 = tpu.vector_load %arg7[%swap3A_480, %swap3A_481] {strides = array<i32>} : memref<80x128xf32, #tpu.memory_space<vmem>>, vector<1x16xf32>,
        %swap3A_483 = vector.shape_cast %swap3A_482 : vector<1x16xf32> to vector<16xf32>
        %swap3A_484 = vector.shape_cast %max3A_477 : vector<16xf32> to vector<1x16xf32>
        tpu.vector_store %arg7[%swap3A_480, %swap3A_481], %swap3A_484 {strides = array<i32>} : memref<80x128xf32, #tpu.memory_space<vmem>>, vector<1x16xf32>,
        %add3A_485 = arith.constant 0 : i32
        %add3A_486 = arith.addi %mul3A_462, %add3A_485 : i32
        %get3A_487 = arith.index_cast %add3A_486 : i32 to index
        %get3A_488 = arith.constant 16 : index
        %get3A_489 = tpu.vector_load %arg7[%get3A_487, %get3A_488] {strides = array<i32>} : memref<80x128xf32, #tpu.memory_space<vmem>>, vector<1x16xf32>,
        %get3A_490 = vector.shape_cast %get3A_489 : vector<1x16xf32> to vector<16xf32>
        %add3A_491 = arith.constant 0 : i32
        %add3A_492 = arith.addi %mul3A_462, %add3A_491 : i32
        %get3A_493 = arith.index_cast %add3A_492 : i32 to index
        %get3A_494 = arith.constant 16 : index
        %get3A_495 = tpu.vector_load %arg8[%get3A_493, %get3A_494] {strides = array<i32>} : memref<80x128xf32, #tpu.memory_space<vmem>>, vector<1x16xf32>,
        %get3A_496 = vector.shape_cast %get3A_495 : vector<1x16xf32> to vector<16xf32>
        %add3A_497 = arith.addf %get3A_490, %get3A_496 : vector<16xf32>
        %max3A_498 = arith.constant 0.000000e+00 : f32
        %max3A_499 = vector.broadcast %max3A_498 : f32 to vector<16xf32>
        %max3A_500 = arith.maximumf %add3A_497, %max3A_499 : vector<16xf32>
        %add3A_501 = arith.constant 0 : i32
        %add3A_502 = arith.addi %mul3A_462, %add3A_501 : i32
        %swap3A_503 = arith.index_cast %add3A_502 : i32 to index
        %swap3A_504 = arith.constant 16 : index
        %swap3A_505 = tpu.vector_load %arg7[%swap3A_503, %swap3A_504] {strides = array<i32>} : memref<80x128xf32, #tpu.memory_space<vmem>>, vector<1x16xf32>,
        %swap3A_506 = vector.shape_cast %swap3A_505 : vector<1x16xf32> to vector<16xf32>
        %swap3A_507 = vector.shape_cast %max3A_500 : vector<16xf32> to vector<1x16xf32>
        tpu.vector_store %arg7[%swap3A_503, %swap3A_504], %swap3A_507 {strides = array<i32>} : memref<80x128xf32, #tpu.memory_space<vmem>>, vector<1x16xf32>,
        %add3A_508 = arith.constant 0 : i32
        %add3A_509 = arith.addi %mul3A_462, %add3A_508 : i32
        %get3A_510 = arith.index_cast %add3A_509 : i32 to index
        %get3A_511 = arith.constant 32 : index
        %get3A_512 = tpu.vector_load %arg7[%get3A_510, %get3A_511] {strides = array<i32>} : memref<80x128xf32, #tpu.memory_space<vmem>>, vector<1x16xf32>,
        %get3A_513 = vector.shape_cast %get3A_512 : vector<1x16xf32> to vector<16xf32>
        %add3A_514 = arith.constant 0 : i32
        %add3A_515 = arith.addi %mul3A_462, %add3A_514 : i32
        %get3A_516 = arith.index_cast %add3A_515 : i32 to index
        %get3A_517 = arith.constant 32 : index
        %get3A_518 = tpu.vector_load %arg8[%get3A_516, %get3A_517] {strides = array<i32>} : memref<80x128xf32, #tpu.memory_space<vmem>>, vector<1x16xf32>,
        %get3A_519 = vector.shape_cast %get3A_518 : vector<1x16xf32> to vector<16xf32>
        %add3A_520 = arith.addf %get3A_513, %get3A_519 : vector<16xf32>
        %max3A_521 = arith.constant 0.000000e+00 : f32
        %max3A_522 = vector.broadcast %max3A_521 : f32 to vector<16xf32>
        %max3A_523 = arith.maximumf %add3A_520, %max3A_522 : vector<16xf32>
        %add3A_524 = arith.constant 0 : i32
        %add3A_525 = arith.addi %mul3A_462, %add3A_524 : i32
        %swap3A_526 = arith.index_cast %add3A_525 : i32 to index
        %swap3A_527 = arith.constant 32 : index
        %swap3A_528 = tpu.vector_load %arg7[%swap3A_526, %swap3A_527] {strides = array<i32>} : memref<80x128xf32, #tpu.memory_space<vmem>>, vector<1x16xf32>,
        %swap3A_529 = vector.shape_cast %swap3A_528 : vector<1x16xf32> to vector<16xf32>
        %swap3A_530 = vector.shape_cast %max3A_523 : vector<16xf32> to vector<1x16xf32>
        tpu.vector_store %arg7[%swap3A_526, %swap3A_527], %swap3A_530 {strides = array<i32>} : memref<80x128xf32, #tpu.memory_space<vmem>>, vector<1x16xf32>,
        %add3A_531 = arith.constant 0 : i32
        %add3A_532 = arith.addi %mul3A_462, %add3A_531 : i32
        %get3A_533 = arith.index_cast %add3A_532 : i32 to index
        %get3A_534 = arith.constant 48 : index
        %get3A_535 = tpu.vector_load %arg7[%get3A_533, %get3A_534] {strides = array<i32>} : memref<80x128xf32, #tpu.memory_space<vmem>>, vector<1x16xf32>,
        %get3A_536 = vector.shape_cast %get3A_535 : vector<1x16xf32> to vector<16xf32>
        %add3A_537 = arith.constant 0 : i32
        %add3A_538 = arith.addi %mul3A_462, %add3A_537 : i32
        %get3A_539 = arith.index_cast %add3A_538 : i32 to index
        %get3A_540 = arith.constant 48 : index
        %get3A_541 = tpu.vector_load %arg8[%get3A_539, %get3A_540] {strides = array<i32>} : memref<80x128xf32, #tpu.memory_space<vmem>>, vector<1x16xf32>,
        %get3A_542 = vector.shape_cast %get3A_541 : vector<1x16xf32> to vector<16xf32>
        %add3A_543 = arith.addf %get3A_536, %get3A_542 : vector<16xf32>
        %max3A_544 = arith.constant 0.000000e+00 : f32
        %max3A_545 = vector.broadcast %max3A_544 : f32 to vector<16xf32>
        %max3A_546 = arith.maximumf %add3A_543, %max3A_545 : vector<16xf32>
        %add3A_547 = arith.constant 0 : i32
        %add3A_548 = arith.addi %mul3A_462, %add3A_547 : i32
        %swap3A_549 = arith.index_cast %add3A_548 : i32 to index
        %swap3A_550 = arith.constant 48 : index
        %swap3A_551 = tpu.vector_load %arg7[%swap3A_549, %swap3A_550] {strides = array<i32>} : memref<80x128xf32, #tpu.memory_space<vmem>>, vector<1x16xf32>,
        %swap3A_552 = vector.shape_cast %swap3A_551 : vector<1x16xf32> to vector<16xf32>
        %swap3A_553 = vector.shape_cast %max3A_546 : vector<16xf32> to vector<1x16xf32>
        tpu.vector_store %arg7[%swap3A_549, %swap3A_550], %swap3A_553 {strides = array<i32>} : memref<80x128xf32, #tpu.memory_space<vmem>>, vector<1x16xf32>,
        %add3A_554 = arith.constant 0 : i32
        %add3A_555 = arith.addi %mul3A_462, %add3A_554 : i32
        %get3A_556 = arith.index_cast %add3A_555 : i32 to index
        %get3A_557 = arith.constant 64 : index
        %get3A_558 = tpu.vector_load %arg7[%get3A_556, %get3A_557] {strides = array<i32>} : memref<80x128xf32, #tpu.memory_space<vmem>>, vector<1x16xf32>,
        %get3A_559 = vector.shape_cast %get3A_558 : vector<1x16xf32> to vector<16xf32>
        %add3A_560 = arith.constant 0 : i32
        %add3A_561 = arith.addi %mul3A_462, %add3A_560 : i32
        %get3A_562 = arith.index_cast %add3A_561 : i32 to index
        %get3A_563 = arith.constant 64 : index
        %get3A_564 = tpu.vector_load %arg8[%get3A_562, %get3A_563] {strides = array<i32>} : memref<80x128xf32, #tpu.memory_space<vmem>>, vector<1x16xf32>,
        %get3A_565 = vector.shape_cast %get3A_564 : vector<1x16xf32> to vector<16xf32>
        %add3A_566 = arith.addf %get3A_559, %get3A_565 : vector<16xf32>
        %max3A_567 = arith.constant 0.000000e+00 : f32
        %max3A_568 = vector.broadcast %max3A_567 : f32 to vector<16xf32>
        %max3A_569 = arith.maximumf %add3A_566, %max3A_568 : vector<16xf32>
        %add3A_570 = arith.constant 0 : i32
        %add3A_571 = arith.addi %mul3A_462, %add3A_570 : i32
        %swap3A_572 = arith.index_cast %add3A_571 : i32 to index
        %swap3A_573 = arith.constant 64 : index
        %swap3A_574 = tpu.vector_load %arg7[%swap3A_572, %swap3A_573] {strides = array<i32>} : memref<80x128xf32, #tpu.memory_space<vmem>>, vector<1x16xf32>,
        %swap3A_575 = vector.shape_cast %swap3A_574 : vector<1x16xf32> to vector<16xf32>
        %swap3A_576 = vector.shape_cast %max3A_569 : vector<16xf32> to vector<1x16xf32>
        tpu.vector_store %arg7[%swap3A_572, %swap3A_573], %swap3A_576 {strides = array<i32>} : memref<80x128xf32, #tpu.memory_space<vmem>>, vector<1x16xf32>,
        %add3A_577 = arith.constant 0 : i32
        %add3A_578 = arith.addi %mul3A_462, %add3A_577 : i32
        %get3A_579 = arith.index_cast %add3A_578 : i32 to index
        %get3A_580 = arith.constant 80 : index
        %get3A_581 = tpu.vector_load %arg7[%get3A_579, %get3A_580] {strides = array<i32>} : memref<80x128xf32, #tpu.memory_space<vmem>>, vector<1x16xf32>,
        %get3A_582 = vector.shape_cast %get3A_581 : vector<1x16xf32> to vector<16xf32>
        %add3A_583 = arith.constant 0 : i32
        %add3A_584 = arith.addi %mul3A_462, %add3A_583 : i32
        %get3A_585 = arith.index_cast %add3A_584 : i32 to index
        %get3A_586 = arith.constant 80 : index
        %get3A_587 = tpu.vector_load %arg8[%get3A_585, %get3A_586] {strides = array<i32>} : memref<80x128xf32, #tpu.memory_space<vmem>>, vector<1x16xf32>,
        %get3A_588 = vector.shape_cast %get3A_587 : vector<1x16xf32> to vector<16xf32>
        %add3A_589 = arith.addf %get3A_582, %get3A_588 : vector<16xf32>
        %max3A_590 = arith.constant 0.000000e+00 : f32
        %max3A_591 = vector.broadcast %max3A_590 : f32 to vector<16xf32>
        %max3A_592 = arith.maximumf %add3A_589, %max3A_591 : vector<16xf32>
        %add3A_593 = arith.constant 0 : i32
        %add3A_594 = arith.addi %mul3A_462, %add3A_593 : i32
        %swap3A_595 = arith.index_cast %add3A_594 : i32 to index
        %swap3A_596 = arith.constant 80 : index
        %swap3A_597 = tpu.vector_load %arg7[%swap3A_595, %swap3A_596] {strides = array<i32>} : memref<80x128xf32, #tpu.memory_space<vmem>>, vector<1x16xf32>,
        %swap3A_598 = vector.shape_cast %swap3A_597 : vector<1x16xf32> to vector<16xf32>
        %swap3A_599 = vector.shape_cast %max3A_592 : vector<16xf32> to vector<1x16xf32>
        tpu.vector_store %arg7[%swap3A_595, %swap3A_596], %swap3A_599 {strides = array<i32>} : memref<80x128xf32, #tpu.memory_space<vmem>>, vector<1x16xf32>,
        %add3A_600 = arith.constant 0 : i32
        %add3A_601 = arith.addi %mul3A_462, %add3A_600 : i32
        %get3A_602 = arith.index_cast %add3A_601 : i32 to index
        %get3A_603 = arith.constant 96 : index
        %get3A_604 = tpu.vector_load %arg7[%get3A_602, %get3A_603] {strides = array<i32>} : memref<80x128xf32, #tpu.memory_space<vmem>>, vector<1x16xf32>,
        %get3A_605 = vector.shape_cast %get3A_604 : vector<1x16xf32> to vector<16xf32>
        %add3A_606 = arith.constant 0 : i32
        %add3A_607 = arith.addi %mul3A_462, %add3A_606 : i32
        %get3A_608 = arith.index_cast %add3A_607 : i32 to index
        %get3A_609 = arith.constant 96 : index
        %get3A_610 = tpu.vector_load %arg8[%get3A_608, %get3A_609] {strides = array<i32>} : memref<80x128xf32, #tpu.memory_space<vmem>>, vector<1x16xf32>,
        %get3A_611 = vector.shape_cast %get3A_610 : vector<1x16xf32> to vector<16xf32>
        %add3A_612 = arith.addf %get3A_605, %get3A_611 : vector<16xf32>
        %max3A_613 = arith.constant 0.000000e+00 : f32
        %max3A_614 = vector.broadcast %max3A_613 : f32 to vector<16xf32>
        %max3A_615 = arith.maximumf %add3A_612, %max3A_614 : vector<16xf32>
        %add3A_616 = arith.constant 0 : i32
        %add3A_617 = arith.addi %mul3A_462, %add3A_616 : i32
        %swap3A_618 = arith.index_cast %add3A_617 : i32 to index
        %swap3A_619 = arith.constant 96 : index
        %swap3A_620 = tpu.vector_load %arg7[%swap3A_618, %swap3A_619] {strides = array<i32>} : memref<80x128xf32, #tpu.memory_space<vmem>>, vector<1x16xf32>,
        %swap3A_621 = vector.shape_cast %swap3A_620 : vector<1x16xf32> to vector<16xf32>
        %swap3A_622 = vector.shape_cast %max3A_615 : vector<16xf32> to vector<1x16xf32>
        tpu.vector_store %arg7[%swap3A_618, %swap3A_619], %swap3A_622 {strides = array<i32>} : memref<80x128xf32, #tpu.memory_space<vmem>>, vector<1x16xf32>,
        %add3A_623 = arith.constant 0 : i32
        %add3A_624 = arith.addi %mul3A_462, %add3A_623 : i32
        %get3A_625 = arith.index_cast %add3A_624 : i32 to index
        %get3A_626 = arith.constant 112 : index
        %get3A_627 = tpu.vector_load %arg7[%get3A_625, %get3A_626] {strides = array<i32>} : memref<80x128xf32, #tpu.memory_space<vmem>>, vector<1x16xf32>,
        %get3A_628 = vector.shape_cast %get3A_627 : vector<1x16xf32> to vector<16xf32>
        %add3A_629 = arith.constant 0 : i32
        %add3A_630 = arith.addi %mul3A_462, %add3A_629 : i32
        %get3A_631 = arith.index_cast %add3A_630 : i32 to index
        %get3A_632 = arith.constant 112 : index
        %get3A_633 = tpu.vector_load %arg8[%get3A_631, %get3A_632] {strides = array<i32>} : memref<80x128xf32, #tpu.memory_space<vmem>>, vector<1x16xf32>,
        %get3A_634 = vector.shape_cast %get3A_633 : vector<1x16xf32> to vector<16xf32>
        %add3A_635 = arith.addf %get3A_628, %get3A_634 : vector<16xf32>
        %max3A_636 = arith.constant 0.000000e+00 : f32
        %max3A_637 = vector.broadcast %max3A_636 : f32 to vector<16xf32>
        %max3A_638 = arith.maximumf %add3A_635, %max3A_637 : vector<16xf32>
        %add3A_639 = arith.constant 0 : i32
        %add3A_640 = arith.addi %mul3A_462, %add3A_639 : i32
        %swap3A_641 = arith.index_cast %add3A_640 : i32 to index
        %swap3A_642 = arith.constant 112 : index
        %swap3A_643 = tpu.vector_load %arg7[%swap3A_641, %swap3A_642] {strides = array<i32>} : memref<80x128xf32, #tpu.memory_space<vmem>>, vector<1x16xf32>,
        %swap3A_644 = vector.shape_cast %swap3A_643 : vector<1x16xf32> to vector<16xf32>
        %swap3A_645 = vector.shape_cast %max3A_638 : vector<16xf32> to vector<1x16xf32>
        tpu.vector_store %arg7[%swap3A_641, %swap3A_642], %swap3A_645 {strides = array<i32>} : memref<80x128xf32, #tpu.memory_space<vmem>>, vector<1x16xf32>,
        %add3A_646 = arith.constant 1 : i32
        %add3A_647 = arith.addi %mul3A_462, %add3A_646 : i32
        %get3A_648 = arith.index_cast %add3A_647 : i32 to index
        %get3A_649 = arith.constant 0 : index
        %get3A_650 = tpu.vector_load %arg7[%get3A_648, %get3A_649] {strides = array<i32>} : memref<80x128xf32, #tpu.memory_space<vmem>>, vector<1x16xf32>,
        %get3A_651 = vector.shape_cast %get3A_650 : vector<1x16xf32> to vector<16xf32>
        %add3A_652 = arith.constant 1 : i32
        %add3A_653 = arith.addi %mul3A_462, %add3A_652 : i32
        %get3A_654 = arith.index_cast %add3A_653 : i32 to index
        %get3A_655 = arith.constant 0 : index
        %get3A_656 = tpu.vector_load %arg8[%get3A_654, %get3A_655] {strides = array<i32>} : memref<80x128xf32, #tpu.memory_space<vmem>>, vector<1x16xf32>,
        %get3A_657 = vector.shape_cast %get3A_656 : vector<1x16xf32> to vector<16xf32>
        %add3A_658 = arith.addf %get3A_651, %get3A_657 : vector<16xf32>
        %max3A_659 = arith.constant 0.000000e+00 : f32
        %max3A_660 = vector.broadcast %max3A_659 : f32 to vector<16xf32>
        %max3A_661 = arith.maximumf %add3A_658, %max3A_660 : vector<16xf32>
        %add3A_662 = arith.constant 1 : i32
        %add3A_663 = arith.addi %mul3A_462, %add3A_662 : i32
        %swap3A_664 = arith.index_cast %add3A_663 : i32 to index
        %swap3A_665 = arith.constant 0 : index
        %swap3A_666 = tpu.vector_load %arg7[%swap3A_664, %swap3A_665] {strides = array<i32>} : memref<80x128xf32, #tpu.memory_space<vmem>>, vector<1x16xf32>,
        %swap3A_667 = vector.shape_cast %swap3A_666 : vector<1x16xf32> to vector<16xf32>
        %swap3A_668 = vector.shape_cast %max3A_661 : vector<16xf32> to vector<1x16xf32>
        tpu.vector_store %arg7[%swap3A_664, %swap3A_665], %swap3A_668 {strides = array<i32>} : memref<80x128xf32, #tpu.memory_space<vmem>>, vector<1x16xf32>,
        %add3A_669 = arith.constant 1 : i32
        %add3A_670 = arith.addi %mul3A_462, %add3A_669 : i32
        %get3A_671 = arith.index_cast %add3A_670 : i32 to index
        %get3A_672 = arith.constant 16 : index
        %get3A_673 = tpu.vector_load %arg7[%get3A_671, %get3A_672] {strides = array<i32>} : memref<80x128xf32, #tpu.memory_space<vmem>>, vector<1x16xf32>,
        %get3A_674 = vector.shape_cast %get3A_673 : vector<1x16xf32> to vector<16xf32>
        %add3A_675 = arith.constant 1 : i32
        %add3A_676 = arith.addi %mul3A_462, %add3A_675 : i32
        %get3A_677 = arith.index_cast %add3A_676 : i32 to index
        %get3A_678 = arith.constant 16 : index
        %get3A_679 = tpu.vector_load %arg8[%get3A_677, %get3A_678] {strides = array<i32>} : memref<80x128xf32, #tpu.memory_space<vmem>>, vector<1x16xf32>,
        %get3A_680 = vector.shape_cast %get3A_679 : vector<1x16xf32> to vector<16xf32>
        %add3A_681 = arith.addf %get3A_674, %get3A_680 : vector<16xf32>
        %max3A_682 = arith.constant 0.000000e+00 : f32
        %max3A_683 = vector.broadcast %max3A_682 : f32 to vector<16xf32>
        %max3A_684 = arith.maximumf %add3A_681, %max3A_683 : vector<16xf32>
        %add3A_685 = arith.constant 1 : i32
        %add3A_686 = arith.addi %mul3A_462, %add3A_685 : i32
        %swap3A_687 = arith.index_cast %add3A_686 : i32 to index
        %swap3A_688 = arith.constant 16 : index
        %swap3A_689 = tpu.vector_load %arg7[%swap3A_687, %swap3A_688] {strides = array<i32>} : memref<80x128xf32, #tpu.memory_space<vmem>>, vector<1x16xf32>,
        %swap3A_690 = vector.shape_cast %swap3A_689 : vector<1x16xf32> to vector<16xf32>
        %swap3A_691 = vector.shape_cast %max3A_684 : vector<16xf32> to vector<1x16xf32>
        tpu.vector_store %arg7[%swap3A_687, %swap3A_688], %swap3A_691 {strides = array<i32>} : memref<80x128xf32, #tpu.memory_space<vmem>>, vector<1x16xf32>,
        %add3A_692 = arith.constant 1 : i32
        %add3A_693 = arith.addi %mul3A_462, %add3A_692 : i32
        %get3A_694 = arith.index_cast %add3A_693 : i32 to index
        %get3A_695 = arith.constant 32 : index
        %get3A_696 = tpu.vector_load %arg7[%get3A_694, %get3A_695] {strides = array<i32>} : memref<80x128xf32, #tpu.memory_space<vmem>>, vector<1x16xf32>,
        %get3A_697 = vector.shape_cast %get3A_696 : vector<1x16xf32> to vector<16xf32>
        %add3A_698 = arith.constant 1 : i32
        %add3A_699 = arith.addi %mul3A_462, %add3A_698 : i32
        %get3A_700 = arith.index_cast %add3A_699 : i32 to index
        %get3A_701 = arith.constant 32 : index
        %get3A_702 = tpu.vector_load %arg8[%get3A_700, %get3A_701] {strides = array<i32>} : memref<80x128xf32, #tpu.memory_space<vmem>>, vector<1x16xf32>,
        %get3A_703 = vector.shape_cast %get3A_702 : vector<1x16xf32> to vector<16xf32>
        %add3A_704 = arith.addf %get3A_697, %get3A_703 : vector<16xf32>
        %max3A_705 = arith.constant 0.000000e+00 : f32
        %max3A_706 = vector.broadcast %max3A_705 : f32 to vector<16xf32>
        %max3A_707 = arith.maximumf %add3A_704, %max3A_706 : vector<16xf32>
        %add3A_708 = arith.constant 1 : i32
        %add3A_709 = arith.addi %mul3A_462, %add3A_708 : i32
        %swap3A_710 = arith.index_cast %add3A_709 : i32 to index
        %swap3A_711 = arith.constant 32 : index
        %swap3A_712 = tpu.vector_load %arg7[%swap3A_710, %swap3A_711] {strides = array<i32>} : memref<80x128xf32, #tpu.memory_space<vmem>>, vector<1x16xf32>,
        %swap3A_713 = vector.shape_cast %swap3A_712 : vector<1x16xf32> to vector<16xf32>
        %swap3A_714 = vector.shape_cast %max3A_707 : vector<16xf32> to vector<1x16xf32>
        tpu.vector_store %arg7[%swap3A_710, %swap3A_711], %swap3A_714 {strides = array<i32>} : memref<80x128xf32, #tpu.memory_space<vmem>>, vector<1x16xf32>,
        %add3A_715 = arith.constant 1 : i32
        %add3A_716 = arith.addi %mul3A_462, %add3A_715 : i32
        %get3A_717 = arith.index_cast %add3A_716 : i32 to index
        %get3A_718 = arith.constant 48 : index
        %get3A_719 = tpu.vector_load %arg7[%get3A_717, %get3A_718] {strides = array<i32>} : memref<80x128xf32, #tpu.memory_space<vmem>>, vector<1x16xf32>,
        %get3A_720 = vector.shape_cast %get3A_719 : vector<1x16xf32> to vector<16xf32>
        %add3A_721 = arith.constant 1 : i32
        %add3A_722 = arith.addi %mul3A_462, %add3A_721 : i32
        %get3A_723 = arith.index_cast %add3A_722 : i32 to index
        %get3A_724 = arith.constant 48 : index
        %get3A_725 = tpu.vector_load %arg8[%get3A_723, %get3A_724] {strides = array<i32>} : memref<80x128xf32, #tpu.memory_space<vmem>>, vector<1x16xf32>,
        %get3A_726 = vector.shape_cast %get3A_725 : vector<1x16xf32> to vector<16xf32>
        %add3A_727 = arith.addf %get3A_720, %get3A_726 : vector<16xf32>
        %max3A_728 = arith.constant 0.000000e+00 : f32
        %max3A_729 = vector.broadcast %max3A_728 : f32 to vector<16xf32>
        %max3A_730 = arith.maximumf %add3A_727, %max3A_729 : vector<16xf32>
        %add3A_731 = arith.constant 1 : i32
        %add3A_732 = arith.addi %mul3A_462, %add3A_731 : i32
        %swap3A_733 = arith.index_cast %add3A_732 : i32 to index
        %swap3A_734 = arith.constant 48 : index
        %swap3A_735 = tpu.vector_load %arg7[%swap3A_733, %swap3A_734] {strides = array<i32>} : memref<80x128xf32, #tpu.memory_space<vmem>>, vector<1x16xf32>,
        %swap3A_736 = vector.shape_cast %swap3A_735 : vector<1x16xf32> to vector<16xf32>
        %swap3A_737 = vector.shape_cast %max3A_730 : vector<16xf32> to vector<1x16xf32>
        tpu.vector_store %arg7[%swap3A_733, %swap3A_734], %swap3A_737 {strides = array<i32>} : memref<80x128xf32, #tpu.memory_space<vmem>>, vector<1x16xf32>,
        %add3A_738 = arith.constant 1 : i32
        %add3A_739 = arith.addi %mul3A_462, %add3A_738 : i32
        %get3A_740 = arith.index_cast %add3A_739 : i32 to index
        %get3A_741 = arith.constant 64 : index
        %get3A_742 = tpu.vector_load %arg7[%get3A_740, %get3A_741] {strides = array<i32>} : memref<80x128xf32, #tpu.memory_space<vmem>>, vector<1x16xf32>,
        %get3A_743 = vector.shape_cast %get3A_742 : vector<1x16xf32> to vector<16xf32>
        %add3A_744 = arith.constant 1 : i32
        %add3A_745 = arith.addi %mul3A_462, %add3A_744 : i32
        %get3A_746 = arith.index_cast %add3A_745 : i32 to index
        %get3A_747 = arith.constant 64 : index
        %get3A_748 = tpu.vector_load %arg8[%get3A_746, %get3A_747] {strides = array<i32>} : memref<80x128xf32, #tpu.memory_space<vmem>>, vector<1x16xf32>,
        %get3A_749 = vector.shape_cast %get3A_748 : vector<1x16xf32> to vector<16xf32>
        %add3A_750 = arith.addf %get3A_743, %get3A_749 : vector<16xf32>
        %max3A_751 = arith.constant 0.000000e+00 : f32
        %max3A_752 = vector.broadcast %max3A_751 : f32 to vector<16xf32>
        %max3A_753 = arith.maximumf %add3A_750, %max3A_752 : vector<16xf32>
        %add3A_754 = arith.constant 1 : i32
        %add3A_755 = arith.addi %mul3A_462, %add3A_754 : i32
        %swap3A_756 = arith.index_cast %add3A_755 : i32 to index
        %swap3A_757 = arith.constant 64 : index
        %swap3A_758 = tpu.vector_load %arg7[%swap3A_756, %swap3A_757] {strides = array<i32>} : memref<80x128xf32, #tpu.memory_space<vmem>>, vector<1x16xf32>,
        %swap3A_759 = vector.shape_cast %swap3A_758 : vector<1x16xf32> to vector<16xf32>
        %swap3A_760 = vector.shape_cast %max3A_753 : vector<16xf32> to vector<1x16xf32>
        tpu.vector_store %arg7[%swap3A_756, %swap3A_757], %swap3A_760 {strides = array<i32>} : memref<80x128xf32, #tpu.memory_space<vmem>>, vector<1x16xf32>,
        %add3A_761 = arith.constant 1 : i32
        %add3A_762 = arith.addi %mul3A_462, %add3A_761 : i32
        %get3A_763 = arith.index_cast %add3A_762 : i32 to index
        %get3A_764 = arith.constant 80 : index
        %get3A_765 = tpu.vector_load %arg7[%get3A_763, %get3A_764] {strides = array<i32>} : memref<80x128xf32, #tpu.memory_space<vmem>>, vector<1x16xf32>,
        %get3A_766 = vector.shape_cast %get3A_765 : vector<1x16xf32> to vector<16xf32>
        %add3A_767 = arith.constant 1 : i32
        %add3A_768 = arith.addi %mul3A_462, %add3A_767 : i32
        %get3A_769 = arith.index_cast %add3A_768 : i32 to index
        %get3A_770 = arith.constant 80 : index
        %get3A_771 = tpu.vector_load %arg8[%get3A_769, %get3A_770] {strides = array<i32>} : memref<80x128xf32, #tpu.memory_space<vmem>>, vector<1x16xf32>,
        %get3A_772 = vector.shape_cast %get3A_771 : vector<1x16xf32> to vector<16xf32>
        %add3A_773 = arith.addf %get3A_766, %get3A_772 : vector<16xf32>
        %max3A_774 = arith.constant 0.000000e+00 : f32
        %max3A_775 = vector.broadcast %max3A_774 : f32 to vector<16xf32>
        %max3A_776 = arith.maximumf %add3A_773, %max3A_775 : vector<16xf32>
        %add3A_777 = arith.constant 1 : i32
        %add3A_778 = arith.addi %mul3A_462, %add3A_777 : i32
        %swap3A_779 = arith.index_cast %add3A_778 : i32 to index
        %swap3A_780 = arith.constant 80 : index
        %swap3A_781 = tpu.vector_load %arg7[%swap3A_779, %swap3A_780] {strides = array<i32>} : memref<80x128xf32, #tpu.memory_space<vmem>>, vector<1x16xf32>,
        %swap3A_782 = vector.shape_cast %swap3A_781 : vector<1x16xf32> to vector<16xf32>
        %swap3A_783 = vector.shape_cast %max3A_776 : vector<16xf32> to vector<1x16xf32>
        tpu.vector_store %arg7[%swap3A_779, %swap3A_780], %swap3A_783 {strides = array<i32>} : memref<80x128xf32, #tpu.memory_space<vmem>>, vector<1x16xf32>,
        %add3A_784 = arith.constant 1 : i32
        %add3A_785 = arith.addi %mul3A_462, %add3A_784 : i32
        %get3A_786 = arith.index_cast %add3A_785 : i32 to index
        %get3A_787 = arith.constant 96 : index
        %get3A_788 = tpu.vector_load %arg7[%get3A_786, %get3A_787] {strides = array<i32>} : memref<80x128xf32, #tpu.memory_space<vmem>>, vector<1x16xf32>,
        %get3A_789 = vector.shape_cast %get3A_788 : vector<1x16xf32> to vector<16xf32>
        %add3A_790 = arith.constant 1 : i32
        %add3A_791 = arith.addi %mul3A_462, %add3A_790 : i32
        %get3A_792 = arith.index_cast %add3A_791 : i32 to index
        %get3A_793 = arith.constant 96 : index
        %get3A_794 = tpu.vector_load %arg8[%get3A_792, %get3A_793] {strides = array<i32>} : memref<80x128xf32, #tpu.memory_space<vmem>>, vector<1x16xf32>,
        %get3A_795 = vector.shape_cast %get3A_794 : vector<1x16xf32> to vector<16xf32>
        %add3A_796 = arith.addf %get3A_789, %get3A_795 : vector<16xf32>
        %max3A_797 = arith.constant 0.000000e+00 : f32
        %max3A_798 = vector.broadcast %max3A_797 : f32 to vector<16xf32>
        %max3A_799 = arith.maximumf %add3A_796, %max3A_798 : vector<16xf32>
        %add3A_800 = arith.constant 1 : i32
        %add3A_801 = arith.addi %mul3A_462, %add3A_800 : i32
        %swap3A_802 = arith.index_cast %add3A_801 : i32 to index
        %swap3A_803 = arith.constant 96 : index
        %swap3A_804 = tpu.vector_load %arg7[%swap3A_802, %swap3A_803] {strides = array<i32>} : memref<80x128xf32, #tpu.memory_space<vmem>>, vector<1x16xf32>,
        %swap3A_805 = vector.shape_cast %swap3A_804 : vector<1x16xf32> to vector<16xf32>
        %swap3A_806 = vector.shape_cast %max3A_799 : vector<16xf32> to vector<1x16xf32>
        tpu.vector_store %arg7[%swap3A_802, %swap3A_803], %swap3A_806 {strides = array<i32>} : memref<80x128xf32, #tpu.memory_space<vmem>>, vector<1x16xf32>,
        %add3A_807 = arith.constant 1 : i32
        %add3A_808 = arith.addi %mul3A_462, %add3A_807 : i32
        %get3A_809 = arith.index_cast %add3A_808 : i32 to index
        %get3A_810 = arith.constant 112 : index
        %get3A_811 = tpu.vector_load %arg7[%get3A_809, %get3A_810] {strides = array<i32>} : memref<80x128xf32, #tpu.memory_space<vmem>>, vector<1x16xf32>,
        %get3A_812 = vector.shape_cast %get3A_811 : vector<1x16xf32> to vector<16xf32>
        %add3A_813 = arith.constant 1 : i32
        %add3A_814 = arith.addi %mul3A_462, %add3A_813 : i32
        %get3A_815 = arith.index_cast %add3A_814 : i32 to index
        %get3A_816 = arith.constant 112 : index
        %get3A_817 = tpu.vector_load %arg8[%get3A_815, %get3A_816] {strides = array<i32>} : memref<80x128xf32, #tpu.memory_space<vmem>>, vector<1x16xf32>,
        %get3A_818 = vector.shape_cast %get3A_817 : vector<1x16xf32> to vector<16xf32>
        %add3A_819 = arith.addf %get3A_812, %get3A_818 : vector<16xf32>
        %max3A_820 = arith.constant 0.000000e+00 : f32
        %max3A_821 = vector.broadcast %max3A_820 : f32 to vector<16xf32>
        %max3A_822 = arith.maximumf %add3A_819, %max3A_821 : vector<16xf32>
        %add3A_823 = arith.constant 1 : i32
        %add3A_824 = arith.addi %mul3A_462, %add3A_823 : i32
        %swap3A_825 = arith.index_cast %add3A_824 : i32 to index
        %swap3A_826 = arith.constant 112 : index
        %swap3A_827 = tpu.vector_load %arg7[%swap3A_825, %swap3A_826] {strides = array<i32>} : memref<80x128xf32, #tpu.memory_space<vmem>>, vector<1x16xf32>,
        %swap3A_828 = vector.shape_cast %swap3A_827 : vector<1x16xf32> to vector<16xf32>
        %swap3A_829 = vector.shape_cast %max3A_822 : vector<16xf32> to vector<1x16xf32>
        tpu.vector_store %arg7[%swap3A_825, %swap3A_826], %swap3A_829 {strides = array<i32>} : memref<80x128xf32, #tpu.memory_space<vmem>>, vector<1x16xf32>,
        %add3A_830 = arith.constant 2 : i32
        %add3A_831 = arith.addi %mul3A_462, %add3A_830 : i32
        %get3A_832 = arith.index_cast %add3A_831 : i32 to index
        %get3A_833 = arith.constant 0 : index
        %get3A_834 = tpu.vector_load %arg7[%get3A_832, %get3A_833] {strides = array<i32>} : memref<80x128xf32, #tpu.memory_space<vmem>>, vector<1x16xf32>,
        %get3A_835 = vector.shape_cast %get3A_834 : vector<1x16xf32> to vector<16xf32>
        %add3A_836 = arith.constant 2 : i32
        %add3A_837 = arith.addi %mul3A_462, %add3A_836 : i32
        %get3A_838 = arith.index_cast %add3A_837 : i32 to index
        %get3A_839 = arith.constant 0 : index
        %get3A_840 = tpu.vector_load %arg8[%get3A_838, %get3A_839] {strides = array<i32>} : memref<80x128xf32, #tpu.memory_space<vmem>>, vector<1x16xf32>,
        %get3A_841 = vector.shape_cast %get3A_840 : vector<1x16xf32> to vector<16xf32>
        %add3A_842 = arith.addf %get3A_835, %get3A_841 : vector<16xf32>
        %max3A_843 = arith.constant 0.000000e+00 : f32
        %max3A_844 = vector.broadcast %max3A_843 : f32 to vector<16xf32>
        %max3A_845 = arith.maximumf %add3A_842, %max3A_844 : vector<16xf32>
        %add3A_846 = arith.constant 2 : i32
        %add3A_847 = arith.addi %mul3A_462, %add3A_846 : i32
        %swap3A_848 = arith.index_cast %add3A_847 : i32 to index
        %swap3A_849 = arith.constant 0 : index
        %swap3A_850 = tpu.vector_load %arg7[%swap3A_848, %swap3A_849] {strides = array<i32>} : memref<80x128xf32, #tpu.memory_space<vmem>>, vector<1x16xf32>,
        %swap3A_851 = vector.shape_cast %swap3A_850 : vector<1x16xf32> to vector<16xf32>
        %swap3A_852 = vector.shape_cast %max3A_845 : vector<16xf32> to vector<1x16xf32>
        tpu.vector_store %arg7[%swap3A_848, %swap3A_849], %swap3A_852 {strides = array<i32>} : memref<80x128xf32, #tpu.memory_space<vmem>>, vector<1x16xf32>,
        %add3A_853 = arith.constant 2 : i32
        %add3A_854 = arith.addi %mul3A_462, %add3A_853 : i32
        %get3A_855 = arith.index_cast %add3A_854 : i32 to index
        %get3A_856 = arith.constant 16 : index
        %get3A_857 = tpu.vector_load %arg7[%get3A_855, %get3A_856] {strides = array<i32>} : memref<80x128xf32, #tpu.memory_space<vmem>>, vector<1x16xf32>,
        %get3A_858 = vector.shape_cast %get3A_857 : vector<1x16xf32> to vector<16xf32>
        %add3A_859 = arith.constant 2 : i32
        %add3A_860 = arith.addi %mul3A_462, %add3A_859 : i32
        %get3A_861 = arith.index_cast %add3A_860 : i32 to index
        %get3A_862 = arith.constant 16 : index
        %get3A_863 = tpu.vector_load %arg8[%get3A_861, %get3A_862] {strides = array<i32>} : memref<80x128xf32, #tpu.memory_space<vmem>>, vector<1x16xf32>,
        %get3A_864 = vector.shape_cast %get3A_863 : vector<1x16xf32> to vector<16xf32>
        %add3A_865 = arith.addf %get3A_858, %get3A_864 : vector<16xf32>
        %max3A_866 = arith.constant 0.000000e+00 : f32
        %max3A_867 = vector.broadcast %max3A_866 : f32 to vector<16xf32>
        %max3A_868 = arith.maximumf %add3A_865, %max3A_867 : vector<16xf32>
        %add3A_869 = arith.constant 2 : i32
        %add3A_870 = arith.addi %mul3A_462, %add3A_869 : i32
        %swap3A_871 = arith.index_cast %add3A_870 : i32 to index
        %swap3A_872 = arith.constant 16 : index
        %swap3A_873 = tpu.vector_load %arg7[%swap3A_871, %swap3A_872] {strides = array<i32>} : memref<80x128xf32, #tpu.memory_space<vmem>>, vector<1x16xf32>,
        %swap3A_874 = vector.shape_cast %swap3A_873 : vector<1x16xf32> to vector<16xf32>
        %swap3A_875 = vector.shape_cast %max3A_868 : vector<16xf32> to vector<1x16xf32>
        tpu.vector_store %arg7[%swap3A_871, %swap3A_872], %swap3A_875 {strides = array<i32>} : memref<80x128xf32, #tpu.memory_space<vmem>>, vector<1x16xf32>,
        %add3A_876 = arith.constant 2 : i32
        %add3A_877 = arith.addi %mul3A_462, %add3A_876 : i32
        %get3A_878 = arith.index_cast %add3A_877 : i32 to index
        %get3A_879 = arith.constant 32 : index
        %get3A_880 = tpu.vector_load %arg7[%get3A_878, %get3A_879] {strides = array<i32>} : memref<80x128xf32, #tpu.memory_space<vmem>>, vector<1x16xf32>,
        %get3A_881 = vector.shape_cast %get3A_880 : vector<1x16xf32> to vector<16xf32>
        %add3A_882 = arith.constant 2 : i32
        %add3A_883 = arith.addi %mul3A_462, %add3A_882 : i32
        %get3A_884 = arith.index_cast %add3A_883 : i32 to index
        %get3A_885 = arith.constant 32 : index
        %get3A_886 = tpu.vector_load %arg8[%get3A_884, %get3A_885] {strides = array<i32>} : memref<80x128xf32, #tpu.memory_space<vmem>>, vector<1x16xf32>,
        %get3A_887 = vector.shape_cast %get3A_886 : vector<1x16xf32> to vector<16xf32>
        %add3A_888 = arith.addf %get3A_881, %get3A_887 : vector<16xf32>
        %max3A_889 = arith.constant 0.000000e+00 : f32
        %max3A_890 = vector.broadcast %max3A_889 : f32 to vector<16xf32>
        %max3A_891 = arith.maximumf %add3A_888, %max3A_890 : vector<16xf32>
        %add3A_892 = arith.constant 2 : i32
        %add3A_893 = arith.addi %mul3A_462, %add3A_892 : i32
        %swap3A_894 = arith.index_cast %add3A_893 : i32 to index
        %swap3A_895 = arith.constant 32 : index
        %swap3A_896 = tpu.vector_load %arg7[%swap3A_894, %swap3A_895] {strides = array<i32>} : memref<80x128xf32, #tpu.memory_space<vmem>>, vector<1x16xf32>,
        %swap3A_897 = vector.shape_cast %swap3A_896 : vector<1x16xf32> to vector<16xf32>
        %swap3A_898 = vector.shape_cast %max3A_891 : vector<16xf32> to vector<1x16xf32>
        tpu.vector_store %arg7[%swap3A_894, %swap3A_895], %swap3A_898 {strides = array<i32>} : memref<80x128xf32, #tpu.memory_space<vmem>>, vector<1x16xf32>,
        %add3A_899 = arith.constant 2 : i32
        %add3A_900 = arith.addi %mul3A_462, %add3A_899 : i32
        %get3A_901 = arith.index_cast %add3A_900 : i32 to index
        %get3A_902 = arith.constant 48 : index
        %get3A_903 = tpu.vector_load %arg7[%get3A_901, %get3A_902] {strides = array<i32>} : memref<80x128xf32, #tpu.memory_space<vmem>>, vector<1x16xf32>,
        %get3A_904 = vector.shape_cast %get3A_903 : vector<1x16xf32> to vector<16xf32>
        %add3A_905 = arith.constant 2 : i32
        %add3A_906 = arith.addi %mul3A_462, %add3A_905 : i32
        %get3A_907 = arith.index_cast %add3A_906 : i32 to index
        %get3A_908 = arith.constant 48 : index
        %get3A_909 = tpu.vector_load %arg8[%get3A_907, %get3A_908] {strides = array<i32>} : memref<80x128xf32, #tpu.memory_space<vmem>>, vector<1x16xf32>,
        %get3A_910 = vector.shape_cast %get3A_909 : vector<1x16xf32> to vector<16xf32>
        %add3A_911 = arith.addf %get3A_904, %get3A_910 : vector<16xf32>
        %max3A_912 = arith.constant 0.000000e+00 : f32
        %max3A_913 = vector.broadcast %max3A_912 : f32 to vector<16xf32>
        %max3A_914 = arith.maximumf %add3A_911, %max3A_913 : vector<16xf32>
        %add3A_915 = arith.constant 2 : i32
        %add3A_916 = arith.addi %mul3A_462, %add3A_915 : i32
        %swap3A_917 = arith.index_cast %add3A_916 : i32 to index
        %swap3A_918 = arith.constant 48 : index
        %swap3A_919 = tpu.vector_load %arg7[%swap3A_917, %swap3A_918] {strides = array<i32>} : memref<80x128xf32, #tpu.memory_space<vmem>>, vector<1x16xf32>,
        %swap3A_920 = vector.shape_cast %swap3A_919 : vector<1x16xf32> to vector<16xf32>
        %swap3A_921 = vector.shape_cast %max3A_914 : vector<16xf32> to vector<1x16xf32>
        tpu.vector_store %arg7[%swap3A_917, %swap3A_918], %swap3A_921 {strides = array<i32>} : memref<80x128xf32, #tpu.memory_space<vmem>>, vector<1x16xf32>,
        %add3A_922 = arith.constant 2 : i32
        %add3A_923 = arith.addi %mul3A_462, %add3A_922 : i32
        %get3A_924 = arith.index_cast %add3A_923 : i32 to index
        %get3A_925 = arith.constant 64 : index
        %get3A_926 = tpu.vector_load %arg7[%get3A_924, %get3A_925] {strides = array<i32>} : memref<80x128xf32, #tpu.memory_space<vmem>>, vector<1x16xf32>,
        %get3A_927 = vector.shape_cast %get3A_926 : vector<1x16xf32> to vector<16xf32>
        %add3A_928 = arith.constant 2 : i32
        %add3A_929 = arith.addi %mul3A_462, %add3A_928 : i32
        %get3A_930 = arith.index_cast %add3A_929 : i32 to index
        %get3A_931 = arith.constant 64 : index
        %get3A_932 = tpu.vector_load %arg8[%get3A_930, %get3A_931] {strides = array<i32>} : memref<80x128xf32, #tpu.memory_space<vmem>>, vector<1x16xf32>,
        %get3A_933 = vector.shape_cast %get3A_932 : vector<1x16xf32> to vector<16xf32>
        %add3A_934 = arith.addf %get3A_927, %get3A_933 : vector<16xf32>
        %max3A_935 = arith.constant 0.000000e+00 : f32
        %max3A_936 = vector.broadcast %max3A_935 : f32 to vector<16xf32>
        %max3A_937 = arith.maximumf %add3A_934, %max3A_936 : vector<16xf32>
        %add3A_938 = arith.constant 2 : i32
        %add3A_939 = arith.addi %mul3A_462, %add3A_938 : i32
        %swap3A_940 = arith.index_cast %add3A_939 : i32 to index
        %swap3A_941 = arith.constant 64 : index
        %swap3A_942 = tpu.vector_load %arg7[%swap3A_940, %swap3A_941] {strides = array<i32>} : memref<80x128xf32, #tpu.memory_space<vmem>>, vector<1x16xf32>,
        %swap3A_943 = vector.shape_cast %swap3A_942 : vector<1x16xf32> to vector<16xf32>
        %swap3A_944 = vector.shape_cast %max3A_937 : vector<16xf32> to vector<1x16xf32>
        tpu.vector_store %arg7[%swap3A_940, %swap3A_941], %swap3A_944 {strides = array<i32>} : memref<80x128xf32, #tpu.memory_space<vmem>>, vector<1x16xf32>,
        %add3A_945 = arith.constant 2 : i32
        %add3A_946 = arith.addi %mul3A_462, %add3A_945 : i32
        %get3A_947 = arith.index_cast %add3A_946 : i32 to index
        %get3A_948 = arith.constant 80 : index
        %get3A_949 = tpu.vector_load %arg7[%get3A_947, %get3A_948] {strides = array<i32>} : memref<80x128xf32, #tpu.memory_space<vmem>>, vector<1x16xf32>,
        %get3A_950 = vector.shape_cast %get3A_949 : vector<1x16xf32> to vector<16xf32>
        %add3A_951 = arith.constant 2 : i32
        %add3A_952 = arith.addi %mul3A_462, %add3A_951 : i32
        %get3A_953 = arith.index_cast %add3A_952 : i32 to index
        %get3A_954 = arith.constant 80 : index
        %get3A_955 = tpu.vector_load %arg8[%get3A_953, %get3A_954] {strides = array<i32>} : memref<80x128xf32, #tpu.memory_space<vmem>>, vector<1x16xf32>,
        %get3A_956 = vector.shape_cast %get3A_955 : vector<1x16xf32> to vector<16xf32>
        %add3A_957 = arith.addf %get3A_950, %get3A_956 : vector<16xf32>
        %max3A_958 = arith.constant 0.000000e+00 : f32
        %max3A_959 = vector.broadcast %max3A_958 : f32 to vector<16xf32>
        %max3A_960 = arith.maximumf %add3A_957, %max3A_959 : vector<16xf32>
        %add3A_961 = arith.constant 2 : i32
        %add3A_962 = arith.addi %mul3A_462, %add3A_961 : i32
        %swap3A_963 = arith.index_cast %add3A_962 : i32 to index
        %swap3A_964 = arith.constant 80 : index
        %swap3A_965 = tpu.vector_load %arg7[%swap3A_963, %swap3A_964] {strides = array<i32>} : memref<80x128xf32, #tpu.memory_space<vmem>>, vector<1x16xf32>,
        %swap3A_966 = vector.shape_cast %swap3A_965 : vector<1x16xf32> to vector<16xf32>
        %swap3A_967 = vector.shape_cast %max3A_960 : vector<16xf32> to vector<1x16xf32>
        tpu.vector_store %arg7[%swap3A_963, %swap3A_964], %swap3A_967 {strides = array<i32>} : memref<80x128xf32, #tpu.memory_space<vmem>>, vector<1x16xf32>,
        %add3A_968 = arith.constant 2 : i32
        %add3A_969 = arith.addi %mul3A_462, %add3A_968 : i32
        %get3A_970 = arith.index_cast %add3A_969 : i32 to index
        %get3A_971 = arith.constant 96 : index
        %get3A_972 = tpu.vector_load %arg7[%get3A_970, %get3A_971] {strides = array<i32>} : memref<80x128xf32, #tpu.memory_space<vmem>>, vector<1x16xf32>,
        %get3A_973 = vector.shape_cast %get3A_972 : vector<1x16xf32> to vector<16xf32>
        %add3A_974 = arith.constant 2 : i32
        %add3A_975 = arith.addi %mul3A_462, %add3A_974 : i32
        %get3A_976 = arith.index_cast %add3A_975 : i32 to index
        %get3A_977 = arith.constant 96 : index
        %get3A_978 = tpu.vector_load %arg8[%get3A_976, %get3A_977] {strides = array<i32>} : memref<80x128xf32, #tpu.memory_space<vmem>>, vector<1x16xf32>,
        %get3A_979 = vector.shape_cast %get3A_978 : vector<1x16xf32> to vector<16xf32>
        %add3A_980 = arith.addf %get3A_973, %get3A_979 : vector<16xf32>
        %max3A_981 = arith.constant 0.000000e+00 : f32
        %max3A_982 = vector.broadcast %max3A_981 : f32 to vector<16xf32>
        %max3A_983 = arith.maximumf %add3A_980, %max3A_982 : vector<16xf32>
        %add3A_984 = arith.constant 2 : i32
        %add3A_985 = arith.addi %mul3A_462, %add3A_984 : i32
        %swap3A_986 = arith.index_cast %add3A_985 : i32 to index
        %swap3A_987 = arith.constant 96 : index
        %swap3A_988 = tpu.vector_load %arg7[%swap3A_986, %swap3A_987] {strides = array<i32>} : memref<80x128xf32, #tpu.memory_space<vmem>>, vector<1x16xf32>,
        %swap3A_989 = vector.shape_cast %swap3A_988 : vector<1x16xf32> to vector<16xf32>
        %swap3A_990 = vector.shape_cast %max3A_983 : vector<16xf32> to vector<1x16xf32>
        tpu.vector_store %arg7[%swap3A_986, %swap3A_987], %swap3A_990 {strides = array<i32>} : memref<80x128xf32, #tpu.memory_space<vmem>>, vector<1x16xf32>,
        %add3A_991 = arith.constant 2 : i32
        %add3A_992 = arith.addi %mul3A_462, %add3A_991 : i32
        %get3A_993 = arith.index_cast %add3A_992 : i32 to index
        %get3A_994 = arith.constant 112 : index
        %get3A_995 = tpu.vector_load %arg7[%get3A_993, %get3A_994] {strides = array<i32>} : memref<80x128xf32, #tpu.memory_space<vmem>>, vector<1x16xf32>,
        %get3A_996 = vector.shape_cast %get3A_995 : vector<1x16xf32> to vector<16xf32>
        %add3A_997 = arith.constant 2 : i32
        %add3A_998 = arith.addi %mul3A_462, %add3A_997 : i32
        %get3A_999 = arith.index_cast %add3A_998 : i32 to index
        %get3A_1000 = arith.constant 112 : index
        %get3A_1001 = tpu.vector_load %arg8[%get3A_999, %get3A_1000] {strides = array<i32>} : memref<80x128xf32, #tpu.memory_space<vmem>>, vector<1x16xf32>,
        %get3A_1002 = vector.shape_cast %get3A_1001 : vector<1x16xf32> to vector<16xf32>
        %add3A_1003 = arith.addf %get3A_996, %get3A_1002 : vector<16xf32>
        %max3A_1004 = arith.constant 0.000000e+00 : f32
        %max3A_1005 = vector.broadcast %max3A_1004 : f32 to vector<16xf32>
        %max3A_1006 = arith.maximumf %add3A_1003, %max3A_1005 : vector<16xf32>
        %add3A_1007 = arith.constant 2 : i32
        %add3A_1008 = arith.addi %mul3A_462, %add3A_1007 : i32
        %swap3A_1009 = arith.index_cast %add3A_1008 : i32 to index
        %swap3A_1010 = arith.constant 112 : index
        %swap3A_1011 = tpu.vector_load %arg7[%swap3A_1009, %swap3A_1010] {strides = array<i32>} : memref<80x128xf32, #tpu.memory_space<vmem>>, vector<1x16xf32>,
        %swap3A_1012 = vector.shape_cast %swap3A_1011 : vector<1x16xf32> to vector<16xf32>
        %swap3A_1013 = vector.shape_cast %max3A_1006 : vector<16xf32> to vector<1x16xf32>
        tpu.vector_store %arg7[%swap3A_1009, %swap3A_1010], %swap3A_1013 {strides = array<i32>} : memref<80x128xf32, #tpu.memory_space<vmem>>, vector<1x16xf32>,
        %add3A_1014 = arith.constant 3 : i32
        %add3A_1015 = arith.addi %mul3A_462, %add3A_1014 : i32
        %get3A_1016 = arith.index_cast %add3A_1015 : i32 to index
        %get3A_1017 = arith.constant 0 : index
        %get3A_1018 = tpu.vector_load %arg7[%get3A_1016, %get3A_1017] {strides = array<i32>} : memref<80x128xf32, #tpu.memory_space<vmem>>, vector<1x16xf32>,
        %get3A_1019 = vector.shape_cast %get3A_1018 : vector<1x16xf32> to vector<16xf32>
        %add3A_1020 = arith.constant 3 : i32
        %add3A_1021 = arith.addi %mul3A_462, %add3A_1020 : i32
        %get3A_1022 = arith.index_cast %add3A_1021 : i32 to index
        %get3A_1023 = arith.constant 0 : index
        %get3A_1024 = tpu.vector_load %arg8[%get3A_1022, %get3A_1023] {strides = array<i32>} : memref<80x128xf32, #tpu.memory_space<vmem>>, vector<1x16xf32>,
        %get3A_1025 = vector.shape_cast %get3A_1024 : vector<1x16xf32> to vector<16xf32>
        %add3A_1026 = arith.addf %get3A_1019, %get3A_1025 : vector<16xf32>
        %max3A_1027 = arith.constant 0.000000e+00 : f32
        %max3A_1028 = vector.broadcast %max3A_1027 : f32 to vector<16xf32>
        %max3A_1029 = arith.maximumf %add3A_1026, %max3A_1028 : vector<16xf32>
        %add3A_1030 = arith.constant 3 : i32
        %add3A_1031 = arith.addi %mul3A_462, %add3A_1030 : i32
        %swap3A_1032 = arith.index_cast %add3A_1031 : i32 to index
        %swap3A_1033 = arith.constant 0 : index
        %swap3A_1034 = tpu.vector_load %arg7[%swap3A_1032, %swap3A_1033] {strides = array<i32>} : memref<80x128xf32, #tpu.memory_space<vmem>>, vector<1x16xf32>,
        %swap3A_1035 = vector.shape_cast %swap3A_1034 : vector<1x16xf32> to vector<16xf32>
        %swap3A_1036 = vector.shape_cast %max3A_1029 : vector<16xf32> to vector<1x16xf32>
        tpu.vector_store %arg7[%swap3A_1032, %swap3A_1033], %swap3A_1036 {strides = array<i32>} : memref<80x128xf32, #tpu.memory_space<vmem>>, vector<1x16xf32>,
        %add3A_1037 = arith.constant 3 : i32
        %add3A_1038 = arith.addi %mul3A_462, %add3A_1037 : i32
        %get3A_1039 = arith.index_cast %add3A_1038 : i32 to index
        %get3A_1040 = arith.constant 16 : index
        %get3A_1041 = tpu.vector_load %arg7[%get3A_1039, %get3A_1040] {strides = array<i32>} : memref<80x128xf32, #tpu.memory_space<vmem>>, vector<1x16xf32>,
        %get3A_1042 = vector.shape_cast %get3A_1041 : vector<1x16xf32> to vector<16xf32>
        %add3A_1043 = arith.constant 3 : i32
        %add3A_1044 = arith.addi %mul3A_462, %add3A_1043 : i32
        %get3A_1045 = arith.index_cast %add3A_1044 : i32 to index
        %get3A_1046 = arith.constant 16 : index
        %get3A_1047 = tpu.vector_load %arg8[%get3A_1045, %get3A_1046] {strides = array<i32>} : memref<80x128xf32, #tpu.memory_space<vmem>>, vector<1x16xf32>,
        %get3A_1048 = vector.shape_cast %get3A_1047 : vector<1x16xf32> to vector<16xf32>
        %add3A_1049 = arith.addf %get3A_1042, %get3A_1048 : vector<16xf32>
        %max3A_1050 = arith.constant 0.000000e+00 : f32
        %max3A_1051 = vector.broadcast %max3A_1050 : f32 to vector<16xf32>
        %max3A_1052 = arith.maximumf %add3A_1049, %max3A_1051 : vector<16xf32>
        %add3A_1053 = arith.constant 3 : i32
        %add3A_1054 = arith.addi %mul3A_462, %add3A_1053 : i32
        %swap3A_1055 = arith.index_cast %add3A_1054 : i32 to index
        %swap3A_1056 = arith.constant 16 : index
        %swap3A_1057 = tpu.vector_load %arg7[%swap3A_1055, %swap3A_1056] {strides = array<i32>} : memref<80x128xf32, #tpu.memory_space<vmem>>, vector<1x16xf32>,
        %swap3A_1058 = vector.shape_cast %swap3A_1057 : vector<1x16xf32> to vector<16xf32>
        %swap3A_1059 = vector.shape_cast %max3A_1052 : vector<16xf32> to vector<1x16xf32>
        tpu.vector_store %arg7[%swap3A_1055, %swap3A_1056], %swap3A_1059 {strides = array<i32>} : memref<80x128xf32, #tpu.memory_space<vmem>>, vector<1x16xf32>,
        %add3A_1060 = arith.constant 3 : i32
        %add3A_1061 = arith.addi %mul3A_462, %add3A_1060 : i32
        %get3A_1062 = arith.index_cast %add3A_1061 : i32 to index
        %get3A_1063 = arith.constant 32 : index
        %get3A_1064 = tpu.vector_load %arg7[%get3A_1062, %get3A_1063] {strides = array<i32>} : memref<80x128xf32, #tpu.memory_space<vmem>>, vector<1x16xf32>,
        %get3A_1065 = vector.shape_cast %get3A_1064 : vector<1x16xf32> to vector<16xf32>
        %add3A_1066 = arith.constant 3 : i32
        %add3A_1067 = arith.addi %mul3A_462, %add3A_1066 : i32
        %get3A_1068 = arith.index_cast %add3A_1067 : i32 to index
        %get3A_1069 = arith.constant 32 : index
        %get3A_1070 = tpu.vector_load %arg8[%get3A_1068, %get3A_1069] {strides = array<i32>} : memref<80x128xf32, #tpu.memory_space<vmem>>, vector<1x16xf32>,
        %get3A_1071 = vector.shape_cast %get3A_1070 : vector<1x16xf32> to vector<16xf32>
        %add3A_1072 = arith.addf %get3A_1065, %get3A_1071 : vector<16xf32>
        %max3A_1073 = arith.constant 0.000000e+00 : f32
        %max3A_1074 = vector.broadcast %max3A_1073 : f32 to vector<16xf32>
        %max3A_1075 = arith.maximumf %add3A_1072, %max3A_1074 : vector<16xf32>
        %add3A_1076 = arith.constant 3 : i32
        %add3A_1077 = arith.addi %mul3A_462, %add3A_1076 : i32
        %swap3A_1078 = arith.index_cast %add3A_1077 : i32 to index
        %swap3A_1079 = arith.constant 32 : index
        %swap3A_1080 = tpu.vector_load %arg7[%swap3A_1078, %swap3A_1079] {strides = array<i32>} : memref<80x128xf32, #tpu.memory_space<vmem>>, vector<1x16xf32>,
        %swap3A_1081 = vector.shape_cast %swap3A_1080 : vector<1x16xf32> to vector<16xf32>
        %swap3A_1082 = vector.shape_cast %max3A_1075 : vector<16xf32> to vector<1x16xf32>
        tpu.vector_store %arg7[%swap3A_1078, %swap3A_1079], %swap3A_1082 {strides = array<i32>} : memref<80x128xf32, #tpu.memory_space<vmem>>, vector<1x16xf32>,
        %add3A_1083 = arith.constant 3 : i32
        %add3A_1084 = arith.addi %mul3A_462, %add3A_1083 : i32
        %get3A_1085 = arith.index_cast %add3A_1084 : i32 to index
        %get3A_1086 = arith.constant 48 : index
        %get3A_1087 = tpu.vector_load %arg7[%get3A_1085, %get3A_1086] {strides = array<i32>} : memref<80x128xf32, #tpu.memory_space<vmem>>, vector<1x16xf32>,
        %get3A_1088 = vector.shape_cast %get3A_1087 : vector<1x16xf32> to vector<16xf32>
        %add3A_1089 = arith.constant 3 : i32
        %add3A_1090 = arith.addi %mul3A_462, %add3A_1089 : i32
        %get3A_1091 = arith.index_cast %add3A_1090 : i32 to index
        %get3A_1092 = arith.constant 48 : index
        %get3A_1093 = tpu.vector_load %arg8[%get3A_1091, %get3A_1092] {strides = array<i32>} : memref<80x128xf32, #tpu.memory_space<vmem>>, vector<1x16xf32>,
        %get3A_1094 = vector.shape_cast %get3A_1093 : vector<1x16xf32> to vector<16xf32>
        %add3A_1095 = arith.addf %get3A_1088, %get3A_1094 : vector<16xf32>
        %max3A_1096 = arith.constant 0.000000e+00 : f32
        %max3A_1097 = vector.broadcast %max3A_1096 : f32 to vector<16xf32>
        %max3A_1098 = arith.maximumf %add3A_1095, %max3A_1097 : vector<16xf32>
        %add3A_1099 = arith.constant 3 : i32
        %add3A_1100 = arith.addi %mul3A_462, %add3A_1099 : i32
        %swap3A_1101 = arith.index_cast %add3A_1100 : i32 to index
        %swap3A_1102 = arith.constant 48 : index
        %swap3A_1103 = tpu.vector_load %arg7[%swap3A_1101, %swap3A_1102] {strides = array<i32>} : memref<80x128xf32, #tpu.memory_space<vmem>>, vector<1x16xf32>,
        %swap3A_1104 = vector.shape_cast %swap3A_1103 : vector<1x16xf32> to vector<16xf32>
        %swap3A_1105 = vector.shape_cast %max3A_1098 : vector<16xf32> to vector<1x16xf32>
        tpu.vector_store %arg7[%swap3A_1101, %swap3A_1102], %swap3A_1105 {strides = array<i32>} : memref<80x128xf32, #tpu.memory_space<vmem>>, vector<1x16xf32>,
        %add3A_1106 = arith.constant 3 : i32
        %add3A_1107 = arith.addi %mul3A_462, %add3A_1106 : i32
        %get3A_1108 = arith.index_cast %add3A_1107 : i32 to index
        %get3A_1109 = arith.constant 64 : index
        %get3A_1110 = tpu.vector_load %arg7[%get3A_1108, %get3A_1109] {strides = array<i32>} : memref<80x128xf32, #tpu.memory_space<vmem>>, vector<1x16xf32>,
        %get3A_1111 = vector.shape_cast %get3A_1110 : vector<1x16xf32> to vector<16xf32>
        %add3A_1112 = arith.constant 3 : i32
        %add3A_1113 = arith.addi %mul3A_462, %add3A_1112 : i32
        %get3A_1114 = arith.index_cast %add3A_1113 : i32 to index
        %get3A_1115 = arith.constant 64 : index
        %get3A_1116 = tpu.vector_load %arg8[%get3A_1114, %get3A_1115] {strides = array<i32>} : memref<80x128xf32, #tpu.memory_space<vmem>>, vector<1x16xf32>,
        %get3A_1117 = vector.shape_cast %get3A_1116 : vector<1x16xf32> to vector<16xf32>
        %add3A_1118 = arith.addf %get3A_1111, %get3A_1117 : vector<16xf32>
        %max3A_1119 = arith.constant 0.000000e+00 : f32
        %max3A_1120 = vector.broadcast %max3A_1119 : f32 to vector<16xf32>
        %max3A_1121 = arith.maximumf %add3A_1118, %max3A_1120 : vector<16xf32>
        %add3A_1122 = arith.constant 3 : i32
        %add3A_1123 = arith.addi %mul3A_462, %add3A_1122 : i32
        %swap3A_1124 = arith.index_cast %add3A_1123 : i32 to index
        %swap3A_1125 = arith.constant 64 : index
        %swap3A_1126 = tpu.vector_load %arg7[%swap3A_1124, %swap3A_1125] {strides = array<i32>} : memref<80x128xf32, #tpu.memory_space<vmem>>, vector<1x16xf32>,
        %swap3A_1127 = vector.shape_cast %swap3A_1126 : vector<1x16xf32> to vector<16xf32>
        %swap3A_1128 = vector.shape_cast %max3A_1121 : vector<16xf32> to vector<1x16xf32>
        tpu.vector_store %arg7[%swap3A_1124, %swap3A_1125], %swap3A_1128 {strides = array<i32>} : memref<80x128xf32, #tpu.memory_space<vmem>>, vector<1x16xf32>,
        %add3A_1129 = arith.constant 3 : i32
        %add3A_1130 = arith.addi %mul3A_462, %add3A_1129 : i32
        %get3A_1131 = arith.index_cast %add3A_1130 : i32 to index
        %get3A_1132 = arith.constant 80 : index
        %get3A_1133 = tpu.vector_load %arg7[%get3A_1131, %get3A_1132] {strides = array<i32>} : memref<80x128xf32, #tpu.memory_space<vmem>>, vector<1x16xf32>,
        %get3A_1134 = vector.shape_cast %get3A_1133 : vector<1x16xf32> to vector<16xf32>
        %add3A_1135 = arith.constant 3 : i32
        %add3A_1136 = arith.addi %mul3A_462, %add3A_1135 : i32
        %get3A_1137 = arith.index_cast %add3A_1136 : i32 to index
        %get3A_1138 = arith.constant 80 : index
        %get3A_1139 = tpu.vector_load %arg8[%get3A_1137, %get3A_1138] {strides = array<i32>} : memref<80x128xf32, #tpu.memory_space<vmem>>, vector<1x16xf32>,
        %get3A_1140 = vector.shape_cast %get3A_1139 : vector<1x16xf32> to vector<16xf32>
        %add3A_1141 = arith.addf %get3A_1134, %get3A_1140 : vector<16xf32>
        %max3A_1142 = arith.constant 0.000000e+00 : f32
        %max3A_1143 = vector.broadcast %max3A_1142 : f32 to vector<16xf32>
        %max3A_1144 = arith.maximumf %add3A_1141, %max3A_1143 : vector<16xf32>
        %add3A_1145 = arith.constant 3 : i32
        %add3A_1146 = arith.addi %mul3A_462, %add3A_1145 : i32
        %swap3A_1147 = arith.index_cast %add3A_1146 : i32 to index
        %swap3A_1148 = arith.constant 80 : index
        %swap3A_1149 = tpu.vector_load %arg7[%swap3A_1147, %swap3A_1148] {strides = array<i32>} : memref<80x128xf32, #tpu.memory_space<vmem>>, vector<1x16xf32>,
        %swap3A_1150 = vector.shape_cast %swap3A_1149 : vector<1x16xf32> to vector<16xf32>
        %swap3A_1151 = vector.shape_cast %max3A_1144 : vector<16xf32> to vector<1x16xf32>
        tpu.vector_store %arg7[%swap3A_1147, %swap3A_1148], %swap3A_1151 {strides = array<i32>} : memref<80x128xf32, #tpu.memory_space<vmem>>, vector<1x16xf32>,
        %add3A_1152 = arith.constant 3 : i32
        %add3A_1153 = arith.addi %mul3A_462, %add3A_1152 : i32
        %get3A_1154 = arith.index_cast %add3A_1153 : i32 to index
        %get3A_1155 = arith.constant 96 : index
        %get3A_1156 = tpu.vector_load %arg7[%get3A_1154, %get3A_1155] {strides = array<i32>} : memref<80x128xf32, #tpu.memory_space<vmem>>, vector<1x16xf32>,
        %get3A_1157 = vector.shape_cast %get3A_1156 : vector<1x16xf32> to vector<16xf32>
        %add3A_1158 = arith.constant 3 : i32
        %add3A_1159 = arith.addi %mul3A_462, %add3A_1158 : i32
        %get3A_1160 = arith.index_cast %add3A_1159 : i32 to index
        %get3A_1161 = arith.constant 96 : index
        %get3A_1162 = tpu.vector_load %arg8[%get3A_1160, %get3A_1161] {strides = array<i32>} : memref<80x128xf32, #tpu.memory_space<vmem>>, vector<1x16xf32>,
        %get3A_1163 = vector.shape_cast %get3A_1162 : vector<1x16xf32> to vector<16xf32>
        %add3A_1164 = arith.addf %get3A_1157, %get3A_1163 : vector<16xf32>
        %max3A_1165 = arith.constant 0.000000e+00 : f32
        %max3A_1166 = vector.broadcast %max3A_1165 : f32 to vector<16xf32>
        %max3A_1167 = arith.maximumf %add3A_1164, %max3A_1166 : vector<16xf32>
        %add3A_1168 = arith.constant 3 : i32
        %add3A_1169 = arith.addi %mul3A_462, %add3A_1168 : i32
        %swap3A_1170 = arith.index_cast %add3A_1169 : i32 to index
        %swap3A_1171 = arith.constant 96 : index
        %swap3A_1172 = tpu.vector_load %arg7[%swap3A_1170, %swap3A_1171] {strides = array<i32>} : memref<80x128xf32, #tpu.memory_space<vmem>>, vector<1x16xf32>,
        %swap3A_1173 = vector.shape_cast %swap3A_1172 : vector<1x16xf32> to vector<16xf32>
        %swap3A_1174 = vector.shape_cast %max3A_1167 : vector<16xf32> to vector<1x16xf32>
        tpu.vector_store %arg7[%swap3A_1170, %swap3A_1171], %swap3A_1174 {strides = array<i32>} : memref<80x128xf32, #tpu.memory_space<vmem>>, vector<1x16xf32>,
        %add3A_1175 = arith.constant 3 : i32
        %add3A_1176 = arith.addi %mul3A_462, %add3A_1175 : i32
        %get3A_1177 = arith.index_cast %add3A_1176 : i32 to index
        %get3A_1178 = arith.constant 112 : index
        %get3A_1179 = tpu.vector_load %arg7[%get3A_1177, %get3A_1178] {strides = array<i32>} : memref<80x128xf32, #tpu.memory_space<vmem>>, vector<1x16xf32>,
        %get3A_1180 = vector.shape_cast %get3A_1179 : vector<1x16xf32> to vector<16xf32>
        %add3A_1181 = arith.constant 3 : i32
        %add3A_1182 = arith.addi %mul3A_462, %add3A_1181 : i32
        %get3A_1183 = arith.index_cast %add3A_1182 : i32 to index
        %get3A_1184 = arith.constant 112 : index
        %get3A_1185 = tpu.vector_load %arg8[%get3A_1183, %get3A_1184] {strides = array<i32>} : memref<80x128xf32, #tpu.memory_space<vmem>>, vector<1x16xf32>,
        %get3A_1186 = vector.shape_cast %get3A_1185 : vector<1x16xf32> to vector<16xf32>
        %add3A_1187 = arith.addf %get3A_1180, %get3A_1186 : vector<16xf32>
        %max3A_1188 = arith.constant 0.000000e+00 : f32
        %max3A_1189 = vector.broadcast %max3A_1188 : f32 to vector<16xf32>
        %max3A_1190 = arith.maximumf %add3A_1187, %max3A_1189 : vector<16xf32>
        %add3A_1191 = arith.constant 3 : i32
        %add3A_1192 = arith.addi %mul3A_462, %add3A_1191 : i32
        %swap3A_1193 = arith.index_cast %add3A_1192 : i32 to index
        %swap3A_1194 = arith.constant 112 : index
        %swap3A_1195 = tpu.vector_load %arg7[%swap3A_1193, %swap3A_1194] {strides = array<i32>} : memref<80x128xf32, #tpu.memory_space<vmem>>, vector<1x16xf32>,
        %swap3A_1196 = vector.shape_cast %swap3A_1195 : vector<1x16xf32> to vector<16xf32>
        %swap3A_1197 = vector.shape_cast %max3A_1190 : vector<16xf32> to vector<1x16xf32>
        tpu.vector_store %arg7[%swap3A_1193, %swap3A_1194], %swap3A_1197 {strides = array<i32>} : memref<80x128xf32, #tpu.memory_space<vmem>>, vector<1x16xf32>,
      }
      %scan3A_334 = arith.constant 20 : i32
      %run_scoped3A_335 = arith.constant 4 : i32
      "tpu.region"() ({
        %run_scoped3A_460 = tpu.sem_alloc : memref<!tpu.dma_semaphore, #tpu.memory_space<semaphore_mem>>
        %dma_start3A_461 = arith.constant 0 : i32
        %dma_start3A_462 = tpu.memref_slice %arg6[%run_scoped3A_335, %dma_start3A_461] : memref<6x80xi32, #tpu.memory_space<vmem>> -> memref<1x80xi32, #tpu.memory_space<vmem>>
        %dma_start3A_463 = tpu.memref_squeeze %dma_start3A_462 : memref<1x80xi32, #tpu.memory_space<vmem>> -> memref<80xi32, #tpu.memory_space<vmem>>
        %dma_start3A_464 = arith.constant 0 : i32
        %dma_start3A_465 = arith.constant 0 : i32
        %dma_start3A_466 = tpu.memref_slice %arg11[%dma_start3A_464, %dma_start3A_465] : memref<10000x128xf32, #tpu.memory_space<vmem_shared>> -> memref<10000x128xf32, #tpu.memory_space<vmem_shared>>
        tpu.enqueue_indirect_dma source(%arg7 : memref<80x128xf32, #tpu.memory_space<vmem>>) target(%dma_start3A_466 : memref<10000x128xf32, #tpu.memory_space<vmem_shared>>) offsets(%dma_start3A_463 : memref<80xi32, #tpu.memory_space<vmem>>) semaphore(%run_scoped3A_460 : memref<!tpu.dma_semaphore, #tpu.memory_space<semaphore_mem>>) {add = true}
        %dma_wait3A_467 = arith.constant 0 : i32
        %dma_wait3A_468 = tpu.memref_slice %arg6[%run_scoped3A_335, %dma_wait3A_467] : memref<6x80xi32, #tpu.memory_space<vmem>> -> memref<1x80xi32, #tpu.memory_space<vmem>>
        %dma_wait3A_469 = tpu.memref_squeeze %dma_wait3A_468 : memref<1x80xi32, #tpu.memory_space<vmem>> -> memref<80xi32, #tpu.memory_space<vmem>>
        %dma_wait3A_470 = arith.constant 0 : i32
        %dma_wait3A_471 = arith.constant 0 : i32
        %dma_wait3A_472 = tpu.memref_slice %arg11[%dma_wait3A_470, %dma_wait3A_471] : memref<10000x128xf32, #tpu.memory_space<vmem_shared>> -> memref<10000x128xf32, #tpu.memory_space<vmem_shared>>
        tpu.wait_indirect_dma semaphore(%run_scoped3A_460 : memref<!tpu.dma_semaphore, #tpu.memory_space<semaphore_mem>>) src(%arg7 : memref<80x128xf32, #tpu.memory_space<vmem>>) dst(%dma_wait3A_472 : memref<10000x128xf32, #tpu.memory_space<vmem_shared>>)
        tpu.yield
      }) : () -> ()
      %add3A_336 = arith.constant 2 : i32
      %add3A_337 = arith.addi %mul3A_191, %add3A_336 : i32
      %mul3A_338 = arith.constant 10000 : i32
      %mul3A_339 = arith.muli %add3A, %mul3A_338 : i32
      %mul3A_340 = arith.constant 80 : i32
      %mul3A_341 = arith.muli %add3A_337, %mul3A_340 : i32
      %add3A_342 = arith.addi %mul3A_339, %mul3A_341 : i32
      %dma_wait3A_343 = arith.constant 0 : i32
      %dma_wait3A_344 = arith.constant 0 : i32
      %dma_wait3A_345 = tpu.memref_slice %arg6[%dma_wait3A_343, %dma_wait3A_344] : memref<6x80xi32, #tpu.memory_space<vmem>> -> memref<1x80xi32, #tpu.memory_space<vmem>>
      %dma_wait3A_346 = tpu.memref_squeeze %dma_wait3A_345 : memref<1x80xi32, #tpu.memory_space<vmem>> -> memref<80xi32, #tpu.memory_space<vmem>>
      %dma_wait3A_347 = tpu.memref_slice %arg4[%add3A_342] : memref<640000xi32, #tpu.memory_space<hbm>> -> memref<80xi32, #tpu.memory_space<hbm>>
      %dma_wait3A_348 = arith.constant 0 : i32
      %dma_wait3A_349 = tpu.memref_slice %arg6[%dma_wait3A_343, %dma_wait3A_348] : memref<6x80xi32, #tpu.memory_space<vmem>> -> memref<1x80xi32, #tpu.memory_space<vmem>>
      %dma_wait3A_350 = tpu.memref_squeeze %dma_wait3A_349 : memref<1x80xi32, #tpu.memory_space<vmem>> -> memref<80xi32, #tpu.memory_space<vmem>>
      %dma_wait3A_351 = tpu.memref_slice %arg4[%add3A_342] : memref<640000xi32, #tpu.memory_space<hbm>> -> memref<80xi32, #tpu.memory_space<hbm>>
      tpu.wait_dma2 semaphore(%arg16 : memref<!tpu.dma_semaphore, #tpu.memory_space<semaphore_mem>>) src(%dma_wait3A_351 : memref<80xi32, #tpu.memory_space<hbm>>) dst(%dma_wait3A_350 : memref<80xi32, #tpu.memory_space<vmem>>)
      %add3A_352 = arith.constant 320000 : i32
      %add3A_353 = arith.addi %add3A_352, %add3A_342 : i32
      %dma_wait3A_354 = arith.constant 2 : i32
      %dma_wait3A_355 = arith.constant 0 : i32
      %dma_wait3A_356 = tpu.memref_slice %arg6[%dma_wait3A_354, %dma_wait3A_355] : memref<6x80xi32, #tpu.memory_space<vmem>> -> memref<1x80xi32, #tpu.memory_space<vmem>>
      %dma_wait3A_357 = tpu.memref_squeeze %dma_wait3A_356 : memref<1x80xi32, #tpu.memory_space<vmem>> -> memref<80xi32, #tpu.memory_space<vmem>>
      %dma_wait3A_358 = tpu.memref_slice %arg4[%add3A_353] : memref<640000xi32, #tpu.memory_space<hbm>> -> memref<80xi32, #tpu.memory_space<hbm>>
      %dma_wait3A_359 = arith.constant 0 : i32
      %dma_wait3A_360 = tpu.memref_slice %arg6[%dma_wait3A_354, %dma_wait3A_359] : memref<6x80xi32, #tpu.memory_space<vmem>> -> memref<1x80xi32, #tpu.memory_space<vmem>>
      %dma_wait3A_361 = tpu.memref_squeeze %dma_wait3A_360 : memref<1x80xi32, #tpu.memory_space<vmem>> -> memref<80xi32, #tpu.memory_space<vmem>>
      %dma_wait3A_362 = tpu.memref_slice %arg4[%add3A_353] : memref<640000xi32, #tpu.memory_space<hbm>> -> memref<80xi32, #tpu.memory_space<hbm>>
      tpu.wait_dma2 semaphore(%arg16 : memref<!tpu.dma_semaphore, #tpu.memory_space<semaphore_mem>>) src(%dma_wait3A_362 : memref<80xi32, #tpu.memory_space<hbm>>) dst(%dma_wait3A_361 : memref<80xi32, #tpu.memory_space<vmem>>)
      %dma_start3A_363 = arith.constant 0 : i32
      %dma_start3A_364 = arith.constant 0 : i32
      %dma_start3A_365 = tpu.memref_slice %arg6[%dma_start3A_363, %dma_start3A_364] : memref<6x80xi32, #tpu.memory_space<vmem>> -> memref<1x80xi32, #tpu.memory_space<vmem>>
      %dma_start3A_366 = tpu.memref_squeeze %dma_start3A_365 : memref<1x80xi32, #tpu.memory_space<vmem>> -> memref<80xi32, #tpu.memory_space<vmem>>
      %dma_start3A_367 = arith.constant 0 : i32
      %dma_start3A_368 = arith.constant 0 : i32
      %dma_start3A_369 = tpu.memref_slice %arg2[%dma_start3A_367, %dma_start3A_368] : memref<10000x128xf32, #tpu.memory_space<hbm>> -> memref<10000x128xf32, #tpu.memory_space<hbm>>
      tpu.enqueue_indirect_dma source(%dma_start3A_369 : memref<10000x128xf32, #tpu.memory_space<hbm>>) target(%arg7 : memref<80x128xf32, #tpu.memory_space<vmem>>) offsets(%dma_start3A_366 : memref<80xi32, #tpu.memory_space<vmem>>) semaphore(%arg12 : memref<!tpu.dma_semaphore, #tpu.memory_space<semaphore_mem>>)
      %dma_start3A_370 = arith.constant 2 : i32
      %dma_start3A_371 = arith.constant 0 : i32
      %dma_start3A_372 = tpu.memref_slice %arg6[%dma_start3A_370, %dma_start3A_371] : memref<6x80xi32, #tpu.memory_space<vmem>> -> memref<1x80xi32, #tpu.memory_space<vmem>>
      %dma_start3A_373 = tpu.memref_squeeze %dma_start3A_372 : memref<1x80xi32, #tpu.memory_space<vmem>> -> memref<80xi32, #tpu.memory_space<vmem>>
      %dma_start3A_374 = arith.constant 0 : i32
      %dma_start3A_375 = arith.constant 0 : i32
      %dma_start3A_376 = tpu.memref_slice %arg3[%dma_start3A_374, %dma_start3A_375] : memref<10000x128xf32, #tpu.memory_space<hbm>> -> memref<10000x128xf32, #tpu.memory_space<hbm>>
      tpu.enqueue_indirect_dma source(%dma_start3A_376 : memref<10000x128xf32, #tpu.memory_space<hbm>>) target(%arg8 : memref<80x128xf32, #tpu.memory_space<vmem>>) offsets(%dma_start3A_373 : memref<80xi32, #tpu.memory_space<vmem>>) semaphore(%arg14 : memref<!tpu.dma_semaphore, #tpu.memory_space<semaphore_mem>>)
      %dma_wait3A_377 = arith.constant 1 : i32
      %dma_wait3A_378 = arith.constant 0 : i32
      %dma_wait3A_379 = tpu.memref_slice %arg6[%dma_wait3A_377, %dma_wait3A_378] : memref<6x80xi32, #tpu.memory_space<vmem>> -> memref<1x80xi32, #tpu.memory_space<vmem>>
      %dma_wait3A_380 = tpu.memref_squeeze %dma_wait3A_379 : memref<1x80xi32, #tpu.memory_space<vmem>> -> memref<80xi32, #tpu.memory_space<vmem>>
      %dma_wait3A_381 = arith.constant 0 : i32
      %dma_wait3A_382 = arith.constant 0 : i32
      %dma_wait3A_383 = tpu.memref_slice %arg2[%dma_wait3A_381, %dma_wait3A_382] : memref<10000x128xf32, #tpu.memory_space<hbm>> -> memref<10000x128xf32, #tpu.memory_space<hbm>>
      tpu.wait_indirect_dma semaphore(%arg13 : memref<!tpu.dma_semaphore, #tpu.memory_space<semaphore_mem>>) src(%dma_wait3A_383 : memref<10000x128xf32, #tpu.memory_space<hbm>>) dst(%arg9 : memref<80x128xf32, #tpu.memory_space<vmem>>)
      %dma_wait3A_384 = arith.constant 3 : i32
      %dma_wait3A_385 = arith.constant 0 : i32
      %dma_wait3A_386 = tpu.memref_slice %arg6[%dma_wait3A_384, %dma_wait3A_385] : memref<6x80xi32, #tpu.memory_space<vmem>> -> memref<1x80xi32, #tpu.memory_space<vmem>>
      %dma_wait3A_387 = tpu.memref_squeeze %dma_wait3A_386 : memref<1x80xi32, #tpu.memory_space<vmem>> -> memref<80xi32, #tpu.memory_space<vmem>>
      %dma_wait3A_388 = arith.constant 0 : i32
      %dma_wait3A_389 = arith.constant 0 : i32
      %dma_wait3A_390 = tpu.memref_slice %arg3[%dma_wait3A_388, %dma_wait3A_389] : memref<10000x128xf32, #tpu.memory_space<hbm>> -> memref<10000x128xf32, #tpu.memory_space<hbm>>
      tpu.wait_indirect_dma semaphore(%arg15 : memref<!tpu.dma_semaphore, #tpu.memory_space<semaphore_mem>>) src(%dma_wait3A_390 : memref<10000x128xf32, #tpu.memory_space<hbm>>) dst(%arg10 : memref<80x128xf32, #tpu.memory_space<vmem>>)
      %get3A_391 = arith.constant 3 : i32
      %get3A_392 = arith.index_cast %get3A_391 : i32 to index
      %get3A_393 = arith.constant 0 : index
      %get3A_394 = tpu.vector_load %arg6[%get3A_392, %get3A_393] {strides = array<i32>} : memref<6x80xi32, #tpu.memory_space<vmem>>, vector<1x16xi32>,
      %get3A_395 = vector.shape_cast %get3A_394 : vector<1x16xi32> to vector<16xi32>
      %swap3A_396 = arith.constant 5 : i32
      %swap3A_397 = arith.index_cast %swap3A_396 : i32 to index
      %swap3A_398 = arith.constant 0 : index
      %swap3A_399 = tpu.vector_load %arg6[%swap3A_397, %swap3A_398] {strides = array<i32>} : memref<6x80xi32, #tpu.memory_space<vmem>>, vector<1x16xi32>,
      %swap3A_400 = vector.shape_cast %swap3A_399 : vector<1x16xi32> to vector<16xi32>
      %swap3A_401 = vector.shape_cast %get3A_395 : vector<16xi32> to vector<1x16xi32>
      tpu.vector_store %arg6[%swap3A_397, %swap3A_398], %swap3A_401 {strides = array<i32>} : memref<6x80xi32, #tpu.memory_space<vmem>>, vector<1x16xi32>,
      %get3A_402 = arith.constant 3 : i32
      %get3A_403 = arith.index_cast %get3A_402 : i32 to index
      %get3A_404 = arith.constant 16 : index
      %get3A_405 = tpu.vector_load %arg6[%get3A_403, %get3A_404] {strides = array<i32>} : memref<6x80xi32, #tpu.memory_space<vmem>>, vector<1x16xi32>,
      %get3A_406 = vector.shape_cast %get3A_405 : vector<1x16xi32> to vector<16xi32>
      %swap3A_407 = arith.constant 5 : i32
      %swap3A_408 = arith.index_cast %swap3A_407 : i32 to index
      %swap3A_409 = arith.constant 16 : index
      %swap3A_410 = tpu.vector_load %arg6[%swap3A_408, %swap3A_409] {strides = array<i32>} : memref<6x80xi32, #tpu.memory_space<vmem>>, vector<1x16xi32>,
      %swap3A_411 = vector.shape_cast %swap3A_410 : vector<1x16xi32> to vector<16xi32>
      %swap3A_412 = vector.shape_cast %get3A_406 : vector<16xi32> to vector<1x16xi32>
      tpu.vector_store %arg6[%swap3A_408, %swap3A_409], %swap3A_412 {strides = array<i32>} : memref<6x80xi32, #tpu.memory_space<vmem>>, vector<1x16xi32>,
      %get3A_413 = arith.constant 3 : i32
      %get3A_414 = arith.index_cast %get3A_413 : i32 to index
      %get3A_415 = arith.constant 32 : index
      %get3A_416 = tpu.vector_load %arg6[%get3A_414, %get3A_415] {strides = array<i32>} : memref<6x80xi32, #tpu.memory_space<vmem>>, vector<1x16xi32>,
      %get3A_417 = vector.shape_cast %get3A_416 : vector<1x16xi32> to vector<16xi32>
      %swap3A_418 = arith.constant 5 : i32
      %swap3A_419 = arith.index_cast %swap3A_418 : i32 to index
      %swap3A_420 = arith.constant 32 : index
      %swap3A_421 = tpu.vector_load %arg6[%swap3A_419, %swap3A_420] {strides = array<i32>} : memref<6x80xi32, #tpu.memory_space<vmem>>, vector<1x16xi32>,
      %swap3A_422 = vector.shape_cast %swap3A_421 : vector<1x16xi32> to vector<16xi32>
      %swap3A_423 = vector.shape_cast %get3A_417 : vector<16xi32> to vector<1x16xi32>
      tpu.vector_store %arg6[%swap3A_419, %swap3A_420], %swap3A_423 {strides = array<i32>} : memref<6x80xi32, #tpu.memory_space<vmem>>, vector<1x16xi32>,
      %get3A_424 = arith.constant 3 : i32
      %get3A_425 = arith.index_cast %get3A_424 : i32 to index
      %get3A_426 = arith.constant 48 : index
      %get3A_427 = tpu.vector_load %arg6[%get3A_425, %get3A_426] {strides = array<i32>} : memref<6x80xi32, #tpu.memory_space<vmem>>, vector<1x16xi32>,
      %get3A_428 = vector.shape_cast %get3A_427 : vector<1x16xi32> to vector<16xi32>
      %swap3A_429 = arith.constant 5 : i32
      %swap3A_430 = arith.index_cast %swap3A_429 : i32 to index
      %swap3A_431 = arith.constant 48 : index
      %swap3A_432 = tpu.vector_load %arg6[%swap3A_430, %swap3A_431] {strides = array<i32>} : memref<6x80xi32, #tpu.memory_space<vmem>>, vector<1x16xi32>,
      %swap3A_433 = vector.shape_cast %swap3A_432 : vector<1x16xi32> to vector<16xi32>
      %swap3A_434 = vector.shape_cast %get3A_428 : vector<16xi32> to vector<1x16xi32>
      tpu.vector_store %arg6[%swap3A_430, %swap3A_431], %swap3A_434 {strides = array<i32>} : memref<6x80xi32, #tpu.memory_space<vmem>>, vector<1x16xi32>,
      %get3A_435 = arith.constant 3 : i32
      %get3A_436 = arith.index_cast %get3A_435 : i32 to index
      %get3A_437 = arith.constant 64 : index
      %get3A_438 = tpu.vector_load %arg6[%get3A_436, %get3A_437] {strides = array<i32>} : memref<6x80xi32, #tpu.memory_space<vmem>>, vector<1x16xi32>,
      %get3A_439 = vector.shape_cast %get3A_438 : vector<1x16xi32> to vector<16xi32>
      %swap3A_440 = arith.constant 5 : i32
      %swap3A_441 = arith.index_cast %swap3A_440 : i32 to index
      %swap3A_442 = arith.constant 64 : index
      %swap3A_443 = tpu.vector_load %arg6[%swap3A_441, %swap3A_442] {strides = array<i32>} : memref<6x80xi32, #tpu.memory_space<vmem>>, vector<1x16xi32>,
      %swap3A_444 = vector.shape_cast %swap3A_443 : vector<1x16xi32> to vector<16xi32>
      %swap3A_445 = vector.shape_cast %get3A_439 : vector<16xi32> to vector<1x16xi32>
      tpu.vector_store %arg6[%swap3A_441, %swap3A_442], %swap3A_445 {strides = array<i32>} : memref<6x80xi32, #tpu.memory_space<vmem>>, vector<1x16xi32>,
      %add3A_446 = arith.constant 3 : i32
      %add3A_447 = arith.addi %mul3A_191, %add3A_446 : i32
      %lt3A_448 = arith.constant 125 : i32
      %lt3A_449 = arith.cmpi slt, %add3A_447, %lt3A_448 : i32
      %convert_element_type3A_450 = arith.extui %lt3A_449 : i1 to i32
      %cond3A_451 = arith.constant 0 : i32
      %cond3A_452 = arith.cmpi ne, %convert_element_type3A_450, %cond3A_451 : i32
      scf.if %cond3A_452 {
        %add3A_460 = arith.constant 3 : i32
        %add3A_461 = arith.addi %mul3A_191, %add3A_460 : i32
        %mul3A_462 = arith.constant 10000 : i32
        %mul3A_463 = arith.muli %add3A, %mul3A_462 : i32
        %mul3A_464 = arith.constant 80 : i32
        %mul3A_465 = arith.muli %add3A_461, %mul3A_464 : i32
        %add3A_466 = arith.addi %mul3A_463, %mul3A_465 : i32
        %dma_start3A_467 = arith.constant 1 : i32
        %dma_start3A_468 = arith.constant 0 : i32
        %dma_start3A_469 = tpu.memref_slice %arg6[%dma_start3A_467, %dma_start3A_468] : memref<6x80xi32, #tpu.memory_space<vmem>> -> memref<1x80xi32, #tpu.memory_space<vmem>>
        %dma_start3A_470 = tpu.memref_squeeze %dma_start3A_469 : memref<1x80xi32, #tpu.memory_space<vmem>> -> memref<80xi32, #tpu.memory_space<vmem>>
        %dma_start3A_471 = tpu.memref_slice %arg4[%add3A_466] : memref<640000xi32, #tpu.memory_space<hbm>> -> memref<80xi32, #tpu.memory_space<hbm>>
        %dma_start3A_472 = arith.constant 0 : i32
        %dma_start3A_473 = tpu.memref_slice %arg6[%dma_start3A_467, %dma_start3A_472] : memref<6x80xi32, #tpu.memory_space<vmem>> -> memref<1x80xi32, #tpu.memory_space<vmem>>
        %dma_start3A_474 = tpu.memref_squeeze %dma_start3A_473 : memref<1x80xi32, #tpu.memory_space<vmem>> -> memref<80xi32, #tpu.memory_space<vmem>>
        %dma_start3A_475 = tpu.memref_slice %arg4[%add3A_466] : memref<640000xi32, #tpu.memory_space<hbm>> -> memref<80xi32, #tpu.memory_space<hbm>>
        tpu.enqueue_dma source(%dma_start3A_475 : memref<80xi32, #tpu.memory_space<hbm>>) target(%dma_start3A_474 : memref<80xi32, #tpu.memory_space<vmem>>) target_semaphore(%arg17 : memref<!tpu.dma_semaphore, #tpu.memory_space<semaphore_mem>>)
        %add3A_476 = arith.constant 320000 : i32
        %add3A_477 = arith.addi %add3A_476, %add3A_466 : i32
        %dma_start3A_478 = arith.constant 3 : i32
        %dma_start3A_479 = arith.constant 0 : i32
        %dma_start3A_480 = tpu.memref_slice %arg6[%dma_start3A_478, %dma_start3A_479] : memref<6x80xi32, #tpu.memory_space<vmem>> -> memref<1x80xi32, #tpu.memory_space<vmem>>
        %dma_start3A_481 = tpu.memref_squeeze %dma_start3A_480 : memref<1x80xi32, #tpu.memory_space<vmem>> -> memref<80xi32, #tpu.memory_space<vmem>>
        %dma_start3A_482 = tpu.memref_slice %arg4[%add3A_477] : memref<640000xi32, #tpu.memory_space<hbm>> -> memref<80xi32, #tpu.memory_space<hbm>>
        %dma_start3A_483 = arith.constant 0 : i32
        %dma_start3A_484 = tpu.memref_slice %arg6[%dma_start3A_478, %dma_start3A_483] : memref<6x80xi32, #tpu.memory_space<vmem>> -> memref<1x80xi32, #tpu.memory_space<vmem>>
        %dma_start3A_485 = tpu.memref_squeeze %dma_start3A_484 : memref<1x80xi32, #tpu.memory_space<vmem>> -> memref<80xi32, #tpu.memory_space<vmem>>
        %dma_start3A_486 = tpu.memref_slice %arg4[%add3A_477] : memref<640000xi32, #tpu.memory_space<hbm>> -> memref<80xi32, #tpu.memory_space<hbm>>
        tpu.enqueue_dma source(%dma_start3A_486 : memref<80xi32, #tpu.memory_space<hbm>>) target(%dma_start3A_485 : memref<80xi32, #tpu.memory_space<vmem>>) target_semaphore(%arg17 : memref<!tpu.dma_semaphore, #tpu.memory_space<semaphore_mem>>)
      } else {
      }
      %scan3A_453 = arith.constant 0 : i32
      %scan3A_454 = arith.constant 0 : i32
      %scan3A_455 = arith.constant 20 : i32
      %scan3A_456 = arith.addi %scan3A_454, %scan3A_455 : i32
      %scan3A_457 = arith.constant 1 : i32
      scf.for %scan3A_460 = %scan3A_454 to %scan3A_456 step %scan3A_457  : i32 {
        %mul3A_461 = arith.constant 4 : i32
        %mul3A_462 = arith.muli %mul3A_461, %scan3A_460 : i32
        %add3A_463 = arith.constant 0 : i32
        %add3A_464 = arith.addi %mul3A_462, %add3A_463 : i32
        %get3A_465 = arith.index_cast %add3A_464 : i32 to index
        %get3A_466 = arith.constant 0 : index
        %get3A_467 = tpu.vector_load %arg9[%get3A_465, %get3A_466] {strides = array<i32>} : memref<80x128xf32, #tpu.memory_space<vmem>>, vector<1x16xf32>,
        %get3A_468 = vector.shape_cast %get3A_467 : vector<1x16xf32> to vector<16xf32>
        %add3A_469 = arith.constant 0 : i32
        %add3A_470 = arith.addi %mul3A_462, %add3A_469 : i32
        %get3A_471 = arith.index_cast %add3A_470 : i32 to index
        %get3A_472 = arith.constant 0 : index
        %get3A_473 = tpu.vector_load %arg10[%get3A_471, %get3A_472] {strides = array<i32>} : memref<80x128xf32, #tpu.memory_space<vmem>>, vector<1x16xf32>,
        %get3A_474 = vector.shape_cast %get3A_473 : vector<1x16xf32> to vector<16xf32>
        %add3A_475 = arith.addf %get3A_468, %get3A_474 : vector<16xf32>
        %max3A = arith.constant 0.000000e+00 : f32
        %max3A_476 = vector.broadcast %max3A : f32 to vector<16xf32>
        %max3A_477 = arith.maximumf %add3A_475, %max3A_476 : vector<16xf32>
        %add3A_478 = arith.constant 0 : i32
        %add3A_479 = arith.addi %mul3A_462, %add3A_478 : i32
        %swap3A_480 = arith.index_cast %add3A_479 : i32 to index
        %swap3A_481 = arith.constant 0 : index
        %swap3A_482 = tpu.vector_load %arg9[%swap3A_480, %swap3A_481] {strides = array<i32>} : memref<80x128xf32, #tpu.memory_space<vmem>>, vector<1x16xf32>,
        %swap3A_483 = vector.shape_cast %swap3A_482 : vector<1x16xf32> to vector<16xf32>
        %swap3A_484 = vector.shape_cast %max3A_477 : vector<16xf32> to vector<1x16xf32>
        tpu.vector_store %arg9[%swap3A_480, %swap3A_481], %swap3A_484 {strides = array<i32>} : memref<80x128xf32, #tpu.memory_space<vmem>>, vector<1x16xf32>,
        %add3A_485 = arith.constant 0 : i32
        %add3A_486 = arith.addi %mul3A_462, %add3A_485 : i32
        %get3A_487 = arith.index_cast %add3A_486 : i32 to index
        %get3A_488 = arith.constant 16 : index
        %get3A_489 = tpu.vector_load %arg9[%get3A_487, %get3A_488] {strides = array<i32>} : memref<80x128xf32, #tpu.memory_space<vmem>>, vector<1x16xf32>,
        %get3A_490 = vector.shape_cast %get3A_489 : vector<1x16xf32> to vector<16xf32>
        %add3A_491 = arith.constant 0 : i32
        %add3A_492 = arith.addi %mul3A_462, %add3A_491 : i32
        %get3A_493 = arith.index_cast %add3A_492 : i32 to index
        %get3A_494 = arith.constant 16 : index
        %get3A_495 = tpu.vector_load %arg10[%get3A_493, %get3A_494] {strides = array<i32>} : memref<80x128xf32, #tpu.memory_space<vmem>>, vector<1x16xf32>,
        %get3A_496 = vector.shape_cast %get3A_495 : vector<1x16xf32> to vector<16xf32>
        %add3A_497 = arith.addf %get3A_490, %get3A_496 : vector<16xf32>
        %max3A_498 = arith.constant 0.000000e+00 : f32
        %max3A_499 = vector.broadcast %max3A_498 : f32 to vector<16xf32>
        %max3A_500 = arith.maximumf %add3A_497, %max3A_499 : vector<16xf32>
        %add3A_501 = arith.constant 0 : i32
        %add3A_502 = arith.addi %mul3A_462, %add3A_501 : i32
        %swap3A_503 = arith.index_cast %add3A_502 : i32 to index
        %swap3A_504 = arith.constant 16 : index
        %swap3A_505 = tpu.vector_load %arg9[%swap3A_503, %swap3A_504] {strides = array<i32>} : memref<80x128xf32, #tpu.memory_space<vmem>>, vector<1x16xf32>,
        %swap3A_506 = vector.shape_cast %swap3A_505 : vector<1x16xf32> to vector<16xf32>
        %swap3A_507 = vector.shape_cast %max3A_500 : vector<16xf32> to vector<1x16xf32>
        tpu.vector_store %arg9[%swap3A_503, %swap3A_504], %swap3A_507 {strides = array<i32>} : memref<80x128xf32, #tpu.memory_space<vmem>>, vector<1x16xf32>,
        %add3A_508 = arith.constant 0 : i32
        %add3A_509 = arith.addi %mul3A_462, %add3A_508 : i32
        %get3A_510 = arith.index_cast %add3A_509 : i32 to index
        %get3A_511 = arith.constant 32 : index
        %get3A_512 = tpu.vector_load %arg9[%get3A_510, %get3A_511] {strides = array<i32>} : memref<80x128xf32, #tpu.memory_space<vmem>>, vector<1x16xf32>,
        %get3A_513 = vector.shape_cast %get3A_512 : vector<1x16xf32> to vector<16xf32>
        %add3A_514 = arith.constant 0 : i32
        %add3A_515 = arith.addi %mul3A_462, %add3A_514 : i32
        %get3A_516 = arith.index_cast %add3A_515 : i32 to index
        %get3A_517 = arith.constant 32 : index
        %get3A_518 = tpu.vector_load %arg10[%get3A_516, %get3A_517] {strides = array<i32>} : memref<80x128xf32, #tpu.memory_space<vmem>>, vector<1x16xf32>,
        %get3A_519 = vector.shape_cast %get3A_518 : vector<1x16xf32> to vector<16xf32>
        %add3A_520 = arith.addf %get3A_513, %get3A_519 : vector<16xf32>
        %max3A_521 = arith.constant 0.000000e+00 : f32
        %max3A_522 = vector.broadcast %max3A_521 : f32 to vector<16xf32>
        %max3A_523 = arith.maximumf %add3A_520, %max3A_522 : vector<16xf32>
        %add3A_524 = arith.constant 0 : i32
        %add3A_525 = arith.addi %mul3A_462, %add3A_524 : i32
        %swap3A_526 = arith.index_cast %add3A_525 : i32 to index
        %swap3A_527 = arith.constant 32 : index
        %swap3A_528 = tpu.vector_load %arg9[%swap3A_526, %swap3A_527] {strides = array<i32>} : memref<80x128xf32, #tpu.memory_space<vmem>>, vector<1x16xf32>,
        %swap3A_529 = vector.shape_cast %swap3A_528 : vector<1x16xf32> to vector<16xf32>
        %swap3A_530 = vector.shape_cast %max3A_523 : vector<16xf32> to vector<1x16xf32>
        tpu.vector_store %arg9[%swap3A_526, %swap3A_527], %swap3A_530 {strides = array<i32>} : memref<80x128xf32, #tpu.memory_space<vmem>>, vector<1x16xf32>,
        %add3A_531 = arith.constant 0 : i32
        %add3A_532 = arith.addi %mul3A_462, %add3A_531 : i32
        %get3A_533 = arith.index_cast %add3A_532 : i32 to index
        %get3A_534 = arith.constant 48 : index
        %get3A_535 = tpu.vector_load %arg9[%get3A_533, %get3A_534] {strides = array<i32>} : memref<80x128xf32, #tpu.memory_space<vmem>>, vector<1x16xf32>,
        %get3A_536 = vector.shape_cast %get3A_535 : vector<1x16xf32> to vector<16xf32>
        %add3A_537 = arith.constant 0 : i32
        %add3A_538 = arith.addi %mul3A_462, %add3A_537 : i32
        %get3A_539 = arith.index_cast %add3A_538 : i32 to index
        %get3A_540 = arith.constant 48 : index
        %get3A_541 = tpu.vector_load %arg10[%get3A_539, %get3A_540] {strides = array<i32>} : memref<80x128xf32, #tpu.memory_space<vmem>>, vector<1x16xf32>,
        %get3A_542 = vector.shape_cast %get3A_541 : vector<1x16xf32> to vector<16xf32>
        %add3A_543 = arith.addf %get3A_536, %get3A_542 : vector<16xf32>
        %max3A_544 = arith.constant 0.000000e+00 : f32
        %max3A_545 = vector.broadcast %max3A_544 : f32 to vector<16xf32>
        %max3A_546 = arith.maximumf %add3A_543, %max3A_545 : vector<16xf32>
        %add3A_547 = arith.constant 0 : i32
        %add3A_548 = arith.addi %mul3A_462, %add3A_547 : i32
        %swap3A_549 = arith.index_cast %add3A_548 : i32 to index
        %swap3A_550 = arith.constant 48 : index
        %swap3A_551 = tpu.vector_load %arg9[%swap3A_549, %swap3A_550] {strides = array<i32>} : memref<80x128xf32, #tpu.memory_space<vmem>>, vector<1x16xf32>,
        %swap3A_552 = vector.shape_cast %swap3A_551 : vector<1x16xf32> to vector<16xf32>
        %swap3A_553 = vector.shape_cast %max3A_546 : vector<16xf32> to vector<1x16xf32>
        tpu.vector_store %arg9[%swap3A_549, %swap3A_550], %swap3A_553 {strides = array<i32>} : memref<80x128xf32, #tpu.memory_space<vmem>>, vector<1x16xf32>,
        %add3A_554 = arith.constant 0 : i32
        %add3A_555 = arith.addi %mul3A_462, %add3A_554 : i32
        %get3A_556 = arith.index_cast %add3A_555 : i32 to index
        %get3A_557 = arith.constant 64 : index
        %get3A_558 = tpu.vector_load %arg9[%get3A_556, %get3A_557] {strides = array<i32>} : memref<80x128xf32, #tpu.memory_space<vmem>>, vector<1x16xf32>,
        %get3A_559 = vector.shape_cast %get3A_558 : vector<1x16xf32> to vector<16xf32>
        %add3A_560 = arith.constant 0 : i32
        %add3A_561 = arith.addi %mul3A_462, %add3A_560 : i32
        %get3A_562 = arith.index_cast %add3A_561 : i32 to index
        %get3A_563 = arith.constant 64 : index
        %get3A_564 = tpu.vector_load %arg10[%get3A_562, %get3A_563] {strides = array<i32>} : memref<80x128xf32, #tpu.memory_space<vmem>>, vector<1x16xf32>,
        %get3A_565 = vector.shape_cast %get3A_564 : vector<1x16xf32> to vector<16xf32>
        %add3A_566 = arith.addf %get3A_559, %get3A_565 : vector<16xf32>
        %max3A_567 = arith.constant 0.000000e+00 : f32
        %max3A_568 = vector.broadcast %max3A_567 : f32 to vector<16xf32>
        %max3A_569 = arith.maximumf %add3A_566, %max3A_568 : vector<16xf32>
        %add3A_570 = arith.constant 0 : i32
        %add3A_571 = arith.addi %mul3A_462, %add3A_570 : i32
        %swap3A_572 = arith.index_cast %add3A_571 : i32 to index
        %swap3A_573 = arith.constant 64 : index
        %swap3A_574 = tpu.vector_load %arg9[%swap3A_572, %swap3A_573] {strides = array<i32>} : memref<80x128xf32, #tpu.memory_space<vmem>>, vector<1x16xf32>,
        %swap3A_575 = vector.shape_cast %swap3A_574 : vector<1x16xf32> to vector<16xf32>
        %swap3A_576 = vector.shape_cast %max3A_569 : vector<16xf32> to vector<1x16xf32>
        tpu.vector_store %arg9[%swap3A_572, %swap3A_573], %swap3A_576 {strides = array<i32>} : memref<80x128xf32, #tpu.memory_space<vmem>>, vector<1x16xf32>,
        %add3A_577 = arith.constant 0 : i32
        %add3A_578 = arith.addi %mul3A_462, %add3A_577 : i32
        %get3A_579 = arith.index_cast %add3A_578 : i32 to index
        %get3A_580 = arith.constant 80 : index
        %get3A_581 = tpu.vector_load %arg9[%get3A_579, %get3A_580] {strides = array<i32>} : memref<80x128xf32, #tpu.memory_space<vmem>>, vector<1x16xf32>,
        %get3A_582 = vector.shape_cast %get3A_581 : vector<1x16xf32> to vector<16xf32>
        %add3A_583 = arith.constant 0 : i32
        %add3A_584 = arith.addi %mul3A_462, %add3A_583 : i32
        %get3A_585 = arith.index_cast %add3A_584 : i32 to index
        %get3A_586 = arith.constant 80 : index
        %get3A_587 = tpu.vector_load %arg10[%get3A_585, %get3A_586] {strides = array<i32>} : memref<80x128xf32, #tpu.memory_space<vmem>>, vector<1x16xf32>,
        %get3A_588 = vector.shape_cast %get3A_587 : vector<1x16xf32> to vector<16xf32>
        %add3A_589 = arith.addf %get3A_582, %get3A_588 : vector<16xf32>
        %max3A_590 = arith.constant 0.000000e+00 : f32
        %max3A_591 = vector.broadcast %max3A_590 : f32 to vector<16xf32>
        %max3A_592 = arith.maximumf %add3A_589, %max3A_591 : vector<16xf32>
        %add3A_593 = arith.constant 0 : i32
        %add3A_594 = arith.addi %mul3A_462, %add3A_593 : i32
        %swap3A_595 = arith.index_cast %add3A_594 : i32 to index
        %swap3A_596 = arith.constant 80 : index
        %swap3A_597 = tpu.vector_load %arg9[%swap3A_595, %swap3A_596] {strides = array<i32>} : memref<80x128xf32, #tpu.memory_space<vmem>>, vector<1x16xf32>,
        %swap3A_598 = vector.shape_cast %swap3A_597 : vector<1x16xf32> to vector<16xf32>
        %swap3A_599 = vector.shape_cast %max3A_592 : vector<16xf32> to vector<1x16xf32>
        tpu.vector_store %arg9[%swap3A_595, %swap3A_596], %swap3A_599 {strides = array<i32>} : memref<80x128xf32, #tpu.memory_space<vmem>>, vector<1x16xf32>,
        %add3A_600 = arith.constant 0 : i32
        %add3A_601 = arith.addi %mul3A_462, %add3A_600 : i32
        %get3A_602 = arith.index_cast %add3A_601 : i32 to index
        %get3A_603 = arith.constant 96 : index
        %get3A_604 = tpu.vector_load %arg9[%get3A_602, %get3A_603] {strides = array<i32>} : memref<80x128xf32, #tpu.memory_space<vmem>>, vector<1x16xf32>,
        %get3A_605 = vector.shape_cast %get3A_604 : vector<1x16xf32> to vector<16xf32>
        %add3A_606 = arith.constant 0 : i32
        %add3A_607 = arith.addi %mul3A_462, %add3A_606 : i32
        %get3A_608 = arith.index_cast %add3A_607 : i32 to index
        %get3A_609 = arith.constant 96 : index
        %get3A_610 = tpu.vector_load %arg10[%get3A_608, %get3A_609] {strides = array<i32>} : memref<80x128xf32, #tpu.memory_space<vmem>>, vector<1x16xf32>,
        %get3A_611 = vector.shape_cast %get3A_610 : vector<1x16xf32> to vector<16xf32>
        %add3A_612 = arith.addf %get3A_605, %get3A_611 : vector<16xf32>
        %max3A_613 = arith.constant 0.000000e+00 : f32
        %max3A_614 = vector.broadcast %max3A_613 : f32 to vector<16xf32>
        %max3A_615 = arith.maximumf %add3A_612, %max3A_614 : vector<16xf32>
        %add3A_616 = arith.constant 0 : i32
        %add3A_617 = arith.addi %mul3A_462, %add3A_616 : i32
        %swap3A_618 = arith.index_cast %add3A_617 : i32 to index
        %swap3A_619 = arith.constant 96 : index
        %swap3A_620 = tpu.vector_load %arg9[%swap3A_618, %swap3A_619] {strides = array<i32>} : memref<80x128xf32, #tpu.memory_space<vmem>>, vector<1x16xf32>,
        %swap3A_621 = vector.shape_cast %swap3A_620 : vector<1x16xf32> to vector<16xf32>
        %swap3A_622 = vector.shape_cast %max3A_615 : vector<16xf32> to vector<1x16xf32>
        tpu.vector_store %arg9[%swap3A_618, %swap3A_619], %swap3A_622 {strides = array<i32>} : memref<80x128xf32, #tpu.memory_space<vmem>>, vector<1x16xf32>,
        %add3A_623 = arith.constant 0 : i32
        %add3A_624 = arith.addi %mul3A_462, %add3A_623 : i32
        %get3A_625 = arith.index_cast %add3A_624 : i32 to index
        %get3A_626 = arith.constant 112 : index
        %get3A_627 = tpu.vector_load %arg9[%get3A_625, %get3A_626] {strides = array<i32>} : memref<80x128xf32, #tpu.memory_space<vmem>>, vector<1x16xf32>,
        %get3A_628 = vector.shape_cast %get3A_627 : vector<1x16xf32> to vector<16xf32>
        %add3A_629 = arith.constant 0 : i32
        %add3A_630 = arith.addi %mul3A_462, %add3A_629 : i32
        %get3A_631 = arith.index_cast %add3A_630 : i32 to index
        %get3A_632 = arith.constant 112 : index
        %get3A_633 = tpu.vector_load %arg10[%get3A_631, %get3A_632] {strides = array<i32>} : memref<80x128xf32, #tpu.memory_space<vmem>>, vector<1x16xf32>,
        %get3A_634 = vector.shape_cast %get3A_633 : vector<1x16xf32> to vector<16xf32>
        %add3A_635 = arith.addf %get3A_628, %get3A_634 : vector<16xf32>
        %max3A_636 = arith.constant 0.000000e+00 : f32
        %max3A_637 = vector.broadcast %max3A_636 : f32 to vector<16xf32>
        %max3A_638 = arith.maximumf %add3A_635, %max3A_637 : vector<16xf32>
        %add3A_639 = arith.constant 0 : i32
        %add3A_640 = arith.addi %mul3A_462, %add3A_639 : i32
        %swap3A_641 = arith.index_cast %add3A_640 : i32 to index
        %swap3A_642 = arith.constant 112 : index
        %swap3A_643 = tpu.vector_load %arg9[%swap3A_641, %swap3A_642] {strides = array<i32>} : memref<80x128xf32, #tpu.memory_space<vmem>>, vector<1x16xf32>,
        %swap3A_644 = vector.shape_cast %swap3A_643 : vector<1x16xf32> to vector<16xf32>
        %swap3A_645 = vector.shape_cast %max3A_638 : vector<16xf32> to vector<1x16xf32>
        tpu.vector_store %arg9[%swap3A_641, %swap3A_642], %swap3A_645 {strides = array<i32>} : memref<80x128xf32, #tpu.memory_space<vmem>>, vector<1x16xf32>,
        %add3A_646 = arith.constant 1 : i32
        %add3A_647 = arith.addi %mul3A_462, %add3A_646 : i32
        %get3A_648 = arith.index_cast %add3A_647 : i32 to index
        %get3A_649 = arith.constant 0 : index
        %get3A_650 = tpu.vector_load %arg9[%get3A_648, %get3A_649] {strides = array<i32>} : memref<80x128xf32, #tpu.memory_space<vmem>>, vector<1x16xf32>,
        %get3A_651 = vector.shape_cast %get3A_650 : vector<1x16xf32> to vector<16xf32>
        %add3A_652 = arith.constant 1 : i32
        %add3A_653 = arith.addi %mul3A_462, %add3A_652 : i32
        %get3A_654 = arith.index_cast %add3A_653 : i32 to index
        %get3A_655 = arith.constant 0 : index
        %get3A_656 = tpu.vector_load %arg10[%get3A_654, %get3A_655] {strides = array<i32>} : memref<80x128xf32, #tpu.memory_space<vmem>>, vector<1x16xf32>,
        %get3A_657 = vector.shape_cast %get3A_656 : vector<1x16xf32> to vector<16xf32>
        %add3A_658 = arith.addf %get3A_651, %get3A_657 : vector<16xf32>
        %max3A_659 = arith.constant 0.000000e+00 : f32
        %max3A_660 = vector.broadcast %max3A_659 : f32 to vector<16xf32>
        %max3A_661 = arith.maximumf %add3A_658, %max3A_660 : vector<16xf32>
        %add3A_662 = arith.constant 1 : i32
        %add3A_663 = arith.addi %mul3A_462, %add3A_662 : i32
        %swap3A_664 = arith.index_cast %add3A_663 : i32 to index
        %swap3A_665 = arith.constant 0 : index
        %swap3A_666 = tpu.vector_load %arg9[%swap3A_664, %swap3A_665] {strides = array<i32>} : memref<80x128xf32, #tpu.memory_space<vmem>>, vector<1x16xf32>,
        %swap3A_667 = vector.shape_cast %swap3A_666 : vector<1x16xf32> to vector<16xf32>
        %swap3A_668 = vector.shape_cast %max3A_661 : vector<16xf32> to vector<1x16xf32>
        tpu.vector_store %arg9[%swap3A_664, %swap3A_665], %swap3A_668 {strides = array<i32>} : memref<80x128xf32, #tpu.memory_space<vmem>>, vector<1x16xf32>,
        %add3A_669 = arith.constant 1 : i32
        %add3A_670 = arith.addi %mul3A_462, %add3A_669 : i32
        %get3A_671 = arith.index_cast %add3A_670 : i32 to index
        %get3A_672 = arith.constant 16 : index
        %get3A_673 = tpu.vector_load %arg9[%get3A_671, %get3A_672] {strides = array<i32>} : memref<80x128xf32, #tpu.memory_space<vmem>>, vector<1x16xf32>,
        %get3A_674 = vector.shape_cast %get3A_673 : vector<1x16xf32> to vector<16xf32>
        %add3A_675 = arith.constant 1 : i32
        %add3A_676 = arith.addi %mul3A_462, %add3A_675 : i32
        %get3A_677 = arith.index_cast %add3A_676 : i32 to index
        %get3A_678 = arith.constant 16 : index
        %get3A_679 = tpu.vector_load %arg10[%get3A_677, %get3A_678] {strides = array<i32>} : memref<80x128xf32, #tpu.memory_space<vmem>>, vector<1x16xf32>,
        %get3A_680 = vector.shape_cast %get3A_679 : vector<1x16xf32> to vector<16xf32>
        %add3A_681 = arith.addf %get3A_674, %get3A_680 : vector<16xf32>
        %max3A_682 = arith.constant 0.000000e+00 : f32
        %max3A_683 = vector.broadcast %max3A_682 : f32 to vector<16xf32>
        %max3A_684 = arith.maximumf %add3A_681, %max3A_683 : vector<16xf32>
        %add3A_685 = arith.constant 1 : i32
        %add3A_686 = arith.addi %mul3A_462, %add3A_685 : i32
        %swap3A_687 = arith.index_cast %add3A_686 : i32 to index
        %swap3A_688 = arith.constant 16 : index
        %swap3A_689 = tpu.vector_load %arg9[%swap3A_687, %swap3A_688] {strides = array<i32>} : memref<80x128xf32, #tpu.memory_space<vmem>>, vector<1x16xf32>,
        %swap3A_690 = vector.shape_cast %swap3A_689 : vector<1x16xf32> to vector<16xf32>
        %swap3A_691 = vector.shape_cast %max3A_684 : vector<16xf32> to vector<1x16xf32>
        tpu.vector_store %arg9[%swap3A_687, %swap3A_688], %swap3A_691 {strides = array<i32>} : memref<80x128xf32, #tpu.memory_space<vmem>>, vector<1x16xf32>,
        %add3A_692 = arith.constant 1 : i32
        %add3A_693 = arith.addi %mul3A_462, %add3A_692 : i32
        %get3A_694 = arith.index_cast %add3A_693 : i32 to index
        %get3A_695 = arith.constant 32 : index
        %get3A_696 = tpu.vector_load %arg9[%get3A_694, %get3A_695] {strides = array<i32>} : memref<80x128xf32, #tpu.memory_space<vmem>>, vector<1x16xf32>,
        %get3A_697 = vector.shape_cast %get3A_696 : vector<1x16xf32> to vector<16xf32>
        %add3A_698 = arith.constant 1 : i32
        %add3A_699 = arith.addi %mul3A_462, %add3A_698 : i32
        %get3A_700 = arith.index_cast %add3A_699 : i32 to index
        %get3A_701 = arith.constant 32 : index
        %get3A_702 = tpu.vector_load %arg10[%get3A_700, %get3A_701] {strides = array<i32>} : memref<80x128xf32, #tpu.memory_space<vmem>>, vector<1x16xf32>,
        %get3A_703 = vector.shape_cast %get3A_702 : vector<1x16xf32> to vector<16xf32>
        %add3A_704 = arith.addf %get3A_697, %get3A_703 : vector<16xf32>
        %max3A_705 = arith.constant 0.000000e+00 : f32
        %max3A_706 = vector.broadcast %max3A_705 : f32 to vector<16xf32>
        %max3A_707 = arith.maximumf %add3A_704, %max3A_706 : vector<16xf32>
        %add3A_708 = arith.constant 1 : i32
        %add3A_709 = arith.addi %mul3A_462, %add3A_708 : i32
        %swap3A_710 = arith.index_cast %add3A_709 : i32 to index
        %swap3A_711 = arith.constant 32 : index
        %swap3A_712 = tpu.vector_load %arg9[%swap3A_710, %swap3A_711] {strides = array<i32>} : memref<80x128xf32, #tpu.memory_space<vmem>>, vector<1x16xf32>,
        %swap3A_713 = vector.shape_cast %swap3A_712 : vector<1x16xf32> to vector<16xf32>
        %swap3A_714 = vector.shape_cast %max3A_707 : vector<16xf32> to vector<1x16xf32>
        tpu.vector_store %arg9[%swap3A_710, %swap3A_711], %swap3A_714 {strides = array<i32>} : memref<80x128xf32, #tpu.memory_space<vmem>>, vector<1x16xf32>,
        %add3A_715 = arith.constant 1 : i32
        %add3A_716 = arith.addi %mul3A_462, %add3A_715 : i32
        %get3A_717 = arith.index_cast %add3A_716 : i32 to index
        %get3A_718 = arith.constant 48 : index
        %get3A_719 = tpu.vector_load %arg9[%get3A_717, %get3A_718] {strides = array<i32>} : memref<80x128xf32, #tpu.memory_space<vmem>>, vector<1x16xf32>,
        %get3A_720 = vector.shape_cast %get3A_719 : vector<1x16xf32> to vector<16xf32>
        %add3A_721 = arith.constant 1 : i32
        %add3A_722 = arith.addi %mul3A_462, %add3A_721 : i32
        %get3A_723 = arith.index_cast %add3A_722 : i32 to index
        %get3A_724 = arith.constant 48 : index
        %get3A_725 = tpu.vector_load %arg10[%get3A_723, %get3A_724] {strides = array<i32>} : memref<80x128xf32, #tpu.memory_space<vmem>>, vector<1x16xf32>,
        %get3A_726 = vector.shape_cast %get3A_725 : vector<1x16xf32> to vector<16xf32>
        %add3A_727 = arith.addf %get3A_720, %get3A_726 : vector<16xf32>
        %max3A_728 = arith.constant 0.000000e+00 : f32
        %max3A_729 = vector.broadcast %max3A_728 : f32 to vector<16xf32>
        %max3A_730 = arith.maximumf %add3A_727, %max3A_729 : vector<16xf32>
        %add3A_731 = arith.constant 1 : i32
        %add3A_732 = arith.addi %mul3A_462, %add3A_731 : i32
        %swap3A_733 = arith.index_cast %add3A_732 : i32 to index
        %swap3A_734 = arith.constant 48 : index
        %swap3A_735 = tpu.vector_load %arg9[%swap3A_733, %swap3A_734] {strides = array<i32>} : memref<80x128xf32, #tpu.memory_space<vmem>>, vector<1x16xf32>,
        %swap3A_736 = vector.shape_cast %swap3A_735 : vector<1x16xf32> to vector<16xf32>
        %swap3A_737 = vector.shape_cast %max3A_730 : vector<16xf32> to vector<1x16xf32>
        tpu.vector_store %arg9[%swap3A_733, %swap3A_734], %swap3A_737 {strides = array<i32>} : memref<80x128xf32, #tpu.memory_space<vmem>>, vector<1x16xf32>,
        %add3A_738 = arith.constant 1 : i32
        %add3A_739 = arith.addi %mul3A_462, %add3A_738 : i32
        %get3A_740 = arith.index_cast %add3A_739 : i32 to index
        %get3A_741 = arith.constant 64 : index
        %get3A_742 = tpu.vector_load %arg9[%get3A_740, %get3A_741] {strides = array<i32>} : memref<80x128xf32, #tpu.memory_space<vmem>>, vector<1x16xf32>,
        %get3A_743 = vector.shape_cast %get3A_742 : vector<1x16xf32> to vector<16xf32>
        %add3A_744 = arith.constant 1 : i32
        %add3A_745 = arith.addi %mul3A_462, %add3A_744 : i32
        %get3A_746 = arith.index_cast %add3A_745 : i32 to index
        %get3A_747 = arith.constant 64 : index
        %get3A_748 = tpu.vector_load %arg10[%get3A_746, %get3A_747] {strides = array<i32>} : memref<80x128xf32, #tpu.memory_space<vmem>>, vector<1x16xf32>,
        %get3A_749 = vector.shape_cast %get3A_748 : vector<1x16xf32> to vector<16xf32>
        %add3A_750 = arith.addf %get3A_743, %get3A_749 : vector<16xf32>
        %max3A_751 = arith.constant 0.000000e+00 : f32
        %max3A_752 = vector.broadcast %max3A_751 : f32 to vector<16xf32>
        %max3A_753 = arith.maximumf %add3A_750, %max3A_752 : vector<16xf32>
        %add3A_754 = arith.constant 1 : i32
        %add3A_755 = arith.addi %mul3A_462, %add3A_754 : i32
        %swap3A_756 = arith.index_cast %add3A_755 : i32 to index
        %swap3A_757 = arith.constant 64 : index
        %swap3A_758 = tpu.vector_load %arg9[%swap3A_756, %swap3A_757] {strides = array<i32>} : memref<80x128xf32, #tpu.memory_space<vmem>>, vector<1x16xf32>,
        %swap3A_759 = vector.shape_cast %swap3A_758 : vector<1x16xf32> to vector<16xf32>
        %swap3A_760 = vector.shape_cast %max3A_753 : vector<16xf32> to vector<1x16xf32>
        tpu.vector_store %arg9[%swap3A_756, %swap3A_757], %swap3A_760 {strides = array<i32>} : memref<80x128xf32, #tpu.memory_space<vmem>>, vector<1x16xf32>,
        %add3A_761 = arith.constant 1 : i32
        %add3A_762 = arith.addi %mul3A_462, %add3A_761 : i32
        %get3A_763 = arith.index_cast %add3A_762 : i32 to index
        %get3A_764 = arith.constant 80 : index
        %get3A_765 = tpu.vector_load %arg9[%get3A_763, %get3A_764] {strides = array<i32>} : memref<80x128xf32, #tpu.memory_space<vmem>>, vector<1x16xf32>,
        %get3A_766 = vector.shape_cast %get3A_765 : vector<1x16xf32> to vector<16xf32>
        %add3A_767 = arith.constant 1 : i32
        %add3A_768 = arith.addi %mul3A_462, %add3A_767 : i32
        %get3A_769 = arith.index_cast %add3A_768 : i32 to index
        %get3A_770 = arith.constant 80 : index
        %get3A_771 = tpu.vector_load %arg10[%get3A_769, %get3A_770] {strides = array<i32>} : memref<80x128xf32, #tpu.memory_space<vmem>>, vector<1x16xf32>,
        %get3A_772 = vector.shape_cast %get3A_771 : vector<1x16xf32> to vector<16xf32>
        %add3A_773 = arith.addf %get3A_766, %get3A_772 : vector<16xf32>
        %max3A_774 = arith.constant 0.000000e+00 : f32
        %max3A_775 = vector.broadcast %max3A_774 : f32 to vector<16xf32>
        %max3A_776 = arith.maximumf %add3A_773, %max3A_775 : vector<16xf32>
        %add3A_777 = arith.constant 1 : i32
        %add3A_778 = arith.addi %mul3A_462, %add3A_777 : i32
        %swap3A_779 = arith.index_cast %add3A_778 : i32 to index
        %swap3A_780 = arith.constant 80 : index
        %swap3A_781 = tpu.vector_load %arg9[%swap3A_779, %swap3A_780] {strides = array<i32>} : memref<80x128xf32, #tpu.memory_space<vmem>>, vector<1x16xf32>,
        %swap3A_782 = vector.shape_cast %swap3A_781 : vector<1x16xf32> to vector<16xf32>
        %swap3A_783 = vector.shape_cast %max3A_776 : vector<16xf32> to vector<1x16xf32>
        tpu.vector_store %arg9[%swap3A_779, %swap3A_780], %swap3A_783 {strides = array<i32>} : memref<80x128xf32, #tpu.memory_space<vmem>>, vector<1x16xf32>,
        %add3A_784 = arith.constant 1 : i32
        %add3A_785 = arith.addi %mul3A_462, %add3A_784 : i32
        %get3A_786 = arith.index_cast %add3A_785 : i32 to index
        %get3A_787 = arith.constant 96 : index
        %get3A_788 = tpu.vector_load %arg9[%get3A_786, %get3A_787] {strides = array<i32>} : memref<80x128xf32, #tpu.memory_space<vmem>>, vector<1x16xf32>,
        %get3A_789 = vector.shape_cast %get3A_788 : vector<1x16xf32> to vector<16xf32>
        %add3A_790 = arith.constant 1 : i32
        %add3A_791 = arith.addi %mul3A_462, %add3A_790 : i32
        %get3A_792 = arith.index_cast %add3A_791 : i32 to index
        %get3A_793 = arith.constant 96 : index
        %get3A_794 = tpu.vector_load %arg10[%get3A_792, %get3A_793] {strides = array<i32>} : memref<80x128xf32, #tpu.memory_space<vmem>>, vector<1x16xf32>,
        %get3A_795 = vector.shape_cast %get3A_794 : vector<1x16xf32> to vector<16xf32>
        %add3A_796 = arith.addf %get3A_789, %get3A_795 : vector<16xf32>
        %max3A_797 = arith.constant 0.000000e+00 : f32
        %max3A_798 = vector.broadcast %max3A_797 : f32 to vector<16xf32>
        %max3A_799 = arith.maximumf %add3A_796, %max3A_798 : vector<16xf32>
        %add3A_800 = arith.constant 1 : i32
        %add3A_801 = arith.addi %mul3A_462, %add3A_800 : i32
        %swap3A_802 = arith.index_cast %add3A_801 : i32 to index
        %swap3A_803 = arith.constant 96 : index
        %swap3A_804 = tpu.vector_load %arg9[%swap3A_802, %swap3A_803] {strides = array<i32>} : memref<80x128xf32, #tpu.memory_space<vmem>>, vector<1x16xf32>,
        %swap3A_805 = vector.shape_cast %swap3A_804 : vector<1x16xf32> to vector<16xf32>
        %swap3A_806 = vector.shape_cast %max3A_799 : vector<16xf32> to vector<1x16xf32>
        tpu.vector_store %arg9[%swap3A_802, %swap3A_803], %swap3A_806 {strides = array<i32>} : memref<80x128xf32, #tpu.memory_space<vmem>>, vector<1x16xf32>,
        %add3A_807 = arith.constant 1 : i32
        %add3A_808 = arith.addi %mul3A_462, %add3A_807 : i32
        %get3A_809 = arith.index_cast %add3A_808 : i32 to index
        %get3A_810 = arith.constant 112 : index
        %get3A_811 = tpu.vector_load %arg9[%get3A_809, %get3A_810] {strides = array<i32>} : memref<80x128xf32, #tpu.memory_space<vmem>>, vector<1x16xf32>,
        %get3A_812 = vector.shape_cast %get3A_811 : vector<1x16xf32> to vector<16xf32>
        %add3A_813 = arith.constant 1 : i32
        %add3A_814 = arith.addi %mul3A_462, %add3A_813 : i32
        %get3A_815 = arith.index_cast %add3A_814 : i32 to index
        %get3A_816 = arith.constant 112 : index
        %get3A_817 = tpu.vector_load %arg10[%get3A_815, %get3A_816] {strides = array<i32>} : memref<80x128xf32, #tpu.memory_space<vmem>>, vector<1x16xf32>,
        %get3A_818 = vector.shape_cast %get3A_817 : vector<1x16xf32> to vector<16xf32>
        %add3A_819 = arith.addf %get3A_812, %get3A_818 : vector<16xf32>
        %max3A_820 = arith.constant 0.000000e+00 : f32
        %max3A_821 = vector.broadcast %max3A_820 : f32 to vector<16xf32>
        %max3A_822 = arith.maximumf %add3A_819, %max3A_821 : vector<16xf32>
        %add3A_823 = arith.constant 1 : i32
        %add3A_824 = arith.addi %mul3A_462, %add3A_823 : i32
        %swap3A_825 = arith.index_cast %add3A_824 : i32 to index
        %swap3A_826 = arith.constant 112 : index
        %swap3A_827 = tpu.vector_load %arg9[%swap3A_825, %swap3A_826] {strides = array<i32>} : memref<80x128xf32, #tpu.memory_space<vmem>>, vector<1x16xf32>,
        %swap3A_828 = vector.shape_cast %swap3A_827 : vector<1x16xf32> to vector<16xf32>
        %swap3A_829 = vector.shape_cast %max3A_822 : vector<16xf32> to vector<1x16xf32>
        tpu.vector_store %arg9[%swap3A_825, %swap3A_826], %swap3A_829 {strides = array<i32>} : memref<80x128xf32, #tpu.memory_space<vmem>>, vector<1x16xf32>,
        %add3A_830 = arith.constant 2 : i32
        %add3A_831 = arith.addi %mul3A_462, %add3A_830 : i32
        %get3A_832 = arith.index_cast %add3A_831 : i32 to index
        %get3A_833 = arith.constant 0 : index
        %get3A_834 = tpu.vector_load %arg9[%get3A_832, %get3A_833] {strides = array<i32>} : memref<80x128xf32, #tpu.memory_space<vmem>>, vector<1x16xf32>,
        %get3A_835 = vector.shape_cast %get3A_834 : vector<1x16xf32> to vector<16xf32>
        %add3A_836 = arith.constant 2 : i32
        %add3A_837 = arith.addi %mul3A_462, %add3A_836 : i32
        %get3A_838 = arith.index_cast %add3A_837 : i32 to index
        %get3A_839 = arith.constant 0 : index
        %get3A_840 = tpu.vector_load %arg10[%get3A_838, %get3A_839] {strides = array<i32>} : memref<80x128xf32, #tpu.memory_space<vmem>>, vector<1x16xf32>,
        %get3A_841 = vector.shape_cast %get3A_840 : vector<1x16xf32> to vector<16xf32>
        %add3A_842 = arith.addf %get3A_835, %get3A_841 : vector<16xf32>
        %max3A_843 = arith.constant 0.000000e+00 : f32
        %max3A_844 = vector.broadcast %max3A_843 : f32 to vector<16xf32>
        %max3A_845 = arith.maximumf %add3A_842, %max3A_844 : vector<16xf32>
        %add3A_846 = arith.constant 2 : i32
        %add3A_847 = arith.addi %mul3A_462, %add3A_846 : i32
        %swap3A_848 = arith.index_cast %add3A_847 : i32 to index
        %swap3A_849 = arith.constant 0 : index
        %swap3A_850 = tpu.vector_load %arg9[%swap3A_848, %swap3A_849] {strides = array<i32>} : memref<80x128xf32, #tpu.memory_space<vmem>>, vector<1x16xf32>,
        %swap3A_851 = vector.shape_cast %swap3A_850 : vector<1x16xf32> to vector<16xf32>
        %swap3A_852 = vector.shape_cast %max3A_845 : vector<16xf32> to vector<1x16xf32>
        tpu.vector_store %arg9[%swap3A_848, %swap3A_849], %swap3A_852 {strides = array<i32>} : memref<80x128xf32, #tpu.memory_space<vmem>>, vector<1x16xf32>,
        %add3A_853 = arith.constant 2 : i32
        %add3A_854 = arith.addi %mul3A_462, %add3A_853 : i32
        %get3A_855 = arith.index_cast %add3A_854 : i32 to index
        %get3A_856 = arith.constant 16 : index
        %get3A_857 = tpu.vector_load %arg9[%get3A_855, %get3A_856] {strides = array<i32>} : memref<80x128xf32, #tpu.memory_space<vmem>>, vector<1x16xf32>,
        %get3A_858 = vector.shape_cast %get3A_857 : vector<1x16xf32> to vector<16xf32>
        %add3A_859 = arith.constant 2 : i32
        %add3A_860 = arith.addi %mul3A_462, %add3A_859 : i32
        %get3A_861 = arith.index_cast %add3A_860 : i32 to index
        %get3A_862 = arith.constant 16 : index
        %get3A_863 = tpu.vector_load %arg10[%get3A_861, %get3A_862] {strides = array<i32>} : memref<80x128xf32, #tpu.memory_space<vmem>>, vector<1x16xf32>,
        %get3A_864 = vector.shape_cast %get3A_863 : vector<1x16xf32> to vector<16xf32>
        %add3A_865 = arith.addf %get3A_858, %get3A_864 : vector<16xf32>
        %max3A_866 = arith.constant 0.000000e+00 : f32
        %max3A_867 = vector.broadcast %max3A_866 : f32 to vector<16xf32>
        %max3A_868 = arith.maximumf %add3A_865, %max3A_867 : vector<16xf32>
        %add3A_869 = arith.constant 2 : i32
        %add3A_870 = arith.addi %mul3A_462, %add3A_869 : i32
        %swap3A_871 = arith.index_cast %add3A_870 : i32 to index
        %swap3A_872 = arith.constant 16 : index
        %swap3A_873 = tpu.vector_load %arg9[%swap3A_871, %swap3A_872] {strides = array<i32>} : memref<80x128xf32, #tpu.memory_space<vmem>>, vector<1x16xf32>,
        %swap3A_874 = vector.shape_cast %swap3A_873 : vector<1x16xf32> to vector<16xf32>
        %swap3A_875 = vector.shape_cast %max3A_868 : vector<16xf32> to vector<1x16xf32>
        tpu.vector_store %arg9[%swap3A_871, %swap3A_872], %swap3A_875 {strides = array<i32>} : memref<80x128xf32, #tpu.memory_space<vmem>>, vector<1x16xf32>,
        %add3A_876 = arith.constant 2 : i32
        %add3A_877 = arith.addi %mul3A_462, %add3A_876 : i32
        %get3A_878 = arith.index_cast %add3A_877 : i32 to index
        %get3A_879 = arith.constant 32 : index
        %get3A_880 = tpu.vector_load %arg9[%get3A_878, %get3A_879] {strides = array<i32>} : memref<80x128xf32, #tpu.memory_space<vmem>>, vector<1x16xf32>,
        %get3A_881 = vector.shape_cast %get3A_880 : vector<1x16xf32> to vector<16xf32>
        %add3A_882 = arith.constant 2 : i32
        %add3A_883 = arith.addi %mul3A_462, %add3A_882 : i32
        %get3A_884 = arith.index_cast %add3A_883 : i32 to index
        %get3A_885 = arith.constant 32 : index
        %get3A_886 = tpu.vector_load %arg10[%get3A_884, %get3A_885] {strides = array<i32>} : memref<80x128xf32, #tpu.memory_space<vmem>>, vector<1x16xf32>,
        %get3A_887 = vector.shape_cast %get3A_886 : vector<1x16xf32> to vector<16xf32>
        %add3A_888 = arith.addf %get3A_881, %get3A_887 : vector<16xf32>
        %max3A_889 = arith.constant 0.000000e+00 : f32
        %max3A_890 = vector.broadcast %max3A_889 : f32 to vector<16xf32>
        %max3A_891 = arith.maximumf %add3A_888, %max3A_890 : vector<16xf32>
        %add3A_892 = arith.constant 2 : i32
        %add3A_893 = arith.addi %mul3A_462, %add3A_892 : i32
        %swap3A_894 = arith.index_cast %add3A_893 : i32 to index
        %swap3A_895 = arith.constant 32 : index
        %swap3A_896 = tpu.vector_load %arg9[%swap3A_894, %swap3A_895] {strides = array<i32>} : memref<80x128xf32, #tpu.memory_space<vmem>>, vector<1x16xf32>,
        %swap3A_897 = vector.shape_cast %swap3A_896 : vector<1x16xf32> to vector<16xf32>
        %swap3A_898 = vector.shape_cast %max3A_891 : vector<16xf32> to vector<1x16xf32>
        tpu.vector_store %arg9[%swap3A_894, %swap3A_895], %swap3A_898 {strides = array<i32>} : memref<80x128xf32, #tpu.memory_space<vmem>>, vector<1x16xf32>,
        %add3A_899 = arith.constant 2 : i32
        %add3A_900 = arith.addi %mul3A_462, %add3A_899 : i32
        %get3A_901 = arith.index_cast %add3A_900 : i32 to index
        %get3A_902 = arith.constant 48 : index
        %get3A_903 = tpu.vector_load %arg9[%get3A_901, %get3A_902] {strides = array<i32>} : memref<80x128xf32, #tpu.memory_space<vmem>>, vector<1x16xf32>,
        %get3A_904 = vector.shape_cast %get3A_903 : vector<1x16xf32> to vector<16xf32>
        %add3A_905 = arith.constant 2 : i32
        %add3A_906 = arith.addi %mul3A_462, %add3A_905 : i32
        %get3A_907 = arith.index_cast %add3A_906 : i32 to index
        %get3A_908 = arith.constant 48 : index
        %get3A_909 = tpu.vector_load %arg10[%get3A_907, %get3A_908] {strides = array<i32>} : memref<80x128xf32, #tpu.memory_space<vmem>>, vector<1x16xf32>,
        %get3A_910 = vector.shape_cast %get3A_909 : vector<1x16xf32> to vector<16xf32>
        %add3A_911 = arith.addf %get3A_904, %get3A_910 : vector<16xf32>
        %max3A_912 = arith.constant 0.000000e+00 : f32
        %max3A_913 = vector.broadcast %max3A_912 : f32 to vector<16xf32>
        %max3A_914 = arith.maximumf %add3A_911, %max3A_913 : vector<16xf32>
        %add3A_915 = arith.constant 2 : i32
        %add3A_916 = arith.addi %mul3A_462, %add3A_915 : i32
        %swap3A_917 = arith.index_cast %add3A_916 : i32 to index
        %swap3A_918 = arith.constant 48 : index
        %swap3A_919 = tpu.vector_load %arg9[%swap3A_917, %swap3A_918] {strides = array<i32>} : memref<80x128xf32, #tpu.memory_space<vmem>>, vector<1x16xf32>,
        %swap3A_920 = vector.shape_cast %swap3A_919 : vector<1x16xf32> to vector<16xf32>
        %swap3A_921 = vector.shape_cast %max3A_914 : vector<16xf32> to vector<1x16xf32>
        tpu.vector_store %arg9[%swap3A_917, %swap3A_918], %swap3A_921 {strides = array<i32>} : memref<80x128xf32, #tpu.memory_space<vmem>>, vector<1x16xf32>,
        %add3A_922 = arith.constant 2 : i32
        %add3A_923 = arith.addi %mul3A_462, %add3A_922 : i32
        %get3A_924 = arith.index_cast %add3A_923 : i32 to index
        %get3A_925 = arith.constant 64 : index
        %get3A_926 = tpu.vector_load %arg9[%get3A_924, %get3A_925] {strides = array<i32>} : memref<80x128xf32, #tpu.memory_space<vmem>>, vector<1x16xf32>,
        %get3A_927 = vector.shape_cast %get3A_926 : vector<1x16xf32> to vector<16xf32>
        %add3A_928 = arith.constant 2 : i32
        %add3A_929 = arith.addi %mul3A_462, %add3A_928 : i32
        %get3A_930 = arith.index_cast %add3A_929 : i32 to index
        %get3A_931 = arith.constant 64 : index
        %get3A_932 = tpu.vector_load %arg10[%get3A_930, %get3A_931] {strides = array<i32>} : memref<80x128xf32, #tpu.memory_space<vmem>>, vector<1x16xf32>,
        %get3A_933 = vector.shape_cast %get3A_932 : vector<1x16xf32> to vector<16xf32>
        %add3A_934 = arith.addf %get3A_927, %get3A_933 : vector<16xf32>
        %max3A_935 = arith.constant 0.000000e+00 : f32
        %max3A_936 = vector.broadcast %max3A_935 : f32 to vector<16xf32>
        %max3A_937 = arith.maximumf %add3A_934, %max3A_936 : vector<16xf32>
        %add3A_938 = arith.constant 2 : i32
        %add3A_939 = arith.addi %mul3A_462, %add3A_938 : i32
        %swap3A_940 = arith.index_cast %add3A_939 : i32 to index
        %swap3A_941 = arith.constant 64 : index
        %swap3A_942 = tpu.vector_load %arg9[%swap3A_940, %swap3A_941] {strides = array<i32>} : memref<80x128xf32, #tpu.memory_space<vmem>>, vector<1x16xf32>,
        %swap3A_943 = vector.shape_cast %swap3A_942 : vector<1x16xf32> to vector<16xf32>
        %swap3A_944 = vector.shape_cast %max3A_937 : vector<16xf32> to vector<1x16xf32>
        tpu.vector_store %arg9[%swap3A_940, %swap3A_941], %swap3A_944 {strides = array<i32>} : memref<80x128xf32, #tpu.memory_space<vmem>>, vector<1x16xf32>,
        %add3A_945 = arith.constant 2 : i32
        %add3A_946 = arith.addi %mul3A_462, %add3A_945 : i32
        %get3A_947 = arith.index_cast %add3A_946 : i32 to index
        %get3A_948 = arith.constant 80 : index
        %get3A_949 = tpu.vector_load %arg9[%get3A_947, %get3A_948] {strides = array<i32>} : memref<80x128xf32, #tpu.memory_space<vmem>>, vector<1x16xf32>,
        %get3A_950 = vector.shape_cast %get3A_949 : vector<1x16xf32> to vector<16xf32>
        %add3A_951 = arith.constant 2 : i32
        %add3A_952 = arith.addi %mul3A_462, %add3A_951 : i32
        %get3A_953 = arith.index_cast %add3A_952 : i32 to index
        %get3A_954 = arith.constant 80 : index
        %get3A_955 = tpu.vector_load %arg10[%get3A_953, %get3A_954] {strides = array<i32>} : memref<80x128xf32, #tpu.memory_space<vmem>>, vector<1x16xf32>,
        %get3A_956 = vector.shape_cast %get3A_955 : vector<1x16xf32> to vector<16xf32>
        %add3A_957 = arith.addf %get3A_950, %get3A_956 : vector<16xf32>
        %max3A_958 = arith.constant 0.000000e+00 : f32
        %max3A_959 = vector.broadcast %max3A_958 : f32 to vector<16xf32>
        %max3A_960 = arith.maximumf %add3A_957, %max3A_959 : vector<16xf32>
        %add3A_961 = arith.constant 2 : i32
        %add3A_962 = arith.addi %mul3A_462, %add3A_961 : i32
        %swap3A_963 = arith.index_cast %add3A_962 : i32 to index
        %swap3A_964 = arith.constant 80 : index
        %swap3A_965 = tpu.vector_load %arg9[%swap3A_963, %swap3A_964] {strides = array<i32>} : memref<80x128xf32, #tpu.memory_space<vmem>>, vector<1x16xf32>,
        %swap3A_966 = vector.shape_cast %swap3A_965 : vector<1x16xf32> to vector<16xf32>
        %swap3A_967 = vector.shape_cast %max3A_960 : vector<16xf32> to vector<1x16xf32>
        tpu.vector_store %arg9[%swap3A_963, %swap3A_964], %swap3A_967 {strides = array<i32>} : memref<80x128xf32, #tpu.memory_space<vmem>>, vector<1x16xf32>,
        %add3A_968 = arith.constant 2 : i32
        %add3A_969 = arith.addi %mul3A_462, %add3A_968 : i32
        %get3A_970 = arith.index_cast %add3A_969 : i32 to index
        %get3A_971 = arith.constant 96 : index
        %get3A_972 = tpu.vector_load %arg9[%get3A_970, %get3A_971] {strides = array<i32>} : memref<80x128xf32, #tpu.memory_space<vmem>>, vector<1x16xf32>,
        %get3A_973 = vector.shape_cast %get3A_972 : vector<1x16xf32> to vector<16xf32>
        %add3A_974 = arith.constant 2 : i32
        %add3A_975 = arith.addi %mul3A_462, %add3A_974 : i32
        %get3A_976 = arith.index_cast %add3A_975 : i32 to index
        %get3A_977 = arith.constant 96 : index
        %get3A_978 = tpu.vector_load %arg10[%get3A_976, %get3A_977] {strides = array<i32>} : memref<80x128xf32, #tpu.memory_space<vmem>>, vector<1x16xf32>,
        %get3A_979 = vector.shape_cast %get3A_978 : vector<1x16xf32> to vector<16xf32>
        %add3A_980 = arith.addf %get3A_973, %get3A_979 : vector<16xf32>
        %max3A_981 = arith.constant 0.000000e+00 : f32
        %max3A_982 = vector.broadcast %max3A_981 : f32 to vector<16xf32>
        %max3A_983 = arith.maximumf %add3A_980, %max3A_982 : vector<16xf32>
        %add3A_984 = arith.constant 2 : i32
        %add3A_985 = arith.addi %mul3A_462, %add3A_984 : i32
        %swap3A_986 = arith.index_cast %add3A_985 : i32 to index
        %swap3A_987 = arith.constant 96 : index
        %swap3A_988 = tpu.vector_load %arg9[%swap3A_986, %swap3A_987] {strides = array<i32>} : memref<80x128xf32, #tpu.memory_space<vmem>>, vector<1x16xf32>,
        %swap3A_989 = vector.shape_cast %swap3A_988 : vector<1x16xf32> to vector<16xf32>
        %swap3A_990 = vector.shape_cast %max3A_983 : vector<16xf32> to vector<1x16xf32>
        tpu.vector_store %arg9[%swap3A_986, %swap3A_987], %swap3A_990 {strides = array<i32>} : memref<80x128xf32, #tpu.memory_space<vmem>>, vector<1x16xf32>,
        %add3A_991 = arith.constant 2 : i32
        %add3A_992 = arith.addi %mul3A_462, %add3A_991 : i32
        %get3A_993 = arith.index_cast %add3A_992 : i32 to index
        %get3A_994 = arith.constant 112 : index
        %get3A_995 = tpu.vector_load %arg9[%get3A_993, %get3A_994] {strides = array<i32>} : memref<80x128xf32, #tpu.memory_space<vmem>>, vector<1x16xf32>,
        %get3A_996 = vector.shape_cast %get3A_995 : vector<1x16xf32> to vector<16xf32>
        %add3A_997 = arith.constant 2 : i32
        %add3A_998 = arith.addi %mul3A_462, %add3A_997 : i32
        %get3A_999 = arith.index_cast %add3A_998 : i32 to index
        %get3A_1000 = arith.constant 112 : index
        %get3A_1001 = tpu.vector_load %arg10[%get3A_999, %get3A_1000] {strides = array<i32>} : memref<80x128xf32, #tpu.memory_space<vmem>>, vector<1x16xf32>,
        %get3A_1002 = vector.shape_cast %get3A_1001 : vector<1x16xf32> to vector<16xf32>
        %add3A_1003 = arith.addf %get3A_996, %get3A_1002 : vector<16xf32>
        %max3A_1004 = arith.constant 0.000000e+00 : f32
        %max3A_1005 = vector.broadcast %max3A_1004 : f32 to vector<16xf32>
        %max3A_1006 = arith.maximumf %add3A_1003, %max3A_1005 : vector<16xf32>
        %add3A_1007 = arith.constant 2 : i32
        %add3A_1008 = arith.addi %mul3A_462, %add3A_1007 : i32
        %swap3A_1009 = arith.index_cast %add3A_1008 : i32 to index
        %swap3A_1010 = arith.constant 112 : index
        %swap3A_1011 = tpu.vector_load %arg9[%swap3A_1009, %swap3A_1010] {strides = array<i32>} : memref<80x128xf32, #tpu.memory_space<vmem>>, vector<1x16xf32>,
        %swap3A_1012 = vector.shape_cast %swap3A_1011 : vector<1x16xf32> to vector<16xf32>
        %swap3A_1013 = vector.shape_cast %max3A_1006 : vector<16xf32> to vector<1x16xf32>
        tpu.vector_store %arg9[%swap3A_1009, %swap3A_1010], %swap3A_1013 {strides = array<i32>} : memref<80x128xf32, #tpu.memory_space<vmem>>, vector<1x16xf32>,
        %add3A_1014 = arith.constant 3 : i32
        %add3A_1015 = arith.addi %mul3A_462, %add3A_1014 : i32
        %get3A_1016 = arith.index_cast %add3A_1015 : i32 to index
        %get3A_1017 = arith.constant 0 : index
        %get3A_1018 = tpu.vector_load %arg9[%get3A_1016, %get3A_1017] {strides = array<i32>} : memref<80x128xf32, #tpu.memory_space<vmem>>, vector<1x16xf32>,
        %get3A_1019 = vector.shape_cast %get3A_1018 : vector<1x16xf32> to vector<16xf32>
        %add3A_1020 = arith.constant 3 : i32
        %add3A_1021 = arith.addi %mul3A_462, %add3A_1020 : i32
        %get3A_1022 = arith.index_cast %add3A_1021 : i32 to index
        %get3A_1023 = arith.constant 0 : index
        %get3A_1024 = tpu.vector_load %arg10[%get3A_1022, %get3A_1023] {strides = array<i32>} : memref<80x128xf32, #tpu.memory_space<vmem>>, vector<1x16xf32>,
        %get3A_1025 = vector.shape_cast %get3A_1024 : vector<1x16xf32> to vector<16xf32>
        %add3A_1026 = arith.addf %get3A_1019, %get3A_1025 : vector<16xf32>
        %max3A_1027 = arith.constant 0.000000e+00 : f32
        %max3A_1028 = vector.broadcast %max3A_1027 : f32 to vector<16xf32>
        %max3A_1029 = arith.maximumf %add3A_1026, %max3A_1028 : vector<16xf32>
        %add3A_1030 = arith.constant 3 : i32
        %add3A_1031 = arith.addi %mul3A_462, %add3A_1030 : i32
        %swap3A_1032 = arith.index_cast %add3A_1031 : i32 to index
        %swap3A_1033 = arith.constant 0 : index
        %swap3A_1034 = tpu.vector_load %arg9[%swap3A_1032, %swap3A_1033] {strides = array<i32>} : memref<80x128xf32, #tpu.memory_space<vmem>>, vector<1x16xf32>,
        %swap3A_1035 = vector.shape_cast %swap3A_1034 : vector<1x16xf32> to vector<16xf32>
        %swap3A_1036 = vector.shape_cast %max3A_1029 : vector<16xf32> to vector<1x16xf32>
        tpu.vector_store %arg9[%swap3A_1032, %swap3A_1033], %swap3A_1036 {strides = array<i32>} : memref<80x128xf32, #tpu.memory_space<vmem>>, vector<1x16xf32>,
        %add3A_1037 = arith.constant 3 : i32
        %add3A_1038 = arith.addi %mul3A_462, %add3A_1037 : i32
        %get3A_1039 = arith.index_cast %add3A_1038 : i32 to index
        %get3A_1040 = arith.constant 16 : index
        %get3A_1041 = tpu.vector_load %arg9[%get3A_1039, %get3A_1040] {strides = array<i32>} : memref<80x128xf32, #tpu.memory_space<vmem>>, vector<1x16xf32>,
        %get3A_1042 = vector.shape_cast %get3A_1041 : vector<1x16xf32> to vector<16xf32>
        %add3A_1043 = arith.constant 3 : i32
        %add3A_1044 = arith.addi %mul3A_462, %add3A_1043 : i32
        %get3A_1045 = arith.index_cast %add3A_1044 : i32 to index
        %get3A_1046 = arith.constant 16 : index
        %get3A_1047 = tpu.vector_load %arg10[%get3A_1045, %get3A_1046] {strides = array<i32>} : memref<80x128xf32, #tpu.memory_space<vmem>>, vector<1x16xf32>,
        %get3A_1048 = vector.shape_cast %get3A_1047 : vector<1x16xf32> to vector<16xf32>
        %add3A_1049 = arith.addf %get3A_1042, %get3A_1048 : vector<16xf32>
        %max3A_1050 = arith.constant 0.000000e+00 : f32
        %max3A_1051 = vector.broadcast %max3A_1050 : f32 to vector<16xf32>
        %max3A_1052 = arith.maximumf %add3A_1049, %max3A_1051 : vector<16xf32>
        %add3A_1053 = arith.constant 3 : i32
        %add3A_1054 = arith.addi %mul3A_462, %add3A_1053 : i32
        %swap3A_1055 = arith.index_cast %add3A_1054 : i32 to index
        %swap3A_1056 = arith.constant 16 : index
        %swap3A_1057 = tpu.vector_load %arg9[%swap3A_1055, %swap3A_1056] {strides = array<i32>} : memref<80x128xf32, #tpu.memory_space<vmem>>, vector<1x16xf32>,
        %swap3A_1058 = vector.shape_cast %swap3A_1057 : vector<1x16xf32> to vector<16xf32>
        %swap3A_1059 = vector.shape_cast %max3A_1052 : vector<16xf32> to vector<1x16xf32>
        tpu.vector_store %arg9[%swap3A_1055, %swap3A_1056], %swap3A_1059 {strides = array<i32>} : memref<80x128xf32, #tpu.memory_space<vmem>>, vector<1x16xf32>,
        %add3A_1060 = arith.constant 3 : i32
        %add3A_1061 = arith.addi %mul3A_462, %add3A_1060 : i32
        %get3A_1062 = arith.index_cast %add3A_1061 : i32 to index
        %get3A_1063 = arith.constant 32 : index
        %get3A_1064 = tpu.vector_load %arg9[%get3A_1062, %get3A_1063] {strides = array<i32>} : memref<80x128xf32, #tpu.memory_space<vmem>>, vector<1x16xf32>,
        %get3A_1065 = vector.shape_cast %get3A_1064 : vector<1x16xf32> to vector<16xf32>
        %add3A_1066 = arith.constant 3 : i32
        %add3A_1067 = arith.addi %mul3A_462, %add3A_1066 : i32
        %get3A_1068 = arith.index_cast %add3A_1067 : i32 to index
        %get3A_1069 = arith.constant 32 : index
        %get3A_1070 = tpu.vector_load %arg10[%get3A_1068, %get3A_1069] {strides = array<i32>} : memref<80x128xf32, #tpu.memory_space<vmem>>, vector<1x16xf32>,
        %get3A_1071 = vector.shape_cast %get3A_1070 : vector<1x16xf32> to vector<16xf32>
        %add3A_1072 = arith.addf %get3A_1065, %get3A_1071 : vector<16xf32>
        %max3A_1073 = arith.constant 0.000000e+00 : f32
        %max3A_1074 = vector.broadcast %max3A_1073 : f32 to vector<16xf32>
        %max3A_1075 = arith.maximumf %add3A_1072, %max3A_1074 : vector<16xf32>
        %add3A_1076 = arith.constant 3 : i32
        %add3A_1077 = arith.addi %mul3A_462, %add3A_1076 : i32
        %swap3A_1078 = arith.index_cast %add3A_1077 : i32 to index
        %swap3A_1079 = arith.constant 32 : index
        %swap3A_1080 = tpu.vector_load %arg9[%swap3A_1078, %swap3A_1079] {strides = array<i32>} : memref<80x128xf32, #tpu.memory_space<vmem>>, vector<1x16xf32>,
        %swap3A_1081 = vector.shape_cast %swap3A_1080 : vector<1x16xf32> to vector<16xf32>
        %swap3A_1082 = vector.shape_cast %max3A_1075 : vector<16xf32> to vector<1x16xf32>
        tpu.vector_store %arg9[%swap3A_1078, %swap3A_1079], %swap3A_1082 {strides = array<i32>} : memref<80x128xf32, #tpu.memory_space<vmem>>, vector<1x16xf32>,
        %add3A_1083 = arith.constant 3 : i32
        %add3A_1084 = arith.addi %mul3A_462, %add3A_1083 : i32
        %get3A_1085 = arith.index_cast %add3A_1084 : i32 to index
        %get3A_1086 = arith.constant 48 : index
        %get3A_1087 = tpu.vector_load %arg9[%get3A_1085, %get3A_1086] {strides = array<i32>} : memref<80x128xf32, #tpu.memory_space<vmem>>, vector<1x16xf32>,
        %get3A_1088 = vector.shape_cast %get3A_1087 : vector<1x16xf32> to vector<16xf32>
        %add3A_1089 = arith.constant 3 : i32
        %add3A_1090 = arith.addi %mul3A_462, %add3A_1089 : i32
        %get3A_1091 = arith.index_cast %add3A_1090 : i32 to index
        %get3A_1092 = arith.constant 48 : index
        %get3A_1093 = tpu.vector_load %arg10[%get3A_1091, %get3A_1092] {strides = array<i32>} : memref<80x128xf32, #tpu.memory_space<vmem>>, vector<1x16xf32>,
        %get3A_1094 = vector.shape_cast %get3A_1093 : vector<1x16xf32> to vector<16xf32>
        %add3A_1095 = arith.addf %get3A_1088, %get3A_1094 : vector<16xf32>
        %max3A_1096 = arith.constant 0.000000e+00 : f32
        %max3A_1097 = vector.broadcast %max3A_1096 : f32 to vector<16xf32>
        %max3A_1098 = arith.maximumf %add3A_1095, %max3A_1097 : vector<16xf32>
        %add3A_1099 = arith.constant 3 : i32
        %add3A_1100 = arith.addi %mul3A_462, %add3A_1099 : i32
        %swap3A_1101 = arith.index_cast %add3A_1100 : i32 to index
        %swap3A_1102 = arith.constant 48 : index
        %swap3A_1103 = tpu.vector_load %arg9[%swap3A_1101, %swap3A_1102] {strides = array<i32>} : memref<80x128xf32, #tpu.memory_space<vmem>>, vector<1x16xf32>,
        %swap3A_1104 = vector.shape_cast %swap3A_1103 : vector<1x16xf32> to vector<16xf32>
        %swap3A_1105 = vector.shape_cast %max3A_1098 : vector<16xf32> to vector<1x16xf32>
        tpu.vector_store %arg9[%swap3A_1101, %swap3A_1102], %swap3A_1105 {strides = array<i32>} : memref<80x128xf32, #tpu.memory_space<vmem>>, vector<1x16xf32>,
        %add3A_1106 = arith.constant 3 : i32
        %add3A_1107 = arith.addi %mul3A_462, %add3A_1106 : i32
        %get3A_1108 = arith.index_cast %add3A_1107 : i32 to index
        %get3A_1109 = arith.constant 64 : index
        %get3A_1110 = tpu.vector_load %arg9[%get3A_1108, %get3A_1109] {strides = array<i32>} : memref<80x128xf32, #tpu.memory_space<vmem>>, vector<1x16xf32>,
        %get3A_1111 = vector.shape_cast %get3A_1110 : vector<1x16xf32> to vector<16xf32>
        %add3A_1112 = arith.constant 3 : i32
        %add3A_1113 = arith.addi %mul3A_462, %add3A_1112 : i32
        %get3A_1114 = arith.index_cast %add3A_1113 : i32 to index
        %get3A_1115 = arith.constant 64 : index
        %get3A_1116 = tpu.vector_load %arg10[%get3A_1114, %get3A_1115] {strides = array<i32>} : memref<80x128xf32, #tpu.memory_space<vmem>>, vector<1x16xf32>,
        %get3A_1117 = vector.shape_cast %get3A_1116 : vector<1x16xf32> to vector<16xf32>
        %add3A_1118 = arith.addf %get3A_1111, %get3A_1117 : vector<16xf32>
        %max3A_1119 = arith.constant 0.000000e+00 : f32
        %max3A_1120 = vector.broadcast %max3A_1119 : f32 to vector<16xf32>
        %max3A_1121 = arith.maximumf %add3A_1118, %max3A_1120 : vector<16xf32>
        %add3A_1122 = arith.constant 3 : i32
        %add3A_1123 = arith.addi %mul3A_462, %add3A_1122 : i32
        %swap3A_1124 = arith.index_cast %add3A_1123 : i32 to index
        %swap3A_1125 = arith.constant 64 : index
        %swap3A_1126 = tpu.vector_load %arg9[%swap3A_1124, %swap3A_1125] {strides = array<i32>} : memref<80x128xf32, #tpu.memory_space<vmem>>, vector<1x16xf32>,
        %swap3A_1127 = vector.shape_cast %swap3A_1126 : vector<1x16xf32> to vector<16xf32>
        %swap3A_1128 = vector.shape_cast %max3A_1121 : vector<16xf32> to vector<1x16xf32>
        tpu.vector_store %arg9[%swap3A_1124, %swap3A_1125], %swap3A_1128 {strides = array<i32>} : memref<80x128xf32, #tpu.memory_space<vmem>>, vector<1x16xf32>,
        %add3A_1129 = arith.constant 3 : i32
        %add3A_1130 = arith.addi %mul3A_462, %add3A_1129 : i32
        %get3A_1131 = arith.index_cast %add3A_1130 : i32 to index
        %get3A_1132 = arith.constant 80 : index
        %get3A_1133 = tpu.vector_load %arg9[%get3A_1131, %get3A_1132] {strides = array<i32>} : memref<80x128xf32, #tpu.memory_space<vmem>>, vector<1x16xf32>,
        %get3A_1134 = vector.shape_cast %get3A_1133 : vector<1x16xf32> to vector<16xf32>
        %add3A_1135 = arith.constant 3 : i32
        %add3A_1136 = arith.addi %mul3A_462, %add3A_1135 : i32
        %get3A_1137 = arith.index_cast %add3A_1136 : i32 to index
        %get3A_1138 = arith.constant 80 : index
        %get3A_1139 = tpu.vector_load %arg10[%get3A_1137, %get3A_1138] {strides = array<i32>} : memref<80x128xf32, #tpu.memory_space<vmem>>, vector<1x16xf32>,
        %get3A_1140 = vector.shape_cast %get3A_1139 : vector<1x16xf32> to vector<16xf32>
        %add3A_1141 = arith.addf %get3A_1134, %get3A_1140 : vector<16xf32>
        %max3A_1142 = arith.constant 0.000000e+00 : f32
        %max3A_1143 = vector.broadcast %max3A_1142 : f32 to vector<16xf32>
        %max3A_1144 = arith.maximumf %add3A_1141, %max3A_1143 : vector<16xf32>
        %add3A_1145 = arith.constant 3 : i32
        %add3A_1146 = arith.addi %mul3A_462, %add3A_1145 : i32
        %swap3A_1147 = arith.index_cast %add3A_1146 : i32 to index
        %swap3A_1148 = arith.constant 80 : index
        %swap3A_1149 = tpu.vector_load %arg9[%swap3A_1147, %swap3A_1148] {strides = array<i32>} : memref<80x128xf32, #tpu.memory_space<vmem>>, vector<1x16xf32>,
        %swap3A_1150 = vector.shape_cast %swap3A_1149 : vector<1x16xf32> to vector<16xf32>
        %swap3A_1151 = vector.shape_cast %max3A_1144 : vector<16xf32> to vector<1x16xf32>
        tpu.vector_store %arg9[%swap3A_1147, %swap3A_1148], %swap3A_1151 {strides = array<i32>} : memref<80x128xf32, #tpu.memory_space<vmem>>, vector<1x16xf32>,
        %add3A_1152 = arith.constant 3 : i32
        %add3A_1153 = arith.addi %mul3A_462, %add3A_1152 : i32
        %get3A_1154 = arith.index_cast %add3A_1153 : i32 to index
        %get3A_1155 = arith.constant 96 : index
        %get3A_1156 = tpu.vector_load %arg9[%get3A_1154, %get3A_1155] {strides = array<i32>} : memref<80x128xf32, #tpu.memory_space<vmem>>, vector<1x16xf32>,
        %get3A_1157 = vector.shape_cast %get3A_1156 : vector<1x16xf32> to vector<16xf32>
        %add3A_1158 = arith.constant 3 : i32
        %add3A_1159 = arith.addi %mul3A_462, %add3A_1158 : i32
        %get3A_1160 = arith.index_cast %add3A_1159 : i32 to index
        %get3A_1161 = arith.constant 96 : index
        %get3A_1162 = tpu.vector_load %arg10[%get3A_1160, %get3A_1161] {strides = array<i32>} : memref<80x128xf32, #tpu.memory_space<vmem>>, vector<1x16xf32>,
        %get3A_1163 = vector.shape_cast %get3A_1162 : vector<1x16xf32> to vector<16xf32>
        %add3A_1164 = arith.addf %get3A_1157, %get3A_1163 : vector<16xf32>
        %max3A_1165 = arith.constant 0.000000e+00 : f32
        %max3A_1166 = vector.broadcast %max3A_1165 : f32 to vector<16xf32>
        %max3A_1167 = arith.maximumf %add3A_1164, %max3A_1166 : vector<16xf32>
        %add3A_1168 = arith.constant 3 : i32
        %add3A_1169 = arith.addi %mul3A_462, %add3A_1168 : i32
        %swap3A_1170 = arith.index_cast %add3A_1169 : i32 to index
        %swap3A_1171 = arith.constant 96 : index
        %swap3A_1172 = tpu.vector_load %arg9[%swap3A_1170, %swap3A_1171] {strides = array<i32>} : memref<80x128xf32, #tpu.memory_space<vmem>>, vector<1x16xf32>,
        %swap3A_1173 = vector.shape_cast %swap3A_1172 : vector<1x16xf32> to vector<16xf32>
        %swap3A_1174 = vector.shape_cast %max3A_1167 : vector<16xf32> to vector<1x16xf32>
        tpu.vector_store %arg9[%swap3A_1170, %swap3A_1171], %swap3A_1174 {strides = array<i32>} : memref<80x128xf32, #tpu.memory_space<vmem>>, vector<1x16xf32>,
        %add3A_1175 = arith.constant 3 : i32
        %add3A_1176 = arith.addi %mul3A_462, %add3A_1175 : i32
        %get3A_1177 = arith.index_cast %add3A_1176 : i32 to index
        %get3A_1178 = arith.constant 112 : index
        %get3A_1179 = tpu.vector_load %arg9[%get3A_1177, %get3A_1178] {strides = array<i32>} : memref<80x128xf32, #tpu.memory_space<vmem>>, vector<1x16xf32>,
        %get3A_1180 = vector.shape_cast %get3A_1179 : vector<1x16xf32> to vector<16xf32>
        %add3A_1181 = arith.constant 3 : i32
        %add3A_1182 = arith.addi %mul3A_462, %add3A_1181 : i32
        %get3A_1183 = arith.index_cast %add3A_1182 : i32 to index
        %get3A_1184 = arith.constant 112 : index
        %get3A_1185 = tpu.vector_load %arg10[%get3A_1183, %get3A_1184] {strides = array<i32>} : memref<80x128xf32, #tpu.memory_space<vmem>>, vector<1x16xf32>,
        %get3A_1186 = vector.shape_cast %get3A_1185 : vector<1x16xf32> to vector<16xf32>
        %add3A_1187 = arith.addf %get3A_1180, %get3A_1186 : vector<16xf32>
        %max3A_1188 = arith.constant 0.000000e+00 : f32
        %max3A_1189 = vector.broadcast %max3A_1188 : f32 to vector<16xf32>
        %max3A_1190 = arith.maximumf %add3A_1187, %max3A_1189 : vector<16xf32>
        %add3A_1191 = arith.constant 3 : i32
        %add3A_1192 = arith.addi %mul3A_462, %add3A_1191 : i32
        %swap3A_1193 = arith.index_cast %add3A_1192 : i32 to index
        %swap3A_1194 = arith.constant 112 : index
        %swap3A_1195 = tpu.vector_load %arg9[%swap3A_1193, %swap3A_1194] {strides = array<i32>} : memref<80x128xf32, #tpu.memory_space<vmem>>, vector<1x16xf32>,
        %swap3A_1196 = vector.shape_cast %swap3A_1195 : vector<1x16xf32> to vector<16xf32>
        %swap3A_1197 = vector.shape_cast %max3A_1190 : vector<16xf32> to vector<1x16xf32>
        tpu.vector_store %arg9[%swap3A_1193, %swap3A_1194], %swap3A_1197 {strides = array<i32>} : memref<80x128xf32, #tpu.memory_space<vmem>>, vector<1x16xf32>,
      }
      %scan3A_458 = arith.constant 20 : i32
      %run_scoped3A_459 = arith.constant 5 : i32
      "tpu.region"() ({
        %run_scoped3A_460 = tpu.sem_alloc : memref<!tpu.dma_semaphore, #tpu.memory_space<semaphore_mem>>
        %dma_start3A_461 = arith.constant 0 : i32
        %dma_start3A_462 = tpu.memref_slice %arg6[%run_scoped3A_459, %dma_start3A_461] : memref<6x80xi32, #tpu.memory_space<vmem>> -> memref<1x80xi32, #tpu.memory_space<vmem>>
        %dma_start3A_463 = tpu.memref_squeeze %dma_start3A_462 : memref<1x80xi32, #tpu.memory_space<vmem>> -> memref<80xi32, #tpu.memory_space<vmem>>
        %dma_start3A_464 = arith.constant 0 : i32
        %dma_start3A_465 = arith.constant 0 : i32
        %dma_start3A_466 = tpu.memref_slice %arg11[%dma_start3A_464, %dma_start3A_465] : memref<10000x128xf32, #tpu.memory_space<vmem_shared>> -> memref<10000x128xf32, #tpu.memory_space<vmem_shared>>
        tpu.enqueue_indirect_dma source(%arg9 : memref<80x128xf32, #tpu.memory_space<vmem>>) target(%dma_start3A_466 : memref<10000x128xf32, #tpu.memory_space<vmem_shared>>) offsets(%dma_start3A_463 : memref<80xi32, #tpu.memory_space<vmem>>) semaphore(%run_scoped3A_460 : memref<!tpu.dma_semaphore, #tpu.memory_space<semaphore_mem>>) {add = true}
        %dma_wait3A_467 = arith.constant 0 : i32
        %dma_wait3A_468 = tpu.memref_slice %arg6[%run_scoped3A_459, %dma_wait3A_467] : memref<6x80xi32, #tpu.memory_space<vmem>> -> memref<1x80xi32, #tpu.memory_space<vmem>>
        %dma_wait3A_469 = tpu.memref_squeeze %dma_wait3A_468 : memref<1x80xi32, #tpu.memory_space<vmem>> -> memref<80xi32, #tpu.memory_space<vmem>>
        %dma_wait3A_470 = arith.constant 0 : i32
        %dma_wait3A_471 = arith.constant 0 : i32
        %dma_wait3A_472 = tpu.memref_slice %arg11[%dma_wait3A_470, %dma_wait3A_471] : memref<10000x128xf32, #tpu.memory_space<vmem_shared>> -> memref<10000x128xf32, #tpu.memory_space<vmem_shared>>
        tpu.wait_indirect_dma semaphore(%run_scoped3A_460 : memref<!tpu.dma_semaphore, #tpu.memory_space<semaphore_mem>>) src(%arg9 : memref<80x128xf32, #tpu.memory_space<vmem>>) dst(%dma_wait3A_472 : memref<10000x128xf32, #tpu.memory_space<vmem_shared>>)
        tpu.yield
      }) : () -> ()
    }
    %scan3A_107 = arith.constant 62 : i32
    %dma_wait3A_108 = arith.constant 0 : i32
    %dma_wait3A_109 = arith.constant 0 : i32
    %dma_wait3A_110 = tpu.memref_slice %arg6[%dma_wait3A_108, %dma_wait3A_109] : memref<6x80xi32, #tpu.memory_space<vmem>> -> memref<1x80xi32, #tpu.memory_space<vmem>>
    %dma_wait3A_111 = tpu.memref_squeeze %dma_wait3A_110 : memref<1x80xi32, #tpu.memory_space<vmem>> -> memref<80xi32, #tpu.memory_space<vmem>>
    %dma_wait3A_112 = arith.constant 0 : i32
    %dma_wait3A_113 = arith.constant 0 : i32
    %dma_wait3A_114 = tpu.memref_slice %arg2[%dma_wait3A_112, %dma_wait3A_113] : memref<10000x128xf32, #tpu.memory_space<hbm>> -> memref<10000x128xf32, #tpu.memory_space<hbm>>
    tpu.wait_indirect_dma semaphore(%arg12 : memref<!tpu.dma_semaphore, #tpu.memory_space<semaphore_mem>>) src(%dma_wait3A_114 : memref<10000x128xf32, #tpu.memory_space<hbm>>) dst(%arg7 : memref<80x128xf32, #tpu.memory_space<vmem>>)
    %dma_wait3A_115 = arith.constant 2 : i32
    %dma_wait3A_116 = arith.constant 0 : i32
    %dma_wait3A_117 = tpu.memref_slice %arg6[%dma_wait3A_115, %dma_wait3A_116] : memref<6x80xi32, #tpu.memory_space<vmem>> -> memref<1x80xi32, #tpu.memory_space<vmem>>
    %dma_wait3A_118 = tpu.memref_squeeze %dma_wait3A_117 : memref<1x80xi32, #tpu.memory_space<vmem>> -> memref<80xi32, #tpu.memory_space<vmem>>
    %dma_wait3A_119 = arith.constant 0 : i32
    %dma_wait3A_120 = arith.constant 0 : i32
    %dma_wait3A_121 = tpu.memref_slice %arg3[%dma_wait3A_119, %dma_wait3A_120] : memref<10000x128xf32, #tpu.memory_space<hbm>> -> memref<10000x128xf32, #tpu.memory_space<hbm>>
    tpu.wait_indirect_dma semaphore(%arg14 : memref<!tpu.dma_semaphore, #tpu.memory_space<semaphore_mem>>) src(%dma_wait3A_121 : memref<10000x128xf32, #tpu.memory_space<hbm>>) dst(%arg8 : memref<80x128xf32, #tpu.memory_space<vmem>>)
    %get3A = arith.constant 2 : i32
    %get3A_122 = arith.index_cast %get3A : i32 to index
    %get3A_123 = arith.constant 0 : index
    %get3A_124 = tpu.vector_load %arg6[%get3A_122, %get3A_123] {strides = array<i32>} : memref<6x80xi32, #tpu.memory_space<vmem>>, vector<1x16xi32>,
    %get3A_125 = vector.shape_cast %get3A_124 : vector<1x16xi32> to vector<16xi32>
    %swap3A = arith.constant 4 : i32
    %swap3A_126 = arith.index_cast %swap3A : i32 to index
    %swap3A_127 = arith.constant 0 : index
    %swap3A_128 = tpu.vector_load %arg6[%swap3A_126, %swap3A_127] {strides = array<i32>} : memref<6x80xi32, #tpu.memory_space<vmem>>, vector<1x16xi32>,
    %swap3A_129 = vector.shape_cast %swap3A_128 : vector<1x16xi32> to vector<16xi32>
    %swap3A_130 = vector.shape_cast %get3A_125 : vector<16xi32> to vector<1x16xi32>
    tpu.vector_store %arg6[%swap3A_126, %swap3A_127], %swap3A_130 {strides = array<i32>} : memref<6x80xi32, #tpu.memory_space<vmem>>, vector<1x16xi32>,
    %get3A_131 = arith.constant 2 : i32
    %get3A_132 = arith.index_cast %get3A_131 : i32 to index
    %get3A_133 = arith.constant 16 : index
    %get3A_134 = tpu.vector_load %arg6[%get3A_132, %get3A_133] {strides = array<i32>} : memref<6x80xi32, #tpu.memory_space<vmem>>, vector<1x16xi32>,
    %get3A_135 = vector.shape_cast %get3A_134 : vector<1x16xi32> to vector<16xi32>
    %swap3A_136 = arith.constant 4 : i32
    %swap3A_137 = arith.index_cast %swap3A_136 : i32 to index
    %swap3A_138 = arith.constant 16 : index
    %swap3A_139 = tpu.vector_load %arg6[%swap3A_137, %swap3A_138] {strides = array<i32>} : memref<6x80xi32, #tpu.memory_space<vmem>>, vector<1x16xi32>,
    %swap3A_140 = vector.shape_cast %swap3A_139 : vector<1x16xi32> to vector<16xi32>
    %swap3A_141 = vector.shape_cast %get3A_135 : vector<16xi32> to vector<1x16xi32>
    tpu.vector_store %arg6[%swap3A_137, %swap3A_138], %swap3A_141 {strides = array<i32>} : memref<6x80xi32, #tpu.memory_space<vmem>>, vector<1x16xi32>,
    %get3A_142 = arith.constant 2 : i32
    %get3A_143 = arith.index_cast %get3A_142 : i32 to index
    %get3A_144 = arith.constant 32 : index
    %get3A_145 = tpu.vector_load %arg6[%get3A_143, %get3A_144] {strides = array<i32>} : memref<6x80xi32, #tpu.memory_space<vmem>>, vector<1x16xi32>,
    %get3A_146 = vector.shape_cast %get3A_145 : vector<1x16xi32> to vector<16xi32>
    %swap3A_147 = arith.constant 4 : i32
    %swap3A_148 = arith.index_cast %swap3A_147 : i32 to index
    %swap3A_149 = arith.constant 32 : index
    %swap3A_150 = tpu.vector_load %arg6[%swap3A_148, %swap3A_149] {strides = array<i32>} : memref<6x80xi32, #tpu.memory_space<vmem>>, vector<1x16xi32>,
    %swap3A_151 = vector.shape_cast %swap3A_150 : vector<1x16xi32> to vector<16xi32>
    %swap3A_152 = vector.shape_cast %get3A_146 : vector<16xi32> to vector<1x16xi32>
    tpu.vector_store %arg6[%swap3A_148, %swap3A_149], %swap3A_152 {strides = array<i32>} : memref<6x80xi32, #tpu.memory_space<vmem>>, vector<1x16xi32>,
    %get3A_153 = arith.constant 2 : i32
    %get3A_154 = arith.index_cast %get3A_153 : i32 to index
    %get3A_155 = arith.constant 48 : index
    %get3A_156 = tpu.vector_load %arg6[%get3A_154, %get3A_155] {strides = array<i32>} : memref<6x80xi32, #tpu.memory_space<vmem>>, vector<1x16xi32>,
    %get3A_157 = vector.shape_cast %get3A_156 : vector<1x16xi32> to vector<16xi32>
    %swap3A_158 = arith.constant 4 : i32
    %swap3A_159 = arith.index_cast %swap3A_158 : i32 to index
    %swap3A_160 = arith.constant 48 : index
    %swap3A_161 = tpu.vector_load %arg6[%swap3A_159, %swap3A_160] {strides = array<i32>} : memref<6x80xi32, #tpu.memory_space<vmem>>, vector<1x16xi32>,
    %swap3A_162 = vector.shape_cast %swap3A_161 : vector<1x16xi32> to vector<16xi32>
    %swap3A_163 = vector.shape_cast %get3A_157 : vector<16xi32> to vector<1x16xi32>
    tpu.vector_store %arg6[%swap3A_159, %swap3A_160], %swap3A_163 {strides = array<i32>} : memref<6x80xi32, #tpu.memory_space<vmem>>, vector<1x16xi32>,
    %get3A_164 = arith.constant 2 : i32
    %get3A_165 = arith.index_cast %get3A_164 : i32 to index
    %get3A_166 = arith.constant 64 : index
    %get3A_167 = tpu.vector_load %arg6[%get3A_165, %get3A_166] {strides = array<i32>} : memref<6x80xi32, #tpu.memory_space<vmem>>, vector<1x16xi32>,
    %get3A_168 = vector.shape_cast %get3A_167 : vector<1x16xi32> to vector<16xi32>
    %swap3A_169 = arith.constant 4 : i32
    %swap3A_170 = arith.index_cast %swap3A_169 : i32 to index
    %swap3A_171 = arith.constant 64 : index
    %swap3A_172 = tpu.vector_load %arg6[%swap3A_170, %swap3A_171] {strides = array<i32>} : memref<6x80xi32, #tpu.memory_space<vmem>>, vector<1x16xi32>,
    %swap3A_173 = vector.shape_cast %swap3A_172 : vector<1x16xi32> to vector<16xi32>
    %swap3A_174 = vector.shape_cast %get3A_168 : vector<16xi32> to vector<1x16xi32>
    tpu.vector_store %arg6[%swap3A_170, %swap3A_171], %swap3A_174 {strides = array<i32>} : memref<6x80xi32, #tpu.memory_space<vmem>>, vector<1x16xi32>,
    %scan3A_175 = arith.constant 0 : i32
    %scan3A_176 = arith.constant 0 : i32
    %scan3A_177 = arith.constant 20 : i32
    %scan3A_178 = arith.addi %scan3A_176, %scan3A_177 : i32
    %scan3A_179 = arith.constant 1 : i32
    scf.for %scan3A_189 = %scan3A_176 to %scan3A_178 step %scan3A_179  : i32 {
      %mul3A_190 = arith.constant 4 : i32
      %mul3A_191 = arith.muli %mul3A_190, %scan3A_189 : i32
      %add3A_192 = arith.constant 0 : i32
      %add3A_193 = arith.addi %mul3A_191, %add3A_192 : i32
      %get3A_194 = arith.index_cast %add3A_193 : i32 to index
      %get3A_195 = arith.constant 0 : index
      %get3A_196 = tpu.vector_load %arg7[%get3A_194, %get3A_195] {strides = array<i32>} : memref<80x128xf32, #tpu.memory_space<vmem>>, vector<1x16xf32>,
      %get3A_197 = vector.shape_cast %get3A_196 : vector<1x16xf32> to vector<16xf32>
      %add3A_198 = arith.constant 0 : i32
      %add3A_199 = arith.addi %mul3A_191, %add3A_198 : i32
      %get3A_200 = arith.index_cast %add3A_199 : i32 to index
      %get3A_201 = arith.constant 0 : index
      %get3A_202 = tpu.vector_load %arg8[%get3A_200, %get3A_201] {strides = array<i32>} : memref<80x128xf32, #tpu.memory_space<vmem>>, vector<1x16xf32>,
      %get3A_203 = vector.shape_cast %get3A_202 : vector<1x16xf32> to vector<16xf32>
      %add3A_204 = arith.addf %get3A_197, %get3A_203 : vector<16xf32>
      %max3A = arith.constant 0.000000e+00 : f32
      %max3A_205 = vector.broadcast %max3A : f32 to vector<16xf32>
      %max3A_206 = arith.maximumf %add3A_204, %max3A_205 : vector<16xf32>
      %add3A_207 = arith.constant 0 : i32
      %add3A_208 = arith.addi %mul3A_191, %add3A_207 : i32
      %swap3A_209 = arith.index_cast %add3A_208 : i32 to index
      %swap3A_210 = arith.constant 0 : index
      %swap3A_211 = tpu.vector_load %arg7[%swap3A_209, %swap3A_210] {strides = array<i32>} : memref<80x128xf32, #tpu.memory_space<vmem>>, vector<1x16xf32>,
      %swap3A_212 = vector.shape_cast %swap3A_211 : vector<1x16xf32> to vector<16xf32>
      %swap3A_213 = vector.shape_cast %max3A_206 : vector<16xf32> to vector<1x16xf32>
      tpu.vector_store %arg7[%swap3A_209, %swap3A_210], %swap3A_213 {strides = array<i32>} : memref<80x128xf32, #tpu.memory_space<vmem>>, vector<1x16xf32>,
      %add3A_214 = arith.constant 0 : i32
      %add3A_215 = arith.addi %mul3A_191, %add3A_214 : i32
      %get3A_216 = arith.index_cast %add3A_215 : i32 to index
      %get3A_217 = arith.constant 16 : index
      %get3A_218 = tpu.vector_load %arg7[%get3A_216, %get3A_217] {strides = array<i32>} : memref<80x128xf32, #tpu.memory_space<vmem>>, vector<1x16xf32>,
      %get3A_219 = vector.shape_cast %get3A_218 : vector<1x16xf32> to vector<16xf32>
      %add3A_220 = arith.constant 0 : i32
      %add3A_221 = arith.addi %mul3A_191, %add3A_220 : i32
      %get3A_222 = arith.index_cast %add3A_221 : i32 to index
      %get3A_223 = arith.constant 16 : index
      %get3A_224 = tpu.vector_load %arg8[%get3A_222, %get3A_223] {strides = array<i32>} : memref<80x128xf32, #tpu.memory_space<vmem>>, vector<1x16xf32>,
      %get3A_225 = vector.shape_cast %get3A_224 : vector<1x16xf32> to vector<16xf32>
      %add3A_226 = arith.addf %get3A_219, %get3A_225 : vector<16xf32>
      %max3A_227 = arith.constant 0.000000e+00 : f32
      %max3A_228 = vector.broadcast %max3A_227 : f32 to vector<16xf32>
      %max3A_229 = arith.maximumf %add3A_226, %max3A_228 : vector<16xf32>
      %add3A_230 = arith.constant 0 : i32
      %add3A_231 = arith.addi %mul3A_191, %add3A_230 : i32
      %swap3A_232 = arith.index_cast %add3A_231 : i32 to index
      %swap3A_233 = arith.constant 16 : index
      %swap3A_234 = tpu.vector_load %arg7[%swap3A_232, %swap3A_233] {strides = array<i32>} : memref<80x128xf32, #tpu.memory_space<vmem>>, vector<1x16xf32>,
      %swap3A_235 = vector.shape_cast %swap3A_234 : vector<1x16xf32> to vector<16xf32>
      %swap3A_236 = vector.shape_cast %max3A_229 : vector<16xf32> to vector<1x16xf32>
      tpu.vector_store %arg7[%swap3A_232, %swap3A_233], %swap3A_236 {strides = array<i32>} : memref<80x128xf32, #tpu.memory_space<vmem>>, vector<1x16xf32>,
      %add3A_237 = arith.constant 0 : i32
      %add3A_238 = arith.addi %mul3A_191, %add3A_237 : i32
      %get3A_239 = arith.index_cast %add3A_238 : i32 to index
      %get3A_240 = arith.constant 32 : index
      %get3A_241 = tpu.vector_load %arg7[%get3A_239, %get3A_240] {strides = array<i32>} : memref<80x128xf32, #tpu.memory_space<vmem>>, vector<1x16xf32>,
      %get3A_242 = vector.shape_cast %get3A_241 : vector<1x16xf32> to vector<16xf32>
      %add3A_243 = arith.constant 0 : i32
      %add3A_244 = arith.addi %mul3A_191, %add3A_243 : i32
      %get3A_245 = arith.index_cast %add3A_244 : i32 to index
      %get3A_246 = arith.constant 32 : index
      %get3A_247 = tpu.vector_load %arg8[%get3A_245, %get3A_246] {strides = array<i32>} : memref<80x128xf32, #tpu.memory_space<vmem>>, vector<1x16xf32>,
      %get3A_248 = vector.shape_cast %get3A_247 : vector<1x16xf32> to vector<16xf32>
      %add3A_249 = arith.addf %get3A_242, %get3A_248 : vector<16xf32>
      %max3A_250 = arith.constant 0.000000e+00 : f32
      %max3A_251 = vector.broadcast %max3A_250 : f32 to vector<16xf32>
      %max3A_252 = arith.maximumf %add3A_249, %max3A_251 : vector<16xf32>
      %add3A_253 = arith.constant 0 : i32
      %add3A_254 = arith.addi %mul3A_191, %add3A_253 : i32
      %swap3A_255 = arith.index_cast %add3A_254 : i32 to index
      %swap3A_256 = arith.constant 32 : index
      %swap3A_257 = tpu.vector_load %arg7[%swap3A_255, %swap3A_256] {strides = array<i32>} : memref<80x128xf32, #tpu.memory_space<vmem>>, vector<1x16xf32>,
      %swap3A_258 = vector.shape_cast %swap3A_257 : vector<1x16xf32> to vector<16xf32>
      %swap3A_259 = vector.shape_cast %max3A_252 : vector<16xf32> to vector<1x16xf32>
      tpu.vector_store %arg7[%swap3A_255, %swap3A_256], %swap3A_259 {strides = array<i32>} : memref<80x128xf32, #tpu.memory_space<vmem>>, vector<1x16xf32>,
      %add3A_260 = arith.constant 0 : i32
      %add3A_261 = arith.addi %mul3A_191, %add3A_260 : i32
      %get3A_262 = arith.index_cast %add3A_261 : i32 to index
      %get3A_263 = arith.constant 48 : index
      %get3A_264 = tpu.vector_load %arg7[%get3A_262, %get3A_263] {strides = array<i32>} : memref<80x128xf32, #tpu.memory_space<vmem>>, vector<1x16xf32>,
      %get3A_265 = vector.shape_cast %get3A_264 : vector<1x16xf32> to vector<16xf32>
      %add3A_266 = arith.constant 0 : i32
      %add3A_267 = arith.addi %mul3A_191, %add3A_266 : i32
      %get3A_268 = arith.index_cast %add3A_267 : i32 to index
      %get3A_269 = arith.constant 48 : index
      %get3A_270 = tpu.vector_load %arg8[%get3A_268, %get3A_269] {strides = array<i32>} : memref<80x128xf32, #tpu.memory_space<vmem>>, vector<1x16xf32>,
      %get3A_271 = vector.shape_cast %get3A_270 : vector<1x16xf32> to vector<16xf32>
      %add3A_272 = arith.addf %get3A_265, %get3A_271 : vector<16xf32>
      %max3A_273 = arith.constant 0.000000e+00 : f32
      %max3A_274 = vector.broadcast %max3A_273 : f32 to vector<16xf32>
      %max3A_275 = arith.maximumf %add3A_272, %max3A_274 : vector<16xf32>
      %add3A_276 = arith.constant 0 : i32
      %add3A_277 = arith.addi %mul3A_191, %add3A_276 : i32
      %swap3A_278 = arith.index_cast %add3A_277 : i32 to index
      %swap3A_279 = arith.constant 48 : index
      %swap3A_280 = tpu.vector_load %arg7[%swap3A_278, %swap3A_279] {strides = array<i32>} : memref<80x128xf32, #tpu.memory_space<vmem>>, vector<1x16xf32>,
      %swap3A_281 = vector.shape_cast %swap3A_280 : vector<1x16xf32> to vector<16xf32>
      %swap3A_282 = vector.shape_cast %max3A_275 : vector<16xf32> to vector<1x16xf32>
      tpu.vector_store %arg7[%swap3A_278, %swap3A_279], %swap3A_282 {strides = array<i32>} : memref<80x128xf32, #tpu.memory_space<vmem>>, vector<1x16xf32>,
      %add3A_283 = arith.constant 0 : i32
      %add3A_284 = arith.addi %mul3A_191, %add3A_283 : i32
      %get3A_285 = arith.index_cast %add3A_284 : i32 to index
      %get3A_286 = arith.constant 64 : index
      %get3A_287 = tpu.vector_load %arg7[%get3A_285, %get3A_286] {strides = array<i32>} : memref<80x128xf32, #tpu.memory_space<vmem>>, vector<1x16xf32>,
      %get3A_288 = vector.shape_cast %get3A_287 : vector<1x16xf32> to vector<16xf32>
      %add3A_289 = arith.constant 0 : i32
      %add3A_290 = arith.addi %mul3A_191, %add3A_289 : i32
      %get3A_291 = arith.index_cast %add3A_290 : i32 to index
      %get3A_292 = arith.constant 64 : index
      %get3A_293 = tpu.vector_load %arg8[%get3A_291, %get3A_292] {strides = array<i32>} : memref<80x128xf32, #tpu.memory_space<vmem>>, vector<1x16xf32>,
      %get3A_294 = vector.shape_cast %get3A_293 : vector<1x16xf32> to vector<16xf32>
      %add3A_295 = arith.addf %get3A_288, %get3A_294 : vector<16xf32>
      %max3A_296 = arith.constant 0.000000e+00 : f32
      %max3A_297 = vector.broadcast %max3A_296 : f32 to vector<16xf32>
      %max3A_298 = arith.maximumf %add3A_295, %max3A_297 : vector<16xf32>
      %add3A_299 = arith.constant 0 : i32
      %add3A_300 = arith.addi %mul3A_191, %add3A_299 : i32
      %swap3A_301 = arith.index_cast %add3A_300 : i32 to index
      %swap3A_302 = arith.constant 64 : index
      %swap3A_303 = tpu.vector_load %arg7[%swap3A_301, %swap3A_302] {strides = array<i32>} : memref<80x128xf32, #tpu.memory_space<vmem>>, vector<1x16xf32>,
      %swap3A_304 = vector.shape_cast %swap3A_303 : vector<1x16xf32> to vector<16xf32>
      %swap3A_305 = vector.shape_cast %max3A_298 : vector<16xf32> to vector<1x16xf32>
      tpu.vector_store %arg7[%swap3A_301, %swap3A_302], %swap3A_305 {strides = array<i32>} : memref<80x128xf32, #tpu.memory_space<vmem>>, vector<1x16xf32>,
      %add3A_306 = arith.constant 0 : i32
      %add3A_307 = arith.addi %mul3A_191, %add3A_306 : i32
      %get3A_308 = arith.index_cast %add3A_307 : i32 to index
      %get3A_309 = arith.constant 80 : index
      %get3A_310 = tpu.vector_load %arg7[%get3A_308, %get3A_309] {strides = array<i32>} : memref<80x128xf32, #tpu.memory_space<vmem>>, vector<1x16xf32>,
      %get3A_311 = vector.shape_cast %get3A_310 : vector<1x16xf32> to vector<16xf32>
      %add3A_312 = arith.constant 0 : i32
      %add3A_313 = arith.addi %mul3A_191, %add3A_312 : i32
      %get3A_314 = arith.index_cast %add3A_313 : i32 to index
      %get3A_315 = arith.constant 80 : index
      %get3A_316 = tpu.vector_load %arg8[%get3A_314, %get3A_315] {strides = array<i32>} : memref<80x128xf32, #tpu.memory_space<vmem>>, vector<1x16xf32>,
      %get3A_317 = vector.shape_cast %get3A_316 : vector<1x16xf32> to vector<16xf32>
      %add3A_318 = arith.addf %get3A_311, %get3A_317 : vector<16xf32>
      %max3A_319 = arith.constant 0.000000e+00 : f32
      %max3A_320 = vector.broadcast %max3A_319 : f32 to vector<16xf32>
      %max3A_321 = arith.maximumf %add3A_318, %max3A_320 : vector<16xf32>
      %add3A_322 = arith.constant 0 : i32
      %add3A_323 = arith.addi %mul3A_191, %add3A_322 : i32
      %swap3A_324 = arith.index_cast %add3A_323 : i32 to index
      %swap3A_325 = arith.constant 80 : index
      %swap3A_326 = tpu.vector_load %arg7[%swap3A_324, %swap3A_325] {strides = array<i32>} : memref<80x128xf32, #tpu.memory_space<vmem>>, vector<1x16xf32>,
      %swap3A_327 = vector.shape_cast %swap3A_326 : vector<1x16xf32> to vector<16xf32>
      %swap3A_328 = vector.shape_cast %max3A_321 : vector<16xf32> to vector<1x16xf32>
      tpu.vector_store %arg7[%swap3A_324, %swap3A_325], %swap3A_328 {strides = array<i32>} : memref<80x128xf32, #tpu.memory_space<vmem>>, vector<1x16xf32>,
      %add3A_329 = arith.constant 0 : i32
      %add3A_330 = arith.addi %mul3A_191, %add3A_329 : i32
      %get3A_331 = arith.index_cast %add3A_330 : i32 to index
      %get3A_332 = arith.constant 96 : index
      %get3A_333 = tpu.vector_load %arg7[%get3A_331, %get3A_332] {strides = array<i32>} : memref<80x128xf32, #tpu.memory_space<vmem>>, vector<1x16xf32>,
      %get3A_334 = vector.shape_cast %get3A_333 : vector<1x16xf32> to vector<16xf32>
      %add3A_335 = arith.constant 0 : i32
      %add3A_336 = arith.addi %mul3A_191, %add3A_335 : i32
      %get3A_337 = arith.index_cast %add3A_336 : i32 to index
      %get3A_338 = arith.constant 96 : index
      %get3A_339 = tpu.vector_load %arg8[%get3A_337, %get3A_338] {strides = array<i32>} : memref<80x128xf32, #tpu.memory_space<vmem>>, vector<1x16xf32>,
      %get3A_340 = vector.shape_cast %get3A_339 : vector<1x16xf32> to vector<16xf32>
      %add3A_341 = arith.addf %get3A_334, %get3A_340 : vector<16xf32>
      %max3A_342 = arith.constant 0.000000e+00 : f32
      %max3A_343 = vector.broadcast %max3A_342 : f32 to vector<16xf32>
      %max3A_344 = arith.maximumf %add3A_341, %max3A_343 : vector<16xf32>
      %add3A_345 = arith.constant 0 : i32
      %add3A_346 = arith.addi %mul3A_191, %add3A_345 : i32
      %swap3A_347 = arith.index_cast %add3A_346 : i32 to index
      %swap3A_348 = arith.constant 96 : index
      %swap3A_349 = tpu.vector_load %arg7[%swap3A_347, %swap3A_348] {strides = array<i32>} : memref<80x128xf32, #tpu.memory_space<vmem>>, vector<1x16xf32>,
      %swap3A_350 = vector.shape_cast %swap3A_349 : vector<1x16xf32> to vector<16xf32>
      %swap3A_351 = vector.shape_cast %max3A_344 : vector<16xf32> to vector<1x16xf32>
      tpu.vector_store %arg7[%swap3A_347, %swap3A_348], %swap3A_351 {strides = array<i32>} : memref<80x128xf32, #tpu.memory_space<vmem>>, vector<1x16xf32>,
      %add3A_352 = arith.constant 0 : i32
      %add3A_353 = arith.addi %mul3A_191, %add3A_352 : i32
      %get3A_354 = arith.index_cast %add3A_353 : i32 to index
      %get3A_355 = arith.constant 112 : index
      %get3A_356 = tpu.vector_load %arg7[%get3A_354, %get3A_355] {strides = array<i32>} : memref<80x128xf32, #tpu.memory_space<vmem>>, vector<1x16xf32>,
      %get3A_357 = vector.shape_cast %get3A_356 : vector<1x16xf32> to vector<16xf32>
      %add3A_358 = arith.constant 0 : i32
      %add3A_359 = arith.addi %mul3A_191, %add3A_358 : i32
      %get3A_360 = arith.index_cast %add3A_359 : i32 to index
      %get3A_361 = arith.constant 112 : index
      %get3A_362 = tpu.vector_load %arg8[%get3A_360, %get3A_361] {strides = array<i32>} : memref<80x128xf32, #tpu.memory_space<vmem>>, vector<1x16xf32>,
      %get3A_363 = vector.shape_cast %get3A_362 : vector<1x16xf32> to vector<16xf32>
      %add3A_364 = arith.addf %get3A_357, %get3A_363 : vector<16xf32>
      %max3A_365 = arith.constant 0.000000e+00 : f32
      %max3A_366 = vector.broadcast %max3A_365 : f32 to vector<16xf32>
      %max3A_367 = arith.maximumf %add3A_364, %max3A_366 : vector<16xf32>
      %add3A_368 = arith.constant 0 : i32
      %add3A_369 = arith.addi %mul3A_191, %add3A_368 : i32
      %swap3A_370 = arith.index_cast %add3A_369 : i32 to index
      %swap3A_371 = arith.constant 112 : index
      %swap3A_372 = tpu.vector_load %arg7[%swap3A_370, %swap3A_371] {strides = array<i32>} : memref<80x128xf32, #tpu.memory_space<vmem>>, vector<1x16xf32>,
      %swap3A_373 = vector.shape_cast %swap3A_372 : vector<1x16xf32> to vector<16xf32>
      %swap3A_374 = vector.shape_cast %max3A_367 : vector<16xf32> to vector<1x16xf32>
      tpu.vector_store %arg7[%swap3A_370, %swap3A_371], %swap3A_374 {strides = array<i32>} : memref<80x128xf32, #tpu.memory_space<vmem>>, vector<1x16xf32>,
      %add3A_375 = arith.constant 1 : i32
      %add3A_376 = arith.addi %mul3A_191, %add3A_375 : i32
      %get3A_377 = arith.index_cast %add3A_376 : i32 to index
      %get3A_378 = arith.constant 0 : index
      %get3A_379 = tpu.vector_load %arg7[%get3A_377, %get3A_378] {strides = array<i32>} : memref<80x128xf32, #tpu.memory_space<vmem>>, vector<1x16xf32>,
      %get3A_380 = vector.shape_cast %get3A_379 : vector<1x16xf32> to vector<16xf32>
      %add3A_381 = arith.constant 1 : i32
      %add3A_382 = arith.addi %mul3A_191, %add3A_381 : i32
      %get3A_383 = arith.index_cast %add3A_382 : i32 to index
      %get3A_384 = arith.constant 0 : index
      %get3A_385 = tpu.vector_load %arg8[%get3A_383, %get3A_384] {strides = array<i32>} : memref<80x128xf32, #tpu.memory_space<vmem>>, vector<1x16xf32>,
      %get3A_386 = vector.shape_cast %get3A_385 : vector<1x16xf32> to vector<16xf32>
      %add3A_387 = arith.addf %get3A_380, %get3A_386 : vector<16xf32>
      %max3A_388 = arith.constant 0.000000e+00 : f32
      %max3A_389 = vector.broadcast %max3A_388 : f32 to vector<16xf32>
      %max3A_390 = arith.maximumf %add3A_387, %max3A_389 : vector<16xf32>
      %add3A_391 = arith.constant 1 : i32
      %add3A_392 = arith.addi %mul3A_191, %add3A_391 : i32
      %swap3A_393 = arith.index_cast %add3A_392 : i32 to index
      %swap3A_394 = arith.constant 0 : index
      %swap3A_395 = tpu.vector_load %arg7[%swap3A_393, %swap3A_394] {strides = array<i32>} : memref<80x128xf32, #tpu.memory_space<vmem>>, vector<1x16xf32>,
      %swap3A_396 = vector.shape_cast %swap3A_395 : vector<1x16xf32> to vector<16xf32>
      %swap3A_397 = vector.shape_cast %max3A_390 : vector<16xf32> to vector<1x16xf32>
      tpu.vector_store %arg7[%swap3A_393, %swap3A_394], %swap3A_397 {strides = array<i32>} : memref<80x128xf32, #tpu.memory_space<vmem>>, vector<1x16xf32>,
      %add3A_398 = arith.constant 1 : i32
      %add3A_399 = arith.addi %mul3A_191, %add3A_398 : i32
      %get3A_400 = arith.index_cast %add3A_399 : i32 to index
      %get3A_401 = arith.constant 16 : index
      %get3A_402 = tpu.vector_load %arg7[%get3A_400, %get3A_401] {strides = array<i32>} : memref<80x128xf32, #tpu.memory_space<vmem>>, vector<1x16xf32>,
      %get3A_403 = vector.shape_cast %get3A_402 : vector<1x16xf32> to vector<16xf32>
      %add3A_404 = arith.constant 1 : i32
      %add3A_405 = arith.addi %mul3A_191, %add3A_404 : i32
      %get3A_406 = arith.index_cast %add3A_405 : i32 to index
      %get3A_407 = arith.constant 16 : index
      %get3A_408 = tpu.vector_load %arg8[%get3A_406, %get3A_407] {strides = array<i32>} : memref<80x128xf32, #tpu.memory_space<vmem>>, vector<1x16xf32>,
      %get3A_409 = vector.shape_cast %get3A_408 : vector<1x16xf32> to vector<16xf32>
      %add3A_410 = arith.addf %get3A_403, %get3A_409 : vector<16xf32>
      %max3A_411 = arith.constant 0.000000e+00 : f32
      %max3A_412 = vector.broadcast %max3A_411 : f32 to vector<16xf32>
      %max3A_413 = arith.maximumf %add3A_410, %max3A_412 : vector<16xf32>
      %add3A_414 = arith.constant 1 : i32
      %add3A_415 = arith.addi %mul3A_191, %add3A_414 : i32
      %swap3A_416 = arith.index_cast %add3A_415 : i32 to index
      %swap3A_417 = arith.constant 16 : index
      %swap3A_418 = tpu.vector_load %arg7[%swap3A_416, %swap3A_417] {strides = array<i32>} : memref<80x128xf32, #tpu.memory_space<vmem>>, vector<1x16xf32>,
      %swap3A_419 = vector.shape_cast %swap3A_418 : vector<1x16xf32> to vector<16xf32>
      %swap3A_420 = vector.shape_cast %max3A_413 : vector<16xf32> to vector<1x16xf32>
      tpu.vector_store %arg7[%swap3A_416, %swap3A_417], %swap3A_420 {strides = array<i32>} : memref<80x128xf32, #tpu.memory_space<vmem>>, vector<1x16xf32>,
      %add3A_421 = arith.constant 1 : i32
      %add3A_422 = arith.addi %mul3A_191, %add3A_421 : i32
      %get3A_423 = arith.index_cast %add3A_422 : i32 to index
      %get3A_424 = arith.constant 32 : index
      %get3A_425 = tpu.vector_load %arg7[%get3A_423, %get3A_424] {strides = array<i32>} : memref<80x128xf32, #tpu.memory_space<vmem>>, vector<1x16xf32>,
      %get3A_426 = vector.shape_cast %get3A_425 : vector<1x16xf32> to vector<16xf32>
      %add3A_427 = arith.constant 1 : i32
      %add3A_428 = arith.addi %mul3A_191, %add3A_427 : i32
      %get3A_429 = arith.index_cast %add3A_428 : i32 to index
      %get3A_430 = arith.constant 32 : index
      %get3A_431 = tpu.vector_load %arg8[%get3A_429, %get3A_430] {strides = array<i32>} : memref<80x128xf32, #tpu.memory_space<vmem>>, vector<1x16xf32>,
      %get3A_432 = vector.shape_cast %get3A_431 : vector<1x16xf32> to vector<16xf32>
      %add3A_433 = arith.addf %get3A_426, %get3A_432 : vector<16xf32>
      %max3A_434 = arith.constant 0.000000e+00 : f32
      %max3A_435 = vector.broadcast %max3A_434 : f32 to vector<16xf32>
      %max3A_436 = arith.maximumf %add3A_433, %max3A_435 : vector<16xf32>
      %add3A_437 = arith.constant 1 : i32
      %add3A_438 = arith.addi %mul3A_191, %add3A_437 : i32
      %swap3A_439 = arith.index_cast %add3A_438 : i32 to index
      %swap3A_440 = arith.constant 32 : index
      %swap3A_441 = tpu.vector_load %arg7[%swap3A_439, %swap3A_440] {strides = array<i32>} : memref<80x128xf32, #tpu.memory_space<vmem>>, vector<1x16xf32>,
      %swap3A_442 = vector.shape_cast %swap3A_441 : vector<1x16xf32> to vector<16xf32>
      %swap3A_443 = vector.shape_cast %max3A_436 : vector<16xf32> to vector<1x16xf32>
      tpu.vector_store %arg7[%swap3A_439, %swap3A_440], %swap3A_443 {strides = array<i32>} : memref<80x128xf32, #tpu.memory_space<vmem>>, vector<1x16xf32>,
      %add3A_444 = arith.constant 1 : i32
      %add3A_445 = arith.addi %mul3A_191, %add3A_444 : i32
      %get3A_446 = arith.index_cast %add3A_445 : i32 to index
      %get3A_447 = arith.constant 48 : index
      %get3A_448 = tpu.vector_load %arg7[%get3A_446, %get3A_447] {strides = array<i32>} : memref<80x128xf32, #tpu.memory_space<vmem>>, vector<1x16xf32>,
      %get3A_449 = vector.shape_cast %get3A_448 : vector<1x16xf32> to vector<16xf32>
      %add3A_450 = arith.constant 1 : i32
      %add3A_451 = arith.addi %mul3A_191, %add3A_450 : i32
      %get3A_452 = arith.index_cast %add3A_451 : i32 to index
      %get3A_453 = arith.constant 48 : index
      %get3A_454 = tpu.vector_load %arg8[%get3A_452, %get3A_453] {strides = array<i32>} : memref<80x128xf32, #tpu.memory_space<vmem>>, vector<1x16xf32>,
      %get3A_455 = vector.shape_cast %get3A_454 : vector<1x16xf32> to vector<16xf32>
      %add3A_456 = arith.addf %get3A_449, %get3A_455 : vector<16xf32>
      %max3A_457 = arith.constant 0.000000e+00 : f32
      %max3A_458 = vector.broadcast %max3A_457 : f32 to vector<16xf32>
      %max3A_459 = arith.maximumf %add3A_456, %max3A_458 : vector<16xf32>
      %add3A_460 = arith.constant 1 : i32
      %add3A_461 = arith.addi %mul3A_191, %add3A_460 : i32
      %swap3A_462 = arith.index_cast %add3A_461 : i32 to index
      %swap3A_463 = arith.constant 48 : index
      %swap3A_464 = tpu.vector_load %arg7[%swap3A_462, %swap3A_463] {strides = array<i32>} : memref<80x128xf32, #tpu.memory_space<vmem>>, vector<1x16xf32>,
      %swap3A_465 = vector.shape_cast %swap3A_464 : vector<1x16xf32> to vector<16xf32>
      %swap3A_466 = vector.shape_cast %max3A_459 : vector<16xf32> to vector<1x16xf32>
      tpu.vector_store %arg7[%swap3A_462, %swap3A_463], %swap3A_466 {strides = array<i32>} : memref<80x128xf32, #tpu.memory_space<vmem>>, vector<1x16xf32>,
      %add3A_467 = arith.constant 1 : i32
      %add3A_468 = arith.addi %mul3A_191, %add3A_467 : i32
      %get3A_469 = arith.index_cast %add3A_468 : i32 to index
      %get3A_470 = arith.constant 64 : index
      %get3A_471 = tpu.vector_load %arg7[%get3A_469, %get3A_470] {strides = array<i32>} : memref<80x128xf32, #tpu.memory_space<vmem>>, vector<1x16xf32>,
      %get3A_472 = vector.shape_cast %get3A_471 : vector<1x16xf32> to vector<16xf32>
      %add3A_473 = arith.constant 1 : i32
      %add3A_474 = arith.addi %mul3A_191, %add3A_473 : i32
      %get3A_475 = arith.index_cast %add3A_474 : i32 to index
      %get3A_476 = arith.constant 64 : index
      %get3A_477 = tpu.vector_load %arg8[%get3A_475, %get3A_476] {strides = array<i32>} : memref<80x128xf32, #tpu.memory_space<vmem>>, vector<1x16xf32>,
      %get3A_478 = vector.shape_cast %get3A_477 : vector<1x16xf32> to vector<16xf32>
      %add3A_479 = arith.addf %get3A_472, %get3A_478 : vector<16xf32>
      %max3A_480 = arith.constant 0.000000e+00 : f32
      %max3A_481 = vector.broadcast %max3A_480 : f32 to vector<16xf32>
      %max3A_482 = arith.maximumf %add3A_479, %max3A_481 : vector<16xf32>
      %add3A_483 = arith.constant 1 : i32
      %add3A_484 = arith.addi %mul3A_191, %add3A_483 : i32
      %swap3A_485 = arith.index_cast %add3A_484 : i32 to index
      %swap3A_486 = arith.constant 64 : index
      %swap3A_487 = tpu.vector_load %arg7[%swap3A_485, %swap3A_486] {strides = array<i32>} : memref<80x128xf32, #tpu.memory_space<vmem>>, vector<1x16xf32>,
      %swap3A_488 = vector.shape_cast %swap3A_487 : vector<1x16xf32> to vector<16xf32>
      %swap3A_489 = vector.shape_cast %max3A_482 : vector<16xf32> to vector<1x16xf32>
      tpu.vector_store %arg7[%swap3A_485, %swap3A_486], %swap3A_489 {strides = array<i32>} : memref<80x128xf32, #tpu.memory_space<vmem>>, vector<1x16xf32>,
      %add3A_490 = arith.constant 1 : i32
      %add3A_491 = arith.addi %mul3A_191, %add3A_490 : i32
      %get3A_492 = arith.index_cast %add3A_491 : i32 to index
      %get3A_493 = arith.constant 80 : index
      %get3A_494 = tpu.vector_load %arg7[%get3A_492, %get3A_493] {strides = array<i32>} : memref<80x128xf32, #tpu.memory_space<vmem>>, vector<1x16xf32>,
      %get3A_495 = vector.shape_cast %get3A_494 : vector<1x16xf32> to vector<16xf32>
      %add3A_496 = arith.constant 1 : i32
      %add3A_497 = arith.addi %mul3A_191, %add3A_496 : i32
      %get3A_498 = arith.index_cast %add3A_497 : i32 to index
      %get3A_499 = arith.constant 80 : index
      %get3A_500 = tpu.vector_load %arg8[%get3A_498, %get3A_499] {strides = array<i32>} : memref<80x128xf32, #tpu.memory_space<vmem>>, vector<1x16xf32>,
      %get3A_501 = vector.shape_cast %get3A_500 : vector<1x16xf32> to vector<16xf32>
      %add3A_502 = arith.addf %get3A_495, %get3A_501 : vector<16xf32>
      %max3A_503 = arith.constant 0.000000e+00 : f32
      %max3A_504 = vector.broadcast %max3A_503 : f32 to vector<16xf32>
      %max3A_505 = arith.maximumf %add3A_502, %max3A_504 : vector<16xf32>
      %add3A_506 = arith.constant 1 : i32
      %add3A_507 = arith.addi %mul3A_191, %add3A_506 : i32
      %swap3A_508 = arith.index_cast %add3A_507 : i32 to index
      %swap3A_509 = arith.constant 80 : index
      %swap3A_510 = tpu.vector_load %arg7[%swap3A_508, %swap3A_509] {strides = array<i32>} : memref<80x128xf32, #tpu.memory_space<vmem>>, vector<1x16xf32>,
      %swap3A_511 = vector.shape_cast %swap3A_510 : vector<1x16xf32> to vector<16xf32>
      %swap3A_512 = vector.shape_cast %max3A_505 : vector<16xf32> to vector<1x16xf32>
      tpu.vector_store %arg7[%swap3A_508, %swap3A_509], %swap3A_512 {strides = array<i32>} : memref<80x128xf32, #tpu.memory_space<vmem>>, vector<1x16xf32>,
      %add3A_513 = arith.constant 1 : i32
      %add3A_514 = arith.addi %mul3A_191, %add3A_513 : i32
      %get3A_515 = arith.index_cast %add3A_514 : i32 to index
      %get3A_516 = arith.constant 96 : index
      %get3A_517 = tpu.vector_load %arg7[%get3A_515, %get3A_516] {strides = array<i32>} : memref<80x128xf32, #tpu.memory_space<vmem>>, vector<1x16xf32>,
      %get3A_518 = vector.shape_cast %get3A_517 : vector<1x16xf32> to vector<16xf32>
      %add3A_519 = arith.constant 1 : i32
      %add3A_520 = arith.addi %mul3A_191, %add3A_519 : i32
      %get3A_521 = arith.index_cast %add3A_520 : i32 to index
      %get3A_522 = arith.constant 96 : index
      %get3A_523 = tpu.vector_load %arg8[%get3A_521, %get3A_522] {strides = array<i32>} : memref<80x128xf32, #tpu.memory_space<vmem>>, vector<1x16xf32>,
      %get3A_524 = vector.shape_cast %get3A_523 : vector<1x16xf32> to vector<16xf32>
      %add3A_525 = arith.addf %get3A_518, %get3A_524 : vector<16xf32>
      %max3A_526 = arith.constant 0.000000e+00 : f32
      %max3A_527 = vector.broadcast %max3A_526 : f32 to vector<16xf32>
      %max3A_528 = arith.maximumf %add3A_525, %max3A_527 : vector<16xf32>
      %add3A_529 = arith.constant 1 : i32
      %add3A_530 = arith.addi %mul3A_191, %add3A_529 : i32
      %swap3A_531 = arith.index_cast %add3A_530 : i32 to index
      %swap3A_532 = arith.constant 96 : index
      %swap3A_533 = tpu.vector_load %arg7[%swap3A_531, %swap3A_532] {strides = array<i32>} : memref<80x128xf32, #tpu.memory_space<vmem>>, vector<1x16xf32>,
      %swap3A_534 = vector.shape_cast %swap3A_533 : vector<1x16xf32> to vector<16xf32>
      %swap3A_535 = vector.shape_cast %max3A_528 : vector<16xf32> to vector<1x16xf32>
      tpu.vector_store %arg7[%swap3A_531, %swap3A_532], %swap3A_535 {strides = array<i32>} : memref<80x128xf32, #tpu.memory_space<vmem>>, vector<1x16xf32>,
      %add3A_536 = arith.constant 1 : i32
      %add3A_537 = arith.addi %mul3A_191, %add3A_536 : i32
      %get3A_538 = arith.index_cast %add3A_537 : i32 to index
      %get3A_539 = arith.constant 112 : index
      %get3A_540 = tpu.vector_load %arg7[%get3A_538, %get3A_539] {strides = array<i32>} : memref<80x128xf32, #tpu.memory_space<vmem>>, vector<1x16xf32>,
      %get3A_541 = vector.shape_cast %get3A_540 : vector<1x16xf32> to vector<16xf32>
      %add3A_542 = arith.constant 1 : i32
      %add3A_543 = arith.addi %mul3A_191, %add3A_542 : i32
      %get3A_544 = arith.index_cast %add3A_543 : i32 to index
      %get3A_545 = arith.constant 112 : index
      %get3A_546 = tpu.vector_load %arg8[%get3A_544, %get3A_545] {strides = array<i32>} : memref<80x128xf32, #tpu.memory_space<vmem>>, vector<1x16xf32>,
      %get3A_547 = vector.shape_cast %get3A_546 : vector<1x16xf32> to vector<16xf32>
      %add3A_548 = arith.addf %get3A_541, %get3A_547 : vector<16xf32>
      %max3A_549 = arith.constant 0.000000e+00 : f32
      %max3A_550 = vector.broadcast %max3A_549 : f32 to vector<16xf32>
      %max3A_551 = arith.maximumf %add3A_548, %max3A_550 : vector<16xf32>
      %add3A_552 = arith.constant 1 : i32
      %add3A_553 = arith.addi %mul3A_191, %add3A_552 : i32
      %swap3A_554 = arith.index_cast %add3A_553 : i32 to index
      %swap3A_555 = arith.constant 112 : index
      %swap3A_556 = tpu.vector_load %arg7[%swap3A_554, %swap3A_555] {strides = array<i32>} : memref<80x128xf32, #tpu.memory_space<vmem>>, vector<1x16xf32>,
      %swap3A_557 = vector.shape_cast %swap3A_556 : vector<1x16xf32> to vector<16xf32>
      %swap3A_558 = vector.shape_cast %max3A_551 : vector<16xf32> to vector<1x16xf32>
      tpu.vector_store %arg7[%swap3A_554, %swap3A_555], %swap3A_558 {strides = array<i32>} : memref<80x128xf32, #tpu.memory_space<vmem>>, vector<1x16xf32>,
      %add3A_559 = arith.constant 2 : i32
      %add3A_560 = arith.addi %mul3A_191, %add3A_559 : i32
      %get3A_561 = arith.index_cast %add3A_560 : i32 to index
      %get3A_562 = arith.constant 0 : index
      %get3A_563 = tpu.vector_load %arg7[%get3A_561, %get3A_562] {strides = array<i32>} : memref<80x128xf32, #tpu.memory_space<vmem>>, vector<1x16xf32>,
      %get3A_564 = vector.shape_cast %get3A_563 : vector<1x16xf32> to vector<16xf32>
      %add3A_565 = arith.constant 2 : i32
      %add3A_566 = arith.addi %mul3A_191, %add3A_565 : i32
      %get3A_567 = arith.index_cast %add3A_566 : i32 to index
      %get3A_568 = arith.constant 0 : index
      %get3A_569 = tpu.vector_load %arg8[%get3A_567, %get3A_568] {strides = array<i32>} : memref<80x128xf32, #tpu.memory_space<vmem>>, vector<1x16xf32>,
      %get3A_570 = vector.shape_cast %get3A_569 : vector<1x16xf32> to vector<16xf32>
      %add3A_571 = arith.addf %get3A_564, %get3A_570 : vector<16xf32>
      %max3A_572 = arith.constant 0.000000e+00 : f32
      %max3A_573 = vector.broadcast %max3A_572 : f32 to vector<16xf32>
      %max3A_574 = arith.maximumf %add3A_571, %max3A_573 : vector<16xf32>
      %add3A_575 = arith.constant 2 : i32
      %add3A_576 = arith.addi %mul3A_191, %add3A_575 : i32
      %swap3A_577 = arith.index_cast %add3A_576 : i32 to index
      %swap3A_578 = arith.constant 0 : index
      %swap3A_579 = tpu.vector_load %arg7[%swap3A_577, %swap3A_578] {strides = array<i32>} : memref<80x128xf32, #tpu.memory_space<vmem>>, vector<1x16xf32>,
      %swap3A_580 = vector.shape_cast %swap3A_579 : vector<1x16xf32> to vector<16xf32>
      %swap3A_581 = vector.shape_cast %max3A_574 : vector<16xf32> to vector<1x16xf32>
      tpu.vector_store %arg7[%swap3A_577, %swap3A_578], %swap3A_581 {strides = array<i32>} : memref<80x128xf32, #tpu.memory_space<vmem>>, vector<1x16xf32>,
      %add3A_582 = arith.constant 2 : i32
      %add3A_583 = arith.addi %mul3A_191, %add3A_582 : i32
      %get3A_584 = arith.index_cast %add3A_583 : i32 to index
      %get3A_585 = arith.constant 16 : index
      %get3A_586 = tpu.vector_load %arg7[%get3A_584, %get3A_585] {strides = array<i32>} : memref<80x128xf32, #tpu.memory_space<vmem>>, vector<1x16xf32>,
      %get3A_587 = vector.shape_cast %get3A_586 : vector<1x16xf32> to vector<16xf32>
      %add3A_588 = arith.constant 2 : i32
      %add3A_589 = arith.addi %mul3A_191, %add3A_588 : i32
      %get3A_590 = arith.index_cast %add3A_589 : i32 to index
      %get3A_591 = arith.constant 16 : index
      %get3A_592 = tpu.vector_load %arg8[%get3A_590, %get3A_591] {strides = array<i32>} : memref<80x128xf32, #tpu.memory_space<vmem>>, vector<1x16xf32>,
      %get3A_593 = vector.shape_cast %get3A_592 : vector<1x16xf32> to vector<16xf32>
      %add3A_594 = arith.addf %get3A_587, %get3A_593 : vector<16xf32>
      %max3A_595 = arith.constant 0.000000e+00 : f32
      %max3A_596 = vector.broadcast %max3A_595 : f32 to vector<16xf32>
      %max3A_597 = arith.maximumf %add3A_594, %max3A_596 : vector<16xf32>
      %add3A_598 = arith.constant 2 : i32
      %add3A_599 = arith.addi %mul3A_191, %add3A_598 : i32
      %swap3A_600 = arith.index_cast %add3A_599 : i32 to index
      %swap3A_601 = arith.constant 16 : index
      %swap3A_602 = tpu.vector_load %arg7[%swap3A_600, %swap3A_601] {strides = array<i32>} : memref<80x128xf32, #tpu.memory_space<vmem>>, vector<1x16xf32>,
      %swap3A_603 = vector.shape_cast %swap3A_602 : vector<1x16xf32> to vector<16xf32>
      %swap3A_604 = vector.shape_cast %max3A_597 : vector<16xf32> to vector<1x16xf32>
      tpu.vector_store %arg7[%swap3A_600, %swap3A_601], %swap3A_604 {strides = array<i32>} : memref<80x128xf32, #tpu.memory_space<vmem>>, vector<1x16xf32>,
      %add3A_605 = arith.constant 2 : i32
      %add3A_606 = arith.addi %mul3A_191, %add3A_605 : i32
      %get3A_607 = arith.index_cast %add3A_606 : i32 to index
      %get3A_608 = arith.constant 32 : index
      %get3A_609 = tpu.vector_load %arg7[%get3A_607, %get3A_608] {strides = array<i32>} : memref<80x128xf32, #tpu.memory_space<vmem>>, vector<1x16xf32>,
      %get3A_610 = vector.shape_cast %get3A_609 : vector<1x16xf32> to vector<16xf32>
      %add3A_611 = arith.constant 2 : i32
      %add3A_612 = arith.addi %mul3A_191, %add3A_611 : i32
      %get3A_613 = arith.index_cast %add3A_612 : i32 to index
      %get3A_614 = arith.constant 32 : index
      %get3A_615 = tpu.vector_load %arg8[%get3A_613, %get3A_614] {strides = array<i32>} : memref<80x128xf32, #tpu.memory_space<vmem>>, vector<1x16xf32>,
      %get3A_616 = vector.shape_cast %get3A_615 : vector<1x16xf32> to vector<16xf32>
      %add3A_617 = arith.addf %get3A_610, %get3A_616 : vector<16xf32>
      %max3A_618 = arith.constant 0.000000e+00 : f32
      %max3A_619 = vector.broadcast %max3A_618 : f32 to vector<16xf32>
      %max3A_620 = arith.maximumf %add3A_617, %max3A_619 : vector<16xf32>
      %add3A_621 = arith.constant 2 : i32
      %add3A_622 = arith.addi %mul3A_191, %add3A_621 : i32
      %swap3A_623 = arith.index_cast %add3A_622 : i32 to index
      %swap3A_624 = arith.constant 32 : index
      %swap3A_625 = tpu.vector_load %arg7[%swap3A_623, %swap3A_624] {strides = array<i32>} : memref<80x128xf32, #tpu.memory_space<vmem>>, vector<1x16xf32>,
      %swap3A_626 = vector.shape_cast %swap3A_625 : vector<1x16xf32> to vector<16xf32>
      %swap3A_627 = vector.shape_cast %max3A_620 : vector<16xf32> to vector<1x16xf32>
      tpu.vector_store %arg7[%swap3A_623, %swap3A_624], %swap3A_627 {strides = array<i32>} : memref<80x128xf32, #tpu.memory_space<vmem>>, vector<1x16xf32>,
      %add3A_628 = arith.constant 2 : i32
      %add3A_629 = arith.addi %mul3A_191, %add3A_628 : i32
      %get3A_630 = arith.index_cast %add3A_629 : i32 to index
      %get3A_631 = arith.constant 48 : index
      %get3A_632 = tpu.vector_load %arg7[%get3A_630, %get3A_631] {strides = array<i32>} : memref<80x128xf32, #tpu.memory_space<vmem>>, vector<1x16xf32>,
      %get3A_633 = vector.shape_cast %get3A_632 : vector<1x16xf32> to vector<16xf32>
      %add3A_634 = arith.constant 2 : i32
      %add3A_635 = arith.addi %mul3A_191, %add3A_634 : i32
      %get3A_636 = arith.index_cast %add3A_635 : i32 to index
      %get3A_637 = arith.constant 48 : index
      %get3A_638 = tpu.vector_load %arg8[%get3A_636, %get3A_637] {strides = array<i32>} : memref<80x128xf32, #tpu.memory_space<vmem>>, vector<1x16xf32>,
      %get3A_639 = vector.shape_cast %get3A_638 : vector<1x16xf32> to vector<16xf32>
      %add3A_640 = arith.addf %get3A_633, %get3A_639 : vector<16xf32>
      %max3A_641 = arith.constant 0.000000e+00 : f32
      %max3A_642 = vector.broadcast %max3A_641 : f32 to vector<16xf32>
      %max3A_643 = arith.maximumf %add3A_640, %max3A_642 : vector<16xf32>
      %add3A_644 = arith.constant 2 : i32
      %add3A_645 = arith.addi %mul3A_191, %add3A_644 : i32
      %swap3A_646 = arith.index_cast %add3A_645 : i32 to index
      %swap3A_647 = arith.constant 48 : index
      %swap3A_648 = tpu.vector_load %arg7[%swap3A_646, %swap3A_647] {strides = array<i32>} : memref<80x128xf32, #tpu.memory_space<vmem>>, vector<1x16xf32>,
      %swap3A_649 = vector.shape_cast %swap3A_648 : vector<1x16xf32> to vector<16xf32>
      %swap3A_650 = vector.shape_cast %max3A_643 : vector<16xf32> to vector<1x16xf32>
      tpu.vector_store %arg7[%swap3A_646, %swap3A_647], %swap3A_650 {strides = array<i32>} : memref<80x128xf32, #tpu.memory_space<vmem>>, vector<1x16xf32>,
      %add3A_651 = arith.constant 2 : i32
      %add3A_652 = arith.addi %mul3A_191, %add3A_651 : i32
      %get3A_653 = arith.index_cast %add3A_652 : i32 to index
      %get3A_654 = arith.constant 64 : index
      %get3A_655 = tpu.vector_load %arg7[%get3A_653, %get3A_654] {strides = array<i32>} : memref<80x128xf32, #tpu.memory_space<vmem>>, vector<1x16xf32>,
      %get3A_656 = vector.shape_cast %get3A_655 : vector<1x16xf32> to vector<16xf32>
      %add3A_657 = arith.constant 2 : i32
      %add3A_658 = arith.addi %mul3A_191, %add3A_657 : i32
      %get3A_659 = arith.index_cast %add3A_658 : i32 to index
      %get3A_660 = arith.constant 64 : index
      %get3A_661 = tpu.vector_load %arg8[%get3A_659, %get3A_660] {strides = array<i32>} : memref<80x128xf32, #tpu.memory_space<vmem>>, vector<1x16xf32>,
      %get3A_662 = vector.shape_cast %get3A_661 : vector<1x16xf32> to vector<16xf32>
      %add3A_663 = arith.addf %get3A_656, %get3A_662 : vector<16xf32>
      %max3A_664 = arith.constant 0.000000e+00 : f32
      %max3A_665 = vector.broadcast %max3A_664 : f32 to vector<16xf32>
      %max3A_666 = arith.maximumf %add3A_663, %max3A_665 : vector<16xf32>
      %add3A_667 = arith.constant 2 : i32
      %add3A_668 = arith.addi %mul3A_191, %add3A_667 : i32
      %swap3A_669 = arith.index_cast %add3A_668 : i32 to index
      %swap3A_670 = arith.constant 64 : index
      %swap3A_671 = tpu.vector_load %arg7[%swap3A_669, %swap3A_670] {strides = array<i32>} : memref<80x128xf32, #tpu.memory_space<vmem>>, vector<1x16xf32>,
      %swap3A_672 = vector.shape_cast %swap3A_671 : vector<1x16xf32> to vector<16xf32>
      %swap3A_673 = vector.shape_cast %max3A_666 : vector<16xf32> to vector<1x16xf32>
      tpu.vector_store %arg7[%swap3A_669, %swap3A_670], %swap3A_673 {strides = array<i32>} : memref<80x128xf32, #tpu.memory_space<vmem>>, vector<1x16xf32>,
      %add3A_674 = arith.constant 2 : i32
      %add3A_675 = arith.addi %mul3A_191, %add3A_674 : i32
      %get3A_676 = arith.index_cast %add3A_675 : i32 to index
      %get3A_677 = arith.constant 80 : index
      %get3A_678 = tpu.vector_load %arg7[%get3A_676, %get3A_677] {strides = array<i32>} : memref<80x128xf32, #tpu.memory_space<vmem>>, vector<1x16xf32>,
      %get3A_679 = vector.shape_cast %get3A_678 : vector<1x16xf32> to vector<16xf32>
      %add3A_680 = arith.constant 2 : i32
      %add3A_681 = arith.addi %mul3A_191, %add3A_680 : i32
      %get3A_682 = arith.index_cast %add3A_681 : i32 to index
      %get3A_683 = arith.constant 80 : index
      %get3A_684 = tpu.vector_load %arg8[%get3A_682, %get3A_683] {strides = array<i32>} : memref<80x128xf32, #tpu.memory_space<vmem>>, vector<1x16xf32>,
      %get3A_685 = vector.shape_cast %get3A_684 : vector<1x16xf32> to vector<16xf32>
      %add3A_686 = arith.addf %get3A_679, %get3A_685 : vector<16xf32>
      %max3A_687 = arith.constant 0.000000e+00 : f32
      %max3A_688 = vector.broadcast %max3A_687 : f32 to vector<16xf32>
      %max3A_689 = arith.maximumf %add3A_686, %max3A_688 : vector<16xf32>
      %add3A_690 = arith.constant 2 : i32
      %add3A_691 = arith.addi %mul3A_191, %add3A_690 : i32
      %swap3A_692 = arith.index_cast %add3A_691 : i32 to index
      %swap3A_693 = arith.constant 80 : index
      %swap3A_694 = tpu.vector_load %arg7[%swap3A_692, %swap3A_693] {strides = array<i32>} : memref<80x128xf32, #tpu.memory_space<vmem>>, vector<1x16xf32>,
      %swap3A_695 = vector.shape_cast %swap3A_694 : vector<1x16xf32> to vector<16xf32>
      %swap3A_696 = vector.shape_cast %max3A_689 : vector<16xf32> to vector<1x16xf32>
      tpu.vector_store %arg7[%swap3A_692, %swap3A_693], %swap3A_696 {strides = array<i32>} : memref<80x128xf32, #tpu.memory_space<vmem>>, vector<1x16xf32>,
      %add3A_697 = arith.constant 2 : i32
      %add3A_698 = arith.addi %mul3A_191, %add3A_697 : i32
      %get3A_699 = arith.index_cast %add3A_698 : i32 to index
      %get3A_700 = arith.constant 96 : index
      %get3A_701 = tpu.vector_load %arg7[%get3A_699, %get3A_700] {strides = array<i32>} : memref<80x128xf32, #tpu.memory_space<vmem>>, vector<1x16xf32>,
      %get3A_702 = vector.shape_cast %get3A_701 : vector<1x16xf32> to vector<16xf32>
      %add3A_703 = arith.constant 2 : i32
      %add3A_704 = arith.addi %mul3A_191, %add3A_703 : i32
      %get3A_705 = arith.index_cast %add3A_704 : i32 to index
      %get3A_706 = arith.constant 96 : index
      %get3A_707 = tpu.vector_load %arg8[%get3A_705, %get3A_706] {strides = array<i32>} : memref<80x128xf32, #tpu.memory_space<vmem>>, vector<1x16xf32>,
      %get3A_708 = vector.shape_cast %get3A_707 : vector<1x16xf32> to vector<16xf32>
      %add3A_709 = arith.addf %get3A_702, %get3A_708 : vector<16xf32>
      %max3A_710 = arith.constant 0.000000e+00 : f32
      %max3A_711 = vector.broadcast %max3A_710 : f32 to vector<16xf32>
      %max3A_712 = arith.maximumf %add3A_709, %max3A_711 : vector<16xf32>
      %add3A_713 = arith.constant 2 : i32
      %add3A_714 = arith.addi %mul3A_191, %add3A_713 : i32
      %swap3A_715 = arith.index_cast %add3A_714 : i32 to index
      %swap3A_716 = arith.constant 96 : index
      %swap3A_717 = tpu.vector_load %arg7[%swap3A_715, %swap3A_716] {strides = array<i32>} : memref<80x128xf32, #tpu.memory_space<vmem>>, vector<1x16xf32>,
      %swap3A_718 = vector.shape_cast %swap3A_717 : vector<1x16xf32> to vector<16xf32>
      %swap3A_719 = vector.shape_cast %max3A_712 : vector<16xf32> to vector<1x16xf32>
      tpu.vector_store %arg7[%swap3A_715, %swap3A_716], %swap3A_719 {strides = array<i32>} : memref<80x128xf32, #tpu.memory_space<vmem>>, vector<1x16xf32>,
      %add3A_720 = arith.constant 2 : i32
      %add3A_721 = arith.addi %mul3A_191, %add3A_720 : i32
      %get3A_722 = arith.index_cast %add3A_721 : i32 to index
      %get3A_723 = arith.constant 112 : index
      %get3A_724 = tpu.vector_load %arg7[%get3A_722, %get3A_723] {strides = array<i32>} : memref<80x128xf32, #tpu.memory_space<vmem>>, vector<1x16xf32>,
      %get3A_725 = vector.shape_cast %get3A_724 : vector<1x16xf32> to vector<16xf32>
      %add3A_726 = arith.constant 2 : i32
      %add3A_727 = arith.addi %mul3A_191, %add3A_726 : i32
      %get3A_728 = arith.index_cast %add3A_727 : i32 to index
      %get3A_729 = arith.constant 112 : index
      %get3A_730 = tpu.vector_load %arg8[%get3A_728, %get3A_729] {strides = array<i32>} : memref<80x128xf32, #tpu.memory_space<vmem>>, vector<1x16xf32>,
      %get3A_731 = vector.shape_cast %get3A_730 : vector<1x16xf32> to vector<16xf32>
      %add3A_732 = arith.addf %get3A_725, %get3A_731 : vector<16xf32>
      %max3A_733 = arith.constant 0.000000e+00 : f32
      %max3A_734 = vector.broadcast %max3A_733 : f32 to vector<16xf32>
      %max3A_735 = arith.maximumf %add3A_732, %max3A_734 : vector<16xf32>
      %add3A_736 = arith.constant 2 : i32
      %add3A_737 = arith.addi %mul3A_191, %add3A_736 : i32
      %swap3A_738 = arith.index_cast %add3A_737 : i32 to index
      %swap3A_739 = arith.constant 112 : index
      %swap3A_740 = tpu.vector_load %arg7[%swap3A_738, %swap3A_739] {strides = array<i32>} : memref<80x128xf32, #tpu.memory_space<vmem>>, vector<1x16xf32>,
      %swap3A_741 = vector.shape_cast %swap3A_740 : vector<1x16xf32> to vector<16xf32>
      %swap3A_742 = vector.shape_cast %max3A_735 : vector<16xf32> to vector<1x16xf32>
      tpu.vector_store %arg7[%swap3A_738, %swap3A_739], %swap3A_742 {strides = array<i32>} : memref<80x128xf32, #tpu.memory_space<vmem>>, vector<1x16xf32>,
      %add3A_743 = arith.constant 3 : i32
      %add3A_744 = arith.addi %mul3A_191, %add3A_743 : i32
      %get3A_745 = arith.index_cast %add3A_744 : i32 to index
      %get3A_746 = arith.constant 0 : index
      %get3A_747 = tpu.vector_load %arg7[%get3A_745, %get3A_746] {strides = array<i32>} : memref<80x128xf32, #tpu.memory_space<vmem>>, vector<1x16xf32>,
      %get3A_748 = vector.shape_cast %get3A_747 : vector<1x16xf32> to vector<16xf32>
      %add3A_749 = arith.constant 3 : i32
      %add3A_750 = arith.addi %mul3A_191, %add3A_749 : i32
      %get3A_751 = arith.index_cast %add3A_750 : i32 to index
      %get3A_752 = arith.constant 0 : index
      %get3A_753 = tpu.vector_load %arg8[%get3A_751, %get3A_752] {strides = array<i32>} : memref<80x128xf32, #tpu.memory_space<vmem>>, vector<1x16xf32>,
      %get3A_754 = vector.shape_cast %get3A_753 : vector<1x16xf32> to vector<16xf32>
      %add3A_755 = arith.addf %get3A_748, %get3A_754 : vector<16xf32>
      %max3A_756 = arith.constant 0.000000e+00 : f32
      %max3A_757 = vector.broadcast %max3A_756 : f32 to vector<16xf32>
      %max3A_758 = arith.maximumf %add3A_755, %max3A_757 : vector<16xf32>
      %add3A_759 = arith.constant 3 : i32
      %add3A_760 = arith.addi %mul3A_191, %add3A_759 : i32
      %swap3A_761 = arith.index_cast %add3A_760 : i32 to index
      %swap3A_762 = arith.constant 0 : index
      %swap3A_763 = tpu.vector_load %arg7[%swap3A_761, %swap3A_762] {strides = array<i32>} : memref<80x128xf32, #tpu.memory_space<vmem>>, vector<1x16xf32>,
      %swap3A_764 = vector.shape_cast %swap3A_763 : vector<1x16xf32> to vector<16xf32>
      %swap3A_765 = vector.shape_cast %max3A_758 : vector<16xf32> to vector<1x16xf32>
      tpu.vector_store %arg7[%swap3A_761, %swap3A_762], %swap3A_765 {strides = array<i32>} : memref<80x128xf32, #tpu.memory_space<vmem>>, vector<1x16xf32>,
      %add3A_766 = arith.constant 3 : i32
      %add3A_767 = arith.addi %mul3A_191, %add3A_766 : i32
      %get3A_768 = arith.index_cast %add3A_767 : i32 to index
      %get3A_769 = arith.constant 16 : index
      %get3A_770 = tpu.vector_load %arg7[%get3A_768, %get3A_769] {strides = array<i32>} : memref<80x128xf32, #tpu.memory_space<vmem>>, vector<1x16xf32>,
      %get3A_771 = vector.shape_cast %get3A_770 : vector<1x16xf32> to vector<16xf32>
      %add3A_772 = arith.constant 3 : i32
      %add3A_773 = arith.addi %mul3A_191, %add3A_772 : i32
      %get3A_774 = arith.index_cast %add3A_773 : i32 to index
      %get3A_775 = arith.constant 16 : index
      %get3A_776 = tpu.vector_load %arg8[%get3A_774, %get3A_775] {strides = array<i32>} : memref<80x128xf32, #tpu.memory_space<vmem>>, vector<1x16xf32>,
      %get3A_777 = vector.shape_cast %get3A_776 : vector<1x16xf32> to vector<16xf32>
      %add3A_778 = arith.addf %get3A_771, %get3A_777 : vector<16xf32>
      %max3A_779 = arith.constant 0.000000e+00 : f32
      %max3A_780 = vector.broadcast %max3A_779 : f32 to vector<16xf32>
      %max3A_781 = arith.maximumf %add3A_778, %max3A_780 : vector<16xf32>
      %add3A_782 = arith.constant 3 : i32
      %add3A_783 = arith.addi %mul3A_191, %add3A_782 : i32
      %swap3A_784 = arith.index_cast %add3A_783 : i32 to index
      %swap3A_785 = arith.constant 16 : index
      %swap3A_786 = tpu.vector_load %arg7[%swap3A_784, %swap3A_785] {strides = array<i32>} : memref<80x128xf32, #tpu.memory_space<vmem>>, vector<1x16xf32>,
      %swap3A_787 = vector.shape_cast %swap3A_786 : vector<1x16xf32> to vector<16xf32>
      %swap3A_788 = vector.shape_cast %max3A_781 : vector<16xf32> to vector<1x16xf32>
      tpu.vector_store %arg7[%swap3A_784, %swap3A_785], %swap3A_788 {strides = array<i32>} : memref<80x128xf32, #tpu.memory_space<vmem>>, vector<1x16xf32>,
      %add3A_789 = arith.constant 3 : i32
      %add3A_790 = arith.addi %mul3A_191, %add3A_789 : i32
      %get3A_791 = arith.index_cast %add3A_790 : i32 to index
      %get3A_792 = arith.constant 32 : index
      %get3A_793 = tpu.vector_load %arg7[%get3A_791, %get3A_792] {strides = array<i32>} : memref<80x128xf32, #tpu.memory_space<vmem>>, vector<1x16xf32>,
      %get3A_794 = vector.shape_cast %get3A_793 : vector<1x16xf32> to vector<16xf32>
      %add3A_795 = arith.constant 3 : i32
      %add3A_796 = arith.addi %mul3A_191, %add3A_795 : i32
      %get3A_797 = arith.index_cast %add3A_796 : i32 to index
      %get3A_798 = arith.constant 32 : index
      %get3A_799 = tpu.vector_load %arg8[%get3A_797, %get3A_798] {strides = array<i32>} : memref<80x128xf32, #tpu.memory_space<vmem>>, vector<1x16xf32>,
      %get3A_800 = vector.shape_cast %get3A_799 : vector<1x16xf32> to vector<16xf32>
      %add3A_801 = arith.addf %get3A_794, %get3A_800 : vector<16xf32>
      %max3A_802 = arith.constant 0.000000e+00 : f32
      %max3A_803 = vector.broadcast %max3A_802 : f32 to vector<16xf32>
      %max3A_804 = arith.maximumf %add3A_801, %max3A_803 : vector<16xf32>
      %add3A_805 = arith.constant 3 : i32
      %add3A_806 = arith.addi %mul3A_191, %add3A_805 : i32
      %swap3A_807 = arith.index_cast %add3A_806 : i32 to index
      %swap3A_808 = arith.constant 32 : index
      %swap3A_809 = tpu.vector_load %arg7[%swap3A_807, %swap3A_808] {strides = array<i32>} : memref<80x128xf32, #tpu.memory_space<vmem>>, vector<1x16xf32>,
      %swap3A_810 = vector.shape_cast %swap3A_809 : vector<1x16xf32> to vector<16xf32>
      %swap3A_811 = vector.shape_cast %max3A_804 : vector<16xf32> to vector<1x16xf32>
      tpu.vector_store %arg7[%swap3A_807, %swap3A_808], %swap3A_811 {strides = array<i32>} : memref<80x128xf32, #tpu.memory_space<vmem>>, vector<1x16xf32>,
      %add3A_812 = arith.constant 3 : i32
      %add3A_813 = arith.addi %mul3A_191, %add3A_812 : i32
      %get3A_814 = arith.index_cast %add3A_813 : i32 to index
      %get3A_815 = arith.constant 48 : index
      %get3A_816 = tpu.vector_load %arg7[%get3A_814, %get3A_815] {strides = array<i32>} : memref<80x128xf32, #tpu.memory_space<vmem>>, vector<1x16xf32>,
      %get3A_817 = vector.shape_cast %get3A_816 : vector<1x16xf32> to vector<16xf32>
      %add3A_818 = arith.constant 3 : i32
      %add3A_819 = arith.addi %mul3A_191, %add3A_818 : i32
      %get3A_820 = arith.index_cast %add3A_819 : i32 to index
      %get3A_821 = arith.constant 48 : index
      %get3A_822 = tpu.vector_load %arg8[%get3A_820, %get3A_821] {strides = array<i32>} : memref<80x128xf32, #tpu.memory_space<vmem>>, vector<1x16xf32>,
      %get3A_823 = vector.shape_cast %get3A_822 : vector<1x16xf32> to vector<16xf32>
      %add3A_824 = arith.addf %get3A_817, %get3A_823 : vector<16xf32>
      %max3A_825 = arith.constant 0.000000e+00 : f32
      %max3A_826 = vector.broadcast %max3A_825 : f32 to vector<16xf32>
      %max3A_827 = arith.maximumf %add3A_824, %max3A_826 : vector<16xf32>
      %add3A_828 = arith.constant 3 : i32
      %add3A_829 = arith.addi %mul3A_191, %add3A_828 : i32
      %swap3A_830 = arith.index_cast %add3A_829 : i32 to index
      %swap3A_831 = arith.constant 48 : index
      %swap3A_832 = tpu.vector_load %arg7[%swap3A_830, %swap3A_831] {strides = array<i32>} : memref<80x128xf32, #tpu.memory_space<vmem>>, vector<1x16xf32>,
      %swap3A_833 = vector.shape_cast %swap3A_832 : vector<1x16xf32> to vector<16xf32>
      %swap3A_834 = vector.shape_cast %max3A_827 : vector<16xf32> to vector<1x16xf32>
      tpu.vector_store %arg7[%swap3A_830, %swap3A_831], %swap3A_834 {strides = array<i32>} : memref<80x128xf32, #tpu.memory_space<vmem>>, vector<1x16xf32>,
      %add3A_835 = arith.constant 3 : i32
      %add3A_836 = arith.addi %mul3A_191, %add3A_835 : i32
      %get3A_837 = arith.index_cast %add3A_836 : i32 to index
      %get3A_838 = arith.constant 64 : index
      %get3A_839 = tpu.vector_load %arg7[%get3A_837, %get3A_838] {strides = array<i32>} : memref<80x128xf32, #tpu.memory_space<vmem>>, vector<1x16xf32>,
      %get3A_840 = vector.shape_cast %get3A_839 : vector<1x16xf32> to vector<16xf32>
      %add3A_841 = arith.constant 3 : i32
      %add3A_842 = arith.addi %mul3A_191, %add3A_841 : i32
      %get3A_843 = arith.index_cast %add3A_842 : i32 to index
      %get3A_844 = arith.constant 64 : index
      %get3A_845 = tpu.vector_load %arg8[%get3A_843, %get3A_844] {strides = array<i32>} : memref<80x128xf32, #tpu.memory_space<vmem>>, vector<1x16xf32>,
      %get3A_846 = vector.shape_cast %get3A_845 : vector<1x16xf32> to vector<16xf32>
      %add3A_847 = arith.addf %get3A_840, %get3A_846 : vector<16xf32>
      %max3A_848 = arith.constant 0.000000e+00 : f32
      %max3A_849 = vector.broadcast %max3A_848 : f32 to vector<16xf32>
      %max3A_850 = arith.maximumf %add3A_847, %max3A_849 : vector<16xf32>
      %add3A_851 = arith.constant 3 : i32
      %add3A_852 = arith.addi %mul3A_191, %add3A_851 : i32
      %swap3A_853 = arith.index_cast %add3A_852 : i32 to index
      %swap3A_854 = arith.constant 64 : index
      %swap3A_855 = tpu.vector_load %arg7[%swap3A_853, %swap3A_854] {strides = array<i32>} : memref<80x128xf32, #tpu.memory_space<vmem>>, vector<1x16xf32>,
      %swap3A_856 = vector.shape_cast %swap3A_855 : vector<1x16xf32> to vector<16xf32>
      %swap3A_857 = vector.shape_cast %max3A_850 : vector<16xf32> to vector<1x16xf32>
      tpu.vector_store %arg7[%swap3A_853, %swap3A_854], %swap3A_857 {strides = array<i32>} : memref<80x128xf32, #tpu.memory_space<vmem>>, vector<1x16xf32>,
      %add3A_858 = arith.constant 3 : i32
      %add3A_859 = arith.addi %mul3A_191, %add3A_858 : i32
      %get3A_860 = arith.index_cast %add3A_859 : i32 to index
      %get3A_861 = arith.constant 80 : index
      %get3A_862 = tpu.vector_load %arg7[%get3A_860, %get3A_861] {strides = array<i32>} : memref<80x128xf32, #tpu.memory_space<vmem>>, vector<1x16xf32>,
      %get3A_863 = vector.shape_cast %get3A_862 : vector<1x16xf32> to vector<16xf32>
      %add3A_864 = arith.constant 3 : i32
      %add3A_865 = arith.addi %mul3A_191, %add3A_864 : i32
      %get3A_866 = arith.index_cast %add3A_865 : i32 to index
      %get3A_867 = arith.constant 80 : index
      %get3A_868 = tpu.vector_load %arg8[%get3A_866, %get3A_867] {strides = array<i32>} : memref<80x128xf32, #tpu.memory_space<vmem>>, vector<1x16xf32>,
      %get3A_869 = vector.shape_cast %get3A_868 : vector<1x16xf32> to vector<16xf32>
      %add3A_870 = arith.addf %get3A_863, %get3A_869 : vector<16xf32>
      %max3A_871 = arith.constant 0.000000e+00 : f32
      %max3A_872 = vector.broadcast %max3A_871 : f32 to vector<16xf32>
      %max3A_873 = arith.maximumf %add3A_870, %max3A_872 : vector<16xf32>
      %add3A_874 = arith.constant 3 : i32
      %add3A_875 = arith.addi %mul3A_191, %add3A_874 : i32
      %swap3A_876 = arith.index_cast %add3A_875 : i32 to index
      %swap3A_877 = arith.constant 80 : index
      %swap3A_878 = tpu.vector_load %arg7[%swap3A_876, %swap3A_877] {strides = array<i32>} : memref<80x128xf32, #tpu.memory_space<vmem>>, vector<1x16xf32>,
      %swap3A_879 = vector.shape_cast %swap3A_878 : vector<1x16xf32> to vector<16xf32>
      %swap3A_880 = vector.shape_cast %max3A_873 : vector<16xf32> to vector<1x16xf32>
      tpu.vector_store %arg7[%swap3A_876, %swap3A_877], %swap3A_880 {strides = array<i32>} : memref<80x128xf32, #tpu.memory_space<vmem>>, vector<1x16xf32>,
      %add3A_881 = arith.constant 3 : i32
      %add3A_882 = arith.addi %mul3A_191, %add3A_881 : i32
      %get3A_883 = arith.index_cast %add3A_882 : i32 to index
      %get3A_884 = arith.constant 96 : index
      %get3A_885 = tpu.vector_load %arg7[%get3A_883, %get3A_884] {strides = array<i32>} : memref<80x128xf32, #tpu.memory_space<vmem>>, vector<1x16xf32>,
      %get3A_886 = vector.shape_cast %get3A_885 : vector<1x16xf32> to vector<16xf32>
      %add3A_887 = arith.constant 3 : i32
      %add3A_888 = arith.addi %mul3A_191, %add3A_887 : i32
      %get3A_889 = arith.index_cast %add3A_888 : i32 to index
      %get3A_890 = arith.constant 96 : index
      %get3A_891 = tpu.vector_load %arg8[%get3A_889, %get3A_890] {strides = array<i32>} : memref<80x128xf32, #tpu.memory_space<vmem>>, vector<1x16xf32>,
      %get3A_892 = vector.shape_cast %get3A_891 : vector<1x16xf32> to vector<16xf32>
      %add3A_893 = arith.addf %get3A_886, %get3A_892 : vector<16xf32>
      %max3A_894 = arith.constant 0.000000e+00 : f32
      %max3A_895 = vector.broadcast %max3A_894 : f32 to vector<16xf32>
      %max3A_896 = arith.maximumf %add3A_893, %max3A_895 : vector<16xf32>
      %add3A_897 = arith.constant 3 : i32
      %add3A_898 = arith.addi %mul3A_191, %add3A_897 : i32
      %swap3A_899 = arith.index_cast %add3A_898 : i32 to index
      %swap3A_900 = arith.constant 96 : index
      %swap3A_901 = tpu.vector_load %arg7[%swap3A_899, %swap3A_900] {strides = array<i32>} : memref<80x128xf32, #tpu.memory_space<vmem>>, vector<1x16xf32>,
      %swap3A_902 = vector.shape_cast %swap3A_901 : vector<1x16xf32> to vector<16xf32>
      %swap3A_903 = vector.shape_cast %max3A_896 : vector<16xf32> to vector<1x16xf32>
      tpu.vector_store %arg7[%swap3A_899, %swap3A_900], %swap3A_903 {strides = array<i32>} : memref<80x128xf32, #tpu.memory_space<vmem>>, vector<1x16xf32>,
      %add3A_904 = arith.constant 3 : i32
      %add3A_905 = arith.addi %mul3A_191, %add3A_904 : i32
      %get3A_906 = arith.index_cast %add3A_905 : i32 to index
      %get3A_907 = arith.constant 112 : index
      %get3A_908 = tpu.vector_load %arg7[%get3A_906, %get3A_907] {strides = array<i32>} : memref<80x128xf32, #tpu.memory_space<vmem>>, vector<1x16xf32>,
      %get3A_909 = vector.shape_cast %get3A_908 : vector<1x16xf32> to vector<16xf32>
      %add3A_910 = arith.constant 3 : i32
      %add3A_911 = arith.addi %mul3A_191, %add3A_910 : i32
      %get3A_912 = arith.index_cast %add3A_911 : i32 to index
      %get3A_913 = arith.constant 112 : index
      %get3A_914 = tpu.vector_load %arg8[%get3A_912, %get3A_913] {strides = array<i32>} : memref<80x128xf32, #tpu.memory_space<vmem>>, vector<1x16xf32>,
      %get3A_915 = vector.shape_cast %get3A_914 : vector<1x16xf32> to vector<16xf32>
      %add3A_916 = arith.addf %get3A_909, %get3A_915 : vector<16xf32>
      %max3A_917 = arith.constant 0.000000e+00 : f32
      %max3A_918 = vector.broadcast %max3A_917 : f32 to vector<16xf32>
      %max3A_919 = arith.maximumf %add3A_916, %max3A_918 : vector<16xf32>
      %add3A_920 = arith.constant 3 : i32
      %add3A_921 = arith.addi %mul3A_191, %add3A_920 : i32
      %swap3A_922 = arith.index_cast %add3A_921 : i32 to index
      %swap3A_923 = arith.constant 112 : index
      %swap3A_924 = tpu.vector_load %arg7[%swap3A_922, %swap3A_923] {strides = array<i32>} : memref<80x128xf32, #tpu.memory_space<vmem>>, vector<1x16xf32>,
      %swap3A_925 = vector.shape_cast %swap3A_924 : vector<1x16xf32> to vector<16xf32>
      %swap3A_926 = vector.shape_cast %max3A_919 : vector<16xf32> to vector<1x16xf32>
      tpu.vector_store %arg7[%swap3A_922, %swap3A_923], %swap3A_926 {strides = array<i32>} : memref<80x128xf32, #tpu.memory_space<vmem>>, vector<1x16xf32>,
    }
    %scan3A_180 = arith.constant 20 : i32
    %run_scoped3A = arith.constant 4 : i32
    "tpu.region"() ({
      %run_scoped3A_189 = tpu.sem_alloc : memref<!tpu.dma_semaphore, #tpu.memory_space<semaphore_mem>>
      %dma_start3A_190 = arith.constant 0 : i32
      %dma_start3A_191 = tpu.memref_slice %arg6[%run_scoped3A, %dma_start3A_190] : memref<6x80xi32, #tpu.memory_space<vmem>> -> memref<1x80xi32, #tpu.memory_space<vmem>>
      %dma_start3A_192 = tpu.memref_squeeze %dma_start3A_191 : memref<1x80xi32, #tpu.memory_space<vmem>> -> memref<80xi32, #tpu.memory_space<vmem>>
      %dma_start3A_193 = arith.constant 0 : i32
      %dma_start3A_194 = arith.constant 0 : i32
      %dma_start3A_195 = tpu.memref_slice %arg11[%dma_start3A_193, %dma_start3A_194] : memref<10000x128xf32, #tpu.memory_space<vmem_shared>> -> memref<10000x128xf32, #tpu.memory_space<vmem_shared>>
      tpu.enqueue_indirect_dma source(%arg7 : memref<80x128xf32, #tpu.memory_space<vmem>>) target(%dma_start3A_195 : memref<10000x128xf32, #tpu.memory_space<vmem_shared>>) offsets(%dma_start3A_192 : memref<80xi32, #tpu.memory_space<vmem>>) semaphore(%run_scoped3A_189 : memref<!tpu.dma_semaphore, #tpu.memory_space<semaphore_mem>>) {add = true}
      %dma_wait3A_196 = arith.constant 0 : i32
      %dma_wait3A_197 = tpu.memref_slice %arg6[%run_scoped3A, %dma_wait3A_196] : memref<6x80xi32, #tpu.memory_space<vmem>> -> memref<1x80xi32, #tpu.memory_space<vmem>>
      %dma_wait3A_198 = tpu.memref_squeeze %dma_wait3A_197 : memref<1x80xi32, #tpu.memory_space<vmem>> -> memref<80xi32, #tpu.memory_space<vmem>>
      %dma_wait3A_199 = arith.constant 0 : i32
      %dma_wait3A_200 = arith.constant 0 : i32
      %dma_wait3A_201 = tpu.memref_slice %arg11[%dma_wait3A_199, %dma_wait3A_200] : memref<10000x128xf32, #tpu.memory_space<vmem_shared>> -> memref<10000x128xf32, #tpu.memory_space<vmem_shared>>
      tpu.wait_indirect_dma semaphore(%run_scoped3A_189 : memref<!tpu.dma_semaphore, #tpu.memory_space<semaphore_mem>>) src(%arg7 : memref<80x128xf32, #tpu.memory_space<vmem>>) dst(%dma_wait3A_201 : memref<10000x128xf32, #tpu.memory_space<vmem_shared>>)
      tpu.yield
    }) : () -> ()
    %barrier3A_181 = arith.constant 0 : index
    tpu.barrier barrier_id(%barrier3A_181)
    %lt3A = arith.constant 15 : i32
    %lt3A_182 = arith.cmpi slt, %arg1, %lt3A : i32
    %convert_element_type3A = arith.extui %lt3A_182 : i1 to i32
    %cond3A = arith.constant 0 : i32
    %cond3A_183 = arith.cmpi ne, %convert_element_type3A, %cond3A : i32
    scf.if %cond3A_183 {
      %mul3A_189 = arith.constant 640 : i32
      %mul3A_190 = arith.muli %arg1, %mul3A_189 : i32
      %mul3A_191 = arith.constant 640 : i32
      %mul3A_192 = arith.muli %arg1, %mul3A_191 : i32
      "tpu.region"() ({
        %run_scoped3A_193 = tpu.sem_alloc : memref<!tpu.dma_semaphore, #tpu.memory_space<semaphore_mem>>
        %dma_start3A_194 = arith.constant 0 : i32
        %dma_start3A_195 = tpu.memref_slice %arg5[%arg0, %mul3A_192, %dma_start3A_194] : memref<2x10000x128xf32, #tpu.memory_space<hbm>> -> memref<1x640x128xf32, #tpu.memory_space<hbm>>
        %dma_start3A_196 = tpu.memref_squeeze %dma_start3A_195 : memref<1x640x128xf32, #tpu.memory_space<hbm>> -> memref<640x128xf32, #tpu.memory_space<hbm>>
        %dma_start3A_197 = arith.constant 0 : i32
        %dma_start3A_198 = tpu.memref_slice %arg11[%mul3A_190, %dma_start3A_197] : memref<10000x128xf32, #tpu.memory_space<vmem_shared>> -> memref<640x128xf32, #tpu.memory_space<vmem_shared>>
        tpu.enqueue_dma source(%dma_start3A_198 : memref<640x128xf32, #tpu.memory_space<vmem_shared>>) target(%dma_start3A_196 : memref<640x128xf32, #tpu.memory_space<hbm>>) target_semaphore(%run_scoped3A_193 : memref<!tpu.dma_semaphore, #tpu.memory_space<semaphore_mem>>)
        %dma_wait3A_199 = arith.constant 0 : i32
        %dma_wait3A_200 = tpu.memref_slice %arg5[%arg0, %mul3A_192, %dma_wait3A_199] : memref<2x10000x128xf32, #tpu.memory_space<hbm>> -> memref<1x640x128xf32, #tpu.memory_space<hbm>>
        %dma_wait3A_201 = tpu.memref_squeeze %dma_wait3A_200 : memref<1x640x128xf32, #tpu.memory_space<hbm>> -> memref<640x128xf32, #tpu.memory_space<hbm>>
        %dma_wait3A_202 = arith.constant 0 : i32
        %dma_wait3A_203 = tpu.memref_slice %arg11[%mul3A_190, %dma_wait3A_202] : memref<10000x128xf32, #tpu.memory_space<vmem_shared>> -> memref<640x128xf32, #tpu.memory_space<vmem_shared>>
        tpu.wait_dma2 semaphore(%run_scoped3A_193 : memref<!tpu.dma_semaphore, #tpu.memory_space<semaphore_mem>>) src(%dma_wait3A_203 : memref<640x128xf32, #tpu.memory_space<vmem_shared>>) dst(%dma_wait3A_201 : memref<640x128xf32, #tpu.memory_space<hbm>>)
        tpu.yield
      }) : () -> ()
    } else {
    }
    %eq3A_184 = arith.constant 15 : i32
    %eq3A_185 = arith.cmpi eq, %arg1, %eq3A_184 : i32
    %convert_element_type3A_186 = arith.extui %eq3A_185 : i1 to i32
    %cond3A_187 = arith.constant 0 : i32
    %cond3A_188 = arith.cmpi ne, %convert_element_type3A_186, %cond3A_187 : i32
    scf.if %cond3A_188 {
      "tpu.region"() ({
        %run_scoped3A_189 = tpu.sem_alloc : memref<!tpu.dma_semaphore, #tpu.memory_space<semaphore_mem>>
        %dma_start3A_190 = arith.constant 9600 : i32
        %dma_start3A_191 = arith.constant 0 : i32
        %dma_start3A_192 = tpu.memref_slice %arg5[%arg0, %dma_start3A_190, %dma_start3A_191] : memref<2x10000x128xf32, #tpu.memory_space<hbm>> -> memref<1x400x128xf32, #tpu.memory_space<hbm>>
        %dma_start3A_193 = tpu.memref_squeeze %dma_start3A_192 : memref<1x400x128xf32, #tpu.memory_space<hbm>> -> memref<400x128xf32, #tpu.memory_space<hbm>>
        %dma_start3A_194 = arith.constant 9600 : i32
        %dma_start3A_195 = arith.constant 0 : i32
        %dma_start3A_196 = tpu.memref_slice %arg11[%dma_start3A_194, %dma_start3A_195] : memref<10000x128xf32, #tpu.memory_space<vmem_shared>> -> memref<400x128xf32, #tpu.memory_space<vmem_shared>>
        tpu.enqueue_dma source(%dma_start3A_196 : memref<400x128xf32, #tpu.memory_space<vmem_shared>>) target(%dma_start3A_193 : memref<400x128xf32, #tpu.memory_space<hbm>>) target_semaphore(%run_scoped3A_189 : memref<!tpu.dma_semaphore, #tpu.memory_space<semaphore_mem>>)
        %dma_wait3A_197 = arith.constant 9600 : i32
        %dma_wait3A_198 = arith.constant 0 : i32
        %dma_wait3A_199 = tpu.memref_slice %arg5[%arg0, %dma_wait3A_197, %dma_wait3A_198] : memref<2x10000x128xf32, #tpu.memory_space<hbm>> -> memref<1x400x128xf32, #tpu.memory_space<hbm>>
        %dma_wait3A_200 = tpu.memref_squeeze %dma_wait3A_199 : memref<1x400x128xf32, #tpu.memory_space<hbm>> -> memref<400x128xf32, #tpu.memory_space<hbm>>
        %dma_wait3A_201 = arith.constant 9600 : i32
        %dma_wait3A_202 = arith.constant 0 : i32
        %dma_wait3A_203 = tpu.memref_slice %arg11[%dma_wait3A_201, %dma_wait3A_202] : memref<10000x128xf32, #tpu.memory_space<vmem_shared>> -> memref<400x128xf32, #tpu.memory_space<vmem_shared>>
        tpu.wait_dma2 semaphore(%run_scoped3A_189 : memref<!tpu.dma_semaphore, #tpu.memory_space<semaphore_mem>>) src(%dma_wait3A_203 : memref<400x128xf32, #tpu.memory_space<vmem_shared>>) dst(%dma_wait3A_200 : memref<400x128xf32, #tpu.memory_space<hbm>>)
        tpu.yield
      }) : () -> ()
    } else {
    }
    return
  }
}

module attributes {stable_mosaic.version = 14 : i64} {
  func.func @_pre_body(%arg0: i32, %arg1: memref<2000x128xf32, #tpu.memory_space<vmem>>, %arg2: memref<2000x128xf32, #tpu.memory_space<vmem>>, %arg3: memref<128x128xf32, #tpu.memory_space<vmem>>, %arg4: memref<1x128xf32, #tpu.memory_space<vmem>>, %arg5: memref<128x128xf32, #tpu.memory_space<vmem>>, %arg6: memref<1x128xf32, #tpu.memory_space<vmem>>, %arg7: memref<128x128xf32, #tpu.memory_space<vmem>>, %arg8: memref<128x128xf32, #tpu.memory_space<vmem>>, %arg9: memref<1x128xf32, #tpu.memory_space<vmem>>, %arg10: memref<2000x128xf32, #tpu.memory_space<vmem>>, %arg11: memref<2000x128xf32, #tpu.memory_space<vmem>>) attributes {dimension_semantics = [#tpu.dimension_semantics<arbitrary>], iteration_bounds = array<i64: 5>, scalar_prefetch = 0 : i64, scratch_operands = 0 : i64, tpu.core_type = #tpu.core_type<tc>, window_params = [{transform_indices = @transform_0, window_bounds = array<i64: 2000, 128>}, {transform_indices = @transform_1, window_bounds = array<i64: 2000, 128>}, {pipeline_mode = #tpu.pipeline_mode<synchronous>, transform_indices = @transform_2, window_bounds = array<i64: 128, 128>}, {pipeline_mode = #tpu.pipeline_mode<synchronous>, transform_indices = @transform_3, window_bounds = array<i64: 1, 128>}, {pipeline_mode = #tpu.pipeline_mode<synchronous>, transform_indices = @transform_4, window_bounds = array<i64: 128, 128>}, {pipeline_mode = #tpu.pipeline_mode<synchronous>, transform_indices = @transform_5, window_bounds = array<i64: 1, 128>}, {pipeline_mode = #tpu.pipeline_mode<synchronous>, transform_indices = @transform_6, window_bounds = array<i64: 128, 128>}, {pipeline_mode = #tpu.pipeline_mode<synchronous>, transform_indices = @transform_7, window_bounds = array<i64: 128, 128>}, {pipeline_mode = #tpu.pipeline_mode<synchronous>, transform_indices = @transform_8, window_bounds = array<i64: 1, 128>}, {transform_indices = @transform_9, window_bounds = array<i64: 2000, 128>}, {transform_indices = @transform_10, window_bounds = array<i64: 2000, 128>}]} {
    %get3A = arith.constant 0 : index
    %get3A_0 = arith.constant 0 : index
    %get3A_1 = vector.load %arg1[%get3A, %get3A_0] : memref<2000x128xf32, #tpu.memory_space<vmem>>, vector<2000x128xf32>
    %get3A_2 = arith.constant 0 : index
    %get3A_3 = arith.constant 0 : index
    %get3A_4 = vector.load %arg3[%get3A_2, %get3A_3] : memref<128x128xf32, #tpu.memory_space<vmem>>, vector<128x128xf32>
    %dot_general3A = arith.constant dense<0.000000e+00> : vector<2000x128xf32>
    %dot_general3A_5 = tpu.matmul %get3A_1, %get3A_4, %dot_general3A {dimension_numbers = #tpu.dot_dimension_numbers<[1], [0], [0], [1], [0, 0, 1, 1], [], []>, transpose_lhs_hint = false} : vector<2000x128xf32>, vector<128x128xf32>, vector<2000x128xf32> -> vector<2000x128xf32>
    %get3A_6 = arith.constant 0 : index
    %get3A_7 = arith.constant 0 : index
    %get3A_8 = vector.load %arg4[%get3A_6, %get3A_7] : memref<1x128xf32, #tpu.memory_space<vmem>>, vector<1x128xf32>
    %add3A = vector.broadcast %get3A_8 : vector<1x128xf32> to vector<2000x128xf32>
    %add3A_9 = arith.addf %dot_general3A_5, %add3A : vector<2000x128xf32>
    %max3A = arith.constant 0.000000e+00 : f32
    %max3A_10 = vector.broadcast %max3A : f32 to vector<2000x128xf32>
    %max3A_11 = arith.maximumf %add3A_9, %max3A_10 : vector<2000x128xf32>
    %get3A_12 = arith.constant 0 : index
    %get3A_13 = arith.constant 0 : index
    %get3A_14 = vector.load %arg5[%get3A_12, %get3A_13] : memref<128x128xf32, #tpu.memory_space<vmem>>, vector<128x128xf32>
    %dot_general3A_15 = arith.constant dense<0.000000e+00> : vector<2000x128xf32>
    %dot_general3A_16 = tpu.matmul %max3A_11, %get3A_14, %dot_general3A_15 {dimension_numbers = #tpu.dot_dimension_numbers<[1], [0], [0], [1], [0, 0, 1, 1], [], []>, transpose_lhs_hint = false} : vector<2000x128xf32>, vector<128x128xf32>, vector<2000x128xf32> -> vector<2000x128xf32>
    %get3A_17 = arith.constant 0 : index
    %get3A_18 = arith.constant 0 : index
    %get3A_19 = vector.load %arg6[%get3A_17, %get3A_18] : memref<1x128xf32, #tpu.memory_space<vmem>>, vector<1x128xf32>
    %add3A_20 = vector.broadcast %get3A_19 : vector<1x128xf32> to vector<2000x128xf32>
    %add3A_21 = arith.addf %dot_general3A_16, %add3A_20 : vector<2000x128xf32>
    %tanh3A = math.tanh %add3A_21 : vector<2000x128xf32>
    %get3A_22 = arith.constant 0 : index
    %get3A_23 = arith.constant 0 : index
    %get3A_24 = vector.load %arg2[%get3A_22, %get3A_23] : memref<2000x128xf32, #tpu.memory_space<vmem>>, vector<2000x128xf32>
    %get3A_25 = arith.constant 0 : index
    %get3A_26 = arith.constant 0 : index
    %get3A_27 = vector.load %arg7[%get3A_25, %get3A_26] : memref<128x128xf32, #tpu.memory_space<vmem>>, vector<128x128xf32>
    %dot_general3A_28 = arith.constant dense<0.000000e+00> : vector<2000x128xf32>
    %dot_general3A_29 = tpu.matmul %get3A_24, %get3A_27, %dot_general3A_28 {dimension_numbers = #tpu.dot_dimension_numbers<[1], [0], [0], [1], [0, 0, 1, 1], [], []>, transpose_lhs_hint = false} : vector<2000x128xf32>, vector<128x128xf32>, vector<2000x128xf32> -> vector<2000x128xf32>
    %get3A_30 = arith.constant 0 : index
    %get3A_31 = arith.constant 0 : index
    %get3A_32 = vector.load %arg8[%get3A_30, %get3A_31] : memref<128x128xf32, #tpu.memory_space<vmem>>, vector<128x128xf32>
    %dot_general3A_33 = arith.constant dense<0.000000e+00> : vector<2000x128xf32>
    %dot_general3A_34 = tpu.matmul %get3A_1, %get3A_32, %dot_general3A_33 {dimension_numbers = #tpu.dot_dimension_numbers<[1], [0], [0], [1], [0, 0, 1, 1], [], []>, transpose_lhs_hint = false} : vector<2000x128xf32>, vector<128x128xf32>, vector<2000x128xf32> -> vector<2000x128xf32>
    %add3A_35 = arith.addf %dot_general3A_34, %dot_general3A_29 : vector<2000x128xf32>
    %swap3A = arith.constant 0 : index
    %swap3A_36 = arith.constant 0 : index
    %swap3A_37 = vector.load %arg10[%swap3A, %swap3A_36] : memref<2000x128xf32, #tpu.memory_space<vmem>>, vector<2000x128xf32>
    tpu.vector_store %arg10[%swap3A, %swap3A_36], %add3A_35 {strides = array<i32>} : memref<2000x128xf32, #tpu.memory_space<vmem>>, vector<2000x128xf32>,
    %get3A_38 = arith.constant 0 : index
    %get3A_39 = arith.constant 0 : index
    %get3A_40 = vector.load %arg7[%get3A_38, %get3A_39] : memref<128x128xf32, #tpu.memory_space<vmem>>, vector<128x128xf32>
    %dot_general3A_41 = arith.constant dense<0.000000e+00> : vector<2000x128xf32>
    %dot_general3A_42 = tpu.matmul %tanh3A, %get3A_40, %dot_general3A_41 {dimension_numbers = #tpu.dot_dimension_numbers<[1], [0], [0], [1], [0, 0, 1, 1], [], []>, transpose_lhs_hint = false} : vector<2000x128xf32>, vector<128x128xf32>, vector<2000x128xf32> -> vector<2000x128xf32>
    %sub3A = arith.subf %dot_general3A_42, %dot_general3A_29 : vector<2000x128xf32>
    %get3A_43 = arith.constant 0 : index
    %get3A_44 = arith.constant 0 : index
    %get3A_45 = vector.load %arg9[%get3A_43, %get3A_44] : memref<1x128xf32, #tpu.memory_space<vmem>>, vector<1x128xf32>
    %add3A_46 = vector.broadcast %get3A_45 : vector<1x128xf32> to vector<2000x128xf32>
    %add3A_47 = arith.addf %sub3A, %add3A_46 : vector<2000x128xf32>
    %swap3A_48 = arith.constant 0 : index
    %swap3A_49 = arith.constant 0 : index
    %swap3A_50 = vector.load %arg11[%swap3A_48, %swap3A_49] : memref<2000x128xf32, #tpu.memory_space<vmem>>, vector<2000x128xf32>
    tpu.vector_store %arg11[%swap3A_48, %swap3A_49], %add3A_47 {strides = array<i32>} : memref<2000x128xf32, #tpu.memory_space<vmem>>, vector<2000x128xf32>,
    return
  }
  func.func @transform_0(%arg0: i32) -> (i32, i32) {
    %c0_i32 = arith.constant 0 : i32
    %c0_i32_0 = arith.constant 0 : i32
    return %arg0, %c0_i32 : i32, i32
  }
  func.func @transform_1(%arg0: i32) -> (i32, i32) {
    %c0_i32 = arith.constant 0 : i32
    %c0_i32_0 = arith.constant 0 : i32
    return %arg0, %c0_i32 : i32, i32
  }
  func.func @transform_2(%arg0: i32) -> (i32, i32) {
    %c0_i32 = arith.constant 0 : i32
    %c0_i32_0 = arith.constant 0 : i32
    %c0_i32_1 = arith.constant 0 : i32
    return %c0_i32, %c0_i32_0 : i32, i32
  }
  func.func @transform_3(%arg0: i32) -> (i32, i32) {
    %c0_i32 = arith.constant 0 : i32
    %c0_i32_0 = arith.constant 0 : i32
    %c0_i32_1 = arith.constant 0 : i32
    return %c0_i32, %c0_i32_0 : i32, i32
  }
  func.func @transform_4(%arg0: i32) -> (i32, i32) {
    %c0_i32 = arith.constant 0 : i32
    %c0_i32_0 = arith.constant 0 : i32
    %c0_i32_1 = arith.constant 0 : i32
    return %c0_i32, %c0_i32_0 : i32, i32
  }
  func.func @transform_5(%arg0: i32) -> (i32, i32) {
    %c0_i32 = arith.constant 0 : i32
    %c0_i32_0 = arith.constant 0 : i32
    %c0_i32_1 = arith.constant 0 : i32
    return %c0_i32, %c0_i32_0 : i32, i32
  }
  func.func @transform_6(%arg0: i32) -> (i32, i32) {
    %c0_i32 = arith.constant 0 : i32
    %c0_i32_0 = arith.constant 0 : i32
    %c0_i32_1 = arith.constant 0 : i32
    return %c0_i32, %c0_i32_0 : i32, i32
  }
  func.func @transform_7(%arg0: i32) -> (i32, i32) {
    %c0_i32 = arith.constant 0 : i32
    %c0_i32_0 = arith.constant 0 : i32
    %c0_i32_1 = arith.constant 0 : i32
    return %c0_i32, %c0_i32_0 : i32, i32
  }
  func.func @transform_8(%arg0: i32) -> (i32, i32) {
    %c0_i32 = arith.constant 0 : i32
    %c0_i32_0 = arith.constant 0 : i32
    %c0_i32_1 = arith.constant 0 : i32
    return %c0_i32, %c0_i32_0 : i32, i32
  }
  func.func @transform_9(%arg0: i32) -> (i32, i32) {
    %c0_i32 = arith.constant 0 : i32
    %c0_i32_0 = arith.constant 0 : i32
    return %arg0, %c0_i32 : i32, i32
  }
  func.func @transform_10(%arg0: i32) -> (i32, i32) {
    %c0_i32 = arith.constant 0 : i32
    %c0_i32_0 = arith.constant 0 : i32
    return %arg0, %c0_i32 : i32, i32
  }
}

module attributes {stable_mosaic.version = 14 : i64} {
  func.func @_post_body(%arg0: i32, %arg1: memref<2000x128xf32, #tpu.memory_space<vmem>>, %arg2: memref<2000x128xf32, #tpu.memory_space<vmem>>, %arg3: memref<2000x128xf32, #tpu.memory_space<vmem>>, %arg4: memref<128x128xf32, #tpu.memory_space<vmem>>, %arg5: memref<1x128xf32, #tpu.memory_space<vmem>>, %arg6: memref<128x128xf32, #tpu.memory_space<vmem>>, %arg7: memref<1x128xf32, #tpu.memory_space<vmem>>, %arg8: memref<2000x128xf32, #tpu.memory_space<vmem>>) attributes {dimension_semantics = [#tpu.dimension_semantics<arbitrary>], iteration_bounds = array<i64: 5>, scalar_prefetch = 0 : i64, scratch_operands = 0 : i64, tpu.core_type = #tpu.core_type<tc>, window_params = [{transform_indices = @transform_0, window_bounds = array<i64: 2000, 128>}, {transform_indices = @transform_1, window_bounds = array<i64: 2000, 128>}, {transform_indices = @transform_2, window_bounds = array<i64: 2000, 128>}, {pipeline_mode = #tpu.pipeline_mode<synchronous>, transform_indices = @transform_3, window_bounds = array<i64: 128, 128>}, {pipeline_mode = #tpu.pipeline_mode<synchronous>, transform_indices = @transform_4, window_bounds = array<i64: 1, 128>}, {pipeline_mode = #tpu.pipeline_mode<synchronous>, transform_indices = @transform_5, window_bounds = array<i64: 128, 128>}, {pipeline_mode = #tpu.pipeline_mode<synchronous>, transform_indices = @transform_6, window_bounds = array<i64: 1, 128>}, {transform_indices = @transform_7, window_bounds = array<i64: 2000, 128>}]} {
    %get3A = arith.constant 0 : index
    %get3A_0 = arith.constant 0 : index
    %get3A_1 = vector.load %arg1[%get3A, %get3A_0] : memref<2000x128xf32, #tpu.memory_space<vmem>>, vector<2000x128xf32>
    %get3A_2 = arith.constant 0 : index
    %get3A_3 = arith.constant 0 : index
    %get3A_4 = vector.load %arg2[%get3A_2, %get3A_3] : memref<2000x128xf32, #tpu.memory_space<vmem>>, vector<2000x128xf32>
    %add3A = arith.addf %get3A_1, %get3A_4 : vector<2000x128xf32>
    %get3A_5 = arith.constant 0 : index
    %get3A_6 = arith.constant 0 : index
    %get3A_7 = vector.load %arg4[%get3A_5, %get3A_6] : memref<128x128xf32, #tpu.memory_space<vmem>>, vector<128x128xf32>
    %dot_general3A = arith.constant dense<0.000000e+00> : vector<2000x128xf32>
    %dot_general3A_8 = tpu.matmul %add3A, %get3A_7, %dot_general3A {dimension_numbers = #tpu.dot_dimension_numbers<[1], [0], [0], [1], [0, 0, 1, 1], [], []>, transpose_lhs_hint = false} : vector<2000x128xf32>, vector<128x128xf32>, vector<2000x128xf32> -> vector<2000x128xf32>
    %get3A_9 = arith.constant 0 : index
    %get3A_10 = arith.constant 0 : index
    %get3A_11 = vector.load %arg5[%get3A_9, %get3A_10] : memref<1x128xf32, #tpu.memory_space<vmem>>, vector<1x128xf32>
    %add3A_12 = vector.broadcast %get3A_11 : vector<1x128xf32> to vector<2000x128xf32>
    %add3A_13 = arith.addf %dot_general3A_8, %add3A_12 : vector<2000x128xf32>
    %max3A = arith.constant 0.000000e+00 : f32
    %max3A_14 = vector.broadcast %max3A : f32 to vector<2000x128xf32>
    %max3A_15 = arith.maximumf %add3A_13, %max3A_14 : vector<2000x128xf32>
    %get3A_16 = arith.constant 0 : index
    %get3A_17 = arith.constant 0 : index
    %get3A_18 = vector.load %arg3[%get3A_16, %get3A_17] : memref<2000x128xf32, #tpu.memory_space<vmem>>, vector<2000x128xf32>
    %get3A_19 = arith.constant 0 : index
    %get3A_20 = arith.constant 0 : index
    %get3A_21 = vector.load %arg6[%get3A_19, %get3A_20] : memref<128x128xf32, #tpu.memory_space<vmem>>, vector<128x128xf32>
    %dot_general3A_22 = arith.constant dense<0.000000e+00> : vector<2000x128xf32>
    %dot_general3A_23 = tpu.matmul %max3A_15, %get3A_21, %dot_general3A_22 {dimension_numbers = #tpu.dot_dimension_numbers<[1], [0], [0], [1], [0, 0, 1, 1], [], []>, transpose_lhs_hint = false} : vector<2000x128xf32>, vector<128x128xf32>, vector<2000x128xf32> -> vector<2000x128xf32>
    %get3A_24 = arith.constant 0 : index
    %get3A_25 = arith.constant 0 : index
    %get3A_26 = vector.load %arg7[%get3A_24, %get3A_25] : memref<1x128xf32, #tpu.memory_space<vmem>>, vector<1x128xf32>
    %add3A_27 = vector.broadcast %get3A_26 : vector<1x128xf32> to vector<2000x128xf32>
    %add3A_28 = arith.addf %dot_general3A_23, %add3A_27 : vector<2000x128xf32>
    %max3A_29 = arith.constant 0.000000e+00 : f32
    %max3A_30 = vector.broadcast %max3A_29 : f32 to vector<2000x128xf32>
    %max3A_31 = arith.maximumf %add3A_28, %max3A_30 : vector<2000x128xf32>
    %add3A_32 = arith.addf %get3A_18, %max3A_31 : vector<2000x128xf32>
    %swap3A = arith.constant 0 : index
    %swap3A_33 = arith.constant 0 : index
    %swap3A_34 = vector.load %arg8[%swap3A, %swap3A_33] : memref<2000x128xf32, #tpu.memory_space<vmem>>, vector<2000x128xf32>
    tpu.vector_store %arg8[%swap3A, %swap3A_33], %add3A_32 {strides = array<i32>} : memref<2000x128xf32, #tpu.memory_space<vmem>>, vector<2000x128xf32>,
    return
  }
  func.func @transform_0(%arg0: i32) -> (i32, i32) {
    %c0_i32 = arith.constant 0 : i32
    %c0_i32_0 = arith.constant 0 : i32
    return %arg0, %c0_i32 : i32, i32
  }
  func.func @transform_1(%arg0: i32) -> (i32, i32) {
    %c0_i32 = arith.constant 0 : i32
    %c0_i32_0 = arith.constant 0 : i32
    return %arg0, %c0_i32 : i32, i32
  }
  func.func @transform_2(%arg0: i32) -> (i32, i32) {
    %c0_i32 = arith.constant 0 : i32
    %c0_i32_0 = arith.constant 0 : i32
    return %arg0, %c0_i32 : i32, i32
  }
  func.func @transform_3(%arg0: i32) -> (i32, i32) {
    %c0_i32 = arith.constant 0 : i32
    %c0_i32_0 = arith.constant 0 : i32
    %c0_i32_1 = arith.constant 0 : i32
    return %c0_i32, %c0_i32_0 : i32, i32
  }
  func.func @transform_4(%arg0: i32) -> (i32, i32) {
    %c0_i32 = arith.constant 0 : i32
    %c0_i32_0 = arith.constant 0 : i32
    %c0_i32_1 = arith.constant 0 : i32
    return %c0_i32, %c0_i32_0 : i32, i32
  }
  func.func @transform_5(%arg0: i32) -> (i32, i32) {
    %c0_i32 = arith.constant 0 : i32
    %c0_i32_0 = arith.constant 0 : i32
    %c0_i32_1 = arith.constant 0 : i32
    return %c0_i32, %c0_i32_0 : i32, i32
  }
  func.func @transform_6(%arg0: i32) -> (i32, i32) {
    %c0_i32 = arith.constant 0 : i32
    %c0_i32_0 = arith.constant 0 : i32
    %c0_i32_1 = arith.constant 0 : i32
    return %c0_i32, %c0_i32_0 : i32, i32
  }
  func.func @transform_7(%arg0: i32) -> (i32, i32) {
    %c0_i32 = arith.constant 0 : i32
    %c0_i32_0 = arith.constant 0 : i32
    return %arg0, %c0_i32 : i32, i32
  }
}

</mosaic_0001>

<sc_bundles>
// kernel: kernel.5.cloned.1.call-start
scs
__scs_entry_jumppad:
0x0: {  	(pc) =	sbr.rel $0x88, $3  }
0x1: {  	(tag) =	ssettag $0x0;
	lr =	simm.s32 $0x1  }
0x2: {  	[smem:$0x3F94] =	sst lr;
	_ =	strace $0xD0000000  }
0x3: {  	_ = 	snop  }
0x4: {  	_ = 	snop  }
0x5: {  	_ = 	snop  }
0x6: {  	_ = 	snop  }
0x7: {  	_ = 	snop  }
__scs_overlays_trampoline_lowered:
0x8: {  	[smem:$0x3FA3] =	sst s0  }
0x9: {  	[smem:$0x3FA4] =	sst s1  }
0xa: {  	[smem:$0x3FA5] =	sst s2  }
0xb: {  	[smem:$0x3FA6] =	sst s3  }
0xc: {  	[smem:$0x3FA7] =	sst s4  }
0xd: {  	[smem:$0x3FA8] =	sst s5  }
0xe: {  	[smem:$0x3FA9] =	sst s6  }
0xf: {  	[smem:$0x3FAA] =	sst s7  }
0x10: {  	[smem:$0x3FAB] =	sst s8  }
0x11: {  	[smem:$0x3FAC] =	sst s9;
	s0 =	simm.s32 @!p0 $0x0  }
0x12: {  	s1 =	sld [smem:$0x3F92];
	s0 =	simm.s32 @p0 $0x1  }
0x13: {  	[smem:$0x3FAD] =	sst s0;
	s0 =	simm.s32 @!p1 $0x0  }
0x14: {  	s2 =	sld [smem:$0x3F91];
	s0 =	simm.s32 @p1 $0x1  }
0x15: {  	[smem:$0x3FAE] =	sst s0;
	s0 =	simm.s32 @!p2 $0x0  }
0x16: {  	s3 =	sld [smem:$0x3FDB];
	s0 =	simm.s32 @p2 $0x1  }
0x17: {  	s4 =	simm.s32 $0x1BF5;
	[smem:$0x3FB0] =	sst s0  }
0x18: {  	s0 =	sld [smem:$0x3F93];
	_ =	swait.ge [sflag:s4], $0x0  }
0x19: {  	s7 =	sld [smem:$0x3F94]  }
0x1a: {  	s8 =	sadd.s32 $0xFFFFE003, lr  }
0x1b: {  	s9 =	sadd.s32 $0xFFFFFEF7, lr;
	s5 =	simm.s32 $0xFFFFFFFF;
	p2 =	slt.u32 s8, $0xFFFFF086  }
0x1c: {  	p1 =	slt.u32 s9, $0xF7A;
	s5 =	simm.s32 @!p2 $0x0  }
0x1d: {  	s5 =	simm.s32 @p1 $0x1;
	p0 =	seq.s32 s7, s2  }
0x1e: {  	s7 =	smul.u32 @!p0 $0xF7A, s2;
	p2 =	seq.s32 @!p0 s5, $0x0  }
0x1f: {  	s9 =	smul.u32 $0xF7A, s1;
	s8 =	simm.s32 @!p0 $0x1BF5;
	p2 =	por !p2, p0  }
0x20: {  	[sflag:s8] =	ssyncset.s32 @!p0 $0xFFFFF086;
	s6 =	sadd.s32 @!p0 s3, s7;
	s7 =	simm.s32 @!p0 $0x108  }
0x21: {  	s3 =	sadd.s32 s3, s9;
	s6 =	sadd.s32 @!p0 $0x88, s6;
	s7 =	simm.s32 @p2 $0x1082  }
0x22: {  	[simem:s7], [sflag:s8] =	dma.local @!p0 [hbm:s6], $0xF7A  }
0x23: {  	s9 =	sor.u32 $0xD0000000, s2;
	s6 =	simm.s32 $0x108;
	_ =	swait.ge @!p0 [sflag:s8], $0x0  }
0x24: {  	s3 =	sadd.s32 $0x88, s3;
	s6 =	simm.s32 @!p1 $0x1082;
	[sflag:s4] =	ssyncset.s32 $0xFFFFF086  }
0x25: {  	[simem:s6], [sflag:s4] =	dma.local [hbm:s3], $0xF7A  }
0x26: {  	[smem:$0x3F94] =	sst s1;
	(tag) =	ssettag s2;
	_ =	strace s9  }
0x27: {  	s1 =	sld [smem:$0x3FA4]  }
0x28: {  	s2 =	sld [smem:$0x3FA5]  }
0x29: {  	s4 =	sld [smem:$0x3FA7]  }
0x2a: {  	p0 =	seq.s32 s5, $0x0;
	s5 =	sld [smem:$0x3FA8]  }
0x2b: {  	s6 =	sld [smem:$0x3FA9]  }
0x2c: {  	s7 =	sld [smem:$0x3FAA]  }
0x2d: {  	s3 =	simm.s32 $0x108;
	s8 =	sld [smem:$0x3FAB]  }
0x2e: {  	s3 =	simm.s32 @!p0 $0x1082;
	s9 =	sld [smem:$0x3FAC]  }
0x2f: {  	lr =	sadd.s32 s0, s3;
	s0 =	sld [smem:$0x3FA3]  }
0x30: {  	s3 =	sld [smem:$0x3FA6]  }
0x31: {  	[smem:$0x3FAF] =	sst s10  }
0x32: {  	s10 =	sld [smem:$0x3FAD];
	_ =	sdelay $0x3  }
0x33: {  	p0 =	seq.s32 s10, $0x1;
	s10 =	sld [smem:$0x3FAF];
	_ =	sdelay $0x3  }
0x34: {  	[smem:$0x3FAF] =	sst s10  }
0x35: {  	s10 =	sld [smem:$0x3FAE];
	_ =	sdelay $0x3  }
0x36: {  	p1 =	seq.s32 s10, $0x1;
	s10 =	sld [smem:$0x3FAF];
	_ =	sdelay $0x3  }
0x37: {  	[smem:$0x3FAF] =	sst s10  }
0x38: {  	s10 =	sld [smem:$0x3FB0]  }
0x39: {  	_ = 	snop;
	(pc) =	sbr.ind lr, $3  }
0x3a: {  	_ = 	snop  }
0x3b: {  	_ = 	snop  }
0x3c: {  	p2 =	seq.s32 s10, $0x1;
	s10 =	sld [smem:$0x3FAF]  }
0x3d: {  	_ =	shalt  }
0x3e: {  	_ =	shalt  }
0x3f: {  	_ =	shalt  }
0x40: {  	_ =	shalt  }
0x41: {  	_ =	shalt  }
0x42: {  	_ =	shalt  }
0x43: {  	_ =	shalt  }
0x44: {  	_ =	shalt  }
0x45: {  	_ =	shalt  }
0x46: {  	_ =	shalt  }
0x47: {  	_ =	shalt  }
0x48: {  	_ =	shalt  }
0x49: {  	_ =	shalt  }
0x4a: {  	_ =	shalt  }
0x4b: {  	_ =	shalt  }
0x4c: {  	_ =	shalt  }
0x4d: {  	_ =	shalt  }
0x4e: {  	_ =	shalt  }
0x4f: {  	_ =	shalt  }
0x50: {  	_ =	shalt  }
0x51: {  	_ =	shalt  }
0x52: {  	_ =	shalt  }
0x53: {  	_ =	shalt  }
0x54: {  	_ =	shalt  }
0x55: {  	_ =	shalt  }
0x56: {  	_ =	shalt  }
0x57: {  	_ =	shalt  }
0x58: {  	_ =	shalt  }
0x59: {  	_ =	shalt  }
0x5a: {  	_ =	shalt  }
0x5b: {  	_ =	shalt  }
0x5c: {  	_ =	shalt  }
0x5d: {  	_ =	shalt  }
0x5e: {  	_ =	shalt  }
0x5f: {  	_ =	shalt  }
0x60: {  	_ =	shalt  }
0x61: {  	_ =	shalt  }
0x62: {  	_ =	shalt  }
0x63: {  	_ =	shalt  }
0x64: {  	_ =	shalt  }
0x65: {  	_ =	shalt  }
0x66: {  	_ =	shalt  }
0x67: {  	_ =	shalt  }
0x68: {  	_ =	shalt  }
0x69: {  	_ =	shalt  }
0x6a: {  	_ =	shalt  }
0x6b: {  	_ =	shalt  }
0x6c: {  	_ =	shalt  }
0x6d: {  	_ =	shalt  }
0x6e: {  	_ =	shalt  }
0x6f: {  	_ =	shalt  }
0x70: {  	_ =	shalt  }
0x71: {  	_ =	shalt  }
0x72: {  	_ =	shalt  }
0x73: {  	_ =	shalt  }
0x74: {  	_ =	shalt  }
0x75: {  	_ =	shalt  }
0x76: {  	_ =	shalt  }
0x77: {  	_ =	shalt  }
0x78: {  	_ =	shalt  }
0x79: {  	_ =	shalt  }
0x7a: {  	_ =	shalt  }
0x7b: {  	_ =	shalt  }
0x7c: {  	_ =	shalt  }
0x7d: {  	_ =	shalt  }
0x7e: {  	_ =	shalt  }
0x7f: {  	_ =	shalt  }
0x80: {  	_ =	shalt  }
0x81: {  	_ =	shalt  }
0x82: {  	_ =	shalt  }
0x83: {  	_ =	shalt  }
0x84: {  	_ =	shalt  }
0x85: {  	_ =	shalt  }
0x86: {  	_ =	shalt  }
0x87: {  	_ =	shalt  }
.Lfunc_end0:
.L_simem_size_0:
called_computation_lowered:
.L_overlay_start_0:
0x88: {  	s2 =	sld [smem:$0x3FD9]  }
0x89: {  	s3 =	sld [smem:$0x3FFE];
	_ =	sdelay $0x1  }
0x8a: {  	s1 =	srdreg.scid  }
0x8b: {  	s0 =	sand.u32 $0x1, s1  }
0x8c: {  	s17 =	sshll.u32 s0, $0xA;
	s2 =	sadd.s32 s3, s2  }
0x8d: {  	s2 =	sadd.s32 s2, s17  }
0x8e: {  	[smem:$0x3FBB] =	sst s2  }
0x8f: {  	_ = 	snop  }
0x90: {  	s2 =	sld [smem:$0x3FD0];
	(tm) =	ssettm $0x1  }
0x91: {  	s18 =	sld [smem:$0x3FFB];
	_ =	sdelay $0x3  }
0x92: {  	_ =	strace s18  }
0x93: {  	s3 =	sld [smem:$0x3FFC];
	_ =	sdelay $0x3  }
0x94: {  	_ =	strace s3  }
0x95: {  	s3 =	sld [smem:$0x3FFD];
	_ =	sdelay $0x3  }
0x96: {  	_ =	strace s3  }
0x97: {  	_ =	strace $0x8FFFFFFF  }
0x98: {  	s19 =	sld [smem:$0x3FDB];
	_ =	sdelay $0x1  }
0x99: {  	s4 =	simm.s32 $_scs_section_size  }
0x9a: {  	s5 =	simm.s32 $_size__tile_overlayer_lowered;
	s6 =	simm.s32 $_tile_overlayer_lowered  }
0x9b: {  	s22 =	simm.s32 $0x1BFF;
	s21 =	sshll.u32 s6, $0x1;
	s3 =	sadd.s32 s4, s19  }
0x9c: {  	s7 =	simm.s32 $0x0;
	s20 =	sshll.u32 s5, $0x1;
	s5 =	sadd.s32 s21, s3  }
0x9d: {  	[timem:s7], [sflag:s22] =	dma.local [hbm:s5], s20  }
0x9e: {  	_ =	swait.ge [sflag:s22], s20  }
0x9f: {  	s4 =	ssub.s32 $0x0, s20;
	[sflag:s22] =	ssyncset.done $0x0  }
0xa0: {  	[sflag:s22] =	ssyncadd.s32 s4;
	_ =	sdelay $0x1  }
0xa1: {  	s23 =	simm.s32 $0x1B8B  }
0xa2: {  	_ =	swait.ge [sflag:s23], $0x1  }
0xa3: {  	[sflag:s23] =	ssyncset.done $0x0  }
0xa4: {  	s25 =	simm.s32 $0x1B8E;
	s24 =	sld [smem:$0x3FFE];
	[sflag:s23] =	ssyncadd.s32 $0xFFFFFFFF  }
0xa5: {  	s26 =	simm.s32 $execute0_lowered;
	[smem:$0x3FD2] =	sst s25  }
0xa6: {  	s5 =	sshll.u32 s26, $0x1;
	_ =	strace $0x80000046;
	[dreg:$0x1] =	wrdreg $0xFFFFFFFF  }
0xa7: {  	s28 =	simm.s32 $_size_execute0_lowered;
	s3 =	sadd.s32 s3, s5;
	[dreg:$0x0] =	wrdreg $0x0  }
0xa8: {  	s5 =	sshll.u32 s28, $0x1;
	[dreg:$0x2] =	wrdreg s3  }
0xa9: {  	[dreg:$0x3] =	wrdreg s5  }
0xaa: {  	[dreg:$0x4] =	wrdreg $0xC0  }
0xab: {  	_ =	task [dreg:s7], $0x5FFFF  }
0xac: {  	[dreg:$0x1] =	wrdreg $0xFFFFFFFF  }
0xad: {  	[dreg:$0x0] =	wrdreg $0x60  }
0xae: {  	[dreg:$0x2] =	wrdreg s2  }
0xaf: {  	[dreg:$0x3] =	wrdreg s24  }
0xb0: {  	[dreg:$0x4] =	wrdreg $0xA4000  }
0xb1: {  	[dreg:$0x5] =	wrdreg $0x9  }
0xb2: {  	_ =	task.clear_ibuf [dreg:s7], $0x6FFFF;
	_ =	strace $0x90000046  }
0xb3: {  	s29 =	simm.s32 $0x9;
	_ =	strace $0x80000048  }
0xb4: {  	_ =	swait.ge [sflag:s29], $0x1  }
0xb5: {  	[sflag:s29] =	ssyncadd.s32 $0xFFFFFFFF  }
0xb6: {  	_ =	strace $0x90000048  }
0xb7: {  	_ =	sfence  }
0xb8: {  	s30 =	sld [smem:$0x0];
	_ =	sdelay $0x2  }
0xb9: {  	s31 =	sshll.u32 s1, $0xD;
	s1 =	sshrl.u32 s1, $0x2  }
0xba: {  	s3 =	sand.u32 $0x4000, s31;
	s1 =	sadd.s32 s1, s30  }
0xbb: {  	s0 =	sor.u32 s3, s0;
	s1 =	sshll.u32 s1, $0x11  }
0xbc: {  	s0 =	sor.u32 s1, s0  }
0xbd: {  	s0 =	sadd.s32 $0x8F2B, s0  }
0xbe: {  	[sflag:s0] =	ssyncadd.remote.s32 $0x1  }
0xbf: {  	_ =	sfence.sel $0xFFFF  }
0xc0: {  	[dreg:$0x0] =	wrdreg $0xFFFFFFFF;
	(pc) =	sbr.abs _section_cstart, $3  }
0xc1: {  	[dreg:$0x1] =	wrdreg $0xFFFFFFFF  }
0xc2: {  	_ =	task.clear_ibuf [dreg:s7], $0x2FFFF;
	_ =	strace $0x9FFFFFFF  }
0xc3: {  	(tm) =	ssettm $0x7FFFFFFF  }
tec
execute0_lowered:
.L_overlay_start_1:
0x0: {  	(tag) =	ssettag $0x1  }
0x1: {  	s1 =	rddreg [dreg:$0x0]  }
0x2: {  	s0 =	rddreg [dreg:$0x1]  }
0x3: {  	s3 =	rddreg [dreg:$0x2];
	s4 =	simm.s32 $0x0  }
0x4: {  	s2 =	srdreg.scid;
	s11 =	stileid.u32;
	s12 =	simm.s32 $0x5  }
0x5: {  	s19 =	simm.s32 $0x400;
	s20 =	simm.s32 $0x7;
	s28 =	simm.s32 $0x6  }
0x6: {  	s29 =	simm.s32 $0x5400;
	s30 =	simm.s32 $0x7C00;
	s31 =	simm.s32 $0x1  }
0x7: {  	s15 =	simm.s32 $0x0;
	[smem:$0x7FF] =	sst s4;
	s2 =	sand.u32 $0x1, s2  }
0x8: {  	s5 =	sshll.u32 s11, $0x1;
	p0 =	seq.s32 s11, $0xF;
	s21 =	smul.u32 $0x14000, s11  }
0x9: {  	s11 =	smul.u32 $0x50000, s11;
	_ =	strace $0x80000047;
	s7 =	ssub.s32 $0x2, s2  }
0xa: {  	s6 =	sor.u32 s2, s5;
	s5 =	sadd.s32 $0x16400, s0;
	s2 =	smul.u32 $0x138800, s2  }
0xb: {  	s12 =	simm.s32 @!p0 $0x8;
	s8 =	sshrl.u32 s7, $0x1;
	s9 =	smul.u32 $0x2710, s6  }
0xc: {  	s6 =	sadd.s32 $0x2A00, s0;
	s0 =	sadd.s32 $0x3D600, s0;
	[dreg:$0x4] =	wrdreg s12  }
0xd: {  	s25 =	sshrl.u32 s11, $0x2;
	s11 =	simm.s32 $0x4;
	s12 =	simm.s32 $0x280  }
0xe: {  	s8 =	ssub.s32 s7, s8;
	s7 =	simm.s32 $0x5;
	s24 =	sadd.s32 s21, s2  }
0xf: {  	s2 =	sshrl.u32 s2, $0x3;
	s17 =	sadd.s32 s25, s3;
	s21 =	simm.s32 $0x100  }
0x10: {  	s10 =	sshrl.u32 s9, $0x3;
	s26 =	smax.u32 s8, $0x1;
	[dreg:$0xa] =	wrdreg s17  }
0x11: {  	s14 =	sadd.s32 $0xF0, s9;
	s13 =	sadd.s32 s6, s10;
	[dreg:$0xc] =	wrdreg s26  }
0x12: {  	s26 =	simm.s32 $0x180;
	s10 =	sadd.s32 $0x9C40, s13;
	s22 =	sadd.s32 $0xA, s13  }
0x13: {  	[dreg:$0x5] =	wrdreg s13;
	s23 =	sadd.s32 $0x9C4A, s13;
	s13 =	sadd.s32 $0xA0, s9  }
0x14: {  	s9 =	sshrl.u32 s24, $0x3;
	s24 =	simm.s32 $0x80;
	[dreg:$0x6] =	wrdreg s10  }
0x15: {  	[dreg:$0x7] =	wrdreg s22;
	s9 =	sadd.s32 s0, s9;
	s0 =	sadd.s32 s0, s2  }
0x16: {  	[dreg:$0x8] =	wrdreg s23;
	s22 =	simm.s32 $0x50;
	s0 =	sadd.s32 $0x25800, s0  }
0x17: {  	s23 =	simm.s32 $0x2C00;
	[dreg:$0xb] =	wrdreg s0;
	s0 =	sadd.s32 $0x12C000, s3  }
0x18: {  	s2 =	simm.s32 $0x200;
	[dreg:$0x9] =	wrdreg s9;
	s0 =	sshrl.u32 @p0 s0, $0x3  }
0x19: {  	v0 =	vimm.f32 $0.0e+00;
	s10 =	simm.s32 $0x2;
	[dreg:$0xd] =	wrdreg s0;
	s0 =	simm.s32 $0x3  }
.LBB2_1:
0x1a: {  	s8 =	simm.s32 $0x0;
	s9 =	simm.s32 $0x200  }
.LBB2_2:
0x1b: {  	p1 =	sne.s32 s9, $0x9E00;
	[tilespmem:s8+$0x470] =	vst v0  }
0x1c: {  	[tilespmem:s8+$0x400] =	vst v0  }
0x1d: {  	[tilespmem:s8+$0x410] =	vst v0  }
.Ltmp0:
0x1e: {  	[tilespmem:s8+$0x420] =	vst v0;
	(pc) =	sbr.rel @p1 .LBB2_2-.Ltmp0, $4  }
0x1f: {  	[tilespmem:s8+$0x430] =	vst v0  }
0x20: {  	[tilespmem:s8+$0x440] =	vst v0  }
0x21: {  	[tilespmem:s8+$0x450] =	vst v0  }
0x22: {  	[tilespmem:s8+$0x460] =	vst v0;
	s8 =	sshra.s32 s9, $0x2;
	s9 =	sadd.s32 $0x200, s9  }
0x23: {  	[tilespmem:s8+$0x470] =	vst v0  }
0x24: {  	[tilespmem:s8+$0x400] =	vst v0  }
0x25: {  	[tilespmem:s8+$0x410] =	vst v0  }
0x26: {  	[tilespmem:s8+$0x420] =	vst v0  }
0x27: {  	[tilespmem:s8+$0x430] =	vst v0;
	s25 =	rddreg [dreg:$0x4]  }
0x28: {  	[tilespmem:s8+$0x440] =	vst v0;
	p1 =	sne.s32 s25, $0x1  }
.Ltmp1:
0x29: {  	[tilespmem:s8+$0x450] =	vst v0;
	(pc) =	sbr.rel @!p1 .LBB2_5-.Ltmp1, $4  }
0x2a: {  	[tilespmem:s8+$0x460] =	vst v0  }
0x2b: {  	[spmem:s17] =	stream.linear.scatter [tilespmem:s19], [sflag:$0x7], $0x2800, $0x38;
	[tilespmem:$0x1DC80] =	vst v63  }
0x2c: {  	_ =	swait.ge [sflag:s20], $0x2800  }
0x2d: {  	s9 =	smov.u32 s17;
	s8 =	sadd.s32 $0xFFFFFFFF, s25;
	[sflag:s20] =	ssyncset.done $0x0  }
.LBB2_4:
0x2e: {  	p1 =	sne.s32 s8, $0x1;
	[sflag:s20] =	ssyncadd.s32 $0xFFFFD800;
	s9 =	sadd.s32 $0x2800, s9  }
.Ltmp2:
0x2f: {  	s8 =	sadd.s32 $0xFFFFFFFF, s8;
	(pc) =	sbr.rel @p1 .LBB2_4-.Ltmp2, $4  }
0x30: {  	_ = 	snop  }
0x31: {  	[spmem:s9] =	stream.linear.scatter [tilespmem:s19], [sflag:$0x7], $0x2800, $0x38;
	[tilespmem:$0x1DC80] =	vst v63  }
0x32: {  	_ =	swait.ge [sflag:s20], $0x2800  }
0x33: {  	[sflag:s20] =	ssyncset.done $0x0  }
.LBB2_5:
0x34: {  	[sflag:s20] =	ssyncadd.s32 $0xFFFFD800  }
0x35: {  	[bflag:$0x0] =	sbarrier.arrive $0xFFFF  }
0x36: {  	s17 =	simm.s32 $0x0;
	s8 =	rddreg [dreg:$0x5]  }
0x37: {  	[tilespmem:s17], [sflag:$0x5] =	stream.linear.gather [hbm4b:s8+s17], $0x50, $0x38;
	[tilespmem:$0x1DC80] =	vst v63  }
0x38: {  	s16 =	rddreg [dreg:$0x6]  }
0x39: {  	[tilespmem:s21], [sflag:$0x5] =	stream.linear.gather [hbm4b:s16+s17], $0x50, $0x38;
	[tilespmem:$0x1DC80] =	vst v63  }
0x3a: {  	_ =	swait.ge [sflag:s7], $0x50  }
0x3b: {  	[sflag:s7] =	ssyncset.done $0x0  }
0x3c: {  	[sflag:s7] =	ssyncadd.s32 $0xFFFFFFB0  }
0x3d: {  	_ =	swait.ge [sflag:s7], $0x50  }
0x3e: {  	[sflag:s7] =	ssyncset.done $0x0  }
0x3f: {  	[sflag:s7] =	ssyncadd.s32 $0xFFFFFFB0  }
0x40: {  	[tilespmem:s19], [sflag:$0x1] =	stream.indirect.gather [hbm4b:s1+s22], $0x80, s17, s22, $0xb8;
	[tilespmem:$0x1DC80] =	vst v63  }
0x41: {  	_ = 	snop  }
0x42: {  	[tilespmem:s23], [sflag:$0x3] =	stream.indirect.gather [hbm4b:s5+s22], $0x80, s21, s22, $0xb8;
	[tilespmem:$0x1DC80] =	vst v63  }
0x43: {  	s18 =	rddreg [dreg:$0x7]  }
0x44: {  	[tilespmem:s24], [sflag:$0x6] =	stream.linear.gather [hbm4b:s18+s17], $0x50, $0x38;
	[tilespmem:$0x1DC80] =	vst v63  }
0x45: {  	s25 =	rddreg [dreg:$0x8];
	s18 =	simm.s32 $0x0  }
0x46: {  	[tilespmem:s26], [sflag:$0x6] =	stream.linear.gather [hbm4b:s25+s17], $0x50, $0x38;
	[tilespmem:$0x1DC80] =	vst v63  }
.LBB2_6:
0x47: {  	_ =	swait.ge [sflag:s28], $0x50  }
0x48: {  	[sflag:s28] =	ssyncset.done $0x0  }
0x49: {  	[sflag:s28] =	ssyncadd.s32 $0xFFFFFFB0  }
0x4a: {  	_ =	swait.ge [sflag:s28], $0x50  }
0x4b: {  	[sflag:s28] =	ssyncset.done $0x0  }
0x4c: {  	[sflag:s28] =	ssyncadd.s32 $0xFFFFFFB0  }
0x4d: {  	[tilespmem:s29], [sflag:$0x2] =	stream.indirect.gather [hbm4b:s1+s22], $0x80, s24, s22, $0xb8;
	[tilespmem:$0x1DC80] =	vst v63  }
0x4e: {  	_ = 	snop  }
0x4f: {  	[tilespmem:s30], [sflag:$0x4] =	stream.indirect.gather [hbm4b:s5+s22], $0x80, s26, s22, $0xb8;
	[tilespmem:$0x1DC80] =	vst v63  }
0x50: {  	_ =	swait.ge [sflag:s31], $0x2800  }
0x51: {  	[sflag:s31] =	ssyncset.done $0x0  }
0x52: {  	[sflag:s31] =	ssyncadd.s32 $0xFFFFD800  }
0x53: {  	_ =	swait.ge [sflag:s0], $0x2800  }
0x54: {  	[sflag:s0] =	ssyncset.done $0x0  }
0x55: {  	[sflag:s0] =	ssyncadd.s32 $0xFFFFD800  }
0x56: {  	v1 =	vld [tilespmem:$0x100]  }
0x57: {  	v2 =	vld [tilespmem:$0x110]  }
0x58: {  	v3 =	vld [tilespmem:$0x120]  }
0x59: {  	v4 =	vld [tilespmem:$0x130]  }
0x5a: {  	v5 =	vld [tilespmem:$0x140]  }
0x5b: {  	s25 =	smul.u32 $0xA0, s18;
	[tilespmem:$0x200] =	vst v1  }
0x5c: {  	[tilespmem:$0x210] =	vst v2  }
0x5d: {  	s8 =	sadd.s32 s25, s13;
	[tilespmem:$0x220] =	vst v3  }
0x5e: {  	s8 =	sshrl.u32 s8, $0x3;
	[tilespmem:$0x230] =	vst v4  }
0x5f: {  	s8 =	sadd.s32 s6, s8;
	[tilespmem:$0x240] =	vst v5  }
0x60: {  	[tilespmem:s17], [sflag:$0x5] =	stream.linear.gather [hbm4b:s8+s17], $0x50, $0x38;
	[tilespmem:$0x1DC80] =	vst v63  }
0x61: {  	s9 =	simm.s32 $0x0;
	s8 =	sadd.s32 $0x9C40, s8  }
0x62: {  	[tilespmem:s21], [sflag:$0x5] =	stream.linear.gather [hbm4b:s8+s17], $0x50, $0x38;
	[tilespmem:$0x1DC80] =	vst v63  }
0x63: {  	v7 =	vld [tilespmem:s9+$0x2C00]  }
0x64: {  	v8 =	vld [tilespmem:s9+$0x2C10]  }
0x65: {  	v9 =	vld [tilespmem:s9+$0x2C20]  }
0x66: {  	v10 =	vld [tilespmem:s9+$0x2C30]  }
0x67: {  	v11 =	vld [tilespmem:s9+$0x2C40]  }
0x68: {  	v12 =	vld [tilespmem:s9+$0x2C50]  }
0x69: {  	v13 =	vld [tilespmem:s9+$0x2C60]  }
0x6a: {  	v14 =	vld [tilespmem:s9+$0x2C70]  }
0x6b: {  	v15 =	vld [tilespmem:s9+$0x2C80]  }
0x6c: {  	v16 =	vld [tilespmem:s9+$0x2C90]  }
0x6d: {  	v17 =	vld [tilespmem:s9+$0x2CA0]  }
0x6e: {  	v18 =	vld [tilespmem:s9+$0x2CB0]  }
0x6f: {  	v19 =	vld [tilespmem:s9+$0x2CC0]  }
0x70: {  	v20 =	vld [tilespmem:s9+$0x2CD0]  }
0x71: {  	v21 =	vld [tilespmem:s9+$0x2CE0]  }
0x72: {  	v22 =	vld [tilespmem:s9+$0x2CF0]  }
0x73: {  	v23 =	vld [tilespmem:s9+$0x2D00]  }
0x74: {  	v24 =	vld [tilespmem:s9+$0x2D10]  }
0x75: {  	v25 =	vld [tilespmem:s9+$0x2D20]  }
0x76: {  	v26 =	vld [tilespmem:s9+$0x2D30]  }
0x77: {  	v27 =	vld [tilespmem:s9+$0x2D40]  }
0x78: {  	v33 =	vld [tilespmem:s9+$0x400]  }
0x79: {  	v28 =	vld [tilespmem:s9+$0x2D50]  }
0x7a: {  	v34 =	vld [tilespmem:s9+$0x410]  }
0x7b: {  	v35 =	vld [tilespmem:s9+$0x420]  }
0x7c: {  	v29 =	vld [tilespmem:s9+$0x2D60]  }
0x7d: {  	v36 =	vld [tilespmem:s9+$0x430];
	v7 =	vadd.f32 v7, v33  }
0x7e: {  	v37 =	vld [tilespmem:s9+$0x440]  }
0x7f: {  	v30 =	vld [tilespmem:s9+$0x2D70];
	v8 =	vadd.f32 v8, v34;
	v7 =	vmax.f32 v7, $0.0e+00  }
0x80: {  	v61 =	vld [tilespmem:s9+$0x450];
	[tilespmem:s9+$0x400] =	vst v7;
	v7 =	vadd.f32 v9, v35  }
0x81: {  	v38 =	vld [tilespmem:s9+$0x460];
	v8 =	vmax.f32 v8, $0.0e+00  }
0x82: {  	v31 =	vld [tilespmem:s9+$0x2D80];
	[tilespmem:s9+$0x410] =	vst v8;
	v8 =	vadd.f32 v10, v36;
	v7 =	vmax.f32 v7, $0.0e+00  }
0x83: {  	v62 =	vld [tilespmem:s9+$0x470];
	[tilespmem:s9+$0x420] =	vst v7;
	v7 =	vadd.f32 v11, v37  }
0x84: {  	v9 =	vld [tilespmem:s9+$0x480];
	v8 =	vmax.f32 v8, $0.0e+00  }
0x85: {  	v32 =	vld [tilespmem:s9+$0x2D90];
	[tilespmem:s9+$0x430] =	vst v8;
	v8 =	vadd.f32 v12, v61;
	v7 =	vmax.f32 v7, $0.0e+00  }
0x86: {  	v10 =	vld [tilespmem:s9+$0x490];
	[tilespmem:s9+$0x440] =	vst v7;
	v7 =	vadd.f32 v13, v38  }
0x87: {  	v11 =	vld [tilespmem:s9+$0x4A0];
	v8 =	vmax.f32 v8, $0.0e+00  }
0x88: {  	v6 =	vld [tilespmem:s9+$0x2DA0];
	[tilespmem:s9+$0x450] =	vst v8;
	v8 =	vadd.f32 v14, v62;
	v7 =	vmax.f32 v7, $0.0e+00  }
0x89: {  	v12 =	vld [tilespmem:s9+$0x4B0];
	[tilespmem:s9+$0x460] =	vst v7;
	v7 =	vadd.f32 v15, v9  }
0x8a: {  	v13 =	vld [tilespmem:s9+$0x4C0];
	v8 =	vmax.f32 v8, $0.0e+00  }
0x8b: {  	v5 =	vld [tilespmem:s9+$0x2DB0];
	[tilespmem:s9+$0x470] =	vst v8;
	v8 =	vadd.f32 v16, v10;
	v7 =	vmax.f32 v7, $0.0e+00  }
0x8c: {  	v14 =	vld [tilespmem:s9+$0x4D0];
	[tilespmem:s9+$0x480] =	vst v7;
	v7 =	vadd.f32 v17, v11  }
0x8d: {  	v9 =	vld [tilespmem:s9+$0x4E0];
	v8 =	vmax.f32 v8, $0.0e+00  }
0x8e: {  	v4 =	vld [tilespmem:s9+$0x2DC0];
	[tilespmem:s9+$0x490] =	vst v8;
	v8 =	vadd.f32 v18, v12;
	v7 =	vmax.f32 v7, $0.0e+00  }
0x8f: {  	v10 =	vld [tilespmem:s9+$0x4F0];
	[tilespmem:s9+$0x4A0] =	vst v7;
	v7 =	vadd.f32 v19, v13  }
0x90: {  	v11 =	vld [tilespmem:s9+$0x500];
	v8 =	vmax.f32 v8, $0.0e+00  }
0x91: {  	v3 =	vld [tilespmem:s9+$0x2DD0];
	[tilespmem:s9+$0x4B0] =	vst v8;
	v8 =	vadd.f32 v20, v14;
	v7 =	vmax.f32 v7, $0.0e+00  }
0x92: {  	v12 =	vld [tilespmem:s9+$0x510];
	[tilespmem:s9+$0x4C0] =	vst v7;
	v7 =	vadd.f32 v21, v9  }
0x93: {  	v13 =	vld [tilespmem:s9+$0x520];
	v8 =	vmax.f32 v8, $0.0e+00  }
0x94: {  	v2 =	vld [tilespmem:s9+$0x2DE0];
	[tilespmem:s9+$0x4D0] =	vst v8;
	v8 =	vadd.f32 v22, v10;
	v7 =	vmax.f32 v7, $0.0e+00  }
0x95: {  	v14 =	vld [tilespmem:s9+$0x530];
	[tilespmem:s9+$0x4E0] =	vst v7;
	v7 =	vadd.f32 v23, v11  }
0x96: {  	v9 =	vld [tilespmem:s9+$0x540];
	v8 =	vmax.f32 v8, $0.0e+00  }
0x97: {  	v1 =	vld [tilespmem:s9+$0x2DF0];
	[tilespmem:s9+$0x4F0] =	vst v8;
	v8 =	vadd.f32 v24, v12;
	v7 =	vmax.f32 v7, $0.0e+00  }
0x98: {  	v10 =	vld [tilespmem:s9+$0x550];
	[tilespmem:s9+$0x500] =	vst v7;
	v7 =	vadd.f32 v25, v13  }
0x99: {  	v15 =	vld [tilespmem:s9+$0x560];
	v8 =	vmax.f32 v8, $0.0e+00  }
0x9a: {  	v12 =	vld [tilespmem:s9+$0x570];
	[tilespmem:s9+$0x510] =	vst v8;
	v8 =	vadd.f32 v26, v14;
	v7 =	vmax.f32 v7, $0.0e+00  }
0x9b: {  	v13 =	vld [tilespmem:s9+$0x580];
	[tilespmem:s9+$0x520] =	vst v7;
	v7 =	vadd.f32 v27, v9  }
0x9c: {  	v63 =	vld [tilespmem:s9+$0x590];
	v8 =	vmax.f32 v8, $0.0e+00  }
0x9d: {  	v11 =	vld [tilespmem:s9+$0x5A0];
	[tilespmem:s9+$0x530] =	vst v8;
	v8 =	vadd.f32 v28, v10;
	v7 =	vmax.f32 v7, $0.0e+00  }
0x9e: {  	v10 =	vld [tilespmem:s9+$0x5B0];
	[tilespmem:s9+$0x540] =	vst v7;
	v7 =	vadd.f32 v29, v15  }
0x9f: {  	v12 =	vadd.f32 v30, v12;
	v9 =	vld [tilespmem:s9+$0x5C0];
	v8 =	vmax.f32 v8, $0.0e+00  }
0xa0: {  	v13 =	vadd.f32 v31, v13;
	[tilespmem:s9+$0x550] =	vst v8;
	v8 =	vld [tilespmem:s9+$0x5D0];
	v7 =	vmax.f32 v7, $0.0e+00  }
0xa1: {  	s8 =	simm.s32 $0x800;
	v14 =	vmax.f32 v12, $0.0e+00;
	v12 =	vadd.f32 v32, v63;
	[tilespmem:s9+$0x560] =	vst v7;
	v7 =	vld [tilespmem:s9+$0x5E0]  }
.LBB2_7:
0xa2: {  	s16 =	sshra.s32 s8, $0x2;
	p1 =	sne.s32 s8, $0x9800;
	[tilespmem:s9+$0x570] =	vst v14;
	v13 =	vmax.f32 v13, $0.0e+00;
	v6 =	vadd.f32 v6, v11;
	v11 =	vld [tilespmem:s9+$0x5F0]  }
0xa3: {  	v14 =	vld [tilespmem:s16+$0x2C00];
	[tilespmem:s9+$0x580] =	vst v13;
	v12 =	vmax.f32 v12, $0.0e+00;
	v5 =	vadd.f32 v5, v10  }
0xa4: {  	v13 =	vld [tilespmem:s16+$0x2C10];
	[tilespmem:s9+$0x590] =	vst v12;
	v6 =	vmax.f32 v6, $0.0e+00;
	v4 =	vadd.f32 v4, v9  }
0xa5: {  	v15 =	vld [tilespmem:s16+$0x2C20];
	[tilespmem:s9+$0x5A0] =	vst v6;
	v5 =	vmax.f32 v5, $0.0e+00;
	v3 =	vadd.f32 v3, v8  }
0xa6: {  	v16 =	vld [tilespmem:s16+$0x2C30];
	[tilespmem:s9+$0x5B0] =	vst v5;
	v4 =	vmax.f32 v4, $0.0e+00;
	v2 =	vadd.f32 v2, v7  }
0xa7: {  	v17 =	vld [tilespmem:s16+$0x2C40];
	[tilespmem:s9+$0x5C0] =	vst v4;
	v3 =	vmax.f32 v3, $0.0e+00;
	v1 =	vadd.f32 v1, v11  }
0xa8: {  	v18 =	vld [tilespmem:s16+$0x2C50];
	[tilespmem:s9+$0x5D0] =	vst v3;
	v2 =	vmax.f32 v2, $0.0e+00  }
0xa9: {  	v19 =	vld [tilespmem:s16+$0x2C60];
	[tilespmem:s9+$0x5E0] =	vst v2;
	v1 =	vmax.f32 v1, $0.0e+00  }
0xaa: {  	v20 =	vld [tilespmem:s16+$0x2C70];
	[tilespmem:s9+$0x5F0] =	vst v1;
	s9 =	smov.u32 s16  }
0xab: {  	v21 =	vld [tilespmem:s9+$0x2C80]  }
0xac: {  	v22 =	vld [tilespmem:s9+$0x2C90]  }
0xad: {  	v23 =	vld [tilespmem:s9+$0x2CA0]  }
0xae: {  	v24 =	vld [tilespmem:s9+$0x2CB0]  }
0xaf: {  	v25 =	vld [tilespmem:s9+$0x2CC0]  }
0xb0: {  	v26 =	vld [tilespmem:s9+$0x2CD0]  }
0xb1: {  	v27 =	vld [tilespmem:s9+$0x2CE0]  }
0xb2: {  	v28 =	vld [tilespmem:s9+$0x2CF0]  }
0xb3: {  	v29 =	vld [tilespmem:s9+$0x2D00]  }
0xb4: {  	v30 =	vld [tilespmem:s9+$0x2D10]  }
0xb5: {  	v31 =	vld [tilespmem:s9+$0x2D20]  }
0xb6: {  	v32 =	vld [tilespmem:s9+$0x2D30]  }
0xb7: {  	v12 =	vld [tilespmem:s9+$0x2D40]  }
0xb8: {  	v11 =	vld [tilespmem:s9+$0x2D50]  }
0xb9: {  	v10 =	vld [tilespmem:s9+$0x2D60]  }
0xba: {  	v9 =	vld [tilespmem:s9+$0x2D70]  }
0xbb: {  	v8 =	vld [tilespmem:s9+$0x2D80]  }
0xbc: {  	v7 =	vld [tilespmem:s9+$0x2D90]  }
0xbd: {  	v6 =	vld [tilespmem:s9+$0x2DA0]  }
0xbe: {  	v5 =	vld [tilespmem:s9+$0x2DB0]  }
0xbf: {  	v4 =	vld [tilespmem:s9+$0x2DC0]  }
0xc0: {  	v3 =	vld [tilespmem:s9+$0x2DD0]  }
0xc1: {  	v2 =	vld [tilespmem:s9+$0x2DE0]  }
0xc2: {  	v1 =	vld [tilespmem:s9+$0x2DF0]  }
0xc3: {  	v33 =	vld [tilespmem:s9+$0x400]  }
0xc4: {  	v34 =	vld [tilespmem:s9+$0x410]  }
0xc5: {  	v35 =	vld [tilespmem:s9+$0x420]  }
0xc6: {  	v36 =	vld [tilespmem:s9+$0x430]  }
0xc7: {  	v37 =	vld [tilespmem:s9+$0x440]  }
0xc8: {  	v14 =	vadd.f32 v14, v33;
	v33 =	vld [tilespmem:s9+$0x450]  }
0xc9: {  	v13 =	vadd.f32 v13, v34;
	v34 =	vld [tilespmem:s9+$0x460]  }
0xca: {  	v14 =	vmax.f32 v14, $0.0e+00;
	v15 =	vadd.f32 v15, v35;
	v35 =	vld [tilespmem:s9+$0x470]  }
0xcb: {  	[tilespmem:s9+$0x400] =	vst v14;
	v13 =	vmax.f32 v13, $0.0e+00;
	v14 =	vadd.f32 v16, v36;
	v16 =	vld [tilespmem:s9+$0x480]  }
0xcc: {  	[tilespmem:s9+$0x410] =	vst v13;
	v13 =	vmax.f32 v15, $0.0e+00;
	v15 =	vadd.f32 v17, v37;
	v17 =	vld [tilespmem:s9+$0x490]  }
0xcd: {  	[tilespmem:s9+$0x420] =	vst v13;
	v13 =	vmax.f32 v14, $0.0e+00;
	v14 =	vadd.f32 v18, v33;
	v18 =	vld [tilespmem:s9+$0x4A0]  }
0xce: {  	[tilespmem:s9+$0x430] =	vst v13;
	v13 =	vmax.f32 v15, $0.0e+00;
	v15 =	vadd.f32 v19, v34;
	v19 =	vld [tilespmem:s9+$0x4B0]  }
0xcf: {  	[tilespmem:s9+$0x440] =	vst v13;
	v13 =	vmax.f32 v14, $0.0e+00;
	v14 =	vadd.f32 v20, v35;
	v20 =	vld [tilespmem:s9+$0x4C0]  }
0xd0: {  	[tilespmem:s9+$0x450] =	vst v13;
	v13 =	vmax.f32 v15, $0.0e+00;
	v15 =	vadd.f32 v21, v16;
	v16 =	vld [tilespmem:s9+$0x4D0]  }
0xd1: {  	[tilespmem:s9+$0x460] =	vst v13;
	v13 =	vmax.f32 v14, $0.0e+00;
	v14 =	vadd.f32 v22, v17;
	v17 =	vld [tilespmem:s9+$0x4E0]  }
0xd2: {  	[tilespmem:s9+$0x470] =	vst v13;
	v13 =	vmax.f32 v15, $0.0e+00;
	v15 =	vadd.f32 v23, v18;
	v18 =	vld [tilespmem:s9+$0x4F0]  }
0xd3: {  	[tilespmem:s9+$0x480] =	vst v13;
	v13 =	vmax.f32 v14, $0.0e+00;
	v14 =	vadd.f32 v24, v19;
	v19 =	vld [tilespmem:s9+$0x500]  }
0xd4: {  	[tilespmem:s9+$0x490] =	vst v13;
	v13 =	vmax.f32 v15, $0.0e+00;
	v15 =	vadd.f32 v25, v20;
	v20 =	vld [tilespmem:s9+$0x510]  }
0xd5: {  	[tilespmem:s9+$0x4A0] =	vst v13;
	v13 =	vmax.f32 v14, $0.0e+00;
	v14 =	vadd.f32 v26, v16;
	v16 =	vld [tilespmem:s9+$0x520]  }
0xd6: {  	[tilespmem:s9+$0x4B0] =	vst v13;
	v13 =	vmax.f32 v15, $0.0e+00;
	v15 =	vadd.f32 v27, v17;
	v17 =	vld [tilespmem:s9+$0x530]  }
0xd7: {  	[tilespmem:s9+$0x4C0] =	vst v13;
	v13 =	vmax.f32 v14, $0.0e+00;
	v14 =	vadd.f32 v28, v18;
	v18 =	vld [tilespmem:s9+$0x540]  }
0xd8: {  	[tilespmem:s9+$0x4D0] =	vst v13;
	v13 =	vmax.f32 v15, $0.0e+00;
	v15 =	vadd.f32 v29, v19;
	v19 =	vld [tilespmem:s9+$0x550]  }
0xd9: {  	[tilespmem:s9+$0x4E0] =	vst v13;
	v13 =	vmax.f32 v14, $0.0e+00;
	v14 =	vadd.f32 v30, v20;
	v20 =	vld [tilespmem:s9+$0x560]  }
0xda: {  	[tilespmem:s9+$0x4F0] =	vst v13;
	v13 =	vmax.f32 v15, $0.0e+00;
	v15 =	vadd.f32 v31, v16;
	v16 =	vld [tilespmem:s9+$0x570]  }
0xdb: {  	[tilespmem:s9+$0x500] =	vst v13;
	v13 =	vmax.f32 v14, $0.0e+00;
	v14 =	vadd.f32 v32, v17;
	v17 =	vld [tilespmem:s9+$0x580]  }
0xdc: {  	[tilespmem:s9+$0x510] =	vst v13;
	v13 =	vmax.f32 v15, $0.0e+00;
	v12 =	vadd.f32 v12, v18;
	v15 =	vld [tilespmem:s9+$0x590]  }
.Ltmp3:
0xdd: {  	[tilespmem:s9+$0x520] =	vst v13;
	v13 =	vmax.f32 v14, $0.0e+00;
	v14 =	vadd.f32 v11, v19;
	v11 =	vld [tilespmem:s9+$0x5A0];
	(pc) =	sbr.rel @p1 .LBB2_7-.Ltmp3, $4  }
0xde: {  	[tilespmem:s9+$0x530] =	vst v13;
	v12 =	vmax.f32 v12, $0.0e+00;
	v13 =	vadd.f32 v10, v20;
	v10 =	vld [tilespmem:s9+$0x5B0]  }
0xdf: {  	[tilespmem:s9+$0x540] =	vst v12;
	v12 =	vmax.f32 v14, $0.0e+00;
	v14 =	vadd.f32 v9, v16;
	v9 =	vld [tilespmem:s9+$0x5C0]  }
0xe0: {  	[tilespmem:s9+$0x550] =	vst v12;
	v12 =	vmax.f32 v13, $0.0e+00;
	v13 =	vadd.f32 v8, v17;
	v8 =	vld [tilespmem:s9+$0x5D0]  }
0xe1: {  	s8 =	sadd.s32 $0x800, s8;
	[tilespmem:s9+$0x560] =	vst v12;
	v14 =	vmax.f32 v14, $0.0e+00;
	v12 =	vadd.f32 v7, v15;
	v7 =	vld [tilespmem:s9+$0x5E0]  }
0xe2: {  	[tilespmem:s9+$0x570] =	vst v14;
	v13 =	vmax.f32 v13, $0.0e+00;
	v6 =	vadd.f32 v6, v11;
	v11 =	vld [tilespmem:s9+$0x5F0]  }
0xe3: {  	[tilespmem:s9+$0x580] =	vst v13;
	v12 =	vmax.f32 v12, $0.0e+00;
	v5 =	vadd.f32 v5, v10  }
0xe4: {  	[tilespmem:s9+$0x590] =	vst v12;
	v6 =	vmax.f32 v6, $0.0e+00;
	v4 =	vadd.f32 v4, v9  }
0xe5: {  	[tilespmem:s9+$0x5A0] =	vst v6;
	v5 =	vmax.f32 v5, $0.0e+00;
	v3 =	vadd.f32 v3, v8  }
0xe6: {  	[tilespmem:s9+$0x5B0] =	vst v5;
	v4 =	vmax.f32 v4, $0.0e+00;
	v2 =	vadd.f32 v2, v7  }
0xe7: {  	[tilespmem:s9+$0x5C0] =	vst v4;
	v3 =	vmax.f32 v3, $0.0e+00;
	v1 =	vadd.f32 v1, v11  }
0xe8: {  	[tilespmem:s9+$0x5D0] =	vst v3;
	v2 =	vmax.f32 v2, $0.0e+00  }
0xe9: {  	[tilespmem:s9+$0x5E0] =	vst v2;
	v1 =	vmax.f32 v1, $0.0e+00  }
0xea: {  	[tilespmem:s9+$0x5F0] =	vst v1  }
0xeb: {  	[spmem:s3] =	stream.indirect.scatter.add.f32 [tilespmem:s19], [sflag:$0x7], $0x80, s2, s22, $0xb8;
	[tilespmem:$0x1DC80] =	vst v63  }
0xec: {  	_ =	swait.ge [sflag:s20], $0x2800  }
0xed: {  	[sflag:s20] =	ssyncset.done $0x0  }
0xee: {  	[sflag:s20] =	ssyncadd.s32 $0xFFFFD800  }
0xef: {  	_ =	swait.ge [sflag:s7], $0x50  }
0xf0: {  	[sflag:s7] =	ssyncset.done $0x0  }
0xf1: {  	[sflag:s7] =	ssyncadd.s32 $0xFFFFFFB0  }
0xf2: {  	_ =	swait.ge [sflag:s7], $0x50  }
0xf3: {  	[sflag:s7] =	ssyncset.done $0x0  }
0xf4: {  	[sflag:s7] =	ssyncadd.s32 $0xFFFFFFB0  }
0xf5: {  	[tilespmem:s19], [sflag:$0x1] =	stream.indirect.gather [hbm4b:s1+s22], $0x80, s4, s22, $0xb8;
	[tilespmem:$0x1DC80] =	vst v63  }
0xf6: {  	_ = 	snop  }
0xf7: {  	[tilespmem:s23], [sflag:$0x3] =	stream.indirect.gather [hbm4b:s5+s22], $0x80, s21, s22, $0xb8;
	[tilespmem:$0x1DC80] =	vst v63  }
0xf8: {  	_ =	swait.ge [sflag:s10], $0x2800  }
0xf9: {  	[sflag:s10] =	ssyncset.done $0x0  }
0xfa: {  	[sflag:s10] =	ssyncadd.s32 $0xFFFFD800  }
0xfb: {  	_ =	swait.ge [sflag:s11], $0x2800  }
0xfc: {  	[sflag:s11] =	ssyncset.done $0x0  }
0xfd: {  	[sflag:s11] =	ssyncadd.s32 $0xFFFFD800  }
0xfe: {  	v1 =	vld [tilespmem:$0x180]  }
0xff: {  	v2 =	vld [tilespmem:$0x190]  }
0x100: {  	v3 =	vld [tilespmem:$0x1A0]  }
0x101: {  	v4 =	vld [tilespmem:$0x1B0]  }
0x102: {  	v5 =	vld [tilespmem:$0x1C0]  }
0x103: {  	[tilespmem:$0x280] =	vst v1  }
0x104: {  	p1 =	seq.s32 s18, $0x3D;
	[tilespmem:$0x290] =	vst v2  }
0x105: {  	s8 =	sadd.s32 @!p1 s25, s14;
	[tilespmem:$0x2A0] =	vst v3  }
0x106: {  	s8 =	sshrl.u32 @!p1 s8, $0x3;
	[tilespmem:$0x2B0] =	vst v4  }
0x107: {  	s16 =	simm.s32 @!p1 $0x80;
	s8 =	sadd.s32 @!p1 s6, s8;
	s9 =	simm.s32 @!p1 $0x0;
	[tilespmem:$0x2C0] =	vst v5  }
0x108: {  	[tilespmem:s16], [sflag:$0x6] =	stream.linear.gather @!p1 [hbm4b:s8+s9], $0x50, $0x38;
	[tilespmem:$0x1DC80] =	vst v63  }
0x109: {  	s8 =	sadd.s32 @!p1 $0x9C40, s8;
	s16 =	simm.s32 @!p1 $0x180  }
0x10a: {  	[tilespmem:s16], [sflag:$0x6] =	stream.linear.gather @!p1 [hbm4b:s8+s9], $0x50, $0x38;
	[tilespmem:$0x1DC80] =	vst v63  }
0x10b: {  	s9 =	simm.s32 $0x0  }
0x10c: {  	v7 =	vld [tilespmem:s9+$0x7C00]  }
0x10d: {  	v8 =	vld [tilespmem:s9+$0x7C10]  }
0x10e: {  	v9 =	vld [tilespmem:s9+$0x7C20]  }
0x10f: {  	v10 =	vld [tilespmem:s9+$0x7C30]  }
0x110: {  	v11 =	vld [tilespmem:s9+$0x7C40]  }
0x111: {  	v12 =	vld [tilespmem:s9+$0x7C50]  }
0x112: {  	v13 =	vld [tilespmem:s9+$0x7C60]  }
0x113: {  	v14 =	vld [tilespmem:s9+$0x7C70]  }
0x114: {  	v15 =	vld [tilespmem:s9+$0x7C80]  }
0x115: {  	v16 =	vld [tilespmem:s9+$0x7C90]  }
0x116: {  	v17 =	vld [tilespmem:s9+$0x7CA0]  }
0x117: {  	v18 =	vld [tilespmem:s9+$0x7CB0]  }
0x118: {  	v19 =	vld [tilespmem:s9+$0x7CC0]  }
0x119: {  	v20 =	vld [tilespmem:s9+$0x7CD0]  }
0x11a: {  	v21 =	vld [tilespmem:s9+$0x7CE0]  }
0x11b: {  	v22 =	vld [tilespmem:s9+$0x7CF0]  }
0x11c: {  	v23 =	vld [tilespmem:s9+$0x7D00]  }
0x11d: {  	v24 =	vld [tilespmem:s9+$0x7D10]  }
0x11e: {  	v25 =	vld [tilespmem:s9+$0x7D20]  }
0x11f: {  	v26 =	vld [tilespmem:s9+$0x7D30]  }
0x120: {  	v27 =	vld [tilespmem:s9+$0x7D40]  }
0x121: {  	v33 =	vld [tilespmem:s9+$0x5400]  }
0x122: {  	v28 =	vld [tilespmem:s9+$0x7D50]  }
0x123: {  	v34 =	vld [tilespmem:s9+$0x5410]  }
0x124: {  	v35 =	vld [tilespmem:s9+$0x5420]  }
0x125: {  	v29 =	vld [tilespmem:s9+$0x7D60]  }
0x126: {  	v36 =	vld [tilespmem:s9+$0x5430];
	v7 =	vadd.f32 v7, v33  }
0x127: {  	v37 =	vld [tilespmem:s9+$0x5440]  }
0x128: {  	v30 =	vld [tilespmem:s9+$0x7D70];
	v8 =	vadd.f32 v8, v34;
	v7 =	vmax.f32 v7, $0.0e+00  }
0x129: {  	v61 =	vld [tilespmem:s9+$0x5450];
	[tilespmem:s9+$0x5400] =	vst v7;
	v7 =	vadd.f32 v9, v35  }
0x12a: {  	v38 =	vld [tilespmem:s9+$0x5460];
	v8 =	vmax.f32 v8, $0.0e+00  }
0x12b: {  	v31 =	vld [tilespmem:s9+$0x7D80];
	[tilespmem:s9+$0x5410] =	vst v8;
	v8 =	vadd.f32 v10, v36;
	v7 =	vmax.f32 v7, $0.0e+00  }
0x12c: {  	v62 =	vld [tilespmem:s9+$0x5470];
	[tilespmem:s9+$0x5420] =	vst v7;
	v7 =	vadd.f32 v11, v37  }
0x12d: {  	v9 =	vld [tilespmem:s9+$0x5480];
	v8 =	vmax.f32 v8, $0.0e+00  }
0x12e: {  	v32 =	vld [tilespmem:s9+$0x7D90];
	[tilespmem:s9+$0x5430] =	vst v8;
	v8 =	vadd.f32 v12, v61;
	v7 =	vmax.f32 v7, $0.0e+00  }
0x12f: {  	v10 =	vld [tilespmem:s9+$0x5490];
	[tilespmem:s9+$0x5440] =	vst v7;
	v7 =	vadd.f32 v13, v38  }
0x130: {  	v11 =	vld [tilespmem:s9+$0x54A0];
	v8 =	vmax.f32 v8, $0.0e+00  }
0x131: {  	v6 =	vld [tilespmem:s9+$0x7DA0];
	[tilespmem:s9+$0x5450] =	vst v8;
	v8 =	vadd.f32 v14, v62;
	v7 =	vmax.f32 v7, $0.0e+00  }
0x132: {  	v12 =	vld [tilespmem:s9+$0x54B0];
	[tilespmem:s9+$0x5460] =	vst v7;
	v7 =	vadd.f32 v15, v9  }
0x133: {  	v13 =	vld [tilespmem:s9+$0x54C0];
	v8 =	vmax.f32 v8, $0.0e+00  }
0x134: {  	v5 =	vld [tilespmem:s9+$0x7DB0];
	[tilespmem:s9+$0x5470] =	vst v8;
	v8 =	vadd.f32 v16, v10;
	v7 =	vmax.f32 v7, $0.0e+00  }
0x135: {  	v14 =	vld [tilespmem:s9+$0x54D0];
	[tilespmem:s9+$0x5480] =	vst v7;
	v7 =	vadd.f32 v17, v11  }
0x136: {  	v9 =	vld [tilespmem:s9+$0x54E0];
	v8 =	vmax.f32 v8, $0.0e+00  }
0x137: {  	v4 =	vld [tilespmem:s9+$0x7DC0];
	[tilespmem:s9+$0x5490] =	vst v8;
	v8 =	vadd.f32 v18, v12;
	v7 =	vmax.f32 v7, $0.0e+00  }
0x138: {  	v10 =	vld [tilespmem:s9+$0x54F0];
	[tilespmem:s9+$0x54A0] =	vst v7;
	v7 =	vadd.f32 v19, v13  }
0x139: {  	v11 =	vld [tilespmem:s9+$0x5500];
	v8 =	vmax.f32 v8, $0.0e+00  }
0x13a: {  	v3 =	vld [tilespmem:s9+$0x7DD0];
	[tilespmem:s9+$0x54B0] =	vst v8;
	v8 =	vadd.f32 v20, v14;
	v7 =	vmax.f32 v7, $0.0e+00  }
0x13b: {  	v12 =	vld [tilespmem:s9+$0x5510];
	[tilespmem:s9+$0x54C0] =	vst v7;
	v7 =	vadd.f32 v21, v9  }
0x13c: {  	v13 =	vld [tilespmem:s9+$0x5520];
	v8 =	vmax.f32 v8, $0.0e+00  }
0x13d: {  	v2 =	vld [tilespmem:s9+$0x7DE0];
	[tilespmem:s9+$0x54D0] =	vst v8;
	v8 =	vadd.f32 v22, v10;
	v7 =	vmax.f32 v7, $0.0e+00  }
0x13e: {  	v14 =	vld [tilespmem:s9+$0x5530];
	[tilespmem:s9+$0x54E0] =	vst v7;
	v7 =	vadd.f32 v23, v11  }
0x13f: {  	v9 =	vld [tilespmem:s9+$0x5540];
	v8 =	vmax.f32 v8, $0.0e+00  }
0x140: {  	v1 =	vld [tilespmem:s9+$0x7DF0];
	[tilespmem:s9+$0x54F0] =	vst v8;
	v8 =	vadd.f32 v24, v12;
	v7 =	vmax.f32 v7, $0.0e+00  }
0x141: {  	v10 =	vld [tilespmem:s9+$0x5550];
	[tilespmem:s9+$0x5500] =	vst v7;
	v7 =	vadd.f32 v25, v13  }
0x142: {  	v15 =	vld [tilespmem:s9+$0x5560];
	v8 =	vmax.f32 v8, $0.0e+00  }
0x143: {  	v12 =	vld [tilespmem:s9+$0x5570];
	[tilespmem:s9+$0x5510] =	vst v8;
	v8 =	vadd.f32 v26, v14;
	v7 =	vmax.f32 v7, $0.0e+00  }
0x144: {  	v13 =	vld [tilespmem:s9+$0x5580];
	[tilespmem:s9+$0x5520] =	vst v7;
	v7 =	vadd.f32 v27, v9  }
0x145: {  	v63 =	vld [tilespmem:s9+$0x5590];
	v8 =	vmax.f32 v8, $0.0e+00  }
0x146: {  	v11 =	vld [tilespmem:s9+$0x55A0];
	[tilespmem:s9+$0x5530] =	vst v8;
	v8 =	vadd.f32 v28, v10;
	v7 =	vmax.f32 v7, $0.0e+00  }
0x147: {  	v10 =	vld [tilespmem:s9+$0x55B0];
	[tilespmem:s9+$0x5540] =	vst v7;
	v7 =	vadd.f32 v29, v15  }
0x148: {  	v12 =	vadd.f32 v30, v12;
	v9 =	vld [tilespmem:s9+$0x55C0];
	v8 =	vmax.f32 v8, $0.0e+00  }
0x149: {  	v13 =	vadd.f32 v31, v13;
	[tilespmem:s9+$0x5550] =	vst v8;
	v8 =	vld [tilespmem:s9+$0x55D0];
	v7 =	vmax.f32 v7, $0.0e+00  }
0x14a: {  	s8 =	simm.s32 $0x800;
	v14 =	vmax.f32 v12, $0.0e+00;
	v12 =	vadd.f32 v32, v63;
	[tilespmem:s9+$0x5560] =	vst v7;
	v7 =	vld [tilespmem:s9+$0x55E0]  }
.LBB2_9:
0x14b: {  	s16 =	sshra.s32 s8, $0x2;
	p1 =	sne.s32 s8, $0x9800;
	[tilespmem:s9+$0x5570] =	vst v14;
	v13 =	vmax.f32 v13, $0.0e+00;
	v6 =	vadd.f32 v6, v11;
	v11 =	vld [tilespmem:s9+$0x55F0]  }
0x14c: {  	v14 =	vld [tilespmem:s16+$0x7C00];
	[tilespmem:s9+$0x5580] =	vst v13;
	v12 =	vmax.f32 v12, $0.0e+00;
	v5 =	vadd.f32 v5, v10  }
0x14d: {  	v13 =	vld [tilespmem:s16+$0x7C10];
	[tilespmem:s9+$0x5590] =	vst v12;
	v6 =	vmax.f32 v6, $0.0e+00;
	v4 =	vadd.f32 v4, v9  }
0x14e: {  	v15 =	vld [tilespmem:s16+$0x7C20];
	[tilespmem:s9+$0x55A0] =	vst v6;
	v5 =	vmax.f32 v5, $0.0e+00;
	v3 =	vadd.f32 v3, v8  }
0x14f: {  	v16 =	vld [tilespmem:s16+$0x7C30];
	[tilespmem:s9+$0x55B0] =	vst v5;
	v4 =	vmax.f32 v4, $0.0e+00;
	v2 =	vadd.f32 v2, v7  }
0x150: {  	v17 =	vld [tilespmem:s16+$0x7C40];
	[tilespmem:s9+$0x55C0] =	vst v4;
	v3 =	vmax.f32 v3, $0.0e+00;
	v1 =	vadd.f32 v1, v11  }
0x151: {  	v18 =	vld [tilespmem:s16+$0x7C50];
	[tilespmem:s9+$0x55D0] =	vst v3;
	v2 =	vmax.f32 v2, $0.0e+00  }
0x152: {  	v19 =	vld [tilespmem:s16+$0x7C60];
	[tilespmem:s9+$0x55E0] =	vst v2;
	v1 =	vmax.f32 v1, $0.0e+00  }
0x153: {  	v20 =	vld [tilespmem:s16+$0x7C70];
	[tilespmem:s9+$0x55F0] =	vst v1;
	s9 =	smov.u32 s16  }
0x154: {  	v21 =	vld [tilespmem:s9+$0x7C80]  }
0x155: {  	v22 =	vld [tilespmem:s9+$0x7C90]  }
0x156: {  	v23 =	vld [tilespmem:s9+$0x7CA0]  }
0x157: {  	v24 =	vld [tilespmem:s9+$0x7CB0]  }
0x158: {  	v25 =	vld [tilespmem:s9+$0x7CC0]  }
0x159: {  	v26 =	vld [tilespmem:s9+$0x7CD0]  }
0x15a: {  	v27 =	vld [tilespmem:s9+$0x7CE0]  }
0x15b: {  	v28 =	vld [tilespmem:s9+$0x7CF0]  }
0x15c: {  	v29 =	vld [tilespmem:s9+$0x7D00]  }
0x15d: {  	v30 =	vld [tilespmem:s9+$0x7D10]  }
0x15e: {  	v31 =	vld [tilespmem:s9+$0x7D20]  }
0x15f: {  	v32 =	vld [tilespmem:s9+$0x7D30]  }
0x160: {  	v12 =	vld [tilespmem:s9+$0x7D40]  }
0x161: {  	v11 =	vld [tilespmem:s9+$0x7D50]  }
0x162: {  	v10 =	vld [tilespmem:s9+$0x7D60]  }
0x163: {  	v9 =	vld [tilespmem:s9+$0x7D70]  }
0x164: {  	v8 =	vld [tilespmem:s9+$0x7D80]  }
0x165: {  	v7 =	vld [tilespmem:s9+$0x7D90]  }
0x166: {  	v6 =	vld [tilespmem:s9+$0x7DA0]  }
0x167: {  	v5 =	vld [tilespmem:s9+$0x7DB0]  }
0x168: {  	v4 =	vld [tilespmem:s9+$0x7DC0]  }
0x169: {  	v3 =	vld [tilespmem:s9+$0x7DD0]  }
0x16a: {  	v2 =	vld [tilespmem:s9+$0x7DE0]  }
0x16b: {  	v1 =	vld [tilespmem:s9+$0x7DF0]  }
0x16c: {  	v33 =	vld [tilespmem:s9+$0x5400]  }
0x16d: {  	v34 =	vld [tilespmem:s9+$0x5410]  }
0x16e: {  	v35 =	vld [tilespmem:s9+$0x5420]  }
0x16f: {  	v36 =	vld [tilespmem:s9+$0x5430]  }
0x170: {  	v37 =	vld [tilespmem:s9+$0x5440]  }
0x171: {  	v14 =	vadd.f32 v14, v33;
	v33 =	vld [tilespmem:s9+$0x5450]  }
0x172: {  	v13 =	vadd.f32 v13, v34;
	v34 =	vld [tilespmem:s9+$0x5460]  }
0x173: {  	v14 =	vmax.f32 v14, $0.0e+00;
	v15 =	vadd.f32 v15, v35;
	v35 =	vld [tilespmem:s9+$0x5470]  }
0x174: {  	[tilespmem:s9+$0x5400] =	vst v14;
	v13 =	vmax.f32 v13, $0.0e+00;
	v14 =	vadd.f32 v16, v36;
	v16 =	vld [tilespmem:s9+$0x5480]  }
0x175: {  	[tilespmem:s9+$0x5410] =	vst v13;
	v13 =	vmax.f32 v15, $0.0e+00;
	v15 =	vadd.f32 v17, v37;
	v17 =	vld [tilespmem:s9+$0x5490]  }
0x176: {  	[tilespmem:s9+$0x5420] =	vst v13;
	v13 =	vmax.f32 v14, $0.0e+00;
	v14 =	vadd.f32 v18, v33;
	v18 =	vld [tilespmem:s9+$0x54A0]  }
0x177: {  	[tilespmem:s9+$0x5430] =	vst v13;
	v13 =	vmax.f32 v15, $0.0e+00;
	v15 =	vadd.f32 v19, v34;
	v19 =	vld [tilespmem:s9+$0x54B0]  }
0x178: {  	[tilespmem:s9+$0x5440] =	vst v13;
	v13 =	vmax.f32 v14, $0.0e+00;
	v14 =	vadd.f32 v20, v35;
	v20 =	vld [tilespmem:s9+$0x54C0]  }
0x179: {  	[tilespmem:s9+$0x5450] =	vst v13;
	v13 =	vmax.f32 v15, $0.0e+00;
	v15 =	vadd.f32 v21, v16;
	v16 =	vld [tilespmem:s9+$0x54D0]  }
0x17a: {  	[tilespmem:s9+$0x5460] =	vst v13;
	v13 =	vmax.f32 v14, $0.0e+00;
	v14 =	vadd.f32 v22, v17;
	v17 =	vld [tilespmem:s9+$0x54E0]  }
0x17b: {  	[tilespmem:s9+$0x5470] =	vst v13;
	v13 =	vmax.f32 v15, $0.0e+00;
	v15 =	vadd.f32 v23, v18;
	v18 =	vld [tilespmem:s9+$0x54F0]  }
0x17c: {  	[tilespmem:s9+$0x5480] =	vst v13;
	v13 =	vmax.f32 v14, $0.0e+00;
	v14 =	vadd.f32 v24, v19;
	v19 =	vld [tilespmem:s9+$0x5500]  }
0x17d: {  	[tilespmem:s9+$0x5490] =	vst v13;
	v13 =	vmax.f32 v15, $0.0e+00;
	v15 =	vadd.f32 v25, v20;
	v20 =	vld [tilespmem:s9+$0x5510]  }
0x17e: {  	[tilespmem:s9+$0x54A0] =	vst v13;
	v13 =	vmax.f32 v14, $0.0e+00;
	v14 =	vadd.f32 v26, v16;
	v16 =	vld [tilespmem:s9+$0x5520]  }
0x17f: {  	[tilespmem:s9+$0x54B0] =	vst v13;
	v13 =	vmax.f32 v15, $0.0e+00;
	v15 =	vadd.f32 v27, v17;
	v17 =	vld [tilespmem:s9+$0x5530]  }
0x180: {  	[tilespmem:s9+$0x54C0] =	vst v13;
	v13 =	vmax.f32 v14, $0.0e+00;
	v14 =	vadd.f32 v28, v18;
	v18 =	vld [tilespmem:s9+$0x5540]  }
0x181: {  	[tilespmem:s9+$0x54D0] =	vst v13;
	v13 =	vmax.f32 v15, $0.0e+00;
	v15 =	vadd.f32 v29, v19;
	v19 =	vld [tilespmem:s9+$0x5550]  }
0x182: {  	[tilespmem:s9+$0x54E0] =	vst v13;
	v13 =	vmax.f32 v14, $0.0e+00;
	v14 =	vadd.f32 v30, v20;
	v20 =	vld [tilespmem:s9+$0x5560]  }
0x183: {  	[tilespmem:s9+$0x54F0] =	vst v13;
	v13 =	vmax.f32 v15, $0.0e+00;
	v15 =	vadd.f32 v31, v16;
	v16 =	vld [tilespmem:s9+$0x5570]  }
0x184: {  	[tilespmem:s9+$0x5500] =	vst v13;
	v13 =	vmax.f32 v14, $0.0e+00;
	v14 =	vadd.f32 v32, v17;
	v17 =	vld [tilespmem:s9+$0x5580]  }
0x185: {  	[tilespmem:s9+$0x5510] =	vst v13;
	v13 =	vmax.f32 v15, $0.0e+00;
	v12 =	vadd.f32 v12, v18;
	v15 =	vld [tilespmem:s9+$0x5590]  }
.Ltmp4:
0x186: {  	[tilespmem:s9+$0x5520] =	vst v13;
	v13 =	vmax.f32 v14, $0.0e+00;
	v14 =	vadd.f32 v11, v19;
	v11 =	vld [tilespmem:s9+$0x55A0];
	(pc) =	sbr.rel @p1 .LBB2_9-.Ltmp4, $4  }
0x187: {  	[tilespmem:s9+$0x5530] =	vst v13;
	v12 =	vmax.f32 v12, $0.0e+00;
	v13 =	vadd.f32 v10, v20;
	v10 =	vld [tilespmem:s9+$0x55B0]  }
0x188: {  	[tilespmem:s9+$0x5540] =	vst v12;
	v12 =	vmax.f32 v14, $0.0e+00;
	v14 =	vadd.f32 v9, v16;
	v9 =	vld [tilespmem:s9+$0x55C0]  }
0x189: {  	[tilespmem:s9+$0x5550] =	vst v12;
	v12 =	vmax.f32 v13, $0.0e+00;
	v13 =	vadd.f32 v8, v17;
	v8 =	vld [tilespmem:s9+$0x55D0]  }
0x18a: {  	s8 =	sadd.s32 $0x800, s8;
	[tilespmem:s9+$0x5560] =	vst v12;
	v14 =	vmax.f32 v14, $0.0e+00;
	v12 =	vadd.f32 v7, v15;
	v7 =	vld [tilespmem:s9+$0x55E0]  }
0x18b: {  	[tilespmem:s9+$0x5570] =	vst v14;
	v13 =	vmax.f32 v13, $0.0e+00;
	v6 =	vadd.f32 v6, v11;
	v63 =	vld [tilespmem:s9+$0x55F0]  }
0x18c: {  	[tilespmem:s9+$0x5580] =	vst v13;
	v12 =	vmax.f32 v12, $0.0e+00;
	v5 =	vadd.f32 v5, v10  }
0x18d: {  	[tilespmem:s9+$0x5590] =	vst v12;
	v6 =	vmax.f32 v6, $0.0e+00;
	v4 =	vadd.f32 v4, v9  }
0x18e: {  	[tilespmem:s9+$0x55A0] =	vst v6;
	v5 =	vmax.f32 v5, $0.0e+00;
	v3 =	vadd.f32 v3, v8  }
0x18f: {  	[tilespmem:s9+$0x55B0] =	vst v5;
	v4 =	vmax.f32 v4, $0.0e+00;
	v2 =	vadd.f32 v2, v7  }
0x190: {  	[tilespmem:s9+$0x55C0] =	vst v4;
	v3 =	vmax.f32 v3, $0.0e+00;
	v1 =	vadd.f32 v1, v63  }
0x191: {  	s18 =	sadd.s32 $0x1, s18;
	[tilespmem:s9+$0x55D0] =	vst v3;
	v2 =	vmax.f32 v2, $0.0e+00  }
0x192: {  	p1 =	sne.s32 s18, $0x3E;
	[tilespmem:s9+$0x55E0] =	vst v2;
	v1 =	vmax.f32 v1, $0.0e+00  }
.Ltmp5:
0x193: {  	[tilespmem:s9+$0x55F0] =	vst v1;
	(pc) =	sbr.rel @p1 .LBB2_6-.Ltmp5, $4  }
0x194: {  	[spmem:s3] =	stream.indirect.scatter.add.f32 [tilespmem:s29], [sflag:$0x7], $0x80, s12, s22, $0xb8;
	[tilespmem:$0x1DC80] =	vst v63  }
0x195: {  	_ =	swait.ge [sflag:s20], $0x2800  }
0x196: {  	[sflag:s20] =	ssyncset.done $0x0  }
0x197: {  	[sflag:s20] =	ssyncadd.s32 $0xFFFFD800  }
0x198: {  	_ =	swait.ge [sflag:s31], $0x2800  }
0x199: {  	[sflag:s31] =	ssyncset.done $0x0  }
0x19a: {  	[sflag:s31] =	ssyncadd.s32 $0xFFFFD800  }
0x19b: {  	_ =	swait.ge [sflag:s0], $0x2800  }
0x19c: {  	[sflag:s0] =	ssyncset.done $0x0  }
0x19d: {  	[sflag:s0] =	ssyncadd.s32 $0xFFFFD800  }
0x19e: {  	v1 =	vld [tilespmem:$0x100]  }
0x19f: {  	v2 =	vld [tilespmem:$0x110]  }
0x1a0: {  	v3 =	vld [tilespmem:$0x120]  }
0x1a1: {  	v4 =	vld [tilespmem:$0x130]  }
0x1a2: {  	v5 =	vld [tilespmem:$0x140]  }
0x1a3: {  	[tilespmem:$0x200] =	vst v1  }
0x1a4: {  	[tilespmem:$0x210] =	vst v2  }
0x1a5: {  	[tilespmem:$0x220] =	vst v3  }
0x1a6: {  	[tilespmem:$0x230] =	vst v4  }
0x1a7: {  	s9 =	simm.s32 $0x0;
	[tilespmem:$0x240] =	vst v5  }
0x1a8: {  	v7 =	vld [tilespmem:s9+$0x2C00]  }
0x1a9: {  	v8 =	vld [tilespmem:s9+$0x2C10]  }
0x1aa: {  	v9 =	vld [tilespmem:s9+$0x2C20]  }
0x1ab: {  	v10 =	vld [tilespmem:s9+$0x2C30]  }
0x1ac: {  	v11 =	vld [tilespmem:s9+$0x2C40]  }
0x1ad: {  	v12 =	vld [tilespmem:s9+$0x2C50]  }
0x1ae: {  	v13 =	vld [tilespmem:s9+$0x2C60]  }
0x1af: {  	v14 =	vld [tilespmem:s9+$0x2C70]  }
0x1b0: {  	v15 =	vld [tilespmem:s9+$0x2C80]  }
0x1b1: {  	v16 =	vld [tilespmem:s9+$0x2C90]  }
0x1b2: {  	v17 =	vld [tilespmem:s9+$0x2CA0]  }
0x1b3: {  	v18 =	vld [tilespmem:s9+$0x2CB0]  }
0x1b4: {  	v19 =	vld [tilespmem:s9+$0x2CC0]  }
0x1b5: {  	v20 =	vld [tilespmem:s9+$0x2CD0]  }
0x1b6: {  	v21 =	vld [tilespmem:s9+$0x2CE0]  }
0x1b7: {  	v22 =	vld [tilespmem:s9+$0x2CF0]  }
0x1b8: {  	v23 =	vld [tilespmem:s9+$0x2D00]  }
0x1b9: {  	v24 =	vld [tilespmem:s9+$0x2D10]  }
0x1ba: {  	v25 =	vld [tilespmem:s9+$0x2D20]  }
0x1bb: {  	v26 =	vld [tilespmem:s9+$0x2D30]  }
0x1bc: {  	v27 =	vld [tilespmem:s9+$0x2D40]  }
0x1bd: {  	v33 =	vld [tilespmem:s9+$0x400]  }
0x1be: {  	v28 =	vld [tilespmem:s9+$0x2D50]  }
0x1bf: {  	v34 =	vld [tilespmem:s9+$0x410]  }
0x1c0: {  	v35 =	vld [tilespmem:s9+$0x420]  }
0x1c1: {  	v29 =	vld [tilespmem:s9+$0x2D60]  }
0x1c2: {  	v36 =	vld [tilespmem:s9+$0x430];
	v7 =	vadd.f32 v7, v33  }
0x1c3: {  	v37 =	vld [tilespmem:s9+$0x440]  }
0x1c4: {  	v30 =	vld [tilespmem:s9+$0x2D70];
	v8 =	vadd.f32 v8, v34;
	v7 =	vmax.f32 v7, $0.0e+00  }
0x1c5: {  	v61 =	vld [tilespmem:s9+$0x450];
	[tilespmem:s9+$0x400] =	vst v7;
	v7 =	vadd.f32 v9, v35  }
0x1c6: {  	v38 =	vld [tilespmem:s9+$0x460];
	v8 =	vmax.f32 v8, $0.0e+00  }
0x1c7: {  	v31 =	vld [tilespmem:s9+$0x2D80];
	[tilespmem:s9+$0x410] =	vst v8;
	v8 =	vadd.f32 v10, v36;
	v7 =	vmax.f32 v7, $0.0e+00  }
0x1c8: {  	v62 =	vld [tilespmem:s9+$0x470];
	[tilespmem:s9+$0x420] =	vst v7;
	v7 =	vadd.f32 v11, v37  }
0x1c9: {  	v9 =	vld [tilespmem:s9+$0x480];
	v8 =	vmax.f32 v8, $0.0e+00  }
0x1ca: {  	v32 =	vld [tilespmem:s9+$0x2D90];
	[tilespmem:s9+$0x430] =	vst v8;
	v8 =	vadd.f32 v12, v61;
	v7 =	vmax.f32 v7, $0.0e+00  }
0x1cb: {  	v10 =	vld [tilespmem:s9+$0x490];
	[tilespmem:s9+$0x440] =	vst v7;
	v7 =	vadd.f32 v13, v38  }
0x1cc: {  	v11 =	vld [tilespmem:s9+$0x4A0];
	v8 =	vmax.f32 v8, $0.0e+00  }
0x1cd: {  	v6 =	vld [tilespmem:s9+$0x2DA0];
	[tilespmem:s9+$0x450] =	vst v8;
	v8 =	vadd.f32 v14, v62;
	v7 =	vmax.f32 v7, $0.0e+00  }
0x1ce: {  	v12 =	vld [tilespmem:s9+$0x4B0];
	[tilespmem:s9+$0x460] =	vst v7;
	v7 =	vadd.f32 v15, v9  }
0x1cf: {  	v13 =	vld [tilespmem:s9+$0x4C0];
	v8 =	vmax.f32 v8, $0.0e+00  }
0x1d0: {  	v5 =	vld [tilespmem:s9+$0x2DB0];
	[tilespmem:s9+$0x470] =	vst v8;
	v8 =	vadd.f32 v16, v10;
	v7 =	vmax.f32 v7, $0.0e+00  }
0x1d1: {  	v14 =	vld [tilespmem:s9+$0x4D0];
	[tilespmem:s9+$0x480] =	vst v7;
	v7 =	vadd.f32 v17, v11  }
0x1d2: {  	v9 =	vld [tilespmem:s9+$0x4E0];
	v8 =	vmax.f32 v8, $0.0e+00  }
0x1d3: {  	v4 =	vld [tilespmem:s9+$0x2DC0];
	[tilespmem:s9+$0x490] =	vst v8;
	v8 =	vadd.f32 v18, v12;
	v7 =	vmax.f32 v7, $0.0e+00  }
0x1d4: {  	v10 =	vld [tilespmem:s9+$0x4F0];
	[tilespmem:s9+$0x4A0] =	vst v7;
	v7 =	vadd.f32 v19, v13  }
0x1d5: {  	v11 =	vld [tilespmem:s9+$0x500];
	v8 =	vmax.f32 v8, $0.0e+00  }
0x1d6: {  	v3 =	vld [tilespmem:s9+$0x2DD0];
	[tilespmem:s9+$0x4B0] =	vst v8;
	v8 =	vadd.f32 v20, v14;
	v7 =	vmax.f32 v7, $0.0e+00  }
0x1d7: {  	v12 =	vld [tilespmem:s9+$0x510];
	[tilespmem:s9+$0x4C0] =	vst v7;
	v7 =	vadd.f32 v21, v9  }
0x1d8: {  	v13 =	vld [tilespmem:s9+$0x520];
	v8 =	vmax.f32 v8, $0.0e+00  }
0x1d9: {  	v2 =	vld [tilespmem:s9+$0x2DE0];
	[tilespmem:s9+$0x4D0] =	vst v8;
	v8 =	vadd.f32 v22, v10;
	v7 =	vmax.f32 v7, $0.0e+00  }
0x1da: {  	v14 =	vld [tilespmem:s9+$0x530];
	[tilespmem:s9+$0x4E0] =	vst v7;
	v7 =	vadd.f32 v23, v11  }
0x1db: {  	v9 =	vld [tilespmem:s9+$0x540];
	v8 =	vmax.f32 v8, $0.0e+00  }
0x1dc: {  	v1 =	vld [tilespmem:s9+$0x2DF0];
	[tilespmem:s9+$0x4F0] =	vst v8;
	v8 =	vadd.f32 v24, v12;
	v7 =	vmax.f32 v7, $0.0e+00  }
0x1dd: {  	v10 =	vld [tilespmem:s9+$0x550];
	[tilespmem:s9+$0x500] =	vst v7;
	v7 =	vadd.f32 v25, v13  }
0x1de: {  	v15 =	vld [tilespmem:s9+$0x560];
	v8 =	vmax.f32 v8, $0.0e+00  }
0x1df: {  	v12 =	vld [tilespmem:s9+$0x570];
	[tilespmem:s9+$0x510] =	vst v8;
	v8 =	vadd.f32 v26, v14;
	v7 =	vmax.f32 v7, $0.0e+00  }
0x1e0: {  	v13 =	vld [tilespmem:s9+$0x580];
	[tilespmem:s9+$0x520] =	vst v7;
	v7 =	vadd.f32 v27, v9  }
0x1e1: {  	v63 =	vld [tilespmem:s9+$0x590];
	v8 =	vmax.f32 v8, $0.0e+00  }
0x1e2: {  	v11 =	vld [tilespmem:s9+$0x5A0];
	[tilespmem:s9+$0x530] =	vst v8;
	v8 =	vadd.f32 v28, v10;
	v7 =	vmax.f32 v7, $0.0e+00  }
0x1e3: {  	v10 =	vld [tilespmem:s9+$0x5B0];
	[tilespmem:s9+$0x540] =	vst v7;
	v7 =	vadd.f32 v29, v15  }
0x1e4: {  	v12 =	vadd.f32 v30, v12;
	v9 =	vld [tilespmem:s9+$0x5C0];
	v8 =	vmax.f32 v8, $0.0e+00  }
0x1e5: {  	v13 =	vadd.f32 v31, v13;
	[tilespmem:s9+$0x550] =	vst v8;
	v8 =	vld [tilespmem:s9+$0x5D0];
	v7 =	vmax.f32 v7, $0.0e+00  }
0x1e6: {  	s8 =	simm.s32 $0x800;
	v14 =	vmax.f32 v12, $0.0e+00;
	v12 =	vadd.f32 v32, v63;
	[tilespmem:s9+$0x560] =	vst v7;
	v7 =	vld [tilespmem:s9+$0x5E0]  }
.LBB2_12:
0x1e7: {  	s16 =	sshra.s32 s8, $0x2;
	p1 =	sne.s32 s8, $0x9800;
	[tilespmem:s9+$0x570] =	vst v14;
	v13 =	vmax.f32 v13, $0.0e+00;
	v6 =	vadd.f32 v6, v11;
	v11 =	vld [tilespmem:s9+$0x5F0]  }
0x1e8: {  	v14 =	vld [tilespmem:s16+$0x2C00];
	[tilespmem:s9+$0x580] =	vst v13;
	v12 =	vmax.f32 v12, $0.0e+00;
	v5 =	vadd.f32 v5, v10  }
0x1e9: {  	v13 =	vld [tilespmem:s16+$0x2C10];
	[tilespmem:s9+$0x590] =	vst v12;
	v6 =	vmax.f32 v6, $0.0e+00;
	v4 =	vadd.f32 v4, v9  }
0x1ea: {  	v15 =	vld [tilespmem:s16+$0x2C20];
	[tilespmem:s9+$0x5A0] =	vst v6;
	v5 =	vmax.f32 v5, $0.0e+00;
	v3 =	vadd.f32 v3, v8  }
0x1eb: {  	v16 =	vld [tilespmem:s16+$0x2C30];
	[tilespmem:s9+$0x5B0] =	vst v5;
	v4 =	vmax.f32 v4, $0.0e+00;
	v2 =	vadd.f32 v2, v7  }
0x1ec: {  	v17 =	vld [tilespmem:s16+$0x2C40];
	[tilespmem:s9+$0x5C0] =	vst v4;
	v3 =	vmax.f32 v3, $0.0e+00;
	v1 =	vadd.f32 v1, v11  }
0x1ed: {  	v18 =	vld [tilespmem:s16+$0x2C50];
	[tilespmem:s9+$0x5D0] =	vst v3;
	v2 =	vmax.f32 v2, $0.0e+00  }
0x1ee: {  	v19 =	vld [tilespmem:s16+$0x2C60];
	[tilespmem:s9+$0x5E0] =	vst v2;
	v1 =	vmax.f32 v1, $0.0e+00  }
0x1ef: {  	v20 =	vld [tilespmem:s16+$0x2C70];
	[tilespmem:s9+$0x5F0] =	vst v1;
	s9 =	smov.u32 s16  }
0x1f0: {  	v21 =	vld [tilespmem:s9+$0x2C80]  }
0x1f1: {  	v22 =	vld [tilespmem:s9+$0x2C90]  }
0x1f2: {  	v23 =	vld [tilespmem:s9+$0x2CA0]  }
0x1f3: {  	v24 =	vld [tilespmem:s9+$0x2CB0]  }
0x1f4: {  	v25 =	vld [tilespmem:s9+$0x2CC0]  }
0x1f5: {  	v26 =	vld [tilespmem:s9+$0x2CD0]  }
0x1f6: {  	v27 =	vld [tilespmem:s9+$0x2CE0]  }
0x1f7: {  	v28 =	vld [tilespmem:s9+$0x2CF0]  }
0x1f8: {  	v29 =	vld [tilespmem:s9+$0x2D00]  }
0x1f9: {  	v30 =	vld [tilespmem:s9+$0x2D10]  }
0x1fa: {  	v31 =	vld [tilespmem:s9+$0x2D20]  }
0x1fb: {  	v32 =	vld [tilespmem:s9+$0x2D30]  }
0x1fc: {  	v12 =	vld [tilespmem:s9+$0x2D40]  }
0x1fd: {  	v11 =	vld [tilespmem:s9+$0x2D50]  }
0x1fe: {  	v10 =	vld [tilespmem:s9+$0x2D60]  }
0x1ff: {  	v9 =	vld [tilespmem:s9+$0x2D70]  }
0x200: {  	v8 =	vld [tilespmem:s9+$0x2D80]  }
0x201: {  	v7 =	vld [tilespmem:s9+$0x2D90]  }
0x202: {  	v6 =	vld [tilespmem:s9+$0x2DA0]  }
0x203: {  	v5 =	vld [tilespmem:s9+$0x2DB0]  }
0x204: {  	v4 =	vld [tilespmem:s9+$0x2DC0]  }
0x205: {  	v3 =	vld [tilespmem:s9+$0x2DD0]  }
0x206: {  	v2 =	vld [tilespmem:s9+$0x2DE0]  }
0x207: {  	v1 =	vld [tilespmem:s9+$0x2DF0]  }
0x208: {  	v33 =	vld [tilespmem:s9+$0x400]  }
0x209: {  	v34 =	vld [tilespmem:s9+$0x410]  }
0x20a: {  	v35 =	vld [tilespmem:s9+$0x420]  }
0x20b: {  	v36 =	vld [tilespmem:s9+$0x430]  }
0x20c: {  	v37 =	vld [tilespmem:s9+$0x440]  }
0x20d: {  	v14 =	vadd.f32 v14, v33;
	v33 =	vld [tilespmem:s9+$0x450]  }
0x20e: {  	v13 =	vadd.f32 v13, v34;
	v34 =	vld [tilespmem:s9+$0x460]  }
0x20f: {  	v14 =	vmax.f32 v14, $0.0e+00;
	v15 =	vadd.f32 v15, v35;
	v35 =	vld [tilespmem:s9+$0x470]  }
0x210: {  	[tilespmem:s9+$0x400] =	vst v14;
	v13 =	vmax.f32 v13, $0.0e+00;
	v14 =	vadd.f32 v16, v36;
	v16 =	vld [tilespmem:s9+$0x480]  }
0x211: {  	[tilespmem:s9+$0x410] =	vst v13;
	v13 =	vmax.f32 v15, $0.0e+00;
	v15 =	vadd.f32 v17, v37;
	v17 =	vld [tilespmem:s9+$0x490]  }
0x212: {  	[tilespmem:s9+$0x420] =	vst v13;
	v13 =	vmax.f32 v14, $0.0e+00;
	v14 =	vadd.f32 v18, v33;
	v18 =	vld [tilespmem:s9+$0x4A0]  }
0x213: {  	[tilespmem:s9+$0x430] =	vst v13;
	v13 =	vmax.f32 v15, $0.0e+00;
	v15 =	vadd.f32 v19, v34;
	v19 =	vld [tilespmem:s9+$0x4B0]  }
0x214: {  	[tilespmem:s9+$0x440] =	vst v13;
	v13 =	vmax.f32 v14, $0.0e+00;
	v14 =	vadd.f32 v20, v35;
	v20 =	vld [tilespmem:s9+$0x4C0]  }
0x215: {  	[tilespmem:s9+$0x450] =	vst v13;
	v13 =	vmax.f32 v15, $0.0e+00;
	v15 =	vadd.f32 v21, v16;
	v16 =	vld [tilespmem:s9+$0x4D0]  }
0x216: {  	[tilespmem:s9+$0x460] =	vst v13;
	v13 =	vmax.f32 v14, $0.0e+00;
	v14 =	vadd.f32 v22, v17;
	v17 =	vld [tilespmem:s9+$0x4E0]  }
0x217: {  	[tilespmem:s9+$0x470] =	vst v13;
	v13 =	vmax.f32 v15, $0.0e+00;
	v15 =	vadd.f32 v23, v18;
	v18 =	vld [tilespmem:s9+$0x4F0]  }
0x218: {  	[tilespmem:s9+$0x480] =	vst v13;
	v13 =	vmax.f32 v14, $0.0e+00;
	v14 =	vadd.f32 v24, v19;
	v19 =	vld [tilespmem:s9+$0x500]  }
0x219: {  	[tilespmem:s9+$0x490] =	vst v13;
	v13 =	vmax.f32 v15, $0.0e+00;
	v15 =	vadd.f32 v25, v20;
	v20 =	vld [tilespmem:s9+$0x510]  }
0x21a: {  	[tilespmem:s9+$0x4A0] =	vst v13;
	v13 =	vmax.f32 v14, $0.0e+00;
	v14 =	vadd.f32 v26, v16;
	v16 =	vld [tilespmem:s9+$0x520]  }
0x21b: {  	[tilespmem:s9+$0x4B0] =	vst v13;
	v13 =	vmax.f32 v15, $0.0e+00;
	v15 =	vadd.f32 v27, v17;
	v17 =	vld [tilespmem:s9+$0x530]  }
0x21c: {  	[tilespmem:s9+$0x4C0] =	vst v13;
	v13 =	vmax.f32 v14, $0.0e+00;
	v14 =	vadd.f32 v28, v18;
	v18 =	vld [tilespmem:s9+$0x540]  }
0x21d: {  	[tilespmem:s9+$0x4D0] =	vst v13;
	v13 =	vmax.f32 v15, $0.0e+00;
	v15 =	vadd.f32 v29, v19;
	v19 =	vld [tilespmem:s9+$0x550]  }
0x21e: {  	[tilespmem:s9+$0x4E0] =	vst v13;
	v13 =	vmax.f32 v14, $0.0e+00;
	v14 =	vadd.f32 v30, v20;
	v20 =	vld [tilespmem:s9+$0x560]  }
0x21f: {  	[tilespmem:s9+$0x4F0] =	vst v13;
	v13 =	vmax.f32 v15, $0.0e+00;
	v15 =	vadd.f32 v31, v16;
	v16 =	vld [tilespmem:s9+$0x570]  }
0x220: {  	[tilespmem:s9+$0x500] =	vst v13;
	v13 =	vmax.f32 v14, $0.0e+00;
	v14 =	vadd.f32 v32, v17;
	v17 =	vld [tilespmem:s9+$0x580]  }
0x221: {  	[tilespmem:s9+$0x510] =	vst v13;
	v13 =	vmax.f32 v15, $0.0e+00;
	v12 =	vadd.f32 v12, v18;
	v15 =	vld [tilespmem:s9+$0x590]  }
.Ltmp6:
0x222: {  	[tilespmem:s9+$0x520] =	vst v13;
	v13 =	vmax.f32 v14, $0.0e+00;
	v14 =	vadd.f32 v11, v19;
	v11 =	vld [tilespmem:s9+$0x5A0];
	(pc) =	sbr.rel @p1 .LBB2_12-.Ltmp6, $4  }
0x223: {  	[tilespmem:s9+$0x530] =	vst v13;
	v12 =	vmax.f32 v12, $0.0e+00;
	v13 =	vadd.f32 v10, v20;
	v10 =	vld [tilespmem:s9+$0x5B0]  }
0x224: {  	[tilespmem:s9+$0x540] =	vst v12;
	v12 =	vmax.f32 v14, $0.0e+00;
	v14 =	vadd.f32 v9, v16;
	v9 =	vld [tilespmem:s9+$0x5C0]  }
0x225: {  	[tilespmem:s9+$0x550] =	vst v12;
	v12 =	vmax.f32 v13, $0.0e+00;
	v13 =	vadd.f32 v8, v17;
	v8 =	vld [tilespmem:s9+$0x5D0]  }
0x226: {  	s8 =	sadd.s32 $0x800, s8;
	[tilespmem:s9+$0x560] =	vst v12;
	v14 =	vmax.f32 v14, $0.0e+00;
	v12 =	vadd.f32 v7, v15;
	v7 =	vld [tilespmem:s9+$0x5E0]  }
0x227: {  	[tilespmem:s9+$0x570] =	vst v14;
	v13 =	vmax.f32 v13, $0.0e+00;
	v6 =	vadd.f32 v6, v11;
	v63 =	vld [tilespmem:s9+$0x5F0]  }
0x228: {  	[tilespmem:s9+$0x580] =	vst v13;
	v12 =	vmax.f32 v12, $0.0e+00;
	v5 =	vadd.f32 v5, v10  }
0x229: {  	[tilespmem:s9+$0x590] =	vst v12;
	v6 =	vmax.f32 v6, $0.0e+00;
	v4 =	vadd.f32 v4, v9  }
0x22a: {  	[tilespmem:s9+$0x5A0] =	vst v6;
	v5 =	vmax.f32 v5, $0.0e+00;
	v3 =	vadd.f32 v3, v8  }
0x22b: {  	[tilespmem:s9+$0x5B0] =	vst v5;
	v4 =	vmax.f32 v4, $0.0e+00;
	v2 =	vadd.f32 v2, v7  }
0x22c: {  	[tilespmem:s9+$0x5C0] =	vst v4;
	v3 =	vmax.f32 v3, $0.0e+00;
	v1 =	vadd.f32 v1, v63  }
0x22d: {  	[tilespmem:s9+$0x5D0] =	vst v3;
	v2 =	vmax.f32 v2, $0.0e+00  }
0x22e: {  	[tilespmem:s9+$0x5E0] =	vst v2;
	v1 =	vmax.f32 v1, $0.0e+00  }
0x22f: {  	[tilespmem:s9+$0x5F0] =	vst v1  }
0x230: {  	[spmem:s3] =	stream.indirect.scatter.add.f32 [tilespmem:s19], [sflag:$0x7], $0x80, s2, s22, $0xb8;
	[tilespmem:$0x1DC80] =	vst v63  }
0x231: {  	_ =	swait.ge [sflag:s20], $0x2800  }
0x232: {  	[sflag:s20] =	ssyncset.done $0x0  }
0x233: {  	[sflag:s20] =	ssyncadd.s32 $0xFFFFD800  }
0x234: {  	[bflag:$0x0] =	sbarrier.arrive $0xFFFF  }
0x235: {  	s9 =	rddreg [dreg:$0xb]  }
0x236: {  	s8 =	simm.s32 @p0 $0x1FC7;
	s16 =	rddreg [dreg:$0xd]  }
0x237: {  	[hbm:s9], [sflag:s8] =	dma.local @p0 [spmem:s16], $0x1900  }
0x238: {  	s8 =	simm.s32 @p0 $0x7  }
0x239: {  	_ =	swait.ge @p0 [sflag:s8], $0x1900  }
0x23a: {  	s9 =	stileid.u32;
	s17 =	rddreg [dreg:$0xa]  }
0x23b: {  	s9 =	sshll.u32 @!p0 s9, $0x6;
	[sflag:s8] =	ssyncset.done @p0 $0x0;
	s16 =	rddreg [dreg:$0x9]  }
0x23c: {  	[sflag:s8] =	ssyncadd.s32 @p0 $0xFFFFE700;
	s8 =	sor.u32 @!p0 $0x1C07, s9;
	s9 =	sshrl.u32 @!p0 s17, $0x3  }
0x23d: {  	[hbm:s16], [sflag:s8] =	dma.local @!p0 [spmem:s9], $0x2800  }
0x23e: {  	s8 =	simm.s32 @!p0 $0x7  }
0x23f: {  	_ =	swait.ge @!p0 [sflag:s8], $0x2800  }
0x240: {  	s15 =	sadd.s32 $0x1, s15;
	s25 =	rddreg [dreg:$0xc]  }
0x241: {  	p1 =	sne.s32 s15, s25  }
.Ltmp7:
0x242: {  	_ = 	snop;
	(pc) =	sbr.rel @p1 .LBB2_1-.Ltmp7, $3  }
0x243: {  	_ =	sdelay $0x1  }
0x244: {  	[sflag:s8] =	ssyncset.done @!p0 $0x0  }
0x245: {  	[sflag:s8] =	ssyncadd.s32 @!p0 $0xFFFFD800  }
0x246: {  	_ =	sfence.sel $0x180000  }
0x247: {  	[bflag:$0x0] =	sbarrier.arrive $0xFFFF  }
0x248: {  	_ =	strace $0x90000047  }
0x249: {  	s0 =	stileid.u32;
	[bflag:$0x2] =	sbarrier.arrive $0xFFFF  }
0x24a: {  	p0 =	sne.s32 s0, $0x0;
	s0 =	rddreg [dreg:$0x3]  }
0x24b: {  	s0 =	sadd.s32 @!p0 $0x100000, s0  }
0x24c: {  	[sflag:s0] =	ssyncadd.tile.s32 @!p0 $0x1;
	_ =	shalt  }
.Lfunc_end2:
_tile_overlayer_lowered:
.L_overlay_start_2:
0x24d: {  	(tag) =	ssettag $0x2  }
0x24e: {  	s0 =	rddreg [dreg:$0x0];
	s2 =	stileid.u32  }
0x24f: {  	s1 =	rddreg [dreg:$0x1];
	p0 =	sne.s32 s2, $0x0  }
0x250: {  	s3 =	rddreg [dreg:$0x2];
	[bflag:$0x3] =	sbarrier.arrive $0xFFFF;
	s2 =	simm.s32 @!p0 $0x1C07  }
0x251: {  	[timem:s3], [sflag:s2] =	dma.local @!p0 [hbm:s0], s1  }
0x252: {  	s0 =	simm.s32 @!p0 $0x7  }
0x253: {  	_ =	swait.ge @!p0 [sflag:s0], s1  }
0x254: {  	s1 =	ssub.s32 @!p0 $0x0, s1;
	[sflag:s0] =	ssyncset.done @!p0 $0x0  }
0x255: {  	[sflag:s0] =	ssyncadd.s32 @!p0 s1  }
0x256: {  	[bflag:$0x3] =	sbarrier.arrive $0xFFFF  }
0x257: {  	_ =	shalt  }

</sc_bundles>
